<compile_context>
chip_gen: v7x
topology: tpu7x:2x2x1
jax: 0.10.2.dev20260603
libtpu: 0.0.44.dev20260713+nightly
codegen_flags: <defaults>
</compile_context>

<pallas_src>
import functools
import math

import jax
import jax.numpy as jnp
from jax import lax
from jax.experimental import pallas as pl
from jax.experimental.pallas import tpu as pltpu
from jax.experimental.pallas import tpu_sc as plsc

N = 10000
E = 160000
LD = 256
VD = 64
B = 8
_MIN_LOGVAR = 2.0 * math.log(0.1)

_NBLK = 1000
_EBLK = 1280
_HLD = LD // 2

_F32 = jnp.float32
_BF16 = jnp.bfloat16


def _lnorm(x, g, b):
    m = jnp.mean(x, axis=-1, keepdims=True)
    d = x - m
    v = jnp.mean(d * d, axis=-1, keepdims=True)
    return d * lax.rsqrt(v + 1e-5) * g + b


def _dot(a, b):
    return jnp.dot(a, b, preferred_element_type=_F32)


def _pack_tc(x):
    xl, xr = x[:, :_HLD], x[:, _HLD:]
    lo = lax.shift_right_logical(
        lax.bitcast_convert_type(xl.astype(_BF16).astype(_F32), jnp.int32), 16)
    hi = jnp.bitwise_and(
        lax.bitcast_convert_type(xr.astype(_BF16).astype(_F32), jnp.int32),
        jnp.int32(-65536))
    return jnp.bitwise_or(hi, lo)


def _unpack_tc(p):
    lo = lax.bitcast_convert_type(lax.shift_left(p, 16), _F32)
    hi = lax.bitcast_convert_type(jnp.bitwise_and(p, jnp.int32(-65536)), _F32)
    return lo, hi



def _enc_body(x_ref, w1, b1, w2, b2, g, be, out_ref):
    pre = lax.dot_general(x_ref[...], w1[...], (((0,), (0,)), ((), ())),
                          preferred_element_type=_F32)
    h = jnp.maximum(pre + b1[...], 0.0)
    out = _lnorm(_dot(h.astype(_BF16), w2[...]) + b2[...], g[...], be[...])
    out_ref[...] = out.astype(out_ref.dtype)


def _enc_node_body(x_ref, w1, b1, w2, b2, g, be, wb, wc, h_ref, hb_ref, hc_ref):
    hid = jnp.maximum(_dot(x_ref[...], w1[...]) + b1[...], 0.0)
    h = _lnorm(_dot(hid, w2[...]) + b2[...], g[...], be[...])
    h_ref[...] = h
    hb_ref[...] = _pack_tc(_dot(h, wb[...]))
    hc_ref[...] = _pack_tc(_dot(h, wc[...]))


def _edge_body(e_ref, gb_ref, gc_ref, w1e, b1, w2, b2, g, be, enl_ref, enr_ref,
               enext_ref=None):
    e = e_ref[...]
    gbl, gbh = _unpack_tc(gb_ref[...])
    gcl, gch = _unpack_tc(gc_ref[...])
    gsum = jnp.concatenate([gbl + gcl, gbh + gch], axis=1)
    pre = _dot(e, w1e[...]) + gsum + b1[...]
    hid = jnp.maximum(pre, 0.0)
    enew = _lnorm(_dot(hid.astype(_BF16), w2[...]) + b2[...], g[...], be[...])
    enl_ref[...] = enew[:, :_HLD]
    enr_ref[...] = enew[:, _HLD:]
    if enext_ref is not None:
        enext_ref[...] = (e.astype(_F32) + enew).astype(_BF16)


def _edge1_body(xt_ref, gb_ref, gc_ref, ew1, eb1, ew2, eb2, eg, ebe,
                w1e, b1, w2, b2, g, be, enl_ref, enr_ref, enext_ref):
    pre0 = lax.dot_general(xt_ref[...], ew1[...], (((0,), (0,)), ((), ())),
                           preferred_element_type=_F32)
    h0 = jnp.maximum(pre0 + eb1[...], 0.0)
    e = _lnorm(_dot(h0.astype(_BF16), ew2[...]) + eb2[...], eg[...], ebe[...])
    gbl, gbh = _unpack_tc(gb_ref[...])
    gcl, gch = _unpack_tc(gc_ref[...])
    gsum = jnp.concatenate([gbl + gcl, gbh + gch], axis=1)
    pre = _dot(e.astype(_BF16), w1e[...]) + gsum + b1[...]
    hid = jnp.maximum(pre, 0.0)
    enew = _lnorm(_dot(hid.astype(_BF16), w2[...]) + b2[...], g[...], be[...])
    enl_ref[...] = enew[:, :_HLD]
    enr_ref[...] = enew[:, _HLD:]
    enext_ref[...] = (e + enew).astype(_BF16)


def _node1_body(h_ref, al_ref, ar_ref, w1h, w1al, w1ar, b1, w2, b2, g, be,
                wb, wc, h2_ref, hb_ref, hc_ref):
    hid = jnp.maximum(_dot(h_ref[...], w1h[...]) + _dot(al_ref[...], w1al[...])
                      + _dot(ar_ref[...], w1ar[...]) + b1[...], 0.0)
    hn = _lnorm(_dot(hid, w2[...]) + b2[...], g[...], be[...])
    h2 = h_ref[...] + hn
    h2_ref[...] = h2
    hb_ref[...] = _pack_tc(_dot(h2, wb[...]))
    hc_ref[...] = _pack_tc(_dot(h2, wc[...]))


def _node2_body(h_ref, al_ref, ar_ref, bcol_ref, w1h, w1al, w1ar, b1, w2, b2,
                g, be, gw, gb0, h3_ref, gate_ref, gmax_ref):
    i = pl.program_id(0)
    hid = jnp.maximum(_dot(h_ref[...], w1h[...]) + _dot(al_ref[...], w1al[...])
                      + _dot(ar_ref[...], w1ar[...]) + b1[...], 0.0)
    hn = _lnorm(_dot(hid, w2[...]) + b2[...], g[...], be[...])
    h3 = h_ref[...] + hn
    h3_ref[...] = h3
    gate = _dot(h3, gw[...]) + gb0[...]
    gate_ref[...] = gate
    onehot = bcol_ref[...] == lax.broadcasted_iota(jnp.int32, (_NBLK, B), 1)
    m = jnp.where(onehot, gate, -1e30)
    bmax = jnp.max(m, axis=0, keepdims=True)

    @pl.when(i == 0)
    def _():
        gmax_ref[...] = bmax

    @pl.when(i > 0)
    def _():
        gmax_ref[...] = jnp.maximum(gmax_ref[...], bmax)


def _pool_body(h3_ref, gate_ref, bcol_ref, gmax_ref, hgnum_ref, denom_ref):
    i = pl.program_id(0)
    onehot = (bcol_ref[...] == lax.broadcasted_iota(jnp.int32, (_NBLK, B), 1)
              ).astype(_F32)
    gm_row = jnp.sum(onehot * gmax_ref[...], axis=1, keepdims=True)
    ge = jnp.exp(gate_ref[...] - gm_row)
    geh = ge * h3_ref[...]
    hg = lax.dot_general(onehot, geh, (((0,), (0,)), ((), ())),
                         preferred_element_type=_F32)
    dn = lax.dot_general(onehot, ge, (((0,), (0,)), ((), ())),
                         preferred_element_type=_F32)

    @pl.when(i == 0)
    def _():
        hgnum_ref[...] = hg
        denom_ref[...] = dn

    @pl.when(i > 0)
    def _():
        hgnum_ref[...] = hgnum_ref[...] + hg
        denom_ref[...] = denom_ref[...] + dn


def _head_body(hgnum_ref, denom_ref, muw, mub, lvw, lvb, eps_ref,
               z_ref, mu_ref, lv_ref):
    hgraph = hgnum_ref[...] / (denom_ref[...] + 1e-16)
    mu = _dot(hgraph, muw[...]) + mub[...]
    lv = jnp.maximum(_dot(hgraph, lvw[...]) + lvb[...], _MIN_LOGVAR)
    mu_ref[...] = mu
    lv_ref[...] = lv
    z_ref[...] = mu + jnp.exp(0.5 * lv) * eps_ref[...]



def _full(shape):
    return pl.BlockSpec(shape, lambda i: (0,) * len(shape))


def _rows(blk, width):
    return pl.BlockSpec((blk, width), lambda i: (i, 0))


def _enc_edge(x_t, p):
    return pl.pallas_call(
        _enc_body,
        grid=(E // _EBLK,),
        in_specs=[pl.BlockSpec((8, _EBLK), lambda i: (0, i)),
                  _full((8, LD)), _full((1, LD)),
                  _full((LD, LD)), _full((1, LD)), _full((1, LD)),
                  _full((1, LD))],
        out_specs=_rows(_EBLK, LD),
        out_shape=jax.ShapeDtypeStruct((E, LD), _BF16),
    )(x_t, p['W1'].astype(_BF16), p['b1'][None, :],
      p['W2'].astype(_BF16), p['b2'][None, :],
      p['g'][None, :], p['be'][None, :])


def _enc_node(x8, w1pad, p, wb, wc):
    return pl.pallas_call(
        _enc_node_body,
        grid=(N // _NBLK,),
        in_specs=[_rows(_NBLK, 8), _full((8, LD)), _full((1, LD)),
                  _full((LD, LD)), _full((1, LD)), _full((1, LD)),
                  _full((1, LD)), _full((LD, LD)), _full((LD, LD))],
        out_specs=[_rows(_NBLK, LD), _rows(_NBLK, _HLD), _rows(_NBLK, _HLD)],
        out_shape=[jax.ShapeDtypeStruct((N, LD), _F32),
                   jax.ShapeDtypeStruct((N, _HLD), jnp.int32),
                   jax.ShapeDtypeStruct((N, _HLD), jnp.int32)],
    )(x8, w1pad, p['b1'][None, :], p['W2'], p['b2'][None, :],
      p['g'][None, :], p['be'][None, :], wb, wc)


def _edge_round1(xt, gb, gc, pe, w1e, p):
    return pl.pallas_call(
        _edge1_body,
        grid=(E // _EBLK,),
        in_specs=[pl.BlockSpec((8, _EBLK), lambda i: (0, i)),
                  _rows(_EBLK, _HLD), _rows(_EBLK, _HLD),
                  _full((8, LD)), _full((1, LD)),
                  _full((LD, LD)), _full((1, LD)),
                  _full((1, LD)), _full((1, LD)),
                  _full((LD, LD)), _full((1, LD)),
                  _full((LD, LD)), _full((1, LD)),
                  _full((1, LD)), _full((1, LD))],
        out_specs=[_rows(_EBLK, _HLD), _rows(_EBLK, _HLD), _rows(_EBLK, LD)],
        out_shape=[jax.ShapeDtypeStruct((E, _HLD), _F32),
                   jax.ShapeDtypeStruct((E, _HLD), _F32),
                   jax.ShapeDtypeStruct((E, LD), _BF16)],
    )(xt, gb, gc,
      pe['W1'].astype(_BF16), pe['b1'][None, :],
      pe['W2'].astype(_BF16), pe['b2'][None, :],
      pe['g'][None, :], pe['be'][None, :],
      w1e.astype(_BF16), p['b1'][None, :],
      p['W2'].astype(_BF16), p['b2'][None, :],
      p['g'][None, :], p['be'][None, :])


def _edge_round2(e, gb, gc, w1e, p):
    return pl.pallas_call(
        (lambda e_r, gb_r, gc_r, w, b1, w2, b2, g, be, ol, orr:
         _edge_body(e_r, gb_r, gc_r, w, b1, w2, b2, g, be, ol, orr)),
        grid=(E // _EBLK,),
        in_specs=[_rows(_EBLK, LD), _rows(_EBLK, _HLD), _rows(_EBLK, _HLD),
                  _full((LD, LD)), _full((1, LD)),
                  _full((LD, LD)), _full((1, LD)),
                  _full((1, LD)), _full((1, LD))],
        out_specs=[_rows(_EBLK, _HLD), _rows(_EBLK, _HLD)],
        out_shape=[jax.ShapeDtypeStruct((E, _HLD), _F32)] * 2,
    )(e, gb, gc, w1e.astype(_BF16), p['b1'][None, :],
      p['W2'].astype(_BF16), p['b2'][None, :],
      p['g'][None, :], p['be'][None, :])


def _node_round1(h, al, ar, w1h, w1al, w1ar, p, wb, wc):
    return pl.pallas_call(
        _node1_body,
        grid=(N // _NBLK,),
        in_specs=[_rows(_NBLK, LD), _rows(_NBLK, _HLD), _rows(_NBLK, _HLD),
                  _full((LD, LD)), _full((_HLD, LD)), _full((_HLD, LD)),
                  _full((1, LD)), _full((LD, LD)), _full((1, LD)),
                  _full((1, LD)), _full((1, LD)), _full((LD, LD)),
                  _full((LD, LD))],
        out_specs=[_rows(_NBLK, LD), _rows(_NBLK, _HLD), _rows(_NBLK, _HLD)],
        out_shape=[jax.ShapeDtypeStruct((N, LD), _F32),
                   jax.ShapeDtypeStruct((N, _HLD), jnp.int32),
                   jax.ShapeDtypeStruct((N, _HLD), jnp.int32)],
    )(h, al, ar, w1h, w1al, w1ar, p['b1'][None, :], p['W2'], p['b2'][None, :],
      p['g'][None, :], p['be'][None, :], wb, wc)


def _node_round2(h, al, ar, bcol, w1h, w1al, w1ar, p, gw, gb0):
    return pl.pallas_call(
        _node2_body,
        grid=(N // _NBLK,),
        in_specs=[_rows(_NBLK, LD), _rows(_NBLK, _HLD), _rows(_NBLK, _HLD),
                  _rows(_NBLK, 1),
                  _full((LD, LD)), _full((_HLD, LD)), _full((_HLD, LD)),
                  _full((1, LD)), _full((LD, LD)), _full((1, LD)),
                  _full((1, LD)), _full((1, LD)), _full((LD, 1)),
                  _full((1, 1))],
        out_specs=[_rows(_NBLK, LD), _rows(_NBLK, 1), _full((1, B))],
        out_shape=[jax.ShapeDtypeStruct((N, LD), _F32),
                   jax.ShapeDtypeStruct((N, 1), _F32),
                   jax.ShapeDtypeStruct((1, B), _F32)],
    )(h, al, ar, bcol, w1h, w1al, w1ar, p['b1'][None, :], p['W2'],
      p['b2'][None, :], p['g'][None, :], p['be'][None, :], gw, gb0[None, :])


def _pool(h3, gate, bcol, gmax):
    return pl.pallas_call(
        _pool_body,
        grid=(N // _NBLK,),
        in_specs=[_rows(_NBLK, LD), _rows(_NBLK, 1), _rows(_NBLK, 1),
                  _full((1, B))],
        out_specs=[_full((B, LD)), _full((B, 1))],
        out_shape=[jax.ShapeDtypeStruct((B, LD), _F32),
                   jax.ShapeDtypeStruct((B, 1), _F32)],
    )(h3, gate, bcol, gmax)


def _head(hgnum, denom, muw, mub, lvw, lvb, eps):
    return pl.pallas_call(
        _head_body,
        grid=(1,),
        in_specs=[_full((B, LD)), _full((B, 1)), _full((LD, VD)),
                  _full((1, VD)), _full((LD, VD)), _full((1, VD)),
                  _full((B, VD))],
        out_specs=[_full((B, VD))] * 3,
        out_shape=[jax.ShapeDtypeStruct((B, VD), _F32)] * 3,
    )(hgnum, denom, muw, mub[None, :], lvw, lvb[None, :], eps)



_EPW = E // 16
_GCH = 128
_GRING = 3
_GGRP = 26
_GTAIL = _EPW - _GGRP * _GRING * _GCH

_SCH = 80
_SNC = _EPW // _SCH
_SGRP = (_SNC - 1) // 2
_SRT = 624
_STAIL = N - 16 * _SRT


@functools.lru_cache(maxsize=None)
def _sc_kernels():
    mesh = plsc.VectorSubcoreMesh(core_axis_name="c", subcore_axis_name="s")

    @functools.partial(
        pl.kernel,
        out_type=(jax.ShapeDtypeStruct((E, _HLD), jnp.int32),
                  jax.ShapeDtypeStruct((E, _HLD), jnp.int32)),
        mesh=mesh,
        scratch_types=[
            pltpu.VMEM((_EPW,), jnp.int32),
            pltpu.VMEM((_GCH, _HLD), jnp.int32),
            pltpu.VMEM((_GCH, _HLD), jnp.int32),
            pltpu.VMEM((_GCH, _HLD), jnp.int32),
        ] + [pltpu.SemaphoreType.DMA] * 6,
    )
    def sc_gather2(hb_h, hc_h, src_h, dst_h, gb_h, gc_h,
                   idxv, buf0, buf1, buf2, g0, g1, g2, w0, w1, w2):
        c = lax.axis_index("c")
        s = lax.axis_index("s")
        base = s * _EPW
        bufs = (buf0, buf1, buf2)
        gs = (g0, g1, g2)
        ws = (w0, w1, w2)

        def run(tab_h, idx_h, out_h):
            pltpu.sync_copy(idx_h.at[pl.ds(base, _EPW)], idxv)
            for b in range(_GRING):
                pltpu.async_copy(tab_h.at[idxv.at[pl.ds(b * _GCH, _GCH)]],
                                 bufs[b], gs[b])

            def group(g, carry):
                off0 = g * (_GRING * _GCH)
                for b in range(_GRING):
                    off = off0 + b * _GCH
                    pltpu.make_async_copy(
                        tab_h.at[idxv.at[pl.ds(off, _GCH)]], bufs[b],
                        gs[b]).wait()
                    pltpu.async_copy(bufs[b],
                                     out_h.at[pl.ds(base + off, _GCH)], ws[b])

                @pl.when(g < _GGRP - 1)
                def _():
                    for b in range(_GRING):
                        off = off0 + b * _GCH
                        pltpu.make_async_copy(
                            bufs[b], out_h.at[pl.ds(base + off, _GCH)],
                            ws[b]).wait()
                        pltpu.async_copy(
                            tab_h.at[idxv.at[pl.ds(off + _GRING * _GCH,
                                                   _GCH)]],
                            bufs[b], gs[b])

                return carry

            lax.fori_loop(0, _GGRP, group, 0)
            last0 = (_GGRP - 1) * _GRING * _GCH
            for b in range(_GRING):
                pltpu.make_async_copy(
                    bufs[b], out_h.at[pl.ds(base + last0 + b * _GCH, _GCH)],
                    ws[b]).wait()
            toff = _GGRP * _GRING * _GCH
            pltpu.async_copy(tab_h.at[idxv.at[pl.ds(toff, _GTAIL)]],
                             buf0.at[pl.ds(0, _GTAIL)], gs[0]).wait()
            pltpu.sync_copy(buf0.at[pl.ds(0, _GTAIL)],
                            out_h.at[pl.ds(base + toff, _GTAIL)])

        @pl.when(c == 0)
        def _():
            run(hb_h, src_h, gb_h)

        @pl.when(c == 1)
        def _():
            run(hc_h, dst_h, gc_h)

    @functools.partial(
        pl.kernel,
        out_type=(jax.ShapeDtypeStruct((N, _HLD), _F32),
                  jax.ShapeDtypeStruct((N, _HLD), _F32)),
        mesh=mesh,
        scratch_types=[
            pltpu.VMEM((_SNC, _SCH), jnp.int32),
            pltpu.VMEM((_SCH, _HLD), _F32),
            pltpu.VMEM((_SCH, _HLD), _F32),
            pltpu.VMEM_SHARED((N, _HLD), _F32),
        ] + [pltpu.SemaphoreType.DMA] * 4,
    )
    def sc_segsum(enl_h, enr_h, dstr_h, zeros_h, aggl_h, aggr_h,
                  idxv, d0, d1, accum, r0s, r1s, a0s, a1s):
        c = lax.axis_index("c")
        s = lax.axis_index("s")
        row0 = s * _SRT
        pltpu.sync_copy(zeros_h.at[pl.ds(row0, _SRT)],
                        accum.at[pl.ds(row0, _SRT)])

        @pl.when(s == 15)
        def _():
            pltpu.sync_copy(zeros_h.at[pl.ds(16 * _SRT, _STAIL)],
                            accum.at[pl.ds(16 * _SRT, _STAIL)])

        pltpu.sync_copy(dstr_h.at[s], idxv)
        plsc.subcore_barrier()
        ebase = s * _EPW
        dbufs = (d0, d1)
        rs = (r0s, r1s)
        ascat = (a0s, a1s)

        def run(en_h, agg_h):
            for b in range(2):
                pltpu.async_copy(en_h.at[pl.ds(ebase + b * _SCH, _SCH)],
                                 dbufs[b], rs[b])

            def group(g, carry):
                for b in range(2):
                    ch = 2 * g + b
                    off = ebase + ch * _SCH
                    pltpu.make_async_copy(en_h.at[pl.ds(off, _SCH)],
                                          dbufs[b], rs[b]).wait()
                    pltpu.async_copy(dbufs[b], accum.at[idxv.at[ch]],
                                     ascat[b], add=True)
                for b in range(2):
                    ch = 2 * g + b

                    @pl.when(ch + 2 < _SNC)
                    def _(b=b, ch=ch):
                        pltpu.make_async_copy(dbufs[b],
                                              accum.at[idxv.at[ch]],
                                              ascat[b]).wait()
                        pltpu.async_copy(
                            en_h.at[pl.ds(ebase + (ch + 2) * _SCH, _SCH)],
                            dbufs[b], rs[b])

                return carry

            lax.fori_loop(0, _SGRP, group, 0)
            lastc = _SNC - 1
            pltpu.make_async_copy(
                en_h.at[pl.ds(ebase + lastc * _SCH, _SCH)], d0, r0s).wait()
            pltpu.async_copy(d0, accum.at[idxv.at[lastc]], a0s, add=True)
            pltpu.make_async_copy(d0, accum.at[idxv.at[lastc]], a0s).wait()
            pltpu.make_async_copy(d1, accum.at[idxv.at[lastc - 1]],
                                  a1s).wait()
            plsc.subcore_barrier()
            pltpu.sync_copy(accum.at[pl.ds(row0, _SRT)],
                            agg_h.at[pl.ds(row0, _SRT)])

            @pl.when(s == 15)
            def _():
                pltpu.sync_copy(accum.at[pl.ds(16 * _SRT, _STAIL)],
                                agg_h.at[pl.ds(16 * _SRT, _STAIL)])

        @pl.when(c == 0)
        def _():
            run(enl_h, aggl_h)

        @pl.when(c == 1)
        def _():
            run(enr_h, aggr_h)

    return sc_gather2, sc_segsum



@jax.jit
def kernel(y, edge_index, edge_attr, batch, params):
    src = edge_index[0]
    dst = edge_index[1]
    bcol = batch.reshape(N, 1)
    dstr = dst.reshape(16, _SNC, _SCH)
    zeros_h = jnp.zeros((N, _HLD), _F32)
    eps = jax.random.normal(jax.random.key(42), (B, VD), _F32)

    ne = params['ne']
    y8 = jnp.pad(y, ((0, 0), (0, 8 - y.shape[1])))
    ne_w1 = jnp.pad(ne['W1'], ((0, 8 - ne['W1'].shape[0]), (0, 0)))

    mp0, mp1 = params['mp']
    e_w1_0 = mp0['edge']['W1']
    w1e0, wb0, wc0 = e_w1_0[:LD], e_w1_0[LD:2 * LD], e_w1_0[2 * LD:]
    e_w1_1 = mp1['edge']['W1']
    w1e1, wb1, wc1 = e_w1_1[:LD], e_w1_1[LD:2 * LD], e_w1_1[2 * LD:]
    n_w1_0 = mp0['node']['W1']
    w1h0, w1a0l, w1a0r = (n_w1_0[:LD], n_w1_0[LD:LD + _HLD],
                          n_w1_0[LD + _HLD:])
    n_w1_1 = mp1['node']['W1']
    w1h1, w1a1l, w1a1r = (n_w1_1[:LD], n_w1_1[LD:LD + _HLD],
                          n_w1_1[LD + _HLD:])

    _sc_gather2, _sc_segsum = _sc_kernels()

    h1, hb1, hc1 = _enc_node(y8, ne_w1, ne, wb0, wc0)

    gb1, gc1 = _sc_gather2(hb1, hc1, src, dst)
    enl1, enr1, e1 = _edge_round1(edge_attr.T.astype(_BF16), gb1, gc1,
                                  params['ee'], w1e0, mp0['edge'])
    al1, ar1 = _sc_segsum(enl1, enr1, dstr, zeros_h)
    h2, hb2, hc2 = _node_round1(h1, al1, ar1, w1h0, w1a0l, w1a0r,
                                mp0['node'], wb1, wc1)

    gb2, gc2 = _sc_gather2(hb2, hc2, src, dst)
    enl2, enr2 = _edge_round2(e1, gb2, gc2, w1e1, mp1['edge'])
    al2, ar2 = _sc_segsum(enl2, enr2, dstr, zeros_h)
    h3, gate, gmax = _node_round2(h2, al2, ar2, bcol, w1h1, w1a1l, w1a1r,
                                  mp1['node'], params['gate_W'],
                                  params['gate_b'])

    hgnum, denom = _pool(h3, gate, bcol, gmax)
    z, mu, logvar = _head(hgnum, denom, params['mu_W'], params['mu_b'],
                          params['lv_W'], params['lv_b'], eps)
    return (z, mu, logvar)

# --- scband reference (transcript-rebuilt; emitter-appended) ---
"""Pipeline reference for scband-gnnvariational-encoder-56581899157928 (READ-ONLY COPY).

The authoritative reference and input builder live on the scoring server;
editing this copy changes nothing except your own understanding.
"""

import jax, jax.numpy as jnp
import numpy as np
import math

N = 10000
E = 160000
LD = 256
VD = 64
B = 8
NOUT = 3
EIN = 8
MIN_LOGVAR = 2.0 * math.log(0.1)


def _ln(x, g, b):
    m = jnp.mean(x, axis=-1, keepdims=True)
    v = jnp.var(x, axis=-1, keepdims=True)
    return (x - m) / jnp.sqrt(v + 1e-5) * g + b


def _mlp(x, p):
    h = jax.nn.relu(x @ p['W1'] + p['b1'])
    h = h @ p['W2'] + p['b2']
    return _ln(h, p['g'], p['be'])


def _init_mlp(key, din, dh, dout):
    k1, k2 = jax.random.split(key)
    s1 = 1.0 / math.sqrt(din)
    s2 = 1.0 / math.sqrt(dh)
    return {
        'W1': jax.random.uniform(k1, (din, dh), jnp.float32, -s1, s1),
        'b1': jnp.zeros((dh,), jnp.float32),
        'W2': jax.random.uniform(k2, (dh, dout), jnp.float32, -s2, s2),
        'b2': jnp.zeros((dout,), jnp.float32),
        'g': jnp.ones((dout,), jnp.float32),
        'be': jnp.zeros((dout,), jnp.float32),
    }


def _init_linear(key, din, dout):
    s = 1.0 / math.sqrt(din)
    return jax.random.uniform(key, (din, dout), jnp.float32, -s, s)


def setup_inputs(seed: int = 0):
    key = jax.random.key(seed)
    ks = jax.random.split(key, 16)
    y = jax.random.normal(ks[0], (N, NOUT), jnp.float32)
    edge_index = jax.random.randint(ks[1], (2, E), 0, N, jnp.int32)
    edge_attr = jax.random.normal(ks[2], (E, EIN), jnp.float32)
    batch = jnp.sort(jax.random.randint(ks[3], (N,), 0, B, jnp.int32))
    params = {
        'ne': _init_mlp(ks[4], NOUT, LD, LD),
        'ee': _init_mlp(ks[5], EIN, LD, LD),
        'mp': [
            {'edge': _init_mlp(ks[6], 3 * LD, LD, LD), 'node': _init_mlp(ks[7], 2 * LD, LD, LD)},
            {'edge': _init_mlp(ks[8], 3 * LD, LD, LD), 'node': _init_mlp(ks[9], 2 * LD, LD, LD)},
        ],
        'gate_W': _init_linear(ks[10], LD, 1),
        'gate_b': jnp.zeros((1,), jnp.float32),
        'mu_W': _init_linear(ks[11], LD, VD),
        'mu_b': jnp.zeros((VD,), jnp.float32),
        'lv_W': _init_linear(ks[12], LD, VD),
        'lv_b': jnp.zeros((VD,), jnp.float32),
    }
    return {'y': y, 'edge_index': edge_index, 'edge_attr': edge_attr, 'batch': batch, 'params': params}


def reference(y, edge_index, edge_attr, batch, params):
    h = _mlp(y, params['ne'])
    e = _mlp(edge_attr, params['ee'])
    src = edge_index[0]
    dst = edge_index[1]
    for mp in params['mp']:
        e_new = _mlp(jnp.concatenate([e, h[src], h[dst]], axis=-1), mp['edge'])
        agg = jax.ops.segment_sum(e_new, dst, num_segments=N)
        h_new = _mlp(jnp.concatenate([h, agg], axis=-1), mp['node'])
        h = h + h_new
        e = e + e_new
    gate = (h @ params['gate_W'] + params['gate_b'])[:, 0]
    gmax = jax.lax.stop_gradient(jax.ops.segment_max(gate, batch, num_segments=B))
    gate = jnp.exp(gate - gmax[batch])
    denom = jax.ops.segment_sum(gate, batch, num_segments=B)
    att = gate / (denom[batch] + 1e-16)
    h_graph = jax.ops.segment_sum(att[:, None] * h, batch, num_segments=B)
    mu = h_graph @ params['mu_W'] + params['mu_b']
    logvar = jnp.maximum(h_graph @ params['lv_W'] + params['lv_b'], MIN_LOGVAR)
    std = jnp.exp(0.5 * logvar)
    eps = jax.random.normal(jax.random.key(42), mu.shape, jnp.float32)
    z = mu + std * eps
    return (z, mu, logvar)

if __name__ == "__main__":
    import jax
    _d = setup_inputs()
    print(jax.jit(kernel)(*tuple(_d.values())))

</pallas_src>

<mosaic_0001>
#map = affine_map<(d0, d1) -> (0, 0)>
#map1 = affine_map<(d0, d1) -> (0, 0, 0)>
module attributes {stable_mosaic.version = 14 : i64} {
  func.func @sc_segsum(%arg0: i32, %arg1: i32, %arg2: memref<160000x128xf32, #tpu.memory_space<hbm>>, %arg3: memref<160000x128xf32, #tpu.memory_space<hbm>>, %arg4: memref<16x125x80xi32, #tpu.memory_space<hbm>>, %arg5: memref<10000x128xf32, #tpu.memory_space<hbm>>, %arg6: memref<10000x128xf32, #tpu.memory_space<hbm>>, %arg7: memref<10000x128xf32, #tpu.memory_space<hbm>>, %arg8: memref<125x80xi32, #tpu.memory_space<vmem>>, %arg9: memref<80x128xf32, #tpu.memory_space<vmem>>, %arg10: memref<80x128xf32, #tpu.memory_space<vmem>>, %arg11: memref<10000x128xf32, #tpu.memory_space<vmem_shared>>, %arg12: memref<!tpu.dma_semaphore, #tpu.memory_space<semaphore_mem>>, %arg13: memref<!tpu.dma_semaphore, #tpu.memory_space<semaphore_mem>>, %arg14: memref<!tpu.dma_semaphore, #tpu.memory_space<semaphore_mem>>, %arg15: memref<!tpu.dma_semaphore, #tpu.memory_space<semaphore_mem>>) attributes {dimension_semantics = [#tpu.dimension_semantics<core_parallel>, #tpu.dimension_semantics<subcore_parallel>], iteration_bounds = array<i64: 2, 16>, scalar_prefetch = 0 : i64, scratch_operands = 8 : i64, tpu.core_type = #tpu.core_type<sc_vector_subcore>, window_params = [{transform_indices = #map}, {transform_indices = #map}, {transform_indices = #map1}, {transform_indices = #map}, {transform_indices = #map}, {transform_indices = #map}]} {
    %mul3A = arith.constant 624 : i32
    %mul3A_0 = arith.muli %arg1, %mul3A : i32
    "tpu.region"() ({
      %run_scoped3A = tpu.sem_alloc : memref<!tpu.dma_semaphore, #tpu.memory_space<semaphore_mem>>
      %dma_start3A = arith.constant 0 : i32
      %dma_start3A_15 = tpu.memref_slice %arg11[%mul3A_0, %dma_start3A] : memref<10000x128xf32, #tpu.memory_space<vmem_shared>> -> memref<624x128xf32, #tpu.memory_space<vmem_shared>>
      %dma_start3A_16 = arith.constant 0 : i32
      %dma_start3A_17 = tpu.memref_slice %arg5[%mul3A_0, %dma_start3A_16] : memref<10000x128xf32, #tpu.memory_space<hbm>> -> memref<624x128xf32, #tpu.memory_space<hbm>>
      tpu.enqueue_dma source(%dma_start3A_17 : memref<624x128xf32, #tpu.memory_space<hbm>>) target(%dma_start3A_15 : memref<624x128xf32, #tpu.memory_space<vmem_shared>>) target_semaphore(%run_scoped3A : memref<!tpu.dma_semaphore, #tpu.memory_space<semaphore_mem>>)
      %dma_wait3A = arith.constant 0 : i32
      %dma_wait3A_18 = tpu.memref_slice %arg11[%mul3A_0, %dma_wait3A] : memref<10000x128xf32, #tpu.memory_space<vmem_shared>> -> memref<624x128xf32, #tpu.memory_space<vmem_shared>>
      %dma_wait3A_19 = arith.constant 0 : i32
      %dma_wait3A_20 = tpu.memref_slice %arg5[%mul3A_0, %dma_wait3A_19] : memref<10000x128xf32, #tpu.memory_space<hbm>> -> memref<624x128xf32, #tpu.memory_space<hbm>>
      tpu.wait_dma2 semaphore(%run_scoped3A : memref<!tpu.dma_semaphore, #tpu.memory_space<semaphore_mem>>) src(%dma_wait3A_20 : memref<624x128xf32, #tpu.memory_space<hbm>>) dst(%dma_wait3A_18 : memref<624x128xf32, #tpu.memory_space<vmem_shared>>)
      tpu.yield
    }) : () -> ()
    %eq3A = arith.constant 15 : i32
    %eq3A_1 = arith.cmpi eq, %arg1, %eq3A : i32
    %convert_element_type3A = arith.extui %eq3A_1 : i1 to i32
    %cond3A = arith.constant 0 : i32
    %cond3A_2 = arith.cmpi ne, %convert_element_type3A, %cond3A : i32
    scf.if %cond3A_2 {
      "tpu.region"() ({
        %run_scoped3A = tpu.sem_alloc : memref<!tpu.dma_semaphore, #tpu.memory_space<semaphore_mem>>
        %dma_start3A = arith.constant 9984 : i32
        %dma_start3A_15 = arith.constant 0 : i32
        %dma_start3A_16 = tpu.memref_slice %arg11[%dma_start3A, %dma_start3A_15] : memref<10000x128xf32, #tpu.memory_space<vmem_shared>> -> memref<16x128xf32, #tpu.memory_space<vmem_shared>>
        %dma_start3A_17 = arith.constant 9984 : i32
        %dma_start3A_18 = arith.constant 0 : i32
        %dma_start3A_19 = tpu.memref_slice %arg5[%dma_start3A_17, %dma_start3A_18] : memref<10000x128xf32, #tpu.memory_space<hbm>> -> memref<16x128xf32, #tpu.memory_space<hbm>>
        tpu.enqueue_dma source(%dma_start3A_19 : memref<16x128xf32, #tpu.memory_space<hbm>>) target(%dma_start3A_16 : memref<16x128xf32, #tpu.memory_space<vmem_shared>>) target_semaphore(%run_scoped3A : memref<!tpu.dma_semaphore, #tpu.memory_space<semaphore_mem>>)
        %dma_wait3A = arith.constant 9984 : i32
        %dma_wait3A_20 = arith.constant 0 : i32
        %dma_wait3A_21 = tpu.memref_slice %arg11[%dma_wait3A, %dma_wait3A_20] : memref<10000x128xf32, #tpu.memory_space<vmem_shared>> -> memref<16x128xf32, #tpu.memory_space<vmem_shared>>
        %dma_wait3A_22 = arith.constant 9984 : i32
        %dma_wait3A_23 = arith.constant 0 : i32
        %dma_wait3A_24 = tpu.memref_slice %arg5[%dma_wait3A_22, %dma_wait3A_23] : memref<10000x128xf32, #tpu.memory_space<hbm>> -> memref<16x128xf32, #tpu.memory_space<hbm>>
        tpu.wait_dma2 semaphore(%run_scoped3A : memref<!tpu.dma_semaphore, #tpu.memory_space<semaphore_mem>>) src(%dma_wait3A_24 : memref<16x128xf32, #tpu.memory_space<hbm>>) dst(%dma_wait3A_21 : memref<16x128xf32, #tpu.memory_space<vmem_shared>>)
        tpu.yield
      }) : () -> ()
    } else {
    }
    "tpu.region"() ({
      %run_scoped3A = tpu.sem_alloc : memref<!tpu.dma_semaphore, #tpu.memory_space<semaphore_mem>>
      %dma_start3A = arith.constant 0 : i32
      %dma_start3A_15 = arith.constant 0 : i32
      %dma_start3A_16 = tpu.memref_slice %arg4[%arg1, %dma_start3A, %dma_start3A_15] : memref<16x125x80xi32, #tpu.memory_space<hbm>> -> memref<1x125x80xi32, #tpu.memory_space<hbm>>
      %dma_start3A_17 = tpu.memref_squeeze %dma_start3A_16 : memref<1x125x80xi32, #tpu.memory_space<hbm>> -> memref<125x80xi32, #tpu.memory_space<hbm>>
      %dma_start3A_18 = arith.constant 0 : i32
      %dma_start3A_19 = arith.constant 0 : i32
      %dma_start3A_20 = tpu.memref_slice %arg4[%arg1, %dma_start3A_18, %dma_start3A_19] : memref<16x125x80xi32, #tpu.memory_space<hbm>> -> memref<1x125x80xi32, #tpu.memory_space<hbm>>
      %dma_start3A_21 = tpu.memref_squeeze %dma_start3A_20 : memref<1x125x80xi32, #tpu.memory_space<hbm>> -> memref<125x80xi32, #tpu.memory_space<hbm>>
      tpu.enqueue_dma source(%dma_start3A_21 : memref<125x80xi32, #tpu.memory_space<hbm>>) target(%arg8 : memref<125x80xi32, #tpu.memory_space<vmem>>) target_semaphore(%run_scoped3A : memref<!tpu.dma_semaphore, #tpu.memory_space<semaphore_mem>>)
      %dma_wait3A = arith.constant 0 : i32
      %dma_wait3A_22 = arith.constant 0 : i32
      %dma_wait3A_23 = tpu.memref_slice %arg4[%arg1, %dma_wait3A, %dma_wait3A_22] : memref<16x125x80xi32, #tpu.memory_space<hbm>> -> memref<1x125x80xi32, #tpu.memory_space<hbm>>
      %dma_wait3A_24 = tpu.memref_squeeze %dma_wait3A_23 : memref<1x125x80xi32, #tpu.memory_space<hbm>> -> memref<125x80xi32, #tpu.memory_space<hbm>>
      %dma_wait3A_25 = arith.constant 0 : i32
      %dma_wait3A_26 = arith.constant 0 : i32
      %dma_wait3A_27 = tpu.memref_slice %arg4[%arg1, %dma_wait3A_25, %dma_wait3A_26] : memref<16x125x80xi32, #tpu.memory_space<hbm>> -> memref<1x125x80xi32, #tpu.memory_space<hbm>>
      %dma_wait3A_28 = tpu.memref_squeeze %dma_wait3A_27 : memref<1x125x80xi32, #tpu.memory_space<hbm>> -> memref<125x80xi32, #tpu.memory_space<hbm>>
      tpu.wait_dma2 semaphore(%run_scoped3A : memref<!tpu.dma_semaphore, #tpu.memory_space<semaphore_mem>>) src(%dma_wait3A_28 : memref<125x80xi32, #tpu.memory_space<hbm>>) dst(%arg8 : memref<125x80xi32, #tpu.memory_space<vmem>>)
      tpu.yield
    }) : () -> ()
    %barrier3A = arith.constant 0 : index
    tpu.barrier barrier_id(%barrier3A)
    %mul3A_3 = arith.constant 10000 : i32
    %mul3A_4 = arith.muli %arg1, %mul3A_3 : i32
    %eq3A_5 = arith.constant 0 : i32
    %eq3A_6 = arith.cmpi eq, %arg0, %eq3A_5 : i32
    %convert_element_type3A_7 = arith.extui %eq3A_6 : i1 to i32
    %cond3A_8 = arith.constant 0 : i32
    %cond3A_9 = arith.cmpi ne, %convert_element_type3A_7, %cond3A_8 : i32
    scf.if %cond3A_9 {
      %add3A = arith.constant 0 : i32
      %add3A_15 = arith.addi %mul3A_4, %add3A : i32
      %dma_start3A = arith.constant 0 : i32
      %dma_start3A_16 = tpu.memref_slice %arg2[%add3A_15, %dma_start3A] : memref<160000x128xf32, #tpu.memory_space<hbm>> -> memref<80x128xf32, #tpu.memory_space<hbm>>
      %dma_start3A_17 = arith.constant 0 : i32
      %dma_start3A_18 = tpu.memref_slice %arg2[%add3A_15, %dma_start3A_17] : memref<160000x128xf32, #tpu.memory_space<hbm>> -> memref<80x128xf32, #tpu.memory_space<hbm>>
      tpu.enqueue_dma source(%dma_start3A_18 : memref<80x128xf32, #tpu.memory_space<hbm>>) target(%arg9 : memref<80x128xf32, #tpu.memory_space<vmem>>) target_semaphore(%arg12 : memref<!tpu.dma_semaphore, #tpu.memory_space<semaphore_mem>>)
      %add3A_19 = arith.constant 80 : i32
      %add3A_20 = arith.addi %mul3A_4, %add3A_19 : i32
      %dma_start3A_21 = arith.constant 0 : i32
      %dma_start3A_22 = tpu.memref_slice %arg2[%add3A_20, %dma_start3A_21] : memref<160000x128xf32, #tpu.memory_space<hbm>> -> memref<80x128xf32, #tpu.memory_space<hbm>>
      %dma_start3A_23 = arith.constant 0 : i32
      %dma_start3A_24 = tpu.memref_slice %arg2[%add3A_20, %dma_start3A_23] : memref<160000x128xf32, #tpu.memory_space<hbm>> -> memref<80x128xf32, #tpu.memory_space<hbm>>
      tpu.enqueue_dma source(%dma_start3A_24 : memref<80x128xf32, #tpu.memory_space<hbm>>) target(%arg10 : memref<80x128xf32, #tpu.memory_space<vmem>>) target_semaphore(%arg13 : memref<!tpu.dma_semaphore, #tpu.memory_space<semaphore_mem>>)
      %scan3A = arith.constant 0 : i32
      %scan3A_25 = arith.constant 0 : i32
      %scan3A_26 = arith.constant 62 : i32
      %scan3A_27 = arith.addi %scan3A_25, %scan3A_26 : i32
      %scan3A_28 = arith.constant 1 : i32
      scf.for %scan3A_62 = %scan3A_25 to %scan3A_27 step %scan3A_28  : i32 {
        %mul3A_63 = arith.constant 2 : i32
        %mul3A_64 = arith.muli %mul3A_63, %scan3A_62 : i32
        %add3A_65 = arith.constant 0 : i32
        %add3A_66 = arith.addi %mul3A_64, %add3A_65 : i32
        %mul3A_67 = arith.constant 80 : i32
        %mul3A_68 = arith.muli %add3A_66, %mul3A_67 : i32
        %add3A_69 = arith.addi %mul3A_4, %mul3A_68 : i32
        %dma_wait3A_70 = arith.constant 0 : i32
        %dma_wait3A_71 = tpu.memref_slice %arg2[%add3A_69, %dma_wait3A_70] : memref<160000x128xf32, #tpu.memory_space<hbm>> -> memref<80x128xf32, #tpu.memory_space<hbm>>
        %dma_wait3A_72 = arith.constant 0 : i32
        %dma_wait3A_73 = tpu.memref_slice %arg2[%add3A_69, %dma_wait3A_72] : memref<160000x128xf32, #tpu.memory_space<hbm>> -> memref<80x128xf32, #tpu.memory_space<hbm>>
        tpu.wait_dma2 semaphore(%arg12 : memref<!tpu.dma_semaphore, #tpu.memory_space<semaphore_mem>>) src(%dma_wait3A_73 : memref<80x128xf32, #tpu.memory_space<hbm>>) dst(%arg9 : memref<80x128xf32, #tpu.memory_space<vmem>>)
        %dma_start3A_74 = arith.constant 0 : i32
        %dma_start3A_75 = tpu.memref_slice %arg8[%add3A_66, %dma_start3A_74] : memref<125x80xi32, #tpu.memory_space<vmem>> -> memref<1x80xi32, #tpu.memory_space<vmem>>
        %dma_start3A_76 = tpu.memref_squeeze %dma_start3A_75 : memref<1x80xi32, #tpu.memory_space<vmem>> -> memref<80xi32, #tpu.memory_space<vmem>>
        %dma_start3A_77 = arith.constant 0 : i32
        %dma_start3A_78 = arith.constant 0 : i32
        %dma_start3A_79 = tpu.memref_slice %arg11[%dma_start3A_77, %dma_start3A_78] : memref<10000x128xf32, #tpu.memory_space<vmem_shared>> -> memref<10000x128xf32, #tpu.memory_space<vmem_shared>>
        tpu.enqueue_indirect_dma source(%arg9 : memref<80x128xf32, #tpu.memory_space<vmem>>) target(%dma_start3A_79 : memref<10000x128xf32, #tpu.memory_space<vmem_shared>>) offsets(%dma_start3A_76 : memref<80xi32, #tpu.memory_space<vmem>>) semaphore(%arg14 : memref<!tpu.dma_semaphore, #tpu.memory_space<semaphore_mem>>) {add = true}
        %mul3A_80 = arith.constant 2 : i32
        %mul3A_81 = arith.muli %mul3A_80, %scan3A_62 : i32
        %add3A_82 = arith.constant 1 : i32
        %add3A_83 = arith.addi %mul3A_81, %add3A_82 : i32
        %mul3A_84 = arith.constant 80 : i32
        %mul3A_85 = arith.muli %add3A_83, %mul3A_84 : i32
        %add3A_86 = arith.addi %mul3A_4, %mul3A_85 : i32
        %dma_wait3A_87 = arith.constant 0 : i32
        %dma_wait3A_88 = tpu.memref_slice %arg2[%add3A_86, %dma_wait3A_87] : memref<160000x128xf32, #tpu.memory_space<hbm>> -> memref<80x128xf32, #tpu.memory_space<hbm>>
        %dma_wait3A_89 = arith.constant 0 : i32
        %dma_wait3A_90 = tpu.memref_slice %arg2[%add3A_86, %dma_wait3A_89] : memref<160000x128xf32, #tpu.memory_space<hbm>> -> memref<80x128xf32, #tpu.memory_space<hbm>>
        tpu.wait_dma2 semaphore(%arg13 : memref<!tpu.dma_semaphore, #tpu.memory_space<semaphore_mem>>) src(%dma_wait3A_90 : memref<80x128xf32, #tpu.memory_space<hbm>>) dst(%arg10 : memref<80x128xf32, #tpu.memory_space<vmem>>)
        %dma_start3A_91 = arith.constant 0 : i32
        %dma_start3A_92 = tpu.memref_slice %arg8[%add3A_83, %dma_start3A_91] : memref<125x80xi32, #tpu.memory_space<vmem>> -> memref<1x80xi32, #tpu.memory_space<vmem>>
        %dma_start3A_93 = tpu.memref_squeeze %dma_start3A_92 : memref<1x80xi32, #tpu.memory_space<vmem>> -> memref<80xi32, #tpu.memory_space<vmem>>
        %dma_start3A_94 = arith.constant 0 : i32
        %dma_start3A_95 = arith.constant 0 : i32
        %dma_start3A_96 = tpu.memref_slice %arg11[%dma_start3A_94, %dma_start3A_95] : memref<10000x128xf32, #tpu.memory_space<vmem_shared>> -> memref<10000x128xf32, #tpu.memory_space<vmem_shared>>
        tpu.enqueue_indirect_dma source(%arg10 : memref<80x128xf32, #tpu.memory_space<vmem>>) target(%dma_start3A_96 : memref<10000x128xf32, #tpu.memory_space<vmem_shared>>) offsets(%dma_start3A_93 : memref<80xi32, #tpu.memory_space<vmem>>) semaphore(%arg15 : memref<!tpu.dma_semaphore, #tpu.memory_space<semaphore_mem>>) {add = true}
        %mul3A_97 = arith.constant 2 : i32
        %mul3A_98 = arith.muli %mul3A_97, %scan3A_62 : i32
        %add3A_99 = arith.constant 0 : i32
        %add3A_100 = arith.addi %mul3A_98, %add3A_99 : i32
        %add3A_101 = arith.constant 2 : i32
        %add3A_102 = arith.addi %add3A_100, %add3A_101 : i32
        %lt3A = arith.constant 125 : i32
        %lt3A_103 = arith.cmpi slt, %add3A_102, %lt3A : i32
        %convert_element_type3A_104 = arith.extui %lt3A_103 : i1 to i32
        %cond3A_105 = arith.constant 0 : i32
        %cond3A_106 = arith.cmpi ne, %convert_element_type3A_104, %cond3A_105 : i32
        scf.if %cond3A_106 {
          %dma_wait3A_118 = arith.constant 0 : i32
          %dma_wait3A_119 = tpu.memref_slice %arg8[%add3A_100, %dma_wait3A_118] : memref<125x80xi32, #tpu.memory_space<vmem>> -> memref<1x80xi32, #tpu.memory_space<vmem>>
          %dma_wait3A_120 = tpu.memref_squeeze %dma_wait3A_119 : memref<1x80xi32, #tpu.memory_space<vmem>> -> memref<80xi32, #tpu.memory_space<vmem>>
          %dma_wait3A_121 = arith.constant 0 : i32
          %dma_wait3A_122 = arith.constant 0 : i32
          %dma_wait3A_123 = tpu.memref_slice %arg11[%dma_wait3A_121, %dma_wait3A_122] : memref<10000x128xf32, #tpu.memory_space<vmem_shared>> -> memref<10000x128xf32, #tpu.memory_space<vmem_shared>>
          tpu.wait_indirect_dma semaphore(%arg14 : memref<!tpu.dma_semaphore, #tpu.memory_space<semaphore_mem>>) src(%arg9 : memref<80x128xf32, #tpu.memory_space<vmem>>) dst(%dma_wait3A_123 : memref<10000x128xf32, #tpu.memory_space<vmem_shared>>)
          %add3A_124 = arith.constant 2 : i32
          %add3A_125 = arith.addi %add3A_100, %add3A_124 : i32
          %mul3A_126 = arith.constant 80 : i32
          %mul3A_127 = arith.muli %add3A_125, %mul3A_126 : i32
          %add3A_128 = arith.addi %mul3A_4, %mul3A_127 : i32
          %dma_start3A_129 = arith.constant 0 : i32
          %dma_start3A_130 = tpu.memref_slice %arg2[%add3A_128, %dma_start3A_129] : memref<160000x128xf32, #tpu.memory_space<hbm>> -> memref<80x128xf32, #tpu.memory_space<hbm>>
          %dma_start3A_131 = arith.constant 0 : i32
          %dma_start3A_132 = tpu.memref_slice %arg2[%add3A_128, %dma_start3A_131] : memref<160000x128xf32, #tpu.memory_space<hbm>> -> memref<80x128xf32, #tpu.memory_space<hbm>>
          tpu.enqueue_dma source(%dma_start3A_132 : memref<80x128xf32, #tpu.memory_space<hbm>>) target(%arg9 : memref<80x128xf32, #tpu.memory_space<vmem>>) target_semaphore(%arg12 : memref<!tpu.dma_semaphore, #tpu.memory_space<semaphore_mem>>)
        } else {
        }
        %mul3A_107 = arith.constant 2 : i32
        %mul3A_108 = arith.muli %mul3A_107, %scan3A_62 : i32
        %add3A_109 = arith.constant 1 : i32
        %add3A_110 = arith.addi %mul3A_108, %add3A_109 : i32
        %add3A_111 = arith.constant 2 : i32
        %add3A_112 = arith.addi %add3A_110, %add3A_111 : i32
        %lt3A_113 = arith.constant 125 : i32
        %lt3A_114 = arith.cmpi slt, %add3A_112, %lt3A_113 : i32
        %convert_element_type3A_115 = arith.extui %lt3A_114 : i1 to i32
        %cond3A_116 = arith.constant 0 : i32
        %cond3A_117 = arith.cmpi ne, %convert_element_type3A_115, %cond3A_116 : i32
        scf.if %cond3A_117 {
          %dma_wait3A_118 = arith.constant 0 : i32
          %dma_wait3A_119 = tpu.memref_slice %arg8[%add3A_110, %dma_wait3A_118] : memref<125x80xi32, #tpu.memory_space<vmem>> -> memref<1x80xi32, #tpu.memory_space<vmem>>
          %dma_wait3A_120 = tpu.memref_squeeze %dma_wait3A_119 : memref<1x80xi32, #tpu.memory_space<vmem>> -> memref<80xi32, #tpu.memory_space<vmem>>
          %dma_wait3A_121 = arith.constant 0 : i32
          %dma_wait3A_122 = arith.constant 0 : i32
          %dma_wait3A_123 = tpu.memref_slice %arg11[%dma_wait3A_121, %dma_wait3A_122] : memref<10000x128xf32, #tpu.memory_space<vmem_shared>> -> memref<10000x128xf32, #tpu.memory_space<vmem_shared>>
          tpu.wait_indirect_dma semaphore(%arg15 : memref<!tpu.dma_semaphore, #tpu.memory_space<semaphore_mem>>) src(%arg10 : memref<80x128xf32, #tpu.memory_space<vmem>>) dst(%dma_wait3A_123 : memref<10000x128xf32, #tpu.memory_space<vmem_shared>>)
          %add3A_124 = arith.constant 2 : i32
          %add3A_125 = arith.addi %add3A_110, %add3A_124 : i32
          %mul3A_126 = arith.constant 80 : i32
          %mul3A_127 = arith.muli %add3A_125, %mul3A_126 : i32
          %add3A_128 = arith.addi %mul3A_4, %mul3A_127 : i32
          %dma_start3A_129 = arith.constant 0 : i32
          %dma_start3A_130 = tpu.memref_slice %arg2[%add3A_128, %dma_start3A_129] : memref<160000x128xf32, #tpu.memory_space<hbm>> -> memref<80x128xf32, #tpu.memory_space<hbm>>
          %dma_start3A_131 = arith.constant 0 : i32
          %dma_start3A_132 = tpu.memref_slice %arg2[%add3A_128, %dma_start3A_131] : memref<160000x128xf32, #tpu.memory_space<hbm>> -> memref<80x128xf32, #tpu.memory_space<hbm>>
          tpu.enqueue_dma source(%dma_start3A_132 : memref<80x128xf32, #tpu.memory_space<hbm>>) target(%arg10 : memref<80x128xf32, #tpu.memory_space<vmem>>) target_semaphore(%arg13 : memref<!tpu.dma_semaphore, #tpu.memory_space<semaphore_mem>>)
        } else {
        }
      }
      %scan3A_29 = arith.constant 62 : i32
      %add3A_30 = arith.constant 9920 : i32
      %add3A_31 = arith.addi %mul3A_4, %add3A_30 : i32
      %dma_wait3A = arith.constant 0 : i32
      %dma_wait3A_32 = tpu.memref_slice %arg2[%add3A_31, %dma_wait3A] : memref<160000x128xf32, #tpu.memory_space<hbm>> -> memref<80x128xf32, #tpu.memory_space<hbm>>
      %dma_wait3A_33 = arith.constant 0 : i32
      %dma_wait3A_34 = tpu.memref_slice %arg2[%add3A_31, %dma_wait3A_33] : memref<160000x128xf32, #tpu.memory_space<hbm>> -> memref<80x128xf32, #tpu.memory_space<hbm>>
      tpu.wait_dma2 semaphore(%arg12 : memref<!tpu.dma_semaphore, #tpu.memory_space<semaphore_mem>>) src(%dma_wait3A_34 : memref<80x128xf32, #tpu.memory_space<hbm>>) dst(%arg9 : memref<80x128xf32, #tpu.memory_space<vmem>>)
      %dma_start3A_35 = arith.constant 124 : i32
      %dma_start3A_36 = arith.constant 0 : i32
      %dma_start3A_37 = tpu.memref_slice %arg8[%dma_start3A_35, %dma_start3A_36] : memref<125x80xi32, #tpu.memory_space<vmem>> -> memref<1x80xi32, #tpu.memory_space<vmem>>
      %dma_start3A_38 = tpu.memref_squeeze %dma_start3A_37 : memref<1x80xi32, #tpu.memory_space<vmem>> -> memref<80xi32, #tpu.memory_space<vmem>>
      %dma_start3A_39 = arith.constant 0 : i32
      %dma_start3A_40 = arith.constant 0 : i32
      %dma_start3A_41 = tpu.memref_slice %arg11[%dma_start3A_39, %dma_start3A_40] : memref<10000x128xf32, #tpu.memory_space<vmem_shared>> -> memref<10000x128xf32, #tpu.memory_space<vmem_shared>>
      tpu.enqueue_indirect_dma source(%arg9 : memref<80x128xf32, #tpu.memory_space<vmem>>) target(%dma_start3A_41 : memref<10000x128xf32, #tpu.memory_space<vmem_shared>>) offsets(%dma_start3A_38 : memref<80xi32, #tpu.memory_space<vmem>>) semaphore(%arg14 : memref<!tpu.dma_semaphore, #tpu.memory_space<semaphore_mem>>) {add = true}
      %dma_wait3A_42 = arith.constant 124 : i32
      %dma_wait3A_43 = arith.constant 0 : i32
      %dma_wait3A_44 = tpu.memref_slice %arg8[%dma_wait3A_42, %dma_wait3A_43] : memref<125x80xi32, #tpu.memory_space<vmem>> -> memref<1x80xi32, #tpu.memory_space<vmem>>
      %dma_wait3A_45 = tpu.memref_squeeze %dma_wait3A_44 : memref<1x80xi32, #tpu.memory_space<vmem>> -> memref<80xi32, #tpu.memory_space<vmem>>
      %dma_wait3A_46 = arith.constant 0 : i32
      %dma_wait3A_47 = arith.constant 0 : i32
      %dma_wait3A_48 = tpu.memref_slice %arg11[%dma_wait3A_46, %dma_wait3A_47] : memref<10000x128xf32, #tpu.memory_space<vmem_shared>> -> memref<10000x128xf32, #tpu.memory_space<vmem_shared>>
      tpu.wait_indirect_dma semaphore(%arg14 : memref<!tpu.dma_semaphore, #tpu.memory_space<semaphore_mem>>) src(%arg9 : memref<80x128xf32, #tpu.memory_space<vmem>>) dst(%dma_wait3A_48 : memref<10000x128xf32, #tpu.memory_space<vmem_shared>>)
      %dma_wait3A_49 = arith.constant 123 : i32
      %dma_wait3A_50 = arith.constant 0 : i32
      %dma_wait3A_51 = tpu.memref_slice %arg8[%dma_wait3A_49, %dma_wait3A_50] : memref<125x80xi32, #tpu.memory_space<vmem>> -> memref<1x80xi32, #tpu.memory_space<vmem>>
      %dma_wait3A_52 = tpu.memref_squeeze %dma_wait3A_51 : memref<1x80xi32, #tpu.memory_space<vmem>> -> memref<80xi32, #tpu.memory_space<vmem>>
      %dma_wait3A_53 = arith.constant 0 : i32
      %dma_wait3A_54 = arith.constant 0 : i32
      %dma_wait3A_55 = tpu.memref_slice %arg11[%dma_wait3A_53, %dma_wait3A_54] : memref<10000x128xf32, #tpu.memory_space<vmem_shared>> -> memref<10000x128xf32, #tpu.memory_space<vmem_shared>>
      tpu.wait_indirect_dma semaphore(%arg15 : memref<!tpu.dma_semaphore, #tpu.memory_space<semaphore_mem>>) src(%arg10 : memref<80x128xf32, #tpu.memory_space<vmem>>) dst(%dma_wait3A_55 : memref<10000x128xf32, #tpu.memory_space<vmem_shared>>)
      %barrier3A_56 = arith.constant 0 : index
      tpu.barrier barrier_id(%barrier3A_56)
      "tpu.region"() ({
        %run_scoped3A = tpu.sem_alloc : memref<!tpu.dma_semaphore, #tpu.memory_space<semaphore_mem>>
        %dma_start3A_62 = arith.constant 0 : i32
        %dma_start3A_63 = tpu.memref_slice %arg6[%mul3A_0, %dma_start3A_62] : memref<10000x128xf32, #tpu.memory_space<hbm>> -> memref<624x128xf32, #tpu.memory_space<hbm>>
        %dma_start3A_64 = arith.constant 0 : i32
        %dma_start3A_65 = tpu.memref_slice %arg11[%mul3A_0, %dma_start3A_64] : memref<10000x128xf32, #tpu.memory_space<vmem_shared>> -> memref<624x128xf32, #tpu.memory_space<vmem_shared>>
        tpu.enqueue_dma source(%dma_start3A_65 : memref<624x128xf32, #tpu.memory_space<vmem_shared>>) target(%dma_start3A_63 : memref<624x128xf32, #tpu.memory_space<hbm>>) target_semaphore(%run_scoped3A : memref<!tpu.dma_semaphore, #tpu.memory_space<semaphore_mem>>)
        %dma_wait3A_66 = arith.constant 0 : i32
        %dma_wait3A_67 = tpu.memref_slice %arg6[%mul3A_0, %dma_wait3A_66] : memref<10000x128xf32, #tpu.memory_space<hbm>> -> memref<624x128xf32, #tpu.memory_space<hbm>>
        %dma_wait3A_68 = arith.constant 0 : i32
        %dma_wait3A_69 = tpu.memref_slice %arg11[%mul3A_0, %dma_wait3A_68] : memref<10000x128xf32, #tpu.memory_space<vmem_shared>> -> memref<624x128xf32, #tpu.memory_space<vmem_shared>>
        tpu.wait_dma2 semaphore(%run_scoped3A : memref<!tpu.dma_semaphore, #tpu.memory_space<semaphore_mem>>) src(%dma_wait3A_69 : memref<624x128xf32, #tpu.memory_space<vmem_shared>>) dst(%dma_wait3A_67 : memref<624x128xf32, #tpu.memory_space<hbm>>)
        tpu.yield
      }) : () -> ()
      %eq3A_57 = arith.constant 15 : i32
      %eq3A_58 = arith.cmpi eq, %arg1, %eq3A_57 : i32
      %convert_element_type3A_59 = arith.extui %eq3A_58 : i1 to i32
      %cond3A_60 = arith.constant 0 : i32
      %cond3A_61 = arith.cmpi ne, %convert_element_type3A_59, %cond3A_60 : i32
      scf.if %cond3A_61 {
        "tpu.region"() ({
          %run_scoped3A = tpu.sem_alloc : memref<!tpu.dma_semaphore, #tpu.memory_space<semaphore_mem>>
          %dma_start3A_62 = arith.constant 9984 : i32
          %dma_start3A_63 = arith.constant 0 : i32
          %dma_start3A_64 = tpu.memref_slice %arg6[%dma_start3A_62, %dma_start3A_63] : memref<10000x128xf32, #tpu.memory_space<hbm>> -> memref<16x128xf32, #tpu.memory_space<hbm>>
          %dma_start3A_65 = arith.constant 9984 : i32
          %dma_start3A_66 = arith.constant 0 : i32
          %dma_start3A_67 = tpu.memref_slice %arg11[%dma_start3A_65, %dma_start3A_66] : memref<10000x128xf32, #tpu.memory_space<vmem_shared>> -> memref<16x128xf32, #tpu.memory_space<vmem_shared>>
          tpu.enqueue_dma source(%dma_start3A_67 : memref<16x128xf32, #tpu.memory_space<vmem_shared>>) target(%dma_start3A_64 : memref<16x128xf32, #tpu.memory_space<hbm>>) target_semaphore(%run_scoped3A : memref<!tpu.dma_semaphore, #tpu.memory_space<semaphore_mem>>)
          %dma_wait3A_68 = arith.constant 9984 : i32
          %dma_wait3A_69 = arith.constant 0 : i32
          %dma_wait3A_70 = tpu.memref_slice %arg6[%dma_wait3A_68, %dma_wait3A_69] : memref<10000x128xf32, #tpu.memory_space<hbm>> -> memref<16x128xf32, #tpu.memory_space<hbm>>
          %dma_wait3A_71 = arith.constant 9984 : i32
          %dma_wait3A_72 = arith.constant 0 : i32
          %dma_wait3A_73 = tpu.memref_slice %arg11[%dma_wait3A_71, %dma_wait3A_72] : memref<10000x128xf32, #tpu.memory_space<vmem_shared>> -> memref<16x128xf32, #tpu.memory_space<vmem_shared>>
          tpu.wait_dma2 semaphore(%run_scoped3A : memref<!tpu.dma_semaphore, #tpu.memory_space<semaphore_mem>>) src(%dma_wait3A_73 : memref<16x128xf32, #tpu.memory_space<vmem_shared>>) dst(%dma_wait3A_70 : memref<16x128xf32, #tpu.memory_space<hbm>>)
          tpu.yield
        }) : () -> ()
      } else {
      }
    } else {
    }
    %eq3A_10 = arith.constant 1 : i32
    %eq3A_11 = arith.cmpi eq, %arg0, %eq3A_10 : i32
    %convert_element_type3A_12 = arith.extui %eq3A_11 : i1 to i32
    %cond3A_13 = arith.constant 0 : i32
    %cond3A_14 = arith.cmpi ne, %convert_element_type3A_12, %cond3A_13 : i32
    scf.if %cond3A_14 {
      %add3A = arith.constant 0 : i32
      %add3A_15 = arith.addi %mul3A_4, %add3A : i32
      %dma_start3A = arith.constant 0 : i32
      %dma_start3A_16 = tpu.memref_slice %arg3[%add3A_15, %dma_start3A] : memref<160000x128xf32, #tpu.memory_space<hbm>> -> memref<80x128xf32, #tpu.memory_space<hbm>>
      %dma_start3A_17 = arith.constant 0 : i32
      %dma_start3A_18 = tpu.memref_slice %arg3[%add3A_15, %dma_start3A_17] : memref<160000x128xf32, #tpu.memory_space<hbm>> -> memref<80x128xf32, #tpu.memory_space<hbm>>
      tpu.enqueue_dma source(%dma_start3A_18 : memref<80x128xf32, #tpu.memory_space<hbm>>) target(%arg9 : memref<80x128xf32, #tpu.memory_space<vmem>>) target_semaphore(%arg12 : memref<!tpu.dma_semaphore, #tpu.memory_space<semaphore_mem>>)
      %add3A_19 = arith.constant 80 : i32
      %add3A_20 = arith.addi %mul3A_4, %add3A_19 : i32
      %dma_start3A_21 = arith.constant 0 : i32
      %dma_start3A_22 = tpu.memref_slice %arg3[%add3A_20, %dma_start3A_21] : memref<160000x128xf32, #tpu.memory_space<hbm>> -> memref<80x128xf32, #tpu.memory_space<hbm>>
      %dma_start3A_23 = arith.constant 0 : i32
      %dma_start3A_24 = tpu.memref_slice %arg3[%add3A_20, %dma_start3A_23] : memref<160000x128xf32, #tpu.memory_space<hbm>> -> memref<80x128xf32, #tpu.memory_space<hbm>>
      tpu.enqueue_dma source(%dma_start3A_24 : memref<80x128xf32, #tpu.memory_space<hbm>>) target(%arg10 : memref<80x128xf32, #tpu.memory_space<vmem>>) target_semaphore(%arg13 : memref<!tpu.dma_semaphore, #tpu.memory_space<semaphore_mem>>)
      %scan3A = arith.constant 0 : i32
      %scan3A_25 = arith.constant 0 : i32
      %scan3A_26 = arith.constant 62 : i32
      %scan3A_27 = arith.addi %scan3A_25, %scan3A_26 : i32
      %scan3A_28 = arith.constant 1 : i32
      scf.for %scan3A_62 = %scan3A_25 to %scan3A_27 step %scan3A_28  : i32 {
        %mul3A_63 = arith.constant 2 : i32
        %mul3A_64 = arith.muli %mul3A_63, %scan3A_62 : i32
        %add3A_65 = arith.constant 0 : i32
        %add3A_66 = arith.addi %mul3A_64, %add3A_65 : i32
        %mul3A_67 = arith.constant 80 : i32
        %mul3A_68 = arith.muli %add3A_66, %mul3A_67 : i32
        %add3A_69 = arith.addi %mul3A_4, %mul3A_68 : i32
        %dma_wait3A_70 = arith.constant 0 : i32
        %dma_wait3A_71 = tpu.memref_slice %arg3[%add3A_69, %dma_wait3A_70] : memref<160000x128xf32, #tpu.memory_space<hbm>> -> memref<80x128xf32, #tpu.memory_space<hbm>>
        %dma_wait3A_72 = arith.constant 0 : i32
        %dma_wait3A_73 = tpu.memref_slice %arg3[%add3A_69, %dma_wait3A_72] : memref<160000x128xf32, #tpu.memory_space<hbm>> -> memref<80x128xf32, #tpu.memory_space<hbm>>
        tpu.wait_dma2 semaphore(%arg12 : memref<!tpu.dma_semaphore, #tpu.memory_space<semaphore_mem>>) src(%dma_wait3A_73 : memref<80x128xf32, #tpu.memory_space<hbm>>) dst(%arg9 : memref<80x128xf32, #tpu.memory_space<vmem>>)
        %dma_start3A_74 = arith.constant 0 : i32
        %dma_start3A_75 = tpu.memref_slice %arg8[%add3A_66, %dma_start3A_74] : memref<125x80xi32, #tpu.memory_space<vmem>> -> memref<1x80xi32, #tpu.memory_space<vmem>>
        %dma_start3A_76 = tpu.memref_squeeze %dma_start3A_75 : memref<1x80xi32, #tpu.memory_space<vmem>> -> memref<80xi32, #tpu.memory_space<vmem>>
        %dma_start3A_77 = arith.constant 0 : i32
        %dma_start3A_78 = arith.constant 0 : i32
        %dma_start3A_79 = tpu.memref_slice %arg11[%dma_start3A_77, %dma_start3A_78] : memref<10000x128xf32, #tpu.memory_space<vmem_shared>> -> memref<10000x128xf32, #tpu.memory_space<vmem_shared>>
        tpu.enqueue_indirect_dma source(%arg9 : memref<80x128xf32, #tpu.memory_space<vmem>>) target(%dma_start3A_79 : memref<10000x128xf32, #tpu.memory_space<vmem_shared>>) offsets(%dma_start3A_76 : memref<80xi32, #tpu.memory_space<vmem>>) semaphore(%arg14 : memref<!tpu.dma_semaphore, #tpu.memory_space<semaphore_mem>>) {add = true}
        %mul3A_80 = arith.constant 2 : i32
        %mul3A_81 = arith.muli %mul3A_80, %scan3A_62 : i32
        %add3A_82 = arith.constant 1 : i32
        %add3A_83 = arith.addi %mul3A_81, %add3A_82 : i32
        %mul3A_84 = arith.constant 80 : i32
        %mul3A_85 = arith.muli %add3A_83, %mul3A_84 : i32
        %add3A_86 = arith.addi %mul3A_4, %mul3A_85 : i32
        %dma_wait3A_87 = arith.constant 0 : i32
        %dma_wait3A_88 = tpu.memref_slice %arg3[%add3A_86, %dma_wait3A_87] : memref<160000x128xf32, #tpu.memory_space<hbm>> -> memref<80x128xf32, #tpu.memory_space<hbm>>
        %dma_wait3A_89 = arith.constant 0 : i32
        %dma_wait3A_90 = tpu.memref_slice %arg3[%add3A_86, %dma_wait3A_89] : memref<160000x128xf32, #tpu.memory_space<hbm>> -> memref<80x128xf32, #tpu.memory_space<hbm>>
        tpu.wait_dma2 semaphore(%arg13 : memref<!tpu.dma_semaphore, #tpu.memory_space<semaphore_mem>>) src(%dma_wait3A_90 : memref<80x128xf32, #tpu.memory_space<hbm>>) dst(%arg10 : memref<80x128xf32, #tpu.memory_space<vmem>>)
        %dma_start3A_91 = arith.constant 0 : i32
        %dma_start3A_92 = tpu.memref_slice %arg8[%add3A_83, %dma_start3A_91] : memref<125x80xi32, #tpu.memory_space<vmem>> -> memref<1x80xi32, #tpu.memory_space<vmem>>
        %dma_start3A_93 = tpu.memref_squeeze %dma_start3A_92 : memref<1x80xi32, #tpu.memory_space<vmem>> -> memref<80xi32, #tpu.memory_space<vmem>>
        %dma_start3A_94 = arith.constant 0 : i32
        %dma_start3A_95 = arith.constant 0 : i32
        %dma_start3A_96 = tpu.memref_slice %arg11[%dma_start3A_94, %dma_start3A_95] : memref<10000x128xf32, #tpu.memory_space<vmem_shared>> -> memref<10000x128xf32, #tpu.memory_space<vmem_shared>>
        tpu.enqueue_indirect_dma source(%arg10 : memref<80x128xf32, #tpu.memory_space<vmem>>) target(%dma_start3A_96 : memref<10000x128xf32, #tpu.memory_space<vmem_shared>>) offsets(%dma_start3A_93 : memref<80xi32, #tpu.memory_space<vmem>>) semaphore(%arg15 : memref<!tpu.dma_semaphore, #tpu.memory_space<semaphore_mem>>) {add = true}
        %mul3A_97 = arith.constant 2 : i32
        %mul3A_98 = arith.muli %mul3A_97, %scan3A_62 : i32
        %add3A_99 = arith.constant 0 : i32
        %add3A_100 = arith.addi %mul3A_98, %add3A_99 : i32
        %add3A_101 = arith.constant 2 : i32
        %add3A_102 = arith.addi %add3A_100, %add3A_101 : i32
        %lt3A = arith.constant 125 : i32
        %lt3A_103 = arith.cmpi slt, %add3A_102, %lt3A : i32
        %convert_element_type3A_104 = arith.extui %lt3A_103 : i1 to i32
        %cond3A_105 = arith.constant 0 : i32
        %cond3A_106 = arith.cmpi ne, %convert_element_type3A_104, %cond3A_105 : i32
        scf.if %cond3A_106 {
          %dma_wait3A_118 = arith.constant 0 : i32
          %dma_wait3A_119 = tpu.memref_slice %arg8[%add3A_100, %dma_wait3A_118] : memref<125x80xi32, #tpu.memory_space<vmem>> -> memref<1x80xi32, #tpu.memory_space<vmem>>
          %dma_wait3A_120 = tpu.memref_squeeze %dma_wait3A_119 : memref<1x80xi32, #tpu.memory_space<vmem>> -> memref<80xi32, #tpu.memory_space<vmem>>
          %dma_wait3A_121 = arith.constant 0 : i32
          %dma_wait3A_122 = arith.constant 0 : i32
          %dma_wait3A_123 = tpu.memref_slice %arg11[%dma_wait3A_121, %dma_wait3A_122] : memref<10000x128xf32, #tpu.memory_space<vmem_shared>> -> memref<10000x128xf32, #tpu.memory_space<vmem_shared>>
          tpu.wait_indirect_dma semaphore(%arg14 : memref<!tpu.dma_semaphore, #tpu.memory_space<semaphore_mem>>) src(%arg9 : memref<80x128xf32, #tpu.memory_space<vmem>>) dst(%dma_wait3A_123 : memref<10000x128xf32, #tpu.memory_space<vmem_shared>>)
          %add3A_124 = arith.constant 2 : i32
          %add3A_125 = arith.addi %add3A_100, %add3A_124 : i32
          %mul3A_126 = arith.constant 80 : i32
          %mul3A_127 = arith.muli %add3A_125, %mul3A_126 : i32
          %add3A_128 = arith.addi %mul3A_4, %mul3A_127 : i32
          %dma_start3A_129 = arith.constant 0 : i32
          %dma_start3A_130 = tpu.memref_slice %arg3[%add3A_128, %dma_start3A_129] : memref<160000x128xf32, #tpu.memory_space<hbm>> -> memref<80x128xf32, #tpu.memory_space<hbm>>
          %dma_start3A_131 = arith.constant 0 : i32
          %dma_start3A_132 = tpu.memref_slice %arg3[%add3A_128, %dma_start3A_131] : memref<160000x128xf32, #tpu.memory_space<hbm>> -> memref<80x128xf32, #tpu.memory_space<hbm>>
          tpu.enqueue_dma source(%dma_start3A_132 : memref<80x128xf32, #tpu.memory_space<hbm>>) target(%arg9 : memref<80x128xf32, #tpu.memory_space<vmem>>) target_semaphore(%arg12 : memref<!tpu.dma_semaphore, #tpu.memory_space<semaphore_mem>>)
        } else {
        }
        %mul3A_107 = arith.constant 2 : i32
        %mul3A_108 = arith.muli %mul3A_107, %scan3A_62 : i32
        %add3A_109 = arith.constant 1 : i32
        %add3A_110 = arith.addi %mul3A_108, %add3A_109 : i32
        %add3A_111 = arith.constant 2 : i32
        %add3A_112 = arith.addi %add3A_110, %add3A_111 : i32
        %lt3A_113 = arith.constant 125 : i32
        %lt3A_114 = arith.cmpi slt, %add3A_112, %lt3A_113 : i32
        %convert_element_type3A_115 = arith.extui %lt3A_114 : i1 to i32
        %cond3A_116 = arith.constant 0 : i32
        %cond3A_117 = arith.cmpi ne, %convert_element_type3A_115, %cond3A_116 : i32
        scf.if %cond3A_117 {
          %dma_wait3A_118 = arith.constant 0 : i32
          %dma_wait3A_119 = tpu.memref_slice %arg8[%add3A_110, %dma_wait3A_118] : memref<125x80xi32, #tpu.memory_space<vmem>> -> memref<1x80xi32, #tpu.memory_space<vmem>>
          %dma_wait3A_120 = tpu.memref_squeeze %dma_wait3A_119 : memref<1x80xi32, #tpu.memory_space<vmem>> -> memref<80xi32, #tpu.memory_space<vmem>>
          %dma_wait3A_121 = arith.constant 0 : i32
          %dma_wait3A_122 = arith.constant 0 : i32
          %dma_wait3A_123 = tpu.memref_slice %arg11[%dma_wait3A_121, %dma_wait3A_122] : memref<10000x128xf32, #tpu.memory_space<vmem_shared>> -> memref<10000x128xf32, #tpu.memory_space<vmem_shared>>
          tpu.wait_indirect_dma semaphore(%arg15 : memref<!tpu.dma_semaphore, #tpu.memory_space<semaphore_mem>>) src(%arg10 : memref<80x128xf32, #tpu.memory_space<vmem>>) dst(%dma_wait3A_123 : memref<10000x128xf32, #tpu.memory_space<vmem_shared>>)
          %add3A_124 = arith.constant 2 : i32
          %add3A_125 = arith.addi %add3A_110, %add3A_124 : i32
          %mul3A_126 = arith.constant 80 : i32
          %mul3A_127 = arith.muli %add3A_125, %mul3A_126 : i32
          %add3A_128 = arith.addi %mul3A_4, %mul3A_127 : i32
          %dma_start3A_129 = arith.constant 0 : i32
          %dma_start3A_130 = tpu.memref_slice %arg3[%add3A_128, %dma_start3A_129] : memref<160000x128xf32, #tpu.memory_space<hbm>> -> memref<80x128xf32, #tpu.memory_space<hbm>>
          %dma_start3A_131 = arith.constant 0 : i32
          %dma_start3A_132 = tpu.memref_slice %arg3[%add3A_128, %dma_start3A_131] : memref<160000x128xf32, #tpu.memory_space<hbm>> -> memref<80x128xf32, #tpu.memory_space<hbm>>
          tpu.enqueue_dma source(%dma_start3A_132 : memref<80x128xf32, #tpu.memory_space<hbm>>) target(%arg10 : memref<80x128xf32, #tpu.memory_space<vmem>>) target_semaphore(%arg13 : memref<!tpu.dma_semaphore, #tpu.memory_space<semaphore_mem>>)
        } else {
        }
      }
      %scan3A_29 = arith.constant 62 : i32
      %add3A_30 = arith.constant 9920 : i32
      %add3A_31 = arith.addi %mul3A_4, %add3A_30 : i32
      %dma_wait3A = arith.constant 0 : i32
      %dma_wait3A_32 = tpu.memref_slice %arg3[%add3A_31, %dma_wait3A] : memref<160000x128xf32, #tpu.memory_space<hbm>> -> memref<80x128xf32, #tpu.memory_space<hbm>>
      %dma_wait3A_33 = arith.constant 0 : i32
      %dma_wait3A_34 = tpu.memref_slice %arg3[%add3A_31, %dma_wait3A_33] : memref<160000x128xf32, #tpu.memory_space<hbm>> -> memref<80x128xf32, #tpu.memory_space<hbm>>
      tpu.wait_dma2 semaphore(%arg12 : memref<!tpu.dma_semaphore, #tpu.memory_space<semaphore_mem>>) src(%dma_wait3A_34 : memref<80x128xf32, #tpu.memory_space<hbm>>) dst(%arg9 : memref<80x128xf32, #tpu.memory_space<vmem>>)
      %dma_start3A_35 = arith.constant 124 : i32
      %dma_start3A_36 = arith.constant 0 : i32
      %dma_start3A_37 = tpu.memref_slice %arg8[%dma_start3A_35, %dma_start3A_36] : memref<125x80xi32, #tpu.memory_space<vmem>> -> memref<1x80xi32, #tpu.memory_space<vmem>>
      %dma_start3A_38 = tpu.memref_squeeze %dma_start3A_37 : memref<1x80xi32, #tpu.memory_space<vmem>> -> memref<80xi32, #tpu.memory_space<vmem>>
      %dma_start3A_39 = arith.constant 0 : i32
      %dma_start3A_40 = arith.constant 0 : i32
      %dma_start3A_41 = tpu.memref_slice %arg11[%dma_start3A_39, %dma_start3A_40] : memref<10000x128xf32, #tpu.memory_space<vmem_shared>> -> memref<10000x128xf32, #tpu.memory_space<vmem_shared>>
      tpu.enqueue_indirect_dma source(%arg9 : memref<80x128xf32, #tpu.memory_space<vmem>>) target(%dma_start3A_41 : memref<10000x128xf32, #tpu.memory_space<vmem_shared>>) offsets(%dma_start3A_38 : memref<80xi32, #tpu.memory_space<vmem>>) semaphore(%arg14 : memref<!tpu.dma_semaphore, #tpu.memory_space<semaphore_mem>>) {add = true}
      %dma_wait3A_42 = arith.constant 124 : i32
      %dma_wait3A_43 = arith.constant 0 : i32
      %dma_wait3A_44 = tpu.memref_slice %arg8[%dma_wait3A_42, %dma_wait3A_43] : memref<125x80xi32, #tpu.memory_space<vmem>> -> memref<1x80xi32, #tpu.memory_space<vmem>>
      %dma_wait3A_45 = tpu.memref_squeeze %dma_wait3A_44 : memref<1x80xi32, #tpu.memory_space<vmem>> -> memref<80xi32, #tpu.memory_space<vmem>>
      %dma_wait3A_46 = arith.constant 0 : i32
      %dma_wait3A_47 = arith.constant 0 : i32
      %dma_wait3A_48 = tpu.memref_slice %arg11[%dma_wait3A_46, %dma_wait3A_47] : memref<10000x128xf32, #tpu.memory_space<vmem_shared>> -> memref<10000x128xf32, #tpu.memory_space<vmem_shared>>
      tpu.wait_indirect_dma semaphore(%arg14 : memref<!tpu.dma_semaphore, #tpu.memory_space<semaphore_mem>>) src(%arg9 : memref<80x128xf32, #tpu.memory_space<vmem>>) dst(%dma_wait3A_48 : memref<10000x128xf32, #tpu.memory_space<vmem_shared>>)
      %dma_wait3A_49 = arith.constant 123 : i32
      %dma_wait3A_50 = arith.constant 0 : i32
      %dma_wait3A_51 = tpu.memref_slice %arg8[%dma_wait3A_49, %dma_wait3A_50] : memref<125x80xi32, #tpu.memory_space<vmem>> -> memref<1x80xi32, #tpu.memory_space<vmem>>
      %dma_wait3A_52 = tpu.memref_squeeze %dma_wait3A_51 : memref<1x80xi32, #tpu.memory_space<vmem>> -> memref<80xi32, #tpu.memory_space<vmem>>
      %dma_wait3A_53 = arith.constant 0 : i32
      %dma_wait3A_54 = arith.constant 0 : i32
      %dma_wait3A_55 = tpu.memref_slice %arg11[%dma_wait3A_53, %dma_wait3A_54] : memref<10000x128xf32, #tpu.memory_space<vmem_shared>> -> memref<10000x128xf32, #tpu.memory_space<vmem_shared>>
      tpu.wait_indirect_dma semaphore(%arg15 : memref<!tpu.dma_semaphore, #tpu.memory_space<semaphore_mem>>) src(%arg10 : memref<80x128xf32, #tpu.memory_space<vmem>>) dst(%dma_wait3A_55 : memref<10000x128xf32, #tpu.memory_space<vmem_shared>>)
      %barrier3A_56 = arith.constant 0 : index
      tpu.barrier barrier_id(%barrier3A_56)
      "tpu.region"() ({
        %run_scoped3A = tpu.sem_alloc : memref<!tpu.dma_semaphore, #tpu.memory_space<semaphore_mem>>
        %dma_start3A_62 = arith.constant 0 : i32
        %dma_start3A_63 = tpu.memref_slice %arg7[%mul3A_0, %dma_start3A_62] : memref<10000x128xf32, #tpu.memory_space<hbm>> -> memref<624x128xf32, #tpu.memory_space<hbm>>
        %dma_start3A_64 = arith.constant 0 : i32
        %dma_start3A_65 = tpu.memref_slice %arg11[%mul3A_0, %dma_start3A_64] : memref<10000x128xf32, #tpu.memory_space<vmem_shared>> -> memref<624x128xf32, #tpu.memory_space<vmem_shared>>
        tpu.enqueue_dma source(%dma_start3A_65 : memref<624x128xf32, #tpu.memory_space<vmem_shared>>) target(%dma_start3A_63 : memref<624x128xf32, #tpu.memory_space<hbm>>) target_semaphore(%run_scoped3A : memref<!tpu.dma_semaphore, #tpu.memory_space<semaphore_mem>>)
        %dma_wait3A_66 = arith.constant 0 : i32
        %dma_wait3A_67 = tpu.memref_slice %arg7[%mul3A_0, %dma_wait3A_66] : memref<10000x128xf32, #tpu.memory_space<hbm>> -> memref<624x128xf32, #tpu.memory_space<hbm>>
        %dma_wait3A_68 = arith.constant 0 : i32
        %dma_wait3A_69 = tpu.memref_slice %arg11[%mul3A_0, %dma_wait3A_68] : memref<10000x128xf32, #tpu.memory_space<vmem_shared>> -> memref<624x128xf32, #tpu.memory_space<vmem_shared>>
        tpu.wait_dma2 semaphore(%run_scoped3A : memref<!tpu.dma_semaphore, #tpu.memory_space<semaphore_mem>>) src(%dma_wait3A_69 : memref<624x128xf32, #tpu.memory_space<vmem_shared>>) dst(%dma_wait3A_67 : memref<624x128xf32, #tpu.memory_space<hbm>>)
        tpu.yield
      }) : () -> ()
      %eq3A_57 = arith.constant 15 : i32
      %eq3A_58 = arith.cmpi eq, %arg1, %eq3A_57 : i32
      %convert_element_type3A_59 = arith.extui %eq3A_58 : i1 to i32
      %cond3A_60 = arith.constant 0 : i32
      %cond3A_61 = arith.cmpi ne, %convert_element_type3A_59, %cond3A_60 : i32
      scf.if %cond3A_61 {
        "tpu.region"() ({
          %run_scoped3A = tpu.sem_alloc : memref<!tpu.dma_semaphore, #tpu.memory_space<semaphore_mem>>
          %dma_start3A_62 = arith.constant 9984 : i32
          %dma_start3A_63 = arith.constant 0 : i32
          %dma_start3A_64 = tpu.memref_slice %arg7[%dma_start3A_62, %dma_start3A_63] : memref<10000x128xf32, #tpu.memory_space<hbm>> -> memref<16x128xf32, #tpu.memory_space<hbm>>
          %dma_start3A_65 = arith.constant 9984 : i32
          %dma_start3A_66 = arith.constant 0 : i32
          %dma_start3A_67 = tpu.memref_slice %arg11[%dma_start3A_65, %dma_start3A_66] : memref<10000x128xf32, #tpu.memory_space<vmem_shared>> -> memref<16x128xf32, #tpu.memory_space<vmem_shared>>
          tpu.enqueue_dma source(%dma_start3A_67 : memref<16x128xf32, #tpu.memory_space<vmem_shared>>) target(%dma_start3A_64 : memref<16x128xf32, #tpu.memory_space<hbm>>) target_semaphore(%run_scoped3A : memref<!tpu.dma_semaphore, #tpu.memory_space<semaphore_mem>>)
          %dma_wait3A_68 = arith.constant 9984 : i32
          %dma_wait3A_69 = arith.constant 0 : i32
          %dma_wait3A_70 = tpu.memref_slice %arg7[%dma_wait3A_68, %dma_wait3A_69] : memref<10000x128xf32, #tpu.memory_space<hbm>> -> memref<16x128xf32, #tpu.memory_space<hbm>>
          %dma_wait3A_71 = arith.constant 9984 : i32
          %dma_wait3A_72 = arith.constant 0 : i32
          %dma_wait3A_73 = tpu.memref_slice %arg11[%dma_wait3A_71, %dma_wait3A_72] : memref<10000x128xf32, #tpu.memory_space<vmem_shared>> -> memref<16x128xf32, #tpu.memory_space<vmem_shared>>
          tpu.wait_dma2 semaphore(%run_scoped3A : memref<!tpu.dma_semaphore, #tpu.memory_space<semaphore_mem>>) src(%dma_wait3A_73 : memref<16x128xf32, #tpu.memory_space<vmem_shared>>) dst(%dma_wait3A_70 : memref<16x128xf32, #tpu.memory_space<hbm>>)
          tpu.yield
        }) : () -> ()
      } else {
      }
    } else {
    }
    return
  }
}

#map = affine_map<(d0, d1) -> (0, 0)>
#map1 = affine_map<(d0, d1) -> (0, 0, 0)>
module attributes {stable_mosaic.version = 14 : i64} {
  func.func @sc_segsum(%arg0: i32, %arg1: i32, %arg2: memref<160000x128xf32, #tpu.memory_space<hbm>>, %arg3: memref<160000x128xf32, #tpu.memory_space<hbm>>, %arg4: memref<16x125x80xi32, #tpu.memory_space<hbm>>, %arg5: memref<10000x128xf32, #tpu.memory_space<hbm>>, %arg6: memref<10000x128xf32, #tpu.memory_space<hbm>>, %arg7: memref<10000x128xf32, #tpu.memory_space<hbm>>, %arg8: memref<125x80xi32, #tpu.memory_space<vmem>>, %arg9: memref<80x128xf32, #tpu.memory_space<vmem>>, %arg10: memref<80x128xf32, #tpu.memory_space<vmem>>, %arg11: memref<10000x128xf32, #tpu.memory_space<vmem_shared>>, %arg12: memref<!tpu.dma_semaphore, #tpu.memory_space<semaphore_mem>>, %arg13: memref<!tpu.dma_semaphore, #tpu.memory_space<semaphore_mem>>, %arg14: memref<!tpu.dma_semaphore, #tpu.memory_space<semaphore_mem>>, %arg15: memref<!tpu.dma_semaphore, #tpu.memory_space<semaphore_mem>>) attributes {dimension_semantics = [#tpu.dimension_semantics<core_parallel>, #tpu.dimension_semantics<subcore_parallel>], iteration_bounds = array<i64: 2, 16>, scalar_prefetch = 0 : i64, scratch_operands = 8 : i64, tpu.core_type = #tpu.core_type<sc_vector_subcore>, window_params = [{transform_indices = #map}, {transform_indices = #map}, {transform_indices = #map1}, {transform_indices = #map}, {transform_indices = #map}, {transform_indices = #map}]} {
    %mul3A = arith.constant 624 : i32
    %mul3A_0 = arith.muli %arg1, %mul3A : i32
    "tpu.region"() ({
      %run_scoped3A = tpu.sem_alloc : memref<!tpu.dma_semaphore, #tpu.memory_space<semaphore_mem>>
      %dma_start3A = arith.constant 0 : i32
      %dma_start3A_15 = tpu.memref_slice %arg11[%mul3A_0, %dma_start3A] : memref<10000x128xf32, #tpu.memory_space<vmem_shared>> -> memref<624x128xf32, #tpu.memory_space<vmem_shared>>
      %dma_start3A_16 = arith.constant 0 : i32
      %dma_start3A_17 = tpu.memref_slice %arg5[%mul3A_0, %dma_start3A_16] : memref<10000x128xf32, #tpu.memory_space<hbm>> -> memref<624x128xf32, #tpu.memory_space<hbm>>
      tpu.enqueue_dma source(%dma_start3A_17 : memref<624x128xf32, #tpu.memory_space<hbm>>) target(%dma_start3A_15 : memref<624x128xf32, #tpu.memory_space<vmem_shared>>) target_semaphore(%run_scoped3A : memref<!tpu.dma_semaphore, #tpu.memory_space<semaphore_mem>>)
      %dma_wait3A = arith.constant 0 : i32
      %dma_wait3A_18 = tpu.memref_slice %arg11[%mul3A_0, %dma_wait3A] : memref<10000x128xf32, #tpu.memory_space<vmem_shared>> -> memref<624x128xf32, #tpu.memory_space<vmem_shared>>
      %dma_wait3A_19 = arith.constant 0 : i32
      %dma_wait3A_20 = tpu.memref_slice %arg5[%mul3A_0, %dma_wait3A_19] : memref<10000x128xf32, #tpu.memory_space<hbm>> -> memref<624x128xf32, #tpu.memory_space<hbm>>
      tpu.wait_dma2 semaphore(%run_scoped3A : memref<!tpu.dma_semaphore, #tpu.memory_space<semaphore_mem>>) src(%dma_wait3A_20 : memref<624x128xf32, #tpu.memory_space<hbm>>) dst(%dma_wait3A_18 : memref<624x128xf32, #tpu.memory_space<vmem_shared>>)
      tpu.yield
    }) : () -> ()
    %eq3A = arith.constant 15 : i32
    %eq3A_1 = arith.cmpi eq, %arg1, %eq3A : i32
    %convert_element_type3A = arith.extui %eq3A_1 : i1 to i32
    %cond3A = arith.constant 0 : i32
    %cond3A_2 = arith.cmpi ne, %convert_element_type3A, %cond3A : i32
    scf.if %cond3A_2 {
      "tpu.region"() ({
        %run_scoped3A = tpu.sem_alloc : memref<!tpu.dma_semaphore, #tpu.memory_space<semaphore_mem>>
        %dma_start3A = arith.constant 9984 : i32
        %dma_start3A_15 = arith.constant 0 : i32
        %dma_start3A_16 = tpu.memref_slice %arg11[%dma_start3A, %dma_start3A_15] : memref<10000x128xf32, #tpu.memory_space<vmem_shared>> -> memref<16x128xf32, #tpu.memory_space<vmem_shared>>
        %dma_start3A_17 = arith.constant 9984 : i32
        %dma_start3A_18 = arith.constant 0 : i32
        %dma_start3A_19 = tpu.memref_slice %arg5[%dma_start3A_17, %dma_start3A_18] : memref<10000x128xf32, #tpu.memory_space<hbm>> -> memref<16x128xf32, #tpu.memory_space<hbm>>
        tpu.enqueue_dma source(%dma_start3A_19 : memref<16x128xf32, #tpu.memory_space<hbm>>) target(%dma_start3A_16 : memref<16x128xf32, #tpu.memory_space<vmem_shared>>) target_semaphore(%run_scoped3A : memref<!tpu.dma_semaphore, #tpu.memory_space<semaphore_mem>>)
        %dma_wait3A = arith.constant 9984 : i32
        %dma_wait3A_20 = arith.constant 0 : i32
        %dma_wait3A_21 = tpu.memref_slice %arg11[%dma_wait3A, %dma_wait3A_20] : memref<10000x128xf32, #tpu.memory_space<vmem_shared>> -> memref<16x128xf32, #tpu.memory_space<vmem_shared>>
        %dma_wait3A_22 = arith.constant 9984 : i32
        %dma_wait3A_23 = arith.constant 0 : i32
        %dma_wait3A_24 = tpu.memref_slice %arg5[%dma_wait3A_22, %dma_wait3A_23] : memref<10000x128xf32, #tpu.memory_space<hbm>> -> memref<16x128xf32, #tpu.memory_space<hbm>>
        tpu.wait_dma2 semaphore(%run_scoped3A : memref<!tpu.dma_semaphore, #tpu.memory_space<semaphore_mem>>) src(%dma_wait3A_24 : memref<16x128xf32, #tpu.memory_space<hbm>>) dst(%dma_wait3A_21 : memref<16x128xf32, #tpu.memory_space<vmem_shared>>)
        tpu.yield
      }) : () -> ()
    } else {
    }
    "tpu.region"() ({
      %run_scoped3A = tpu.sem_alloc : memref<!tpu.dma_semaphore, #tpu.memory_space<semaphore_mem>>
      %dma_start3A = arith.constant 0 : i32
      %dma_start3A_15 = arith.constant 0 : i32
      %dma_start3A_16 = tpu.memref_slice %arg4[%arg1, %dma_start3A, %dma_start3A_15] : memref<16x125x80xi32, #tpu.memory_space<hbm>> -> memref<1x125x80xi32, #tpu.memory_space<hbm>>
      %dma_start3A_17 = tpu.memref_squeeze %dma_start3A_16 : memref<1x125x80xi32, #tpu.memory_space<hbm>> -> memref<125x80xi32, #tpu.memory_space<hbm>>
      %dma_start3A_18 = arith.constant 0 : i32
      %dma_start3A_19 = arith.constant 0 : i32
      %dma_start3A_20 = tpu.memref_slice %arg4[%arg1, %dma_start3A_18, %dma_start3A_19] : memref<16x125x80xi32, #tpu.memory_space<hbm>> -> memref<1x125x80xi32, #tpu.memory_space<hbm>>
      %dma_start3A_21 = tpu.memref_squeeze %dma_start3A_20 : memref<1x125x80xi32, #tpu.memory_space<hbm>> -> memref<125x80xi32, #tpu.memory_space<hbm>>
      tpu.enqueue_dma source(%dma_start3A_21 : memref<125x80xi32, #tpu.memory_space<hbm>>) target(%arg8 : memref<125x80xi32, #tpu.memory_space<vmem>>) target_semaphore(%run_scoped3A : memref<!tpu.dma_semaphore, #tpu.memory_space<semaphore_mem>>)
      %dma_wait3A = arith.constant 0 : i32
      %dma_wait3A_22 = arith.constant 0 : i32
      %dma_wait3A_23 = tpu.memref_slice %arg4[%arg1, %dma_wait3A, %dma_wait3A_22] : memref<16x125x80xi32, #tpu.memory_space<hbm>> -> memref<1x125x80xi32, #tpu.memory_space<hbm>>
      %dma_wait3A_24 = tpu.memref_squeeze %dma_wait3A_23 : memref<1x125x80xi32, #tpu.memory_space<hbm>> -> memref<125x80xi32, #tpu.memory_space<hbm>>
      %dma_wait3A_25 = arith.constant 0 : i32
      %dma_wait3A_26 = arith.constant 0 : i32
      %dma_wait3A_27 = tpu.memref_slice %arg4[%arg1, %dma_wait3A_25, %dma_wait3A_26] : memref<16x125x80xi32, #tpu.memory_space<hbm>> -> memref<1x125x80xi32, #tpu.memory_space<hbm>>
      %dma_wait3A_28 = tpu.memref_squeeze %dma_wait3A_27 : memref<1x125x80xi32, #tpu.memory_space<hbm>> -> memref<125x80xi32, #tpu.memory_space<hbm>>
      tpu.wait_dma2 semaphore(%run_scoped3A : memref<!tpu.dma_semaphore, #tpu.memory_space<semaphore_mem>>) src(%dma_wait3A_28 : memref<125x80xi32, #tpu.memory_space<hbm>>) dst(%arg8 : memref<125x80xi32, #tpu.memory_space<vmem>>)
      tpu.yield
    }) : () -> ()
    %barrier3A = arith.constant 0 : index
    tpu.barrier barrier_id(%barrier3A)
    %mul3A_3 = arith.constant 10000 : i32
    %mul3A_4 = arith.muli %arg1, %mul3A_3 : i32
    %eq3A_5 = arith.constant 0 : i32
    %eq3A_6 = arith.cmpi eq, %arg0, %eq3A_5 : i32
    %convert_element_type3A_7 = arith.extui %eq3A_6 : i1 to i32
    %cond3A_8 = arith.constant 0 : i32
    %cond3A_9 = arith.cmpi ne, %convert_element_type3A_7, %cond3A_8 : i32
    scf.if %cond3A_9 {
      %add3A = arith.constant 0 : i32
      %add3A_15 = arith.addi %mul3A_4, %add3A : i32
      %dma_start3A = arith.constant 0 : i32
      %dma_start3A_16 = tpu.memref_slice %arg2[%add3A_15, %dma_start3A] : memref<160000x128xf32, #tpu.memory_space<hbm>> -> memref<80x128xf32, #tpu.memory_space<hbm>>
      %dma_start3A_17 = arith.constant 0 : i32
      %dma_start3A_18 = tpu.memref_slice %arg2[%add3A_15, %dma_start3A_17] : memref<160000x128xf32, #tpu.memory_space<hbm>> -> memref<80x128xf32, #tpu.memory_space<hbm>>
      tpu.enqueue_dma source(%dma_start3A_18 : memref<80x128xf32, #tpu.memory_space<hbm>>) target(%arg9 : memref<80x128xf32, #tpu.memory_space<vmem>>) target_semaphore(%arg12 : memref<!tpu.dma_semaphore, #tpu.memory_space<semaphore_mem>>)
      %add3A_19 = arith.constant 80 : i32
      %add3A_20 = arith.addi %mul3A_4, %add3A_19 : i32
      %dma_start3A_21 = arith.constant 0 : i32
      %dma_start3A_22 = tpu.memref_slice %arg2[%add3A_20, %dma_start3A_21] : memref<160000x128xf32, #tpu.memory_space<hbm>> -> memref<80x128xf32, #tpu.memory_space<hbm>>
      %dma_start3A_23 = arith.constant 0 : i32
      %dma_start3A_24 = tpu.memref_slice %arg2[%add3A_20, %dma_start3A_23] : memref<160000x128xf32, #tpu.memory_space<hbm>> -> memref<80x128xf32, #tpu.memory_space<hbm>>
      tpu.enqueue_dma source(%dma_start3A_24 : memref<80x128xf32, #tpu.memory_space<hbm>>) target(%arg10 : memref<80x128xf32, #tpu.memory_space<vmem>>) target_semaphore(%arg13 : memref<!tpu.dma_semaphore, #tpu.memory_space<semaphore_mem>>)
      %scan3A = arith.constant 0 : i32
      %scan3A_25 = arith.constant 0 : i32
      %scan3A_26 = arith.constant 62 : i32
      %scan3A_27 = arith.addi %scan3A_25, %scan3A_26 : i32
      %scan3A_28 = arith.constant 1 : i32
      scf.for %scan3A_62 = %scan3A_25 to %scan3A_27 step %scan3A_28  : i32 {
        %mul3A_63 = arith.constant 2 : i32
        %mul3A_64 = arith.muli %mul3A_63, %scan3A_62 : i32
        %add3A_65 = arith.constant 0 : i32
        %add3A_66 = arith.addi %mul3A_64, %add3A_65 : i32
        %mul3A_67 = arith.constant 80 : i32
        %mul3A_68 = arith.muli %add3A_66, %mul3A_67 : i32
        %add3A_69 = arith.addi %mul3A_4, %mul3A_68 : i32
        %dma_wait3A_70 = arith.constant 0 : i32
        %dma_wait3A_71 = tpu.memref_slice %arg2[%add3A_69, %dma_wait3A_70] : memref<160000x128xf32, #tpu.memory_space<hbm>> -> memref<80x128xf32, #tpu.memory_space<hbm>>
        %dma_wait3A_72 = arith.constant 0 : i32
        %dma_wait3A_73 = tpu.memref_slice %arg2[%add3A_69, %dma_wait3A_72] : memref<160000x128xf32, #tpu.memory_space<hbm>> -> memref<80x128xf32, #tpu.memory_space<hbm>>
        tpu.wait_dma2 semaphore(%arg12 : memref<!tpu.dma_semaphore, #tpu.memory_space<semaphore_mem>>) src(%dma_wait3A_73 : memref<80x128xf32, #tpu.memory_space<hbm>>) dst(%arg9 : memref<80x128xf32, #tpu.memory_space<vmem>>)
        %dma_start3A_74 = arith.constant 0 : i32
        %dma_start3A_75 = tpu.memref_slice %arg8[%add3A_66, %dma_start3A_74] : memref<125x80xi32, #tpu.memory_space<vmem>> -> memref<1x80xi32, #tpu.memory_space<vmem>>
        %dma_start3A_76 = tpu.memref_squeeze %dma_start3A_75 : memref<1x80xi32, #tpu.memory_space<vmem>> -> memref<80xi32, #tpu.memory_space<vmem>>
        %dma_start3A_77 = arith.constant 0 : i32
        %dma_start3A_78 = arith.constant 0 : i32
        %dma_start3A_79 = tpu.memref_slice %arg11[%dma_start3A_77, %dma_start3A_78] : memref<10000x128xf32, #tpu.memory_space<vmem_shared>> -> memref<10000x128xf32, #tpu.memory_space<vmem_shared>>
        tpu.enqueue_indirect_dma source(%arg9 : memref<80x128xf32, #tpu.memory_space<vmem>>) target(%dma_start3A_79 : memref<10000x128xf32, #tpu.memory_space<vmem_shared>>) offsets(%dma_start3A_76 : memref<80xi32, #tpu.memory_space<vmem>>) semaphore(%arg14 : memref<!tpu.dma_semaphore, #tpu.memory_space<semaphore_mem>>) {add = true}
        %mul3A_80 = arith.constant 2 : i32
        %mul3A_81 = arith.muli %mul3A_80, %scan3A_62 : i32
        %add3A_82 = arith.constant 1 : i32
        %add3A_83 = arith.addi %mul3A_81, %add3A_82 : i32
        %mul3A_84 = arith.constant 80 : i32
        %mul3A_85 = arith.muli %add3A_83, %mul3A_84 : i32
        %add3A_86 = arith.addi %mul3A_4, %mul3A_85 : i32
        %dma_wait3A_87 = arith.constant 0 : i32
        %dma_wait3A_88 = tpu.memref_slice %arg2[%add3A_86, %dma_wait3A_87] : memref<160000x128xf32, #tpu.memory_space<hbm>> -> memref<80x128xf32, #tpu.memory_space<hbm>>
        %dma_wait3A_89 = arith.constant 0 : i32
        %dma_wait3A_90 = tpu.memref_slice %arg2[%add3A_86, %dma_wait3A_89] : memref<160000x128xf32, #tpu.memory_space<hbm>> -> memref<80x128xf32, #tpu.memory_space<hbm>>
        tpu.wait_dma2 semaphore(%arg13 : memref<!tpu.dma_semaphore, #tpu.memory_space<semaphore_mem>>) src(%dma_wait3A_90 : memref<80x128xf32, #tpu.memory_space<hbm>>) dst(%arg10 : memref<80x128xf32, #tpu.memory_space<vmem>>)
        %dma_start3A_91 = arith.constant 0 : i32
        %dma_start3A_92 = tpu.memref_slice %arg8[%add3A_83, %dma_start3A_91] : memref<125x80xi32, #tpu.memory_space<vmem>> -> memref<1x80xi32, #tpu.memory_space<vmem>>
        %dma_start3A_93 = tpu.memref_squeeze %dma_start3A_92 : memref<1x80xi32, #tpu.memory_space<vmem>> -> memref<80xi32, #tpu.memory_space<vmem>>
        %dma_start3A_94 = arith.constant 0 : i32
        %dma_start3A_95 = arith.constant 0 : i32
        %dma_start3A_96 = tpu.memref_slice %arg11[%dma_start3A_94, %dma_start3A_95] : memref<10000x128xf32, #tpu.memory_space<vmem_shared>> -> memref<10000x128xf32, #tpu.memory_space<vmem_shared>>
        tpu.enqueue_indirect_dma source(%arg10 : memref<80x128xf32, #tpu.memory_space<vmem>>) target(%dma_start3A_96 : memref<10000x128xf32, #tpu.memory_space<vmem_shared>>) offsets(%dma_start3A_93 : memref<80xi32, #tpu.memory_space<vmem>>) semaphore(%arg15 : memref<!tpu.dma_semaphore, #tpu.memory_space<semaphore_mem>>) {add = true}
        %mul3A_97 = arith.constant 2 : i32
        %mul3A_98 = arith.muli %mul3A_97, %scan3A_62 : i32
        %add3A_99 = arith.constant 0 : i32
        %add3A_100 = arith.addi %mul3A_98, %add3A_99 : i32
        %add3A_101 = arith.constant 2 : i32
        %add3A_102 = arith.addi %add3A_100, %add3A_101 : i32
        %lt3A = arith.constant 125 : i32
        %lt3A_103 = arith.cmpi slt, %add3A_102, %lt3A : i32
        %convert_element_type3A_104 = arith.extui %lt3A_103 : i1 to i32
        %cond3A_105 = arith.constant 0 : i32
        %cond3A_106 = arith.cmpi ne, %convert_element_type3A_104, %cond3A_105 : i32
        scf.if %cond3A_106 {
          %dma_wait3A_118 = arith.constant 0 : i32
          %dma_wait3A_119 = tpu.memref_slice %arg8[%add3A_100, %dma_wait3A_118] : memref<125x80xi32, #tpu.memory_space<vmem>> -> memref<1x80xi32, #tpu.memory_space<vmem>>
          %dma_wait3A_120 = tpu.memref_squeeze %dma_wait3A_119 : memref<1x80xi32, #tpu.memory_space<vmem>> -> memref<80xi32, #tpu.memory_space<vmem>>
          %dma_wait3A_121 = arith.constant 0 : i32
          %dma_wait3A_122 = arith.constant 0 : i32
          %dma_wait3A_123 = tpu.memref_slice %arg11[%dma_wait3A_121, %dma_wait3A_122] : memref<10000x128xf32, #tpu.memory_space<vmem_shared>> -> memref<10000x128xf32, #tpu.memory_space<vmem_shared>>
          tpu.wait_indirect_dma semaphore(%arg14 : memref<!tpu.dma_semaphore, #tpu.memory_space<semaphore_mem>>) src(%arg9 : memref<80x128xf32, #tpu.memory_space<vmem>>) dst(%dma_wait3A_123 : memref<10000x128xf32, #tpu.memory_space<vmem_shared>>)
          %add3A_124 = arith.constant 2 : i32
          %add3A_125 = arith.addi %add3A_100, %add3A_124 : i32
          %mul3A_126 = arith.constant 80 : i32
          %mul3A_127 = arith.muli %add3A_125, %mul3A_126 : i32
          %add3A_128 = arith.addi %mul3A_4, %mul3A_127 : i32
          %dma_start3A_129 = arith.constant 0 : i32
          %dma_start3A_130 = tpu.memref_slice %arg2[%add3A_128, %dma_start3A_129] : memref<160000x128xf32, #tpu.memory_space<hbm>> -> memref<80x128xf32, #tpu.memory_space<hbm>>
          %dma_start3A_131 = arith.constant 0 : i32
          %dma_start3A_132 = tpu.memref_slice %arg2[%add3A_128, %dma_start3A_131] : memref<160000x128xf32, #tpu.memory_space<hbm>> -> memref<80x128xf32, #tpu.memory_space<hbm>>
          tpu.enqueue_dma source(%dma_start3A_132 : memref<80x128xf32, #tpu.memory_space<hbm>>) target(%arg9 : memref<80x128xf32, #tpu.memory_space<vmem>>) target_semaphore(%arg12 : memref<!tpu.dma_semaphore, #tpu.memory_space<semaphore_mem>>)
        } else {
        }
        %mul3A_107 = arith.constant 2 : i32
        %mul3A_108 = arith.muli %mul3A_107, %scan3A_62 : i32
        %add3A_109 = arith.constant 1 : i32
        %add3A_110 = arith.addi %mul3A_108, %add3A_109 : i32
        %add3A_111 = arith.constant 2 : i32
        %add3A_112 = arith.addi %add3A_110, %add3A_111 : i32
        %lt3A_113 = arith.constant 125 : i32
        %lt3A_114 = arith.cmpi slt, %add3A_112, %lt3A_113 : i32
        %convert_element_type3A_115 = arith.extui %lt3A_114 : i1 to i32
        %cond3A_116 = arith.constant 0 : i32
        %cond3A_117 = arith.cmpi ne, %convert_element_type3A_115, %cond3A_116 : i32
        scf.if %cond3A_117 {
          %dma_wait3A_118 = arith.constant 0 : i32
          %dma_wait3A_119 = tpu.memref_slice %arg8[%add3A_110, %dma_wait3A_118] : memref<125x80xi32, #tpu.memory_space<vmem>> -> memref<1x80xi32, #tpu.memory_space<vmem>>
          %dma_wait3A_120 = tpu.memref_squeeze %dma_wait3A_119 : memref<1x80xi32, #tpu.memory_space<vmem>> -> memref<80xi32, #tpu.memory_space<vmem>>
          %dma_wait3A_121 = arith.constant 0 : i32
          %dma_wait3A_122 = arith.constant 0 : i32
          %dma_wait3A_123 = tpu.memref_slice %arg11[%dma_wait3A_121, %dma_wait3A_122] : memref<10000x128xf32, #tpu.memory_space<vmem_shared>> -> memref<10000x128xf32, #tpu.memory_space<vmem_shared>>
          tpu.wait_indirect_dma semaphore(%arg15 : memref<!tpu.dma_semaphore, #tpu.memory_space<semaphore_mem>>) src(%arg10 : memref<80x128xf32, #tpu.memory_space<vmem>>) dst(%dma_wait3A_123 : memref<10000x128xf32, #tpu.memory_space<vmem_shared>>)
          %add3A_124 = arith.constant 2 : i32
          %add3A_125 = arith.addi %add3A_110, %add3A_124 : i32
          %mul3A_126 = arith.constant 80 : i32
          %mul3A_127 = arith.muli %add3A_125, %mul3A_126 : i32
          %add3A_128 = arith.addi %mul3A_4, %mul3A_127 : i32
          %dma_start3A_129 = arith.constant 0 : i32
          %dma_start3A_130 = tpu.memref_slice %arg2[%add3A_128, %dma_start3A_129] : memref<160000x128xf32, #tpu.memory_space<hbm>> -> memref<80x128xf32, #tpu.memory_space<hbm>>
          %dma_start3A_131 = arith.constant 0 : i32
          %dma_start3A_132 = tpu.memref_slice %arg2[%add3A_128, %dma_start3A_131] : memref<160000x128xf32, #tpu.memory_space<hbm>> -> memref<80x128xf32, #tpu.memory_space<hbm>>
          tpu.enqueue_dma source(%dma_start3A_132 : memref<80x128xf32, #tpu.memory_space<hbm>>) target(%arg10 : memref<80x128xf32, #tpu.memory_space<vmem>>) target_semaphore(%arg13 : memref<!tpu.dma_semaphore, #tpu.memory_space<semaphore_mem>>)
        } else {
        }
      }
      %scan3A_29 = arith.constant 62 : i32
      %add3A_30 = arith.constant 9920 : i32
      %add3A_31 = arith.addi %mul3A_4, %add3A_30 : i32
      %dma_wait3A = arith.constant 0 : i32
      %dma_wait3A_32 = tpu.memref_slice %arg2[%add3A_31, %dma_wait3A] : memref<160000x128xf32, #tpu.memory_space<hbm>> -> memref<80x128xf32, #tpu.memory_space<hbm>>
      %dma_wait3A_33 = arith.constant 0 : i32
      %dma_wait3A_34 = tpu.memref_slice %arg2[%add3A_31, %dma_wait3A_33] : memref<160000x128xf32, #tpu.memory_space<hbm>> -> memref<80x128xf32, #tpu.memory_space<hbm>>
      tpu.wait_dma2 semaphore(%arg12 : memref<!tpu.dma_semaphore, #tpu.memory_space<semaphore_mem>>) src(%dma_wait3A_34 : memref<80x128xf32, #tpu.memory_space<hbm>>) dst(%arg9 : memref<80x128xf32, #tpu.memory_space<vmem>>)
      %dma_start3A_35 = arith.constant 124 : i32
      %dma_start3A_36 = arith.constant 0 : i32
      %dma_start3A_37 = tpu.memref_slice %arg8[%dma_start3A_35, %dma_start3A_36] : memref<125x80xi32, #tpu.memory_space<vmem>> -> memref<1x80xi32, #tpu.memory_space<vmem>>
      %dma_start3A_38 = tpu.memref_squeeze %dma_start3A_37 : memref<1x80xi32, #tpu.memory_space<vmem>> -> memref<80xi32, #tpu.memory_space<vmem>>
      %dma_start3A_39 = arith.constant 0 : i32
      %dma_start3A_40 = arith.constant 0 : i32
      %dma_start3A_41 = tpu.memref_slice %arg11[%dma_start3A_39, %dma_start3A_40] : memref<10000x128xf32, #tpu.memory_space<vmem_shared>> -> memref<10000x128xf32, #tpu.memory_space<vmem_shared>>
      tpu.enqueue_indirect_dma source(%arg9 : memref<80x128xf32, #tpu.memory_space<vmem>>) target(%dma_start3A_41 : memref<10000x128xf32, #tpu.memory_space<vmem_shared>>) offsets(%dma_start3A_38 : memref<80xi32, #tpu.memory_space<vmem>>) semaphore(%arg14 : memref<!tpu.dma_semaphore, #tpu.memory_space<semaphore_mem>>) {add = true}
      %dma_wait3A_42 = arith.constant 124 : i32
      %dma_wait3A_43 = arith.constant 0 : i32
      %dma_wait3A_44 = tpu.memref_slice %arg8[%dma_wait3A_42, %dma_wait3A_43] : memref<125x80xi32, #tpu.memory_space<vmem>> -> memref<1x80xi32, #tpu.memory_space<vmem>>
      %dma_wait3A_45 = tpu.memref_squeeze %dma_wait3A_44 : memref<1x80xi32, #tpu.memory_space<vmem>> -> memref<80xi32, #tpu.memory_space<vmem>>
      %dma_wait3A_46 = arith.constant 0 : i32
      %dma_wait3A_47 = arith.constant 0 : i32
      %dma_wait3A_48 = tpu.memref_slice %arg11[%dma_wait3A_46, %dma_wait3A_47] : memref<10000x128xf32, #tpu.memory_space<vmem_shared>> -> memref<10000x128xf32, #tpu.memory_space<vmem_shared>>
      tpu.wait_indirect_dma semaphore(%arg14 : memref<!tpu.dma_semaphore, #tpu.memory_space<semaphore_mem>>) src(%arg9 : memref<80x128xf32, #tpu.memory_space<vmem>>) dst(%dma_wait3A_48 : memref<10000x128xf32, #tpu.memory_space<vmem_shared>>)
      %dma_wait3A_49 = arith.constant 123 : i32
      %dma_wait3A_50 = arith.constant 0 : i32
      %dma_wait3A_51 = tpu.memref_slice %arg8[%dma_wait3A_49, %dma_wait3A_50] : memref<125x80xi32, #tpu.memory_space<vmem>> -> memref<1x80xi32, #tpu.memory_space<vmem>>
      %dma_wait3A_52 = tpu.memref_squeeze %dma_wait3A_51 : memref<1x80xi32, #tpu.memory_space<vmem>> -> memref<80xi32, #tpu.memory_space<vmem>>
      %dma_wait3A_53 = arith.constant 0 : i32
      %dma_wait3A_54 = arith.constant 0 : i32
      %dma_wait3A_55 = tpu.memref_slice %arg11[%dma_wait3A_53, %dma_wait3A_54] : memref<10000x128xf32, #tpu.memory_space<vmem_shared>> -> memref<10000x128xf32, #tpu.memory_space<vmem_shared>>
      tpu.wait_indirect_dma semaphore(%arg15 : memref<!tpu.dma_semaphore, #tpu.memory_space<semaphore_mem>>) src(%arg10 : memref<80x128xf32, #tpu.memory_space<vmem>>) dst(%dma_wait3A_55 : memref<10000x128xf32, #tpu.memory_space<vmem_shared>>)
      %barrier3A_56 = arith.constant 0 : index
      tpu.barrier barrier_id(%barrier3A_56)
      "tpu.region"() ({
        %run_scoped3A = tpu.sem_alloc : memref<!tpu.dma_semaphore, #tpu.memory_space<semaphore_mem>>
        %dma_start3A_62 = arith.constant 0 : i32
        %dma_start3A_63 = tpu.memref_slice %arg6[%mul3A_0, %dma_start3A_62] : memref<10000x128xf32, #tpu.memory_space<hbm>> -> memref<624x128xf32, #tpu.memory_space<hbm>>
        %dma_start3A_64 = arith.constant 0 : i32
        %dma_start3A_65 = tpu.memref_slice %arg11[%mul3A_0, %dma_start3A_64] : memref<10000x128xf32, #tpu.memory_space<vmem_shared>> -> memref<624x128xf32, #tpu.memory_space<vmem_shared>>
        tpu.enqueue_dma source(%dma_start3A_65 : memref<624x128xf32, #tpu.memory_space<vmem_shared>>) target(%dma_start3A_63 : memref<624x128xf32, #tpu.memory_space<hbm>>) target_semaphore(%run_scoped3A : memref<!tpu.dma_semaphore, #tpu.memory_space<semaphore_mem>>)
        %dma_wait3A_66 = arith.constant 0 : i32
        %dma_wait3A_67 = tpu.memref_slice %arg6[%mul3A_0, %dma_wait3A_66] : memref<10000x128xf32, #tpu.memory_space<hbm>> -> memref<624x128xf32, #tpu.memory_space<hbm>>
        %dma_wait3A_68 = arith.constant 0 : i32
        %dma_wait3A_69 = tpu.memref_slice %arg11[%mul3A_0, %dma_wait3A_68] : memref<10000x128xf32, #tpu.memory_space<vmem_shared>> -> memref<624x128xf32, #tpu.memory_space<vmem_shared>>
        tpu.wait_dma2 semaphore(%run_scoped3A : memref<!tpu.dma_semaphore, #tpu.memory_space<semaphore_mem>>) src(%dma_wait3A_69 : memref<624x128xf32, #tpu.memory_space<vmem_shared>>) dst(%dma_wait3A_67 : memref<624x128xf32, #tpu.memory_space<hbm>>)
        tpu.yield
      }) : () -> ()
      %eq3A_57 = arith.constant 15 : i32
      %eq3A_58 = arith.cmpi eq, %arg1, %eq3A_57 : i32
      %convert_element_type3A_59 = arith.extui %eq3A_58 : i1 to i32
      %cond3A_60 = arith.constant 0 : i32
      %cond3A_61 = arith.cmpi ne, %convert_element_type3A_59, %cond3A_60 : i32
      scf.if %cond3A_61 {
        "tpu.region"() ({
          %run_scoped3A = tpu.sem_alloc : memref<!tpu.dma_semaphore, #tpu.memory_space<semaphore_mem>>
          %dma_start3A_62 = arith.constant 9984 : i32
          %dma_start3A_63 = arith.constant 0 : i32
          %dma_start3A_64 = tpu.memref_slice %arg6[%dma_start3A_62, %dma_start3A_63] : memref<10000x128xf32, #tpu.memory_space<hbm>> -> memref<16x128xf32, #tpu.memory_space<hbm>>
          %dma_start3A_65 = arith.constant 9984 : i32
          %dma_start3A_66 = arith.constant 0 : i32
          %dma_start3A_67 = tpu.memref_slice %arg11[%dma_start3A_65, %dma_start3A_66] : memref<10000x128xf32, #tpu.memory_space<vmem_shared>> -> memref<16x128xf32, #tpu.memory_space<vmem_shared>>
          tpu.enqueue_dma source(%dma_start3A_67 : memref<16x128xf32, #tpu.memory_space<vmem_shared>>) target(%dma_start3A_64 : memref<16x128xf32, #tpu.memory_space<hbm>>) target_semaphore(%run_scoped3A : memref<!tpu.dma_semaphore, #tpu.memory_space<semaphore_mem>>)
          %dma_wait3A_68 = arith.constant 9984 : i32
          %dma_wait3A_69 = arith.constant 0 : i32
          %dma_wait3A_70 = tpu.memref_slice %arg6[%dma_wait3A_68, %dma_wait3A_69] : memref<10000x128xf32, #tpu.memory_space<hbm>> -> memref<16x128xf32, #tpu.memory_space<hbm>>
          %dma_wait3A_71 = arith.constant 9984 : i32
          %dma_wait3A_72 = arith.constant 0 : i32
          %dma_wait3A_73 = tpu.memref_slice %arg11[%dma_wait3A_71, %dma_wait3A_72] : memref<10000x128xf32, #tpu.memory_space<vmem_shared>> -> memref<16x128xf32, #tpu.memory_space<vmem_shared>>
          tpu.wait_dma2 semaphore(%run_scoped3A : memref<!tpu.dma_semaphore, #tpu.memory_space<semaphore_mem>>) src(%dma_wait3A_73 : memref<16x128xf32, #tpu.memory_space<vmem_shared>>) dst(%dma_wait3A_70 : memref<16x128xf32, #tpu.memory_space<hbm>>)
          tpu.yield
        }) : () -> ()
      } else {
      }
    } else {
    }
    %eq3A_10 = arith.constant 1 : i32
    %eq3A_11 = arith.cmpi eq, %arg0, %eq3A_10 : i32
    %convert_element_type3A_12 = arith.extui %eq3A_11 : i1 to i32
    %cond3A_13 = arith.constant 0 : i32
    %cond3A_14 = arith.cmpi ne, %convert_element_type3A_12, %cond3A_13 : i32
    scf.if %cond3A_14 {
      %add3A = arith.constant 0 : i32
      %add3A_15 = arith.addi %mul3A_4, %add3A : i32
      %dma_start3A = arith.constant 0 : i32
      %dma_start3A_16 = tpu.memref_slice %arg3[%add3A_15, %dma_start3A] : memref<160000x128xf32, #tpu.memory_space<hbm>> -> memref<80x128xf32, #tpu.memory_space<hbm>>
      %dma_start3A_17 = arith.constant 0 : i32
      %dma_start3A_18 = tpu.memref_slice %arg3[%add3A_15, %dma_start3A_17] : memref<160000x128xf32, #tpu.memory_space<hbm>> -> memref<80x128xf32, #tpu.memory_space<hbm>>
      tpu.enqueue_dma source(%dma_start3A_18 : memref<80x128xf32, #tpu.memory_space<hbm>>) target(%arg9 : memref<80x128xf32, #tpu.memory_space<vmem>>) target_semaphore(%arg12 : memref<!tpu.dma_semaphore, #tpu.memory_space<semaphore_mem>>)
      %add3A_19 = arith.constant 80 : i32
      %add3A_20 = arith.addi %mul3A_4, %add3A_19 : i32
      %dma_start3A_21 = arith.constant 0 : i32
      %dma_start3A_22 = tpu.memref_slice %arg3[%add3A_20, %dma_start3A_21] : memref<160000x128xf32, #tpu.memory_space<hbm>> -> memref<80x128xf32, #tpu.memory_space<hbm>>
      %dma_start3A_23 = arith.constant 0 : i32
      %dma_start3A_24 = tpu.memref_slice %arg3[%add3A_20, %dma_start3A_23] : memref<160000x128xf32, #tpu.memory_space<hbm>> -> memref<80x128xf32, #tpu.memory_space<hbm>>
      tpu.enqueue_dma source(%dma_start3A_24 : memref<80x128xf32, #tpu.memory_space<hbm>>) target(%arg10 : memref<80x128xf32, #tpu.memory_space<vmem>>) target_semaphore(%arg13 : memref<!tpu.dma_semaphore, #tpu.memory_space<semaphore_mem>>)
      %scan3A = arith.constant 0 : i32
      %scan3A_25 = arith.constant 0 : i32
      %scan3A_26 = arith.constant 62 : i32
      %scan3A_27 = arith.addi %scan3A_25, %scan3A_26 : i32
      %scan3A_28 = arith.constant 1 : i32
      scf.for %scan3A_62 = %scan3A_25 to %scan3A_27 step %scan3A_28  : i32 {
        %mul3A_63 = arith.constant 2 : i32
        %mul3A_64 = arith.muli %mul3A_63, %scan3A_62 : i32
        %add3A_65 = arith.constant 0 : i32
        %add3A_66 = arith.addi %mul3A_64, %add3A_65 : i32
        %mul3A_67 = arith.constant 80 : i32
        %mul3A_68 = arith.muli %add3A_66, %mul3A_67 : i32
        %add3A_69 = arith.addi %mul3A_4, %mul3A_68 : i32
        %dma_wait3A_70 = arith.constant 0 : i32
        %dma_wait3A_71 = tpu.memref_slice %arg3[%add3A_69, %dma_wait3A_70] : memref<160000x128xf32, #tpu.memory_space<hbm>> -> memref<80x128xf32, #tpu.memory_space<hbm>>
        %dma_wait3A_72 = arith.constant 0 : i32
        %dma_wait3A_73 = tpu.memref_slice %arg3[%add3A_69, %dma_wait3A_72] : memref<160000x128xf32, #tpu.memory_space<hbm>> -> memref<80x128xf32, #tpu.memory_space<hbm>>
        tpu.wait_dma2 semaphore(%arg12 : memref<!tpu.dma_semaphore, #tpu.memory_space<semaphore_mem>>) src(%dma_wait3A_73 : memref<80x128xf32, #tpu.memory_space<hbm>>) dst(%arg9 : memref<80x128xf32, #tpu.memory_space<vmem>>)
        %dma_start3A_74 = arith.constant 0 : i32
        %dma_start3A_75 = tpu.memref_slice %arg8[%add3A_66, %dma_start3A_74] : memref<125x80xi32, #tpu.memory_space<vmem>> -> memref<1x80xi32, #tpu.memory_space<vmem>>
        %dma_start3A_76 = tpu.memref_squeeze %dma_start3A_75 : memref<1x80xi32, #tpu.memory_space<vmem>> -> memref<80xi32, #tpu.memory_space<vmem>>
        %dma_start3A_77 = arith.constant 0 : i32
        %dma_start3A_78 = arith.constant 0 : i32
        %dma_start3A_79 = tpu.memref_slice %arg11[%dma_start3A_77, %dma_start3A_78] : memref<10000x128xf32, #tpu.memory_space<vmem_shared>> -> memref<10000x128xf32, #tpu.memory_space<vmem_shared>>
        tpu.enqueue_indirect_dma source(%arg9 : memref<80x128xf32, #tpu.memory_space<vmem>>) target(%dma_start3A_79 : memref<10000x128xf32, #tpu.memory_space<vmem_shared>>) offsets(%dma_start3A_76 : memref<80xi32, #tpu.memory_space<vmem>>) semaphore(%arg14 : memref<!tpu.dma_semaphore, #tpu.memory_space<semaphore_mem>>) {add = true}
        %mul3A_80 = arith.constant 2 : i32
        %mul3A_81 = arith.muli %mul3A_80, %scan3A_62 : i32
        %add3A_82 = arith.constant 1 : i32
        %add3A_83 = arith.addi %mul3A_81, %add3A_82 : i32
        %mul3A_84 = arith.constant 80 : i32
        %mul3A_85 = arith.muli %add3A_83, %mul3A_84 : i32
        %add3A_86 = arith.addi %mul3A_4, %mul3A_85 : i32
        %dma_wait3A_87 = arith.constant 0 : i32
        %dma_wait3A_88 = tpu.memref_slice %arg3[%add3A_86, %dma_wait3A_87] : memref<160000x128xf32, #tpu.memory_space<hbm>> -> memref<80x128xf32, #tpu.memory_space<hbm>>
        %dma_wait3A_89 = arith.constant 0 : i32
        %dma_wait3A_90 = tpu.memref_slice %arg3[%add3A_86, %dma_wait3A_89] : memref<160000x128xf32, #tpu.memory_space<hbm>> -> memref<80x128xf32, #tpu.memory_space<hbm>>
        tpu.wait_dma2 semaphore(%arg13 : memref<!tpu.dma_semaphore, #tpu.memory_space<semaphore_mem>>) src(%dma_wait3A_90 : memref<80x128xf32, #tpu.memory_space<hbm>>) dst(%arg10 : memref<80x128xf32, #tpu.memory_space<vmem>>)
        %dma_start3A_91 = arith.constant 0 : i32
        %dma_start3A_92 = tpu.memref_slice %arg8[%add3A_83, %dma_start3A_91] : memref<125x80xi32, #tpu.memory_space<vmem>> -> memref<1x80xi32, #tpu.memory_space<vmem>>
        %dma_start3A_93 = tpu.memref_squeeze %dma_start3A_92 : memref<1x80xi32, #tpu.memory_space<vmem>> -> memref<80xi32, #tpu.memory_space<vmem>>
        %dma_start3A_94 = arith.constant 0 : i32
        %dma_start3A_95 = arith.constant 0 : i32
        %dma_start3A_96 = tpu.memref_slice %arg11[%dma_start3A_94, %dma_start3A_95] : memref<10000x128xf32, #tpu.memory_space<vmem_shared>> -> memref<10000x128xf32, #tpu.memory_space<vmem_shared>>
        tpu.enqueue_indirect_dma source(%arg10 : memref<80x128xf32, #tpu.memory_space<vmem>>) target(%dma_start3A_96 : memref<10000x128xf32, #tpu.memory_space<vmem_shared>>) offsets(%dma_start3A_93 : memref<80xi32, #tpu.memory_space<vmem>>) semaphore(%arg15 : memref<!tpu.dma_semaphore, #tpu.memory_space<semaphore_mem>>) {add = true}
        %mul3A_97 = arith.constant 2 : i32
        %mul3A_98 = arith.muli %mul3A_97, %scan3A_62 : i32
        %add3A_99 = arith.constant 0 : i32
        %add3A_100 = arith.addi %mul3A_98, %add3A_99 : i32
        %add3A_101 = arith.constant 2 : i32
        %add3A_102 = arith.addi %add3A_100, %add3A_101 : i32
        %lt3A = arith.constant 125 : i32
        %lt3A_103 = arith.cmpi slt, %add3A_102, %lt3A : i32
        %convert_element_type3A_104 = arith.extui %lt3A_103 : i1 to i32
        %cond3A_105 = arith.constant 0 : i32
        %cond3A_106 = arith.cmpi ne, %convert_element_type3A_104, %cond3A_105 : i32
        scf.if %cond3A_106 {
          %dma_wait3A_118 = arith.constant 0 : i32
          %dma_wait3A_119 = tpu.memref_slice %arg8[%add3A_100, %dma_wait3A_118] : memref<125x80xi32, #tpu.memory_space<vmem>> -> memref<1x80xi32, #tpu.memory_space<vmem>>
          %dma_wait3A_120 = tpu.memref_squeeze %dma_wait3A_119 : memref<1x80xi32, #tpu.memory_space<vmem>> -> memref<80xi32, #tpu.memory_space<vmem>>
          %dma_wait3A_121 = arith.constant 0 : i32
          %dma_wait3A_122 = arith.constant 0 : i32
          %dma_wait3A_123 = tpu.memref_slice %arg11[%dma_wait3A_121, %dma_wait3A_122] : memref<10000x128xf32, #tpu.memory_space<vmem_shared>> -> memref<10000x128xf32, #tpu.memory_space<vmem_shared>>
          tpu.wait_indirect_dma semaphore(%arg14 : memref<!tpu.dma_semaphore, #tpu.memory_space<semaphore_mem>>) src(%arg9 : memref<80x128xf32, #tpu.memory_space<vmem>>) dst(%dma_wait3A_123 : memref<10000x128xf32, #tpu.memory_space<vmem_shared>>)
          %add3A_124 = arith.constant 2 : i32
          %add3A_125 = arith.addi %add3A_100, %add3A_124 : i32
          %mul3A_126 = arith.constant 80 : i32
          %mul3A_127 = arith.muli %add3A_125, %mul3A_126 : i32
          %add3A_128 = arith.addi %mul3A_4, %mul3A_127 : i32
          %dma_start3A_129 = arith.constant 0 : i32
          %dma_start3A_130 = tpu.memref_slice %arg3[%add3A_128, %dma_start3A_129] : memref<160000x128xf32, #tpu.memory_space<hbm>> -> memref<80x128xf32, #tpu.memory_space<hbm>>
          %dma_start3A_131 = arith.constant 0 : i32
          %dma_start3A_132 = tpu.memref_slice %arg3[%add3A_128, %dma_start3A_131] : memref<160000x128xf32, #tpu.memory_space<hbm>> -> memref<80x128xf32, #tpu.memory_space<hbm>>
          tpu.enqueue_dma source(%dma_start3A_132 : memref<80x128xf32, #tpu.memory_space<hbm>>) target(%arg9 : memref<80x128xf32, #tpu.memory_space<vmem>>) target_semaphore(%arg12 : memref<!tpu.dma_semaphore, #tpu.memory_space<semaphore_mem>>)
        } else {
        }
        %mul3A_107 = arith.constant 2 : i32
        %mul3A_108 = arith.muli %mul3A_107, %scan3A_62 : i32
        %add3A_109 = arith.constant 1 : i32
        %add3A_110 = arith.addi %mul3A_108, %add3A_109 : i32
        %add3A_111 = arith.constant 2 : i32
        %add3A_112 = arith.addi %add3A_110, %add3A_111 : i32
        %lt3A_113 = arith.constant 125 : i32
        %lt3A_114 = arith.cmpi slt, %add3A_112, %lt3A_113 : i32
        %convert_element_type3A_115 = arith.extui %lt3A_114 : i1 to i32
        %cond3A_116 = arith.constant 0 : i32
        %cond3A_117 = arith.cmpi ne, %convert_element_type3A_115, %cond3A_116 : i32
        scf.if %cond3A_117 {
          %dma_wait3A_118 = arith.constant 0 : i32
          %dma_wait3A_119 = tpu.memref_slice %arg8[%add3A_110, %dma_wait3A_118] : memref<125x80xi32, #tpu.memory_space<vmem>> -> memref<1x80xi32, #tpu.memory_space<vmem>>
          %dma_wait3A_120 = tpu.memref_squeeze %dma_wait3A_119 : memref<1x80xi32, #tpu.memory_space<vmem>> -> memref<80xi32, #tpu.memory_space<vmem>>
          %dma_wait3A_121 = arith.constant 0 : i32
          %dma_wait3A_122 = arith.constant 0 : i32
          %dma_wait3A_123 = tpu.memref_slice %arg11[%dma_wait3A_121, %dma_wait3A_122] : memref<10000x128xf32, #tpu.memory_space<vmem_shared>> -> memref<10000x128xf32, #tpu.memory_space<vmem_shared>>
          tpu.wait_indirect_dma semaphore(%arg15 : memref<!tpu.dma_semaphore, #tpu.memory_space<semaphore_mem>>) src(%arg10 : memref<80x128xf32, #tpu.memory_space<vmem>>) dst(%dma_wait3A_123 : memref<10000x128xf32, #tpu.memory_space<vmem_shared>>)
          %add3A_124 = arith.constant 2 : i32
          %add3A_125 = arith.addi %add3A_110, %add3A_124 : i32
          %mul3A_126 = arith.constant 80 : i32
          %mul3A_127 = arith.muli %add3A_125, %mul3A_126 : i32
          %add3A_128 = arith.addi %mul3A_4, %mul3A_127 : i32
          %dma_start3A_129 = arith.constant 0 : i32
          %dma_start3A_130 = tpu.memref_slice %arg3[%add3A_128, %dma_start3A_129] : memref<160000x128xf32, #tpu.memory_space<hbm>> -> memref<80x128xf32, #tpu.memory_space<hbm>>
          %dma_start3A_131 = arith.constant 0 : i32
          %dma_start3A_132 = tpu.memref_slice %arg3[%add3A_128, %dma_start3A_131] : memref<160000x128xf32, #tpu.memory_space<hbm>> -> memref<80x128xf32, #tpu.memory_space<hbm>>
          tpu.enqueue_dma source(%dma_start3A_132 : memref<80x128xf32, #tpu.memory_space<hbm>>) target(%arg10 : memref<80x128xf32, #tpu.memory_space<vmem>>) target_semaphore(%arg13 : memref<!tpu.dma_semaphore, #tpu.memory_space<semaphore_mem>>)
        } else {
        }
      }
      %scan3A_29 = arith.constant 62 : i32
      %add3A_30 = arith.constant 9920 : i32
      %add3A_31 = arith.addi %mul3A_4, %add3A_30 : i32
      %dma_wait3A = arith.constant 0 : i32
      %dma_wait3A_32 = tpu.memref_slice %arg3[%add3A_31, %dma_wait3A] : memref<160000x128xf32, #tpu.memory_space<hbm>> -> memref<80x128xf32, #tpu.memory_space<hbm>>
      %dma_wait3A_33 = arith.constant 0 : i32
      %dma_wait3A_34 = tpu.memref_slice %arg3[%add3A_31, %dma_wait3A_33] : memref<160000x128xf32, #tpu.memory_space<hbm>> -> memref<80x128xf32, #tpu.memory_space<hbm>>
      tpu.wait_dma2 semaphore(%arg12 : memref<!tpu.dma_semaphore, #tpu.memory_space<semaphore_mem>>) src(%dma_wait3A_34 : memref<80x128xf32, #tpu.memory_space<hbm>>) dst(%arg9 : memref<80x128xf32, #tpu.memory_space<vmem>>)
      %dma_start3A_35 = arith.constant 124 : i32
      %dma_start3A_36 = arith.constant 0 : i32
      %dma_start3A_37 = tpu.memref_slice %arg8[%dma_start3A_35, %dma_start3A_36] : memref<125x80xi32, #tpu.memory_space<vmem>> -> memref<1x80xi32, #tpu.memory_space<vmem>>
      %dma_start3A_38 = tpu.memref_squeeze %dma_start3A_37 : memref<1x80xi32, #tpu.memory_space<vmem>> -> memref<80xi32, #tpu.memory_space<vmem>>
      %dma_start3A_39 = arith.constant 0 : i32
      %dma_start3A_40 = arith.constant 0 : i32
      %dma_start3A_41 = tpu.memref_slice %arg11[%dma_start3A_39, %dma_start3A_40] : memref<10000x128xf32, #tpu.memory_space<vmem_shared>> -> memref<10000x128xf32, #tpu.memory_space<vmem_shared>>
      tpu.enqueue_indirect_dma source(%arg9 : memref<80x128xf32, #tpu.memory_space<vmem>>) target(%dma_start3A_41 : memref<10000x128xf32, #tpu.memory_space<vmem_shared>>) offsets(%dma_start3A_38 : memref<80xi32, #tpu.memory_space<vmem>>) semaphore(%arg14 : memref<!tpu.dma_semaphore, #tpu.memory_space<semaphore_mem>>) {add = true}
      %dma_wait3A_42 = arith.constant 124 : i32
      %dma_wait3A_43 = arith.constant 0 : i32
      %dma_wait3A_44 = tpu.memref_slice %arg8[%dma_wait3A_42, %dma_wait3A_43] : memref<125x80xi32, #tpu.memory_space<vmem>> -> memref<1x80xi32, #tpu.memory_space<vmem>>
      %dma_wait3A_45 = tpu.memref_squeeze %dma_wait3A_44 : memref<1x80xi32, #tpu.memory_space<vmem>> -> memref<80xi32, #tpu.memory_space<vmem>>
      %dma_wait3A_46 = arith.constant 0 : i32
      %dma_wait3A_47 = arith.constant 0 : i32
      %dma_wait3A_48 = tpu.memref_slice %arg11[%dma_wait3A_46, %dma_wait3A_47] : memref<10000x128xf32, #tpu.memory_space<vmem_shared>> -> memref<10000x128xf32, #tpu.memory_space<vmem_shared>>
      tpu.wait_indirect_dma semaphore(%arg14 : memref<!tpu.dma_semaphore, #tpu.memory_space<semaphore_mem>>) src(%arg9 : memref<80x128xf32, #tpu.memory_space<vmem>>) dst(%dma_wait3A_48 : memref<10000x128xf32, #tpu.memory_space<vmem_shared>>)
      %dma_wait3A_49 = arith.constant 123 : i32
      %dma_wait3A_50 = arith.constant 0 : i32
      %dma_wait3A_51 = tpu.memref_slice %arg8[%dma_wait3A_49, %dma_wait3A_50] : memref<125x80xi32, #tpu.memory_space<vmem>> -> memref<1x80xi32, #tpu.memory_space<vmem>>
      %dma_wait3A_52 = tpu.memref_squeeze %dma_wait3A_51 : memref<1x80xi32, #tpu.memory_space<vmem>> -> memref<80xi32, #tpu.memory_space<vmem>>
      %dma_wait3A_53 = arith.constant 0 : i32
      %dma_wait3A_54 = arith.constant 0 : i32
      %dma_wait3A_55 = tpu.memref_slice %arg11[%dma_wait3A_53, %dma_wait3A_54] : memref<10000x128xf32, #tpu.memory_space<vmem_shared>> -> memref<10000x128xf32, #tpu.memory_space<vmem_shared>>
      tpu.wait_indirect_dma semaphore(%arg15 : memref<!tpu.dma_semaphore, #tpu.memory_space<semaphore_mem>>) src(%arg10 : memref<80x128xf32, #tpu.memory_space<vmem>>) dst(%dma_wait3A_55 : memref<10000x128xf32, #tpu.memory_space<vmem_shared>>)
      %barrier3A_56 = arith.constant 0 : index
      tpu.barrier barrier_id(%barrier3A_56)
      "tpu.region"() ({
        %run_scoped3A = tpu.sem_alloc : memref<!tpu.dma_semaphore, #tpu.memory_space<semaphore_mem>>
        %dma_start3A_62 = arith.constant 0 : i32
        %dma_start3A_63 = tpu.memref_slice %arg7[%mul3A_0, %dma_start3A_62] : memref<10000x128xf32, #tpu.memory_space<hbm>> -> memref<624x128xf32, #tpu.memory_space<hbm>>
        %dma_start3A_64 = arith.constant 0 : i32
        %dma_start3A_65 = tpu.memref_slice %arg11[%mul3A_0, %dma_start3A_64] : memref<10000x128xf32, #tpu.memory_space<vmem_shared>> -> memref<624x128xf32, #tpu.memory_space<vmem_shared>>
        tpu.enqueue_dma source(%dma_start3A_65 : memref<624x128xf32, #tpu.memory_space<vmem_shared>>) target(%dma_start3A_63 : memref<624x128xf32, #tpu.memory_space<hbm>>) target_semaphore(%run_scoped3A : memref<!tpu.dma_semaphore, #tpu.memory_space<semaphore_mem>>)
        %dma_wait3A_66 = arith.constant 0 : i32
        %dma_wait3A_67 = tpu.memref_slice %arg7[%mul3A_0, %dma_wait3A_66] : memref<10000x128xf32, #tpu.memory_space<hbm>> -> memref<624x128xf32, #tpu.memory_space<hbm>>
        %dma_wait3A_68 = arith.constant 0 : i32
        %dma_wait3A_69 = tpu.memref_slice %arg11[%mul3A_0, %dma_wait3A_68] : memref<10000x128xf32, #tpu.memory_space<vmem_shared>> -> memref<624x128xf32, #tpu.memory_space<vmem_shared>>
        tpu.wait_dma2 semaphore(%run_scoped3A : memref<!tpu.dma_semaphore, #tpu.memory_space<semaphore_mem>>) src(%dma_wait3A_69 : memref<624x128xf32, #tpu.memory_space<vmem_shared>>) dst(%dma_wait3A_67 : memref<624x128xf32, #tpu.memory_space<hbm>>)
        tpu.yield
      }) : () -> ()
      %eq3A_57 = arith.constant 15 : i32
      %eq3A_58 = arith.cmpi eq, %arg1, %eq3A_57 : i32
      %convert_element_type3A_59 = arith.extui %eq3A_58 : i1 to i32
      %cond3A_60 = arith.constant 0 : i32
      %cond3A_61 = arith.cmpi ne, %convert_element_type3A_59, %cond3A_60 : i32
      scf.if %cond3A_61 {
        "tpu.region"() ({
          %run_scoped3A = tpu.sem_alloc : memref<!tpu.dma_semaphore, #tpu.memory_space<semaphore_mem>>
          %dma_start3A_62 = arith.constant 9984 : i32
          %dma_start3A_63 = arith.constant 0 : i32
          %dma_start3A_64 = tpu.memref_slice %arg7[%dma_start3A_62, %dma_start3A_63] : memref<10000x128xf32, #tpu.memory_space<hbm>> -> memref<16x128xf32, #tpu.memory_space<hbm>>
          %dma_start3A_65 = arith.constant 9984 : i32
          %dma_start3A_66 = arith.constant 0 : i32
          %dma_start3A_67 = tpu.memref_slice %arg11[%dma_start3A_65, %dma_start3A_66] : memref<10000x128xf32, #tpu.memory_space<vmem_shared>> -> memref<16x128xf32, #tpu.memory_space<vmem_shared>>
          tpu.enqueue_dma source(%dma_start3A_67 : memref<16x128xf32, #tpu.memory_space<vmem_shared>>) target(%dma_start3A_64 : memref<16x128xf32, #tpu.memory_space<hbm>>) target_semaphore(%run_scoped3A : memref<!tpu.dma_semaphore, #tpu.memory_space<semaphore_mem>>)
          %dma_wait3A_68 = arith.constant 9984 : i32
          %dma_wait3A_69 = arith.constant 0 : i32
          %dma_wait3A_70 = tpu.memref_slice %arg7[%dma_wait3A_68, %dma_wait3A_69] : memref<10000x128xf32, #tpu.memory_space<hbm>> -> memref<16x128xf32, #tpu.memory_space<hbm>>
          %dma_wait3A_71 = arith.constant 9984 : i32
          %dma_wait3A_72 = arith.constant 0 : i32
          %dma_wait3A_73 = tpu.memref_slice %arg11[%dma_wait3A_71, %dma_wait3A_72] : memref<10000x128xf32, #tpu.memory_space<vmem_shared>> -> memref<16x128xf32, #tpu.memory_space<vmem_shared>>
          tpu.wait_dma2 semaphore(%run_scoped3A : memref<!tpu.dma_semaphore, #tpu.memory_space<semaphore_mem>>) src(%dma_wait3A_73 : memref<16x128xf32, #tpu.memory_space<vmem_shared>>) dst(%dma_wait3A_70 : memref<16x128xf32, #tpu.memory_space<hbm>>)
          tpu.yield
        }) : () -> ()
      } else {
      }
    } else {
    }
    return
  }
}

#map = affine_map<(d0, d1) -> (0, 0)>
#map1 = affine_map<(d0, d1) -> (0)>
module attributes {stable_mosaic.version = 14 : i64} {
  func.func @sc_gather2(%arg0: i32, %arg1: i32, %arg2: memref<10000x128xi32, #tpu.memory_space<hbm>>, %arg3: memref<10000x128xi32, #tpu.memory_space<hbm>>, %arg4: memref<160000xi32, #tpu.memory_space<hbm>>, %arg5: memref<160000xi32, #tpu.memory_space<hbm>>, %arg6: memref<160000x128xi32, #tpu.memory_space<hbm>>, %arg7: memref<160000x128xi32, #tpu.memory_space<hbm>>, %arg8: memref<10000xi32, #tpu.memory_space<vmem>>, %arg9: memref<128x128xi32, #tpu.memory_space<vmem>>, %arg10: memref<128x128xi32, #tpu.memory_space<vmem>>, %arg11: memref<128x128xi32, #tpu.memory_space<vmem>>, %arg12: memref<!tpu.dma_semaphore, #tpu.memory_space<semaphore_mem>>, %arg13: memref<!tpu.dma_semaphore, #tpu.memory_space<semaphore_mem>>, %arg14: memref<!tpu.dma_semaphore, #tpu.memory_space<semaphore_mem>>, %arg15: memref<!tpu.dma_semaphore, #tpu.memory_space<semaphore_mem>>, %arg16: memref<!tpu.dma_semaphore, #tpu.memory_space<semaphore_mem>>, %arg17: memref<!tpu.dma_semaphore, #tpu.memory_space<semaphore_mem>>) attributes {dimension_semantics = [#tpu.dimension_semantics<core_parallel>, #tpu.dimension_semantics<subcore_parallel>], iteration_bounds = array<i64: 2, 16>, scalar_prefetch = 0 : i64, scratch_operands = 10 : i64, tpu.core_type = #tpu.core_type<sc_vector_subcore>, window_params = [{transform_indices = #map}, {transform_indices = #map}, {transform_indices = #map1}, {transform_indices = #map1}, {transform_indices = #map}, {transform_indices = #map}]} {
    %mul3A = arith.constant 10000 : i32
    %mul3A_0 = arith.muli %arg1, %mul3A : i32
    %eq3A = arith.constant 0 : i32
    %eq3A_1 = arith.cmpi eq, %arg0, %eq3A : i32
    %convert_element_type3A = arith.extui %eq3A_1 : i1 to i32
    %cond3A = arith.constant 0 : i32
    %cond3A_2 = arith.cmpi ne, %convert_element_type3A, %cond3A : i32
    scf.if %cond3A_2 {
      "tpu.region"() ({
        %run_scoped3A = tpu.sem_alloc : memref<!tpu.dma_semaphore, #tpu.memory_space<semaphore_mem>>
        %dma_start3A_67 = tpu.memref_slice %arg4[%mul3A_0] : memref<160000xi32, #tpu.memory_space<hbm>> -> memref<10000xi32, #tpu.memory_space<hbm>>
        %dma_start3A_68 = tpu.memref_slice %arg4[%mul3A_0] : memref<160000xi32, #tpu.memory_space<hbm>> -> memref<10000xi32, #tpu.memory_space<hbm>>
        tpu.enqueue_dma source(%dma_start3A_68 : memref<10000xi32, #tpu.memory_space<hbm>>) target(%arg8 : memref<10000xi32, #tpu.memory_space<vmem>>) target_semaphore(%run_scoped3A : memref<!tpu.dma_semaphore, #tpu.memory_space<semaphore_mem>>)
        %dma_wait3A_69 = tpu.memref_slice %arg4[%mul3A_0] : memref<160000xi32, #tpu.memory_space<hbm>> -> memref<10000xi32, #tpu.memory_space<hbm>>
        %dma_wait3A_70 = tpu.memref_slice %arg4[%mul3A_0] : memref<160000xi32, #tpu.memory_space<hbm>> -> memref<10000xi32, #tpu.memory_space<hbm>>
        tpu.wait_dma2 semaphore(%run_scoped3A : memref<!tpu.dma_semaphore, #tpu.memory_space<semaphore_mem>>) src(%dma_wait3A_70 : memref<10000xi32, #tpu.memory_space<hbm>>) dst(%arg8 : memref<10000xi32, #tpu.memory_space<vmem>>)
        tpu.yield
      }) : () -> ()
      %dma_start3A = arith.constant 0 : i32
      %dma_start3A_8 = tpu.memref_slice %arg8[%dma_start3A] : memref<10000xi32, #tpu.memory_space<vmem>> -> memref<128xi32, #tpu.memory_space<vmem>>
      %dma_start3A_9 = arith.constant 0 : i32
      %dma_start3A_10 = arith.constant 0 : i32
      %dma_start3A_11 = tpu.memref_slice %arg2[%dma_start3A_9, %dma_start3A_10] : memref<10000x128xi32, #tpu.memory_space<hbm>> -> memref<10000x128xi32, #tpu.memory_space<hbm>>
      tpu.enqueue_indirect_dma source(%dma_start3A_11 : memref<10000x128xi32, #tpu.memory_space<hbm>>) target(%arg9 : memref<128x128xi32, #tpu.memory_space<vmem>>) offsets(%dma_start3A_8 : memref<128xi32, #tpu.memory_space<vmem>>) semaphore(%arg12 : memref<!tpu.dma_semaphore, #tpu.memory_space<semaphore_mem>>)
      %dma_start3A_12 = arith.constant 128 : i32
      %dma_start3A_13 = tpu.memref_slice %arg8[%dma_start3A_12] : memref<10000xi32, #tpu.memory_space<vmem>> -> memref<128xi32, #tpu.memory_space<vmem>>
      %dma_start3A_14 = arith.constant 0 : i32
      %dma_start3A_15 = arith.constant 0 : i32
      %dma_start3A_16 = tpu.memref_slice %arg2[%dma_start3A_14, %dma_start3A_15] : memref<10000x128xi32, #tpu.memory_space<hbm>> -> memref<10000x128xi32, #tpu.memory_space<hbm>>
      tpu.enqueue_indirect_dma source(%dma_start3A_16 : memref<10000x128xi32, #tpu.memory_space<hbm>>) target(%arg10 : memref<128x128xi32, #tpu.memory_space<vmem>>) offsets(%dma_start3A_13 : memref<128xi32, #tpu.memory_space<vmem>>) semaphore(%arg13 : memref<!tpu.dma_semaphore, #tpu.memory_space<semaphore_mem>>)
      %dma_start3A_17 = arith.constant 256 : i32
      %dma_start3A_18 = tpu.memref_slice %arg8[%dma_start3A_17] : memref<10000xi32, #tpu.memory_space<vmem>> -> memref<128xi32, #tpu.memory_space<vmem>>
      %dma_start3A_19 = arith.constant 0 : i32
      %dma_start3A_20 = arith.constant 0 : i32
      %dma_start3A_21 = tpu.memref_slice %arg2[%dma_start3A_19, %dma_start3A_20] : memref<10000x128xi32, #tpu.memory_space<hbm>> -> memref<10000x128xi32, #tpu.memory_space<hbm>>
      tpu.enqueue_indirect_dma source(%dma_start3A_21 : memref<10000x128xi32, #tpu.memory_space<hbm>>) target(%arg11 : memref<128x128xi32, #tpu.memory_space<vmem>>) offsets(%dma_start3A_18 : memref<128xi32, #tpu.memory_space<vmem>>) semaphore(%arg14 : memref<!tpu.dma_semaphore, #tpu.memory_space<semaphore_mem>>)
      %scan3A = arith.constant 0 : i32
      %scan3A_22 = arith.constant 0 : i32
      %scan3A_23 = arith.constant 26 : i32
      %scan3A_24 = arith.addi %scan3A_22, %scan3A_23 : i32
      %scan3A_25 = arith.constant 1 : i32
      scf.for %scan3A_67 = %scan3A_22 to %scan3A_24 step %scan3A_25  : i32 {
        %mul3A_68 = arith.constant 384 : i32
        %mul3A_69 = arith.muli %scan3A_67, %mul3A_68 : i32
        %add3A_70 = arith.constant 0 : i32
        %add3A_71 = arith.addi %mul3A_69, %add3A_70 : i32
        %dma_wait3A_72 = tpu.memref_slice %arg8[%add3A_71] : memref<10000xi32, #tpu.memory_space<vmem>> -> memref<128xi32, #tpu.memory_space<vmem>>
        %dma_wait3A_73 = arith.constant 0 : i32
        %dma_wait3A_74 = arith.constant 0 : i32
        %dma_wait3A_75 = tpu.memref_slice %arg2[%dma_wait3A_73, %dma_wait3A_74] : memref<10000x128xi32, #tpu.memory_space<hbm>> -> memref<10000x128xi32, #tpu.memory_space<hbm>>
        tpu.wait_indirect_dma semaphore(%arg12 : memref<!tpu.dma_semaphore, #tpu.memory_space<semaphore_mem>>) src(%dma_wait3A_75 : memref<10000x128xi32, #tpu.memory_space<hbm>>) dst(%arg9 : memref<128x128xi32, #tpu.memory_space<vmem>>)
        %add3A_76 = arith.addi %mul3A_0, %add3A_71 : i32
        %dma_start3A_77 = arith.constant 0 : i32
        %dma_start3A_78 = tpu.memref_slice %arg6[%add3A_76, %dma_start3A_77] : memref<160000x128xi32, #tpu.memory_space<hbm>> -> memref<128x128xi32, #tpu.memory_space<hbm>>
        %dma_start3A_79 = arith.constant 0 : i32
        %dma_start3A_80 = tpu.memref_slice %arg6[%add3A_76, %dma_start3A_79] : memref<160000x128xi32, #tpu.memory_space<hbm>> -> memref<128x128xi32, #tpu.memory_space<hbm>>
        tpu.enqueue_dma source(%arg9 : memref<128x128xi32, #tpu.memory_space<vmem>>) target(%dma_start3A_80 : memref<128x128xi32, #tpu.memory_space<hbm>>) target_semaphore(%arg15 : memref<!tpu.dma_semaphore, #tpu.memory_space<semaphore_mem>>)
        %add3A_81 = arith.constant 128 : i32
        %add3A_82 = arith.addi %mul3A_69, %add3A_81 : i32
        %dma_wait3A_83 = tpu.memref_slice %arg8[%add3A_82] : memref<10000xi32, #tpu.memory_space<vmem>> -> memref<128xi32, #tpu.memory_space<vmem>>
        %dma_wait3A_84 = arith.constant 0 : i32
        %dma_wait3A_85 = arith.constant 0 : i32
        %dma_wait3A_86 = tpu.memref_slice %arg2[%dma_wait3A_84, %dma_wait3A_85] : memref<10000x128xi32, #tpu.memory_space<hbm>> -> memref<10000x128xi32, #tpu.memory_space<hbm>>
        tpu.wait_indirect_dma semaphore(%arg13 : memref<!tpu.dma_semaphore, #tpu.memory_space<semaphore_mem>>) src(%dma_wait3A_86 : memref<10000x128xi32, #tpu.memory_space<hbm>>) dst(%arg10 : memref<128x128xi32, #tpu.memory_space<vmem>>)
        %add3A_87 = arith.addi %mul3A_0, %add3A_82 : i32
        %dma_start3A_88 = arith.constant 0 : i32
        %dma_start3A_89 = tpu.memref_slice %arg6[%add3A_87, %dma_start3A_88] : memref<160000x128xi32, #tpu.memory_space<hbm>> -> memref<128x128xi32, #tpu.memory_space<hbm>>
        %dma_start3A_90 = arith.constant 0 : i32
        %dma_start3A_91 = tpu.memref_slice %arg6[%add3A_87, %dma_start3A_90] : memref<160000x128xi32, #tpu.memory_space<hbm>> -> memref<128x128xi32, #tpu.memory_space<hbm>>
        tpu.enqueue_dma source(%arg10 : memref<128x128xi32, #tpu.memory_space<vmem>>) target(%dma_start3A_91 : memref<128x128xi32, #tpu.memory_space<hbm>>) target_semaphore(%arg16 : memref<!tpu.dma_semaphore, #tpu.memory_space<semaphore_mem>>)
        %add3A_92 = arith.constant 256 : i32
        %add3A_93 = arith.addi %mul3A_69, %add3A_92 : i32
        %dma_wait3A_94 = tpu.memref_slice %arg8[%add3A_93] : memref<10000xi32, #tpu.memory_space<vmem>> -> memref<128xi32, #tpu.memory_space<vmem>>
        %dma_wait3A_95 = arith.constant 0 : i32
        %dma_wait3A_96 = arith.constant 0 : i32
        %dma_wait3A_97 = tpu.memref_slice %arg2[%dma_wait3A_95, %dma_wait3A_96] : memref<10000x128xi32, #tpu.memory_space<hbm>> -> memref<10000x128xi32, #tpu.memory_space<hbm>>
        tpu.wait_indirect_dma semaphore(%arg14 : memref<!tpu.dma_semaphore, #tpu.memory_space<semaphore_mem>>) src(%dma_wait3A_97 : memref<10000x128xi32, #tpu.memory_space<hbm>>) dst(%arg11 : memref<128x128xi32, #tpu.memory_space<vmem>>)
        %add3A_98 = arith.addi %mul3A_0, %add3A_93 : i32
        %dma_start3A_99 = arith.constant 0 : i32
        %dma_start3A_100 = tpu.memref_slice %arg6[%add3A_98, %dma_start3A_99] : memref<160000x128xi32, #tpu.memory_space<hbm>> -> memref<128x128xi32, #tpu.memory_space<hbm>>
        %dma_start3A_101 = arith.constant 0 : i32
        %dma_start3A_102 = tpu.memref_slice %arg6[%add3A_98, %dma_start3A_101] : memref<160000x128xi32, #tpu.memory_space<hbm>> -> memref<128x128xi32, #tpu.memory_space<hbm>>
        tpu.enqueue_dma source(%arg11 : memref<128x128xi32, #tpu.memory_space<vmem>>) target(%dma_start3A_102 : memref<128x128xi32, #tpu.memory_space<hbm>>) target_semaphore(%arg17 : memref<!tpu.dma_semaphore, #tpu.memory_space<semaphore_mem>>)
        %lt3A = arith.constant 25 : i32
        %lt3A_103 = arith.cmpi slt, %scan3A_67, %lt3A : i32
        %convert_element_type3A_104 = arith.extui %lt3A_103 : i1 to i32
        %cond3A_105 = arith.constant 0 : i32
        %cond3A_106 = arith.cmpi ne, %convert_element_type3A_104, %cond3A_105 : i32
        scf.if %cond3A_106 {
          %add3A_107 = arith.constant 0 : i32
          %add3A_108 = arith.addi %mul3A_69, %add3A_107 : i32
          %add3A_109 = arith.addi %mul3A_0, %add3A_108 : i32
          %dma_wait3A_110 = arith.constant 0 : i32
          %dma_wait3A_111 = tpu.memref_slice %arg6[%add3A_109, %dma_wait3A_110] : memref<160000x128xi32, #tpu.memory_space<hbm>> -> memref<128x128xi32, #tpu.memory_space<hbm>>
          %dma_wait3A_112 = arith.constant 0 : i32
          %dma_wait3A_113 = tpu.memref_slice %arg6[%add3A_109, %dma_wait3A_112] : memref<160000x128xi32, #tpu.memory_space<hbm>> -> memref<128x128xi32, #tpu.memory_space<hbm>>
          tpu.wait_dma2 semaphore(%arg15 : memref<!tpu.dma_semaphore, #tpu.memory_space<semaphore_mem>>) src(%arg9 : memref<128x128xi32, #tpu.memory_space<vmem>>) dst(%dma_wait3A_113 : memref<128x128xi32, #tpu.memory_space<hbm>>)
          %add3A_114 = arith.constant 384 : i32
          %add3A_115 = arith.addi %add3A_108, %add3A_114 : i32
          %dma_start3A_116 = tpu.memref_slice %arg8[%add3A_115] : memref<10000xi32, #tpu.memory_space<vmem>> -> memref<128xi32, #tpu.memory_space<vmem>>
          %dma_start3A_117 = arith.constant 0 : i32
          %dma_start3A_118 = arith.constant 0 : i32
          %dma_start3A_119 = tpu.memref_slice %arg2[%dma_start3A_117, %dma_start3A_118] : memref<10000x128xi32, #tpu.memory_space<hbm>> -> memref<10000x128xi32, #tpu.memory_space<hbm>>
          tpu.enqueue_indirect_dma source(%dma_start3A_119 : memref<10000x128xi32, #tpu.memory_space<hbm>>) target(%arg9 : memref<128x128xi32, #tpu.memory_space<vmem>>) offsets(%dma_start3A_116 : memref<128xi32, #tpu.memory_space<vmem>>) semaphore(%arg12 : memref<!tpu.dma_semaphore, #tpu.memory_space<semaphore_mem>>)
          %add3A_120 = arith.constant 128 : i32
          %add3A_121 = arith.addi %mul3A_69, %add3A_120 : i32
          %add3A_122 = arith.addi %mul3A_0, %add3A_121 : i32
          %dma_wait3A_123 = arith.constant 0 : i32
          %dma_wait3A_124 = tpu.memref_slice %arg6[%add3A_122, %dma_wait3A_123] : memref<160000x128xi32, #tpu.memory_space<hbm>> -> memref<128x128xi32, #tpu.memory_space<hbm>>
          %dma_wait3A_125 = arith.constant 0 : i32
          %dma_wait3A_126 = tpu.memref_slice %arg6[%add3A_122, %dma_wait3A_125] : memref<160000x128xi32, #tpu.memory_space<hbm>> -> memref<128x128xi32, #tpu.memory_space<hbm>>
          tpu.wait_dma2 semaphore(%arg16 : memref<!tpu.dma_semaphore, #tpu.memory_space<semaphore_mem>>) src(%arg10 : memref<128x128xi32, #tpu.memory_space<vmem>>) dst(%dma_wait3A_126 : memref<128x128xi32, #tpu.memory_space<hbm>>)
          %add3A_127 = arith.constant 384 : i32
          %add3A_128 = arith.addi %add3A_121, %add3A_127 : i32
          %dma_start3A_129 = tpu.memref_slice %arg8[%add3A_128] : memref<10000xi32, #tpu.memory_space<vmem>> -> memref<128xi32, #tpu.memory_space<vmem>>
          %dma_start3A_130 = arith.constant 0 : i32
          %dma_start3A_131 = arith.constant 0 : i32
          %dma_start3A_132 = tpu.memref_slice %arg2[%dma_start3A_130, %dma_start3A_131] : memref<10000x128xi32, #tpu.memory_space<hbm>> -> memref<10000x128xi32, #tpu.memory_space<hbm>>
          tpu.enqueue_indirect_dma source(%dma_start3A_132 : memref<10000x128xi32, #tpu.memory_space<hbm>>) target(%arg10 : memref<128x128xi32, #tpu.memory_space<vmem>>) offsets(%dma_start3A_129 : memref<128xi32, #tpu.memory_space<vmem>>) semaphore(%arg13 : memref<!tpu.dma_semaphore, #tpu.memory_space<semaphore_mem>>)
          %add3A_133 = arith.constant 256 : i32
          %add3A_134 = arith.addi %mul3A_69, %add3A_133 : i32
          %add3A_135 = arith.addi %mul3A_0, %add3A_134 : i32
          %dma_wait3A_136 = arith.constant 0 : i32
          %dma_wait3A_137 = tpu.memref_slice %arg6[%add3A_135, %dma_wait3A_136] : memref<160000x128xi32, #tpu.memory_space<hbm>> -> memref<128x128xi32, #tpu.memory_space<hbm>>
          %dma_wait3A_138 = arith.constant 0 : i32
          %dma_wait3A_139 = tpu.memref_slice %arg6[%add3A_135, %dma_wait3A_138] : memref<160000x128xi32, #tpu.memory_space<hbm>> -> memref<128x128xi32, #tpu.memory_space<hbm>>
          tpu.wait_dma2 semaphore(%arg17 : memref<!tpu.dma_semaphore, #tpu.memory_space<semaphore_mem>>) src(%arg11 : memref<128x128xi32, #tpu.memory_space<vmem>>) dst(%dma_wait3A_139 : memref<128x128xi32, #tpu.memory_space<hbm>>)
          %add3A_140 = arith.constant 384 : i32
          %add3A_141 = arith.addi %add3A_134, %add3A_140 : i32
          %dma_start3A_142 = tpu.memref_slice %arg8[%add3A_141] : memref<10000xi32, #tpu.memory_space<vmem>> -> memref<128xi32, #tpu.memory_space<vmem>>
          %dma_start3A_143 = arith.constant 0 : i32
          %dma_start3A_144 = arith.constant 0 : i32
          %dma_start3A_145 = tpu.memref_slice %arg2[%dma_start3A_143, %dma_start3A_144] : memref<10000x128xi32, #tpu.memory_space<hbm>> -> memref<10000x128xi32, #tpu.memory_space<hbm>>
          tpu.enqueue_indirect_dma source(%dma_start3A_145 : memref<10000x128xi32, #tpu.memory_space<hbm>>) target(%arg11 : memref<128x128xi32, #tpu.memory_space<vmem>>) offsets(%dma_start3A_142 : memref<128xi32, #tpu.memory_space<vmem>>) semaphore(%arg14 : memref<!tpu.dma_semaphore, #tpu.memory_space<semaphore_mem>>)
        } else {
        }
      }
      %scan3A_26 = arith.constant 26 : i32
      %add3A = arith.constant 9600 : i32
      %add3A_27 = arith.addi %mul3A_0, %add3A : i32
      %add3A_28 = arith.constant 0 : i32
      %add3A_29 = arith.addi %add3A_27, %add3A_28 : i32
      %dma_wait3A = arith.constant 0 : i32
      %dma_wait3A_30 = tpu.memref_slice %arg6[%add3A_29, %dma_wait3A] : memref<160000x128xi32, #tpu.memory_space<hbm>> -> memref<128x128xi32, #tpu.memory_space<hbm>>
      %dma_wait3A_31 = arith.constant 0 : i32
      %dma_wait3A_32 = tpu.memref_slice %arg6[%add3A_29, %dma_wait3A_31] : memref<160000x128xi32, #tpu.memory_space<hbm>> -> memref<128x128xi32, #tpu.memory_space<hbm>>
      tpu.wait_dma2 semaphore(%arg15 : memref<!tpu.dma_semaphore, #tpu.memory_space<semaphore_mem>>) src(%arg9 : memref<128x128xi32, #tpu.memory_space<vmem>>) dst(%dma_wait3A_32 : memref<128x128xi32, #tpu.memory_space<hbm>>)
      %add3A_33 = arith.constant 9600 : i32
      %add3A_34 = arith.addi %mul3A_0, %add3A_33 : i32
      %add3A_35 = arith.constant 128 : i32
      %add3A_36 = arith.addi %add3A_34, %add3A_35 : i32
      %dma_wait3A_37 = arith.constant 0 : i32
      %dma_wait3A_38 = tpu.memref_slice %arg6[%add3A_36, %dma_wait3A_37] : memref<160000x128xi32, #tpu.memory_space<hbm>> -> memref<128x128xi32, #tpu.memory_space<hbm>>
      %dma_wait3A_39 = arith.constant 0 : i32
      %dma_wait3A_40 = tpu.memref_slice %arg6[%add3A_36, %dma_wait3A_39] : memref<160000x128xi32, #tpu.memory_space<hbm>> -> memref<128x128xi32, #tpu.memory_space<hbm>>
      tpu.wait_dma2 semaphore(%arg16 : memref<!tpu.dma_semaphore, #tpu.memory_space<semaphore_mem>>) src(%arg10 : memref<128x128xi32, #tpu.memory_space<vmem>>) dst(%dma_wait3A_40 : memref<128x128xi32, #tpu.memory_space<hbm>>)
      %add3A_41 = arith.constant 9600 : i32
      %add3A_42 = arith.addi %mul3A_0, %add3A_41 : i32
      %add3A_43 = arith.constant 256 : i32
      %add3A_44 = arith.addi %add3A_42, %add3A_43 : i32
      %dma_wait3A_45 = arith.constant 0 : i32
      %dma_wait3A_46 = tpu.memref_slice %arg6[%add3A_44, %dma_wait3A_45] : memref<160000x128xi32, #tpu.memory_space<hbm>> -> memref<128x128xi32, #tpu.memory_space<hbm>>
      %dma_wait3A_47 = arith.constant 0 : i32
      %dma_wait3A_48 = tpu.memref_slice %arg6[%add3A_44, %dma_wait3A_47] : memref<160000x128xi32, #tpu.memory_space<hbm>> -> memref<128x128xi32, #tpu.memory_space<hbm>>
      tpu.wait_dma2 semaphore(%arg17 : memref<!tpu.dma_semaphore, #tpu.memory_space<semaphore_mem>>) src(%arg11 : memref<128x128xi32, #tpu.memory_space<vmem>>) dst(%dma_wait3A_48 : memref<128x128xi32, #tpu.memory_space<hbm>>)
      %dma_start3A_49 = arith.constant 0 : i32
      %dma_start3A_50 = arith.constant 0 : i32
      %dma_start3A_51 = tpu.memref_slice %arg9[%dma_start3A_49, %dma_start3A_50] : memref<128x128xi32, #tpu.memory_space<vmem>> -> memref<16x128xi32, #tpu.memory_space<vmem>>
      %dma_start3A_52 = arith.constant 9984 : i32
      %dma_start3A_53 = tpu.memref_slice %arg8[%dma_start3A_52] : memref<10000xi32, #tpu.memory_space<vmem>> -> memref<16xi32, #tpu.memory_space<vmem>>
      %dma_start3A_54 = arith.constant 0 : i32
      %dma_start3A_55 = arith.constant 0 : i32
      %dma_start3A_56 = tpu.memref_slice %arg2[%dma_start3A_54, %dma_start3A_55] : memref<10000x128xi32, #tpu.memory_space<hbm>> -> memref<10000x128xi32, #tpu.memory_space<hbm>>
      tpu.enqueue_indirect_dma source(%dma_start3A_56 : memref<10000x128xi32, #tpu.memory_space<hbm>>) target(%dma_start3A_51 : memref<16x128xi32, #tpu.memory_space<vmem>>) offsets(%dma_start3A_53 : memref<16xi32, #tpu.memory_space<vmem>>) semaphore(%arg12 : memref<!tpu.dma_semaphore, #tpu.memory_space<semaphore_mem>>)
      %dma_wait3A_57 = arith.constant 0 : i32
      %dma_wait3A_58 = arith.constant 0 : i32
      %dma_wait3A_59 = tpu.memref_slice %arg9[%dma_wait3A_57, %dma_wait3A_58] : memref<128x128xi32, #tpu.memory_space<vmem>> -> memref<16x128xi32, #tpu.memory_space<vmem>>
      %dma_wait3A_60 = arith.constant 9984 : i32
      %dma_wait3A_61 = tpu.memref_slice %arg8[%dma_wait3A_60] : memref<10000xi32, #tpu.memory_space<vmem>> -> memref<16xi32, #tpu.memory_space<vmem>>
      %dma_wait3A_62 = arith.constant 0 : i32
      %dma_wait3A_63 = arith.constant 0 : i32
      %dma_wait3A_64 = tpu.memref_slice %arg2[%dma_wait3A_62, %dma_wait3A_63] : memref<10000x128xi32, #tpu.memory_space<hbm>> -> memref<10000x128xi32, #tpu.memory_space<hbm>>
      tpu.wait_indirect_dma semaphore(%arg12 : memref<!tpu.dma_semaphore, #tpu.memory_space<semaphore_mem>>) src(%dma_wait3A_64 : memref<10000x128xi32, #tpu.memory_space<hbm>>) dst(%dma_wait3A_59 : memref<16x128xi32, #tpu.memory_space<vmem>>)
      %add3A_65 = arith.constant 9984 : i32
      %add3A_66 = arith.addi %mul3A_0, %add3A_65 : i32
      "tpu.region"() ({
        %run_scoped3A = tpu.sem_alloc : memref<!tpu.dma_semaphore, #tpu.memory_space<semaphore_mem>>
        %dma_start3A_67 = arith.constant 0 : i32
        %dma_start3A_68 = arith.constant 0 : i32
        %dma_start3A_69 = tpu.memref_slice %arg9[%dma_start3A_67, %dma_start3A_68] : memref<128x128xi32, #tpu.memory_space<vmem>> -> memref<16x128xi32, #tpu.memory_space<vmem>>
        %dma_start3A_70 = arith.constant 0 : i32
        %dma_start3A_71 = tpu.memref_slice %arg6[%add3A_66, %dma_start3A_70] : memref<160000x128xi32, #tpu.memory_space<hbm>> -> memref<16x128xi32, #tpu.memory_space<hbm>>
        %dma_start3A_72 = arith.constant 0 : i32
        %dma_start3A_73 = tpu.memref_slice %arg6[%add3A_66, %dma_start3A_72] : memref<160000x128xi32, #tpu.memory_space<hbm>> -> memref<16x128xi32, #tpu.memory_space<hbm>>
        %dma_start3A_74 = arith.constant 0 : i32
        %dma_start3A_75 = arith.constant 0 : i32
        %dma_start3A_76 = tpu.memref_slice %arg9[%dma_start3A_74, %dma_start3A_75] : memref<128x128xi32, #tpu.memory_space<vmem>> -> memref<16x128xi32, #tpu.memory_space<vmem>>
        tpu.enqueue_dma source(%dma_start3A_76 : memref<16x128xi32, #tpu.memory_space<vmem>>) target(%dma_start3A_73 : memref<16x128xi32, #tpu.memory_space<hbm>>) target_semaphore(%run_scoped3A : memref<!tpu.dma_semaphore, #tpu.memory_space<semaphore_mem>>)
        %dma_wait3A_77 = arith.constant 0 : i32
        %dma_wait3A_78 = arith.constant 0 : i32
        %dma_wait3A_79 = tpu.memref_slice %arg9[%dma_wait3A_77, %dma_wait3A_78] : memref<128x128xi32, #tpu.memory_space<vmem>> -> memref<16x128xi32, #tpu.memory_space<vmem>>
        %dma_wait3A_80 = arith.constant 0 : i32
        %dma_wait3A_81 = tpu.memref_slice %arg6[%add3A_66, %dma_wait3A_80] : memref<160000x128xi32, #tpu.memory_space<hbm>> -> memref<16x128xi32, #tpu.memory_space<hbm>>
        %dma_wait3A_82 = arith.constant 0 : i32
        %dma_wait3A_83 = tpu.memref_slice %arg6[%add3A_66, %dma_wait3A_82] : memref<160000x128xi32, #tpu.memory_space<hbm>> -> memref<16x128xi32, #tpu.memory_space<hbm>>
        %dma_wait3A_84 = arith.constant 0 : i32
        %dma_wait3A_85 = arith.constant 0 : i32
        %dma_wait3A_86 = tpu.memref_slice %arg9[%dma_wait3A_84, %dma_wait3A_85] : memref<128x128xi32, #tpu.memory_space<vmem>> -> memref<16x128xi32, #tpu.memory_space<vmem>>
        tpu.wait_dma2 semaphore(%run_scoped3A : memref<!tpu.dma_semaphore, #tpu.memory_space<semaphore_mem>>) src(%dma_wait3A_86 : memref<16x128xi32, #tpu.memory_space<vmem>>) dst(%dma_wait3A_83 : memref<16x128xi32, #tpu.memory_space<hbm>>)
        tpu.yield
      }) : () -> ()
    } else {
    }
    %eq3A_3 = arith.constant 1 : i32
    %eq3A_4 = arith.cmpi eq, %arg0, %eq3A_3 : i32
    %convert_element_type3A_5 = arith.extui %eq3A_4 : i1 to i32
    %cond3A_6 = arith.constant 0 : i32
    %cond3A_7 = arith.cmpi ne, %convert_element_type3A_5, %cond3A_6 : i32
    scf.if %cond3A_7 {
      "tpu.region"() ({
        %run_scoped3A = tpu.sem_alloc : memref<!tpu.dma_semaphore, #tpu.memory_space<semaphore_mem>>
        %dma_start3A_67 = tpu.memref_slice %arg5[%mul3A_0] : memref<160000xi32, #tpu.memory_space<hbm>> -> memref<10000xi32, #tpu.memory_space<hbm>>
        %dma_start3A_68 = tpu.memref_slice %arg5[%mul3A_0] : memref<160000xi32, #tpu.memory_space<hbm>> -> memref<10000xi32, #tpu.memory_space<hbm>>
        tpu.enqueue_dma source(%dma_start3A_68 : memref<10000xi32, #tpu.memory_space<hbm>>) target(%arg8 : memref<10000xi32, #tpu.memory_space<vmem>>) target_semaphore(%run_scoped3A : memref<!tpu.dma_semaphore, #tpu.memory_space<semaphore_mem>>)
        %dma_wait3A_69 = tpu.memref_slice %arg5[%mul3A_0] : memref<160000xi32, #tpu.memory_space<hbm>> -> memref<10000xi32, #tpu.memory_space<hbm>>
        %dma_wait3A_70 = tpu.memref_slice %arg5[%mul3A_0] : memref<160000xi32, #tpu.memory_space<hbm>> -> memref<10000xi32, #tpu.memory_space<hbm>>
        tpu.wait_dma2 semaphore(%run_scoped3A : memref<!tpu.dma_semaphore, #tpu.memory_space<semaphore_mem>>) src(%dma_wait3A_70 : memref<10000xi32, #tpu.memory_space<hbm>>) dst(%arg8 : memref<10000xi32, #tpu.memory_space<vmem>>)
        tpu.yield
      }) : () -> ()
      %dma_start3A = arith.constant 0 : i32
      %dma_start3A_8 = tpu.memref_slice %arg8[%dma_start3A] : memref<10000xi32, #tpu.memory_space<vmem>> -> memref<128xi32, #tpu.memory_space<vmem>>
      %dma_start3A_9 = arith.constant 0 : i32
      %dma_start3A_10 = arith.constant 0 : i32
      %dma_start3A_11 = tpu.memref_slice %arg3[%dma_start3A_9, %dma_start3A_10] : memref<10000x128xi32, #tpu.memory_space<hbm>> -> memref<10000x128xi32, #tpu.memory_space<hbm>>
      tpu.enqueue_indirect_dma source(%dma_start3A_11 : memref<10000x128xi32, #tpu.memory_space<hbm>>) target(%arg9 : memref<128x128xi32, #tpu.memory_space<vmem>>) offsets(%dma_start3A_8 : memref<128xi32, #tpu.memory_space<vmem>>) semaphore(%arg12 : memref<!tpu.dma_semaphore, #tpu.memory_space<semaphore_mem>>)
      %dma_start3A_12 = arith.constant 128 : i32
      %dma_start3A_13 = tpu.memref_slice %arg8[%dma_start3A_12] : memref<10000xi32, #tpu.memory_space<vmem>> -> memref<128xi32, #tpu.memory_space<vmem>>
      %dma_start3A_14 = arith.constant 0 : i32
      %dma_start3A_15 = arith.constant 0 : i32
      %dma_start3A_16 = tpu.memref_slice %arg3[%dma_start3A_14, %dma_start3A_15] : memref<10000x128xi32, #tpu.memory_space<hbm>> -> memref<10000x128xi32, #tpu.memory_space<hbm>>
      tpu.enqueue_indirect_dma source(%dma_start3A_16 : memref<10000x128xi32, #tpu.memory_space<hbm>>) target(%arg10 : memref<128x128xi32, #tpu.memory_space<vmem>>) offsets(%dma_start3A_13 : memref<128xi32, #tpu.memory_space<vmem>>) semaphore(%arg13 : memref<!tpu.dma_semaphore, #tpu.memory_space<semaphore_mem>>)
      %dma_start3A_17 = arith.constant 256 : i32
      %dma_start3A_18 = tpu.memref_slice %arg8[%dma_start3A_17] : memref<10000xi32, #tpu.memory_space<vmem>> -> memref<128xi32, #tpu.memory_space<vmem>>
      %dma_start3A_19 = arith.constant 0 : i32
      %dma_start3A_20 = arith.constant 0 : i32
      %dma_start3A_21 = tpu.memref_slice %arg3[%dma_start3A_19, %dma_start3A_20] : memref<10000x128xi32, #tpu.memory_space<hbm>> -> memref<10000x128xi32, #tpu.memory_space<hbm>>
      tpu.enqueue_indirect_dma source(%dma_start3A_21 : memref<10000x128xi32, #tpu.memory_space<hbm>>) target(%arg11 : memref<128x128xi32, #tpu.memory_space<vmem>>) offsets(%dma_start3A_18 : memref<128xi32, #tpu.memory_space<vmem>>) semaphore(%arg14 : memref<!tpu.dma_semaphore, #tpu.memory_space<semaphore_mem>>)
      %scan3A = arith.constant 0 : i32
      %scan3A_22 = arith.constant 0 : i32
      %scan3A_23 = arith.constant 26 : i32
      %scan3A_24 = arith.addi %scan3A_22, %scan3A_23 : i32
      %scan3A_25 = arith.constant 1 : i32
      scf.for %scan3A_67 = %scan3A_22 to %scan3A_24 step %scan3A_25  : i32 {
        %mul3A_68 = arith.constant 384 : i32
        %mul3A_69 = arith.muli %scan3A_67, %mul3A_68 : i32
        %add3A_70 = arith.constant 0 : i32
        %add3A_71 = arith.addi %mul3A_69, %add3A_70 : i32
        %dma_wait3A_72 = tpu.memref_slice %arg8[%add3A_71] : memref<10000xi32, #tpu.memory_space<vmem>> -> memref<128xi32, #tpu.memory_space<vmem>>
        %dma_wait3A_73 = arith.constant 0 : i32
        %dma_wait3A_74 = arith.constant 0 : i32
        %dma_wait3A_75 = tpu.memref_slice %arg3[%dma_wait3A_73, %dma_wait3A_74] : memref<10000x128xi32, #tpu.memory_space<hbm>> -> memref<10000x128xi32, #tpu.memory_space<hbm>>
        tpu.wait_indirect_dma semaphore(%arg12 : memref<!tpu.dma_semaphore, #tpu.memory_space<semaphore_mem>>) src(%dma_wait3A_75 : memref<10000x128xi32, #tpu.memory_space<hbm>>) dst(%arg9 : memref<128x128xi32, #tpu.memory_space<vmem>>)
        %add3A_76 = arith.addi %mul3A_0, %add3A_71 : i32
        %dma_start3A_77 = arith.constant 0 : i32
        %dma_start3A_78 = tpu.memref_slice %arg7[%add3A_76, %dma_start3A_77] : memref<160000x128xi32, #tpu.memory_space<hbm>> -> memref<128x128xi32, #tpu.memory_space<hbm>>
        %dma_start3A_79 = arith.constant 0 : i32
        %dma_start3A_80 = tpu.memref_slice %arg7[%add3A_76, %dma_start3A_79] : memref<160000x128xi32, #tpu.memory_space<hbm>> -> memref<128x128xi32, #tpu.memory_space<hbm>>
        tpu.enqueue_dma source(%arg9 : memref<128x128xi32, #tpu.memory_space<vmem>>) target(%dma_start3A_80 : memref<128x128xi32, #tpu.memory_space<hbm>>) target_semaphore(%arg15 : memref<!tpu.dma_semaphore, #tpu.memory_space<semaphore_mem>>)
        %add3A_81 = arith.constant 128 : i32
        %add3A_82 = arith.addi %mul3A_69, %add3A_81 : i32
        %dma_wait3A_83 = tpu.memref_slice %arg8[%add3A_82] : memref<10000xi32, #tpu.memory_space<vmem>> -> memref<128xi32, #tpu.memory_space<vmem>>
        %dma_wait3A_84 = arith.constant 0 : i32
        %dma_wait3A_85 = arith.constant 0 : i32
        %dma_wait3A_86 = tpu.memref_slice %arg3[%dma_wait3A_84, %dma_wait3A_85] : memref<10000x128xi32, #tpu.memory_space<hbm>> -> memref<10000x128xi32, #tpu.memory_space<hbm>>
        tpu.wait_indirect_dma semaphore(%arg13 : memref<!tpu.dma_semaphore, #tpu.memory_space<semaphore_mem>>) src(%dma_wait3A_86 : memref<10000x128xi32, #tpu.memory_space<hbm>>) dst(%arg10 : memref<128x128xi32, #tpu.memory_space<vmem>>)
        %add3A_87 = arith.addi %mul3A_0, %add3A_82 : i32
        %dma_start3A_88 = arith.constant 0 : i32
        %dma_start3A_89 = tpu.memref_slice %arg7[%add3A_87, %dma_start3A_88] : memref<160000x128xi32, #tpu.memory_space<hbm>> -> memref<128x128xi32, #tpu.memory_space<hbm>>
        %dma_start3A_90 = arith.constant 0 : i32
        %dma_start3A_91 = tpu.memref_slice %arg7[%add3A_87, %dma_start3A_90] : memref<160000x128xi32, #tpu.memory_space<hbm>> -> memref<128x128xi32, #tpu.memory_space<hbm>>
        tpu.enqueue_dma source(%arg10 : memref<128x128xi32, #tpu.memory_space<vmem>>) target(%dma_start3A_91 : memref<128x128xi32, #tpu.memory_space<hbm>>) target_semaphore(%arg16 : memref<!tpu.dma_semaphore, #tpu.memory_space<semaphore_mem>>)
        %add3A_92 = arith.constant 256 : i32
        %add3A_93 = arith.addi %mul3A_69, %add3A_92 : i32
        %dma_wait3A_94 = tpu.memref_slice %arg8[%add3A_93] : memref<10000xi32, #tpu.memory_space<vmem>> -> memref<128xi32, #tpu.memory_space<vmem>>
        %dma_wait3A_95 = arith.constant 0 : i32
        %dma_wait3A_96 = arith.constant 0 : i32
        %dma_wait3A_97 = tpu.memref_slice %arg3[%dma_wait3A_95, %dma_wait3A_96] : memref<10000x128xi32, #tpu.memory_space<hbm>> -> memref<10000x128xi32, #tpu.memory_space<hbm>>
        tpu.wait_indirect_dma semaphore(%arg14 : memref<!tpu.dma_semaphore, #tpu.memory_space<semaphore_mem>>) src(%dma_wait3A_97 : memref<10000x128xi32, #tpu.memory_space<hbm>>) dst(%arg11 : memref<128x128xi32, #tpu.memory_space<vmem>>)
        %add3A_98 = arith.addi %mul3A_0, %add3A_93 : i32
        %dma_start3A_99 = arith.constant 0 : i32
        %dma_start3A_100 = tpu.memref_slice %arg7[%add3A_98, %dma_start3A_99] : memref<160000x128xi32, #tpu.memory_space<hbm>> -> memref<128x128xi32, #tpu.memory_space<hbm>>
        %dma_start3A_101 = arith.constant 0 : i32
        %dma_start3A_102 = tpu.memref_slice %arg7[%add3A_98, %dma_start3A_101] : memref<160000x128xi32, #tpu.memory_space<hbm>> -> memref<128x128xi32, #tpu.memory_space<hbm>>
        tpu.enqueue_dma source(%arg11 : memref<128x128xi32, #tpu.memory_space<vmem>>) target(%dma_start3A_102 : memref<128x128xi32, #tpu.memory_space<hbm>>) target_semaphore(%arg17 : memref<!tpu.dma_semaphore, #tpu.memory_space<semaphore_mem>>)
        %lt3A = arith.constant 25 : i32
        %lt3A_103 = arith.cmpi slt, %scan3A_67, %lt3A : i32
        %convert_element_type3A_104 = arith.extui %lt3A_103 : i1 to i32
        %cond3A_105 = arith.constant 0 : i32
        %cond3A_106 = arith.cmpi ne, %convert_element_type3A_104, %cond3A_105 : i32
        scf.if %cond3A_106 {
          %add3A_107 = arith.constant 0 : i32
          %add3A_108 = arith.addi %mul3A_69, %add3A_107 : i32
          %add3A_109 = arith.addi %mul3A_0, %add3A_108 : i32
          %dma_wait3A_110 = arith.constant 0 : i32
          %dma_wait3A_111 = tpu.memref_slice %arg7[%add3A_109, %dma_wait3A_110] : memref<160000x128xi32, #tpu.memory_space<hbm>> -> memref<128x128xi32, #tpu.memory_space<hbm>>
          %dma_wait3A_112 = arith.constant 0 : i32
          %dma_wait3A_113 = tpu.memref_slice %arg7[%add3A_109, %dma_wait3A_112] : memref<160000x128xi32, #tpu.memory_space<hbm>> -> memref<128x128xi32, #tpu.memory_space<hbm>>
          tpu.wait_dma2 semaphore(%arg15 : memref<!tpu.dma_semaphore, #tpu.memory_space<semaphore_mem>>) src(%arg9 : memref<128x128xi32, #tpu.memory_space<vmem>>) dst(%dma_wait3A_113 : memref<128x128xi32, #tpu.memory_space<hbm>>)
          %add3A_114 = arith.constant 384 : i32
          %add3A_115 = arith.addi %add3A_108, %add3A_114 : i32
          %dma_start3A_116 = tpu.memref_slice %arg8[%add3A_115] : memref<10000xi32, #tpu.memory_space<vmem>> -> memref<128xi32, #tpu.memory_space<vmem>>
          %dma_start3A_117 = arith.constant 0 : i32
          %dma_start3A_118 = arith.constant 0 : i32
          %dma_start3A_119 = tpu.memref_slice %arg3[%dma_start3A_117, %dma_start3A_118] : memref<10000x128xi32, #tpu.memory_space<hbm>> -> memref<10000x128xi32, #tpu.memory_space<hbm>>
          tpu.enqueue_indirect_dma source(%dma_start3A_119 : memref<10000x128xi32, #tpu.memory_space<hbm>>) target(%arg9 : memref<128x128xi32, #tpu.memory_space<vmem>>) offsets(%dma_start3A_116 : memref<128xi32, #tpu.memory_space<vmem>>) semaphore(%arg12 : memref<!tpu.dma_semaphore, #tpu.memory_space<semaphore_mem>>)
          %add3A_120 = arith.constant 128 : i32
          %add3A_121 = arith.addi %mul3A_69, %add3A_120 : i32
          %add3A_122 = arith.addi %mul3A_0, %add3A_121 : i32
          %dma_wait3A_123 = arith.constant 0 : i32
          %dma_wait3A_124 = tpu.memref_slice %arg7[%add3A_122, %dma_wait3A_123] : memref<160000x128xi32, #tpu.memory_space<hbm>> -> memref<128x128xi32, #tpu.memory_space<hbm>>
          %dma_wait3A_125 = arith.constant 0 : i32
          %dma_wait3A_126 = tpu.memref_slice %arg7[%add3A_122, %dma_wait3A_125] : memref<160000x128xi32, #tpu.memory_space<hbm>> -> memref<128x128xi32, #tpu.memory_space<hbm>>
          tpu.wait_dma2 semaphore(%arg16 : memref<!tpu.dma_semaphore, #tpu.memory_space<semaphore_mem>>) src(%arg10 : memref<128x128xi32, #tpu.memory_space<vmem>>) dst(%dma_wait3A_126 : memref<128x128xi32, #tpu.memory_space<hbm>>)
          %add3A_127 = arith.constant 384 : i32
          %add3A_128 = arith.addi %add3A_121, %add3A_127 : i32
          %dma_start3A_129 = tpu.memref_slice %arg8[%add3A_128] : memref<10000xi32, #tpu.memory_space<vmem>> -> memref<128xi32, #tpu.memory_space<vmem>>
          %dma_start3A_130 = arith.constant 0 : i32
          %dma_start3A_131 = arith.constant 0 : i32
          %dma_start3A_132 = tpu.memref_slice %arg3[%dma_start3A_130, %dma_start3A_131] : memref<10000x128xi32, #tpu.memory_space<hbm>> -> memref<10000x128xi32, #tpu.memory_space<hbm>>
          tpu.enqueue_indirect_dma source(%dma_start3A_132 : memref<10000x128xi32, #tpu.memory_space<hbm>>) target(%arg10 : memref<128x128xi32, #tpu.memory_space<vmem>>) offsets(%dma_start3A_129 : memref<128xi32, #tpu.memory_space<vmem>>) semaphore(%arg13 : memref<!tpu.dma_semaphore, #tpu.memory_space<semaphore_mem>>)
          %add3A_133 = arith.constant 256 : i32
          %add3A_134 = arith.addi %mul3A_69, %add3A_133 : i32
          %add3A_135 = arith.addi %mul3A_0, %add3A_134 : i32
          %dma_wait3A_136 = arith.constant 0 : i32
          %dma_wait3A_137 = tpu.memref_slice %arg7[%add3A_135, %dma_wait3A_136] : memref<160000x128xi32, #tpu.memory_space<hbm>> -> memref<128x128xi32, #tpu.memory_space<hbm>>
          %dma_wait3A_138 = arith.constant 0 : i32
          %dma_wait3A_139 = tpu.memref_slice %arg7[%add3A_135, %dma_wait3A_138] : memref<160000x128xi32, #tpu.memory_space<hbm>> -> memref<128x128xi32, #tpu.memory_space<hbm>>
          tpu.wait_dma2 semaphore(%arg17 : memref<!tpu.dma_semaphore, #tpu.memory_space<semaphore_mem>>) src(%arg11 : memref<128x128xi32, #tpu.memory_space<vmem>>) dst(%dma_wait3A_139 : memref<128x128xi32, #tpu.memory_space<hbm>>)
          %add3A_140 = arith.constant 384 : i32
          %add3A_141 = arith.addi %add3A_134, %add3A_140 : i32
          %dma_start3A_142 = tpu.memref_slice %arg8[%add3A_141] : memref<10000xi32, #tpu.memory_space<vmem>> -> memref<128xi32, #tpu.memory_space<vmem>>
          %dma_start3A_143 = arith.constant 0 : i32
          %dma_start3A_144 = arith.constant 0 : i32
          %dma_start3A_145 = tpu.memref_slice %arg3[%dma_start3A_143, %dma_start3A_144] : memref<10000x128xi32, #tpu.memory_space<hbm>> -> memref<10000x128xi32, #tpu.memory_space<hbm>>
          tpu.enqueue_indirect_dma source(%dma_start3A_145 : memref<10000x128xi32, #tpu.memory_space<hbm>>) target(%arg11 : memref<128x128xi32, #tpu.memory_space<vmem>>) offsets(%dma_start3A_142 : memref<128xi32, #tpu.memory_space<vmem>>) semaphore(%arg14 : memref<!tpu.dma_semaphore, #tpu.memory_space<semaphore_mem>>)
        } else {
        }
      }
      %scan3A_26 = arith.constant 26 : i32
      %add3A = arith.constant 9600 : i32
      %add3A_27 = arith.addi %mul3A_0, %add3A : i32
      %add3A_28 = arith.constant 0 : i32
      %add3A_29 = arith.addi %add3A_27, %add3A_28 : i32
      %dma_wait3A = arith.constant 0 : i32
      %dma_wait3A_30 = tpu.memref_slice %arg7[%add3A_29, %dma_wait3A] : memref<160000x128xi32, #tpu.memory_space<hbm>> -> memref<128x128xi32, #tpu.memory_space<hbm>>
      %dma_wait3A_31 = arith.constant 0 : i32
      %dma_wait3A_32 = tpu.memref_slice %arg7[%add3A_29, %dma_wait3A_31] : memref<160000x128xi32, #tpu.memory_space<hbm>> -> memref<128x128xi32, #tpu.memory_space<hbm>>
      tpu.wait_dma2 semaphore(%arg15 : memref<!tpu.dma_semaphore, #tpu.memory_space<semaphore_mem>>) src(%arg9 : memref<128x128xi32, #tpu.memory_space<vmem>>) dst(%dma_wait3A_32 : memref<128x128xi32, #tpu.memory_space<hbm>>)
      %add3A_33 = arith.constant 9600 : i32
      %add3A_34 = arith.addi %mul3A_0, %add3A_33 : i32
      %add3A_35 = arith.constant 128 : i32
      %add3A_36 = arith.addi %add3A_34, %add3A_35 : i32
      %dma_wait3A_37 = arith.constant 0 : i32
      %dma_wait3A_38 = tpu.memref_slice %arg7[%add3A_36, %dma_wait3A_37] : memref<160000x128xi32, #tpu.memory_space<hbm>> -> memref<128x128xi32, #tpu.memory_space<hbm>>
      %dma_wait3A_39 = arith.constant 0 : i32
      %dma_wait3A_40 = tpu.memref_slice %arg7[%add3A_36, %dma_wait3A_39] : memref<160000x128xi32, #tpu.memory_space<hbm>> -> memref<128x128xi32, #tpu.memory_space<hbm>>
      tpu.wait_dma2 semaphore(%arg16 : memref<!tpu.dma_semaphore, #tpu.memory_space<semaphore_mem>>) src(%arg10 : memref<128x128xi32, #tpu.memory_space<vmem>>) dst(%dma_wait3A_40 : memref<128x128xi32, #tpu.memory_space<hbm>>)
      %add3A_41 = arith.constant 9600 : i32
      %add3A_42 = arith.addi %mul3A_0, %add3A_41 : i32
      %add3A_43 = arith.constant 256 : i32
      %add3A_44 = arith.addi %add3A_42, %add3A_43 : i32
      %dma_wait3A_45 = arith.constant 0 : i32
      %dma_wait3A_46 = tpu.memref_slice %arg7[%add3A_44, %dma_wait3A_45] : memref<160000x128xi32, #tpu.memory_space<hbm>> -> memref<128x128xi32, #tpu.memory_space<hbm>>
      %dma_wait3A_47 = arith.constant 0 : i32
      %dma_wait3A_48 = tpu.memref_slice %arg7[%add3A_44, %dma_wait3A_47] : memref<160000x128xi32, #tpu.memory_space<hbm>> -> memref<128x128xi32, #tpu.memory_space<hbm>>
      tpu.wait_dma2 semaphore(%arg17 : memref<!tpu.dma_semaphore, #tpu.memory_space<semaphore_mem>>) src(%arg11 : memref<128x128xi32, #tpu.memory_space<vmem>>) dst(%dma_wait3A_48 : memref<128x128xi32, #tpu.memory_space<hbm>>)
      %dma_start3A_49 = arith.constant 0 : i32
      %dma_start3A_50 = arith.constant 0 : i32
      %dma_start3A_51 = tpu.memref_slice %arg9[%dma_start3A_49, %dma_start3A_50] : memref<128x128xi32, #tpu.memory_space<vmem>> -> memref<16x128xi32, #tpu.memory_space<vmem>>
      %dma_start3A_52 = arith.constant 9984 : i32
      %dma_start3A_53 = tpu.memref_slice %arg8[%dma_start3A_52] : memref<10000xi32, #tpu.memory_space<vmem>> -> memref<16xi32, #tpu.memory_space<vmem>>
      %dma_start3A_54 = arith.constant 0 : i32
      %dma_start3A_55 = arith.constant 0 : i32
      %dma_start3A_56 = tpu.memref_slice %arg3[%dma_start3A_54, %dma_start3A_55] : memref<10000x128xi32, #tpu.memory_space<hbm>> -> memref<10000x128xi32, #tpu.memory_space<hbm>>
      tpu.enqueue_indirect_dma source(%dma_start3A_56 : memref<10000x128xi32, #tpu.memory_space<hbm>>) target(%dma_start3A_51 : memref<16x128xi32, #tpu.memory_space<vmem>>) offsets(%dma_start3A_53 : memref<16xi32, #tpu.memory_space<vmem>>) semaphore(%arg12 : memref<!tpu.dma_semaphore, #tpu.memory_space<semaphore_mem>>)
      %dma_wait3A_57 = arith.constant 0 : i32
      %dma_wait3A_58 = arith.constant 0 : i32
      %dma_wait3A_59 = tpu.memref_slice %arg9[%dma_wait3A_57, %dma_wait3A_58] : memref<128x128xi32, #tpu.memory_space<vmem>> -> memref<16x128xi32, #tpu.memory_space<vmem>>
      %dma_wait3A_60 = arith.constant 9984 : i32
      %dma_wait3A_61 = tpu.memref_slice %arg8[%dma_wait3A_60] : memref<10000xi32, #tpu.memory_space<vmem>> -> memref<16xi32, #tpu.memory_space<vmem>>
      %dma_wait3A_62 = arith.constant 0 : i32
      %dma_wait3A_63 = arith.constant 0 : i32
      %dma_wait3A_64 = tpu.memref_slice %arg3[%dma_wait3A_62, %dma_wait3A_63] : memref<10000x128xi32, #tpu.memory_space<hbm>> -> memref<10000x128xi32, #tpu.memory_space<hbm>>
      tpu.wait_indirect_dma semaphore(%arg12 : memref<!tpu.dma_semaphore, #tpu.memory_space<semaphore_mem>>) src(%dma_wait3A_64 : memref<10000x128xi32, #tpu.memory_space<hbm>>) dst(%dma_wait3A_59 : memref<16x128xi32, #tpu.memory_space<vmem>>)
      %add3A_65 = arith.constant 9984 : i32
      %add3A_66 = arith.addi %mul3A_0, %add3A_65 : i32
      "tpu.region"() ({
        %run_scoped3A = tpu.sem_alloc : memref<!tpu.dma_semaphore, #tpu.memory_space<semaphore_mem>>
        %dma_start3A_67 = arith.constant 0 : i32
        %dma_start3A_68 = arith.constant 0 : i32
        %dma_start3A_69 = tpu.memref_slice %arg9[%dma_start3A_67, %dma_start3A_68] : memref<128x128xi32, #tpu.memory_space<vmem>> -> memref<16x128xi32, #tpu.memory_space<vmem>>
        %dma_start3A_70 = arith.constant 0 : i32
        %dma_start3A_71 = tpu.memref_slice %arg7[%add3A_66, %dma_start3A_70] : memref<160000x128xi32, #tpu.memory_space<hbm>> -> memref<16x128xi32, #tpu.memory_space<hbm>>
        %dma_start3A_72 = arith.constant 0 : i32
        %dma_start3A_73 = tpu.memref_slice %arg7[%add3A_66, %dma_start3A_72] : memref<160000x128xi32, #tpu.memory_space<hbm>> -> memref<16x128xi32, #tpu.memory_space<hbm>>
        %dma_start3A_74 = arith.constant 0 : i32
        %dma_start3A_75 = arith.constant 0 : i32
        %dma_start3A_76 = tpu.memref_slice %arg9[%dma_start3A_74, %dma_start3A_75] : memref<128x128xi32, #tpu.memory_space<vmem>> -> memref<16x128xi32, #tpu.memory_space<vmem>>
        tpu.enqueue_dma source(%dma_start3A_76 : memref<16x128xi32, #tpu.memory_space<vmem>>) target(%dma_start3A_73 : memref<16x128xi32, #tpu.memory_space<hbm>>) target_semaphore(%run_scoped3A : memref<!tpu.dma_semaphore, #tpu.memory_space<semaphore_mem>>)
        %dma_wait3A_77 = arith.constant 0 : i32
        %dma_wait3A_78 = arith.constant 0 : i32
        %dma_wait3A_79 = tpu.memref_slice %arg9[%dma_wait3A_77, %dma_wait3A_78] : memref<128x128xi32, #tpu.memory_space<vmem>> -> memref<16x128xi32, #tpu.memory_space<vmem>>
        %dma_wait3A_80 = arith.constant 0 : i32
        %dma_wait3A_81 = tpu.memref_slice %arg7[%add3A_66, %dma_wait3A_80] : memref<160000x128xi32, #tpu.memory_space<hbm>> -> memref<16x128xi32, #tpu.memory_space<hbm>>
        %dma_wait3A_82 = arith.constant 0 : i32
        %dma_wait3A_83 = tpu.memref_slice %arg7[%add3A_66, %dma_wait3A_82] : memref<160000x128xi32, #tpu.memory_space<hbm>> -> memref<16x128xi32, #tpu.memory_space<hbm>>
        %dma_wait3A_84 = arith.constant 0 : i32
        %dma_wait3A_85 = arith.constant 0 : i32
        %dma_wait3A_86 = tpu.memref_slice %arg9[%dma_wait3A_84, %dma_wait3A_85] : memref<128x128xi32, #tpu.memory_space<vmem>> -> memref<16x128xi32, #tpu.memory_space<vmem>>
        tpu.wait_dma2 semaphore(%run_scoped3A : memref<!tpu.dma_semaphore, #tpu.memory_space<semaphore_mem>>) src(%dma_wait3A_86 : memref<16x128xi32, #tpu.memory_space<vmem>>) dst(%dma_wait3A_83 : memref<16x128xi32, #tpu.memory_space<hbm>>)
        tpu.yield
      }) : () -> ()
    } else {
    }
    return
  }
}

#map = affine_map<(d0, d1) -> (0, 0)>
#map1 = affine_map<(d0, d1) -> (0)>
module attributes {stable_mosaic.version = 14 : i64} {
  func.func @sc_gather2(%arg0: i32, %arg1: i32, %arg2: memref<10000x128xi32, #tpu.memory_space<hbm>>, %arg3: memref<10000x128xi32, #tpu.memory_space<hbm>>, %arg4: memref<160000xi32, #tpu.memory_space<hbm>>, %arg5: memref<160000xi32, #tpu.memory_space<hbm>>, %arg6: memref<160000x128xi32, #tpu.memory_space<hbm>>, %arg7: memref<160000x128xi32, #tpu.memory_space<hbm>>, %arg8: memref<10000xi32, #tpu.memory_space<vmem>>, %arg9: memref<128x128xi32, #tpu.memory_space<vmem>>, %arg10: memref<128x128xi32, #tpu.memory_space<vmem>>, %arg11: memref<128x128xi32, #tpu.memory_space<vmem>>, %arg12: memref<!tpu.dma_semaphore, #tpu.memory_space<semaphore_mem>>, %arg13: memref<!tpu.dma_semaphore, #tpu.memory_space<semaphore_mem>>, %arg14: memref<!tpu.dma_semaphore, #tpu.memory_space<semaphore_mem>>, %arg15: memref<!tpu.dma_semaphore, #tpu.memory_space<semaphore_mem>>, %arg16: memref<!tpu.dma_semaphore, #tpu.memory_space<semaphore_mem>>, %arg17: memref<!tpu.dma_semaphore, #tpu.memory_space<semaphore_mem>>) attributes {dimension_semantics = [#tpu.dimension_semantics<core_parallel>, #tpu.dimension_semantics<subcore_parallel>], iteration_bounds = array<i64: 2, 16>, scalar_prefetch = 0 : i64, scratch_operands = 10 : i64, tpu.core_type = #tpu.core_type<sc_vector_subcore>, window_params = [{transform_indices = #map}, {transform_indices = #map}, {transform_indices = #map1}, {transform_indices = #map1}, {transform_indices = #map}, {transform_indices = #map}]} {
    %mul3A = arith.constant 10000 : i32
    %mul3A_0 = arith.muli %arg1, %mul3A : i32
    %eq3A = arith.constant 0 : i32
    %eq3A_1 = arith.cmpi eq, %arg0, %eq3A : i32
    %convert_element_type3A = arith.extui %eq3A_1 : i1 to i32
    %cond3A = arith.constant 0 : i32
    %cond3A_2 = arith.cmpi ne, %convert_element_type3A, %cond3A : i32
    scf.if %cond3A_2 {
      "tpu.region"() ({
        %run_scoped3A = tpu.sem_alloc : memref<!tpu.dma_semaphore, #tpu.memory_space<semaphore_mem>>
        %dma_start3A_67 = tpu.memref_slice %arg4[%mul3A_0] : memref<160000xi32, #tpu.memory_space<hbm>> -> memref<10000xi32, #tpu.memory_space<hbm>>
        %dma_start3A_68 = tpu.memref_slice %arg4[%mul3A_0] : memref<160000xi32, #tpu.memory_space<hbm>> -> memref<10000xi32, #tpu.memory_space<hbm>>
        tpu.enqueue_dma source(%dma_start3A_68 : memref<10000xi32, #tpu.memory_space<hbm>>) target(%arg8 : memref<10000xi32, #tpu.memory_space<vmem>>) target_semaphore(%run_scoped3A : memref<!tpu.dma_semaphore, #tpu.memory_space<semaphore_mem>>)
        %dma_wait3A_69 = tpu.memref_slice %arg4[%mul3A_0] : memref<160000xi32, #tpu.memory_space<hbm>> -> memref<10000xi32, #tpu.memory_space<hbm>>
        %dma_wait3A_70 = tpu.memref_slice %arg4[%mul3A_0] : memref<160000xi32, #tpu.memory_space<hbm>> -> memref<10000xi32, #tpu.memory_space<hbm>>
        tpu.wait_dma2 semaphore(%run_scoped3A : memref<!tpu.dma_semaphore, #tpu.memory_space<semaphore_mem>>) src(%dma_wait3A_70 : memref<10000xi32, #tpu.memory_space<hbm>>) dst(%arg8 : memref<10000xi32, #tpu.memory_space<vmem>>)
        tpu.yield
      }) : () -> ()
      %dma_start3A = arith.constant 0 : i32
      %dma_start3A_8 = tpu.memref_slice %arg8[%dma_start3A] : memref<10000xi32, #tpu.memory_space<vmem>> -> memref<128xi32, #tpu.memory_space<vmem>>
      %dma_start3A_9 = arith.constant 0 : i32
      %dma_start3A_10 = arith.constant 0 : i32
      %dma_start3A_11 = tpu.memref_slice %arg2[%dma_start3A_9, %dma_start3A_10] : memref<10000x128xi32, #tpu.memory_space<hbm>> -> memref<10000x128xi32, #tpu.memory_space<hbm>>
      tpu.enqueue_indirect_dma source(%dma_start3A_11 : memref<10000x128xi32, #tpu.memory_space<hbm>>) target(%arg9 : memref<128x128xi32, #tpu.memory_space<vmem>>) offsets(%dma_start3A_8 : memref<128xi32, #tpu.memory_space<vmem>>) semaphore(%arg12 : memref<!tpu.dma_semaphore, #tpu.memory_space<semaphore_mem>>)
      %dma_start3A_12 = arith.constant 128 : i32
      %dma_start3A_13 = tpu.memref_slice %arg8[%dma_start3A_12] : memref<10000xi32, #tpu.memory_space<vmem>> -> memref<128xi32, #tpu.memory_space<vmem>>
      %dma_start3A_14 = arith.constant 0 : i32
      %dma_start3A_15 = arith.constant 0 : i32
      %dma_start3A_16 = tpu.memref_slice %arg2[%dma_start3A_14, %dma_start3A_15] : memref<10000x128xi32, #tpu.memory_space<hbm>> -> memref<10000x128xi32, #tpu.memory_space<hbm>>
      tpu.enqueue_indirect_dma source(%dma_start3A_16 : memref<10000x128xi32, #tpu.memory_space<hbm>>) target(%arg10 : memref<128x128xi32, #tpu.memory_space<vmem>>) offsets(%dma_start3A_13 : memref<128xi32, #tpu.memory_space<vmem>>) semaphore(%arg13 : memref<!tpu.dma_semaphore, #tpu.memory_space<semaphore_mem>>)
      %dma_start3A_17 = arith.constant 256 : i32
      %dma_start3A_18 = tpu.memref_slice %arg8[%dma_start3A_17] : memref<10000xi32, #tpu.memory_space<vmem>> -> memref<128xi32, #tpu.memory_space<vmem>>
      %dma_start3A_19 = arith.constant 0 : i32
      %dma_start3A_20 = arith.constant 0 : i32
      %dma_start3A_21 = tpu.memref_slice %arg2[%dma_start3A_19, %dma_start3A_20] : memref<10000x128xi32, #tpu.memory_space<hbm>> -> memref<10000x128xi32, #tpu.memory_space<hbm>>
      tpu.enqueue_indirect_dma source(%dma_start3A_21 : memref<10000x128xi32, #tpu.memory_space<hbm>>) target(%arg11 : memref<128x128xi32, #tpu.memory_space<vmem>>) offsets(%dma_start3A_18 : memref<128xi32, #tpu.memory_space<vmem>>) semaphore(%arg14 : memref<!tpu.dma_semaphore, #tpu.memory_space<semaphore_mem>>)
      %scan3A = arith.constant 0 : i32
      %scan3A_22 = arith.constant 0 : i32
      %scan3A_23 = arith.constant 26 : i32
      %scan3A_24 = arith.addi %scan3A_22, %scan3A_23 : i32
      %scan3A_25 = arith.constant 1 : i32
      scf.for %scan3A_67 = %scan3A_22 to %scan3A_24 step %scan3A_25  : i32 {
        %mul3A_68 = arith.constant 384 : i32
        %mul3A_69 = arith.muli %scan3A_67, %mul3A_68 : i32
        %add3A_70 = arith.constant 0 : i32
        %add3A_71 = arith.addi %mul3A_69, %add3A_70 : i32
        %dma_wait3A_72 = tpu.memref_slice %arg8[%add3A_71] : memref<10000xi32, #tpu.memory_space<vmem>> -> memref<128xi32, #tpu.memory_space<vmem>>
        %dma_wait3A_73 = arith.constant 0 : i32
        %dma_wait3A_74 = arith.constant 0 : i32
        %dma_wait3A_75 = tpu.memref_slice %arg2[%dma_wait3A_73, %dma_wait3A_74] : memref<10000x128xi32, #tpu.memory_space<hbm>> -> memref<10000x128xi32, #tpu.memory_space<hbm>>
        tpu.wait_indirect_dma semaphore(%arg12 : memref<!tpu.dma_semaphore, #tpu.memory_space<semaphore_mem>>) src(%dma_wait3A_75 : memref<10000x128xi32, #tpu.memory_space<hbm>>) dst(%arg9 : memref<128x128xi32, #tpu.memory_space<vmem>>)
        %add3A_76 = arith.addi %mul3A_0, %add3A_71 : i32
        %dma_start3A_77 = arith.constant 0 : i32
        %dma_start3A_78 = tpu.memref_slice %arg6[%add3A_76, %dma_start3A_77] : memref<160000x128xi32, #tpu.memory_space<hbm>> -> memref<128x128xi32, #tpu.memory_space<hbm>>
        %dma_start3A_79 = arith.constant 0 : i32
        %dma_start3A_80 = tpu.memref_slice %arg6[%add3A_76, %dma_start3A_79] : memref<160000x128xi32, #tpu.memory_space<hbm>> -> memref<128x128xi32, #tpu.memory_space<hbm>>
        tpu.enqueue_dma source(%arg9 : memref<128x128xi32, #tpu.memory_space<vmem>>) target(%dma_start3A_80 : memref<128x128xi32, #tpu.memory_space<hbm>>) target_semaphore(%arg15 : memref<!tpu.dma_semaphore, #tpu.memory_space<semaphore_mem>>)
        %add3A_81 = arith.constant 128 : i32
        %add3A_82 = arith.addi %mul3A_69, %add3A_81 : i32
        %dma_wait3A_83 = tpu.memref_slice %arg8[%add3A_82] : memref<10000xi32, #tpu.memory_space<vmem>> -> memref<128xi32, #tpu.memory_space<vmem>>
        %dma_wait3A_84 = arith.constant 0 : i32
        %dma_wait3A_85 = arith.constant 0 : i32
        %dma_wait3A_86 = tpu.memref_slice %arg2[%dma_wait3A_84, %dma_wait3A_85] : memref<10000x128xi32, #tpu.memory_space<hbm>> -> memref<10000x128xi32, #tpu.memory_space<hbm>>
        tpu.wait_indirect_dma semaphore(%arg13 : memref<!tpu.dma_semaphore, #tpu.memory_space<semaphore_mem>>) src(%dma_wait3A_86 : memref<10000x128xi32, #tpu.memory_space<hbm>>) dst(%arg10 : memref<128x128xi32, #tpu.memory_space<vmem>>)
        %add3A_87 = arith.addi %mul3A_0, %add3A_82 : i32
        %dma_start3A_88 = arith.constant 0 : i32
        %dma_start3A_89 = tpu.memref_slice %arg6[%add3A_87, %dma_start3A_88] : memref<160000x128xi32, #tpu.memory_space<hbm>> -> memref<128x128xi32, #tpu.memory_space<hbm>>
        %dma_start3A_90 = arith.constant 0 : i32
        %dma_start3A_91 = tpu.memref_slice %arg6[%add3A_87, %dma_start3A_90] : memref<160000x128xi32, #tpu.memory_space<hbm>> -> memref<128x128xi32, #tpu.memory_space<hbm>>
        tpu.enqueue_dma source(%arg10 : memref<128x128xi32, #tpu.memory_space<vmem>>) target(%dma_start3A_91 : memref<128x128xi32, #tpu.memory_space<hbm>>) target_semaphore(%arg16 : memref<!tpu.dma_semaphore, #tpu.memory_space<semaphore_mem>>)
        %add3A_92 = arith.constant 256 : i32
        %add3A_93 = arith.addi %mul3A_69, %add3A_92 : i32
        %dma_wait3A_94 = tpu.memref_slice %arg8[%add3A_93] : memref<10000xi32, #tpu.memory_space<vmem>> -> memref<128xi32, #tpu.memory_space<vmem>>
        %dma_wait3A_95 = arith.constant 0 : i32
        %dma_wait3A_96 = arith.constant 0 : i32
        %dma_wait3A_97 = tpu.memref_slice %arg2[%dma_wait3A_95, %dma_wait3A_96] : memref<10000x128xi32, #tpu.memory_space<hbm>> -> memref<10000x128xi32, #tpu.memory_space<hbm>>
        tpu.wait_indirect_dma semaphore(%arg14 : memref<!tpu.dma_semaphore, #tpu.memory_space<semaphore_mem>>) src(%dma_wait3A_97 : memref<10000x128xi32, #tpu.memory_space<hbm>>) dst(%arg11 : memref<128x128xi32, #tpu.memory_space<vmem>>)
        %add3A_98 = arith.addi %mul3A_0, %add3A_93 : i32
        %dma_start3A_99 = arith.constant 0 : i32
        %dma_start3A_100 = tpu.memref_slice %arg6[%add3A_98, %dma_start3A_99] : memref<160000x128xi32, #tpu.memory_space<hbm>> -> memref<128x128xi32, #tpu.memory_space<hbm>>
        %dma_start3A_101 = arith.constant 0 : i32
        %dma_start3A_102 = tpu.memref_slice %arg6[%add3A_98, %dma_start3A_101] : memref<160000x128xi32, #tpu.memory_space<hbm>> -> memref<128x128xi32, #tpu.memory_space<hbm>>
        tpu.enqueue_dma source(%arg11 : memref<128x128xi32, #tpu.memory_space<vmem>>) target(%dma_start3A_102 : memref<128x128xi32, #tpu.memory_space<hbm>>) target_semaphore(%arg17 : memref<!tpu.dma_semaphore, #tpu.memory_space<semaphore_mem>>)
        %lt3A = arith.constant 25 : i32
        %lt3A_103 = arith.cmpi slt, %scan3A_67, %lt3A : i32
        %convert_element_type3A_104 = arith.extui %lt3A_103 : i1 to i32
        %cond3A_105 = arith.constant 0 : i32
        %cond3A_106 = arith.cmpi ne, %convert_element_type3A_104, %cond3A_105 : i32
        scf.if %cond3A_106 {
          %add3A_107 = arith.constant 0 : i32
          %add3A_108 = arith.addi %mul3A_69, %add3A_107 : i32
          %add3A_109 = arith.addi %mul3A_0, %add3A_108 : i32
          %dma_wait3A_110 = arith.constant 0 : i32
          %dma_wait3A_111 = tpu.memref_slice %arg6[%add3A_109, %dma_wait3A_110] : memref<160000x128xi32, #tpu.memory_space<hbm>> -> memref<128x128xi32, #tpu.memory_space<hbm>>
          %dma_wait3A_112 = arith.constant 0 : i32
          %dma_wait3A_113 = tpu.memref_slice %arg6[%add3A_109, %dma_wait3A_112] : memref<160000x128xi32, #tpu.memory_space<hbm>> -> memref<128x128xi32, #tpu.memory_space<hbm>>
          tpu.wait_dma2 semaphore(%arg15 : memref<!tpu.dma_semaphore, #tpu.memory_space<semaphore_mem>>) src(%arg9 : memref<128x128xi32, #tpu.memory_space<vmem>>) dst(%dma_wait3A_113 : memref<128x128xi32, #tpu.memory_space<hbm>>)
          %add3A_114 = arith.constant 384 : i32
          %add3A_115 = arith.addi %add3A_108, %add3A_114 : i32
          %dma_start3A_116 = tpu.memref_slice %arg8[%add3A_115] : memref<10000xi32, #tpu.memory_space<vmem>> -> memref<128xi32, #tpu.memory_space<vmem>>
          %dma_start3A_117 = arith.constant 0 : i32
          %dma_start3A_118 = arith.constant 0 : i32
          %dma_start3A_119 = tpu.memref_slice %arg2[%dma_start3A_117, %dma_start3A_118] : memref<10000x128xi32, #tpu.memory_space<hbm>> -> memref<10000x128xi32, #tpu.memory_space<hbm>>
          tpu.enqueue_indirect_dma source(%dma_start3A_119 : memref<10000x128xi32, #tpu.memory_space<hbm>>) target(%arg9 : memref<128x128xi32, #tpu.memory_space<vmem>>) offsets(%dma_start3A_116 : memref<128xi32, #tpu.memory_space<vmem>>) semaphore(%arg12 : memref<!tpu.dma_semaphore, #tpu.memory_space<semaphore_mem>>)
          %add3A_120 = arith.constant 128 : i32
          %add3A_121 = arith.addi %mul3A_69, %add3A_120 : i32
          %add3A_122 = arith.addi %mul3A_0, %add3A_121 : i32
          %dma_wait3A_123 = arith.constant 0 : i32
          %dma_wait3A_124 = tpu.memref_slice %arg6[%add3A_122, %dma_wait3A_123] : memref<160000x128xi32, #tpu.memory_space<hbm>> -> memref<128x128xi32, #tpu.memory_space<hbm>>
          %dma_wait3A_125 = arith.constant 0 : i32
          %dma_wait3A_126 = tpu.memref_slice %arg6[%add3A_122, %dma_wait3A_125] : memref<160000x128xi32, #tpu.memory_space<hbm>> -> memref<128x128xi32, #tpu.memory_space<hbm>>
          tpu.wait_dma2 semaphore(%arg16 : memref<!tpu.dma_semaphore, #tpu.memory_space<semaphore_mem>>) src(%arg10 : memref<128x128xi32, #tpu.memory_space<vmem>>) dst(%dma_wait3A_126 : memref<128x128xi32, #tpu.memory_space<hbm>>)
          %add3A_127 = arith.constant 384 : i32
          %add3A_128 = arith.addi %add3A_121, %add3A_127 : i32
          %dma_start3A_129 = tpu.memref_slice %arg8[%add3A_128] : memref<10000xi32, #tpu.memory_space<vmem>> -> memref<128xi32, #tpu.memory_space<vmem>>
          %dma_start3A_130 = arith.constant 0 : i32
          %dma_start3A_131 = arith.constant 0 : i32
          %dma_start3A_132 = tpu.memref_slice %arg2[%dma_start3A_130, %dma_start3A_131] : memref<10000x128xi32, #tpu.memory_space<hbm>> -> memref<10000x128xi32, #tpu.memory_space<hbm>>
          tpu.enqueue_indirect_dma source(%dma_start3A_132 : memref<10000x128xi32, #tpu.memory_space<hbm>>) target(%arg10 : memref<128x128xi32, #tpu.memory_space<vmem>>) offsets(%dma_start3A_129 : memref<128xi32, #tpu.memory_space<vmem>>) semaphore(%arg13 : memref<!tpu.dma_semaphore, #tpu.memory_space<semaphore_mem>>)
          %add3A_133 = arith.constant 256 : i32
          %add3A_134 = arith.addi %mul3A_69, %add3A_133 : i32
          %add3A_135 = arith.addi %mul3A_0, %add3A_134 : i32
          %dma_wait3A_136 = arith.constant 0 : i32
          %dma_wait3A_137 = tpu.memref_slice %arg6[%add3A_135, %dma_wait3A_136] : memref<160000x128xi32, #tpu.memory_space<hbm>> -> memref<128x128xi32, #tpu.memory_space<hbm>>
          %dma_wait3A_138 = arith.constant 0 : i32
          %dma_wait3A_139 = tpu.memref_slice %arg6[%add3A_135, %dma_wait3A_138] : memref<160000x128xi32, #tpu.memory_space<hbm>> -> memref<128x128xi32, #tpu.memory_space<hbm>>
          tpu.wait_dma2 semaphore(%arg17 : memref<!tpu.dma_semaphore, #tpu.memory_space<semaphore_mem>>) src(%arg11 : memref<128x128xi32, #tpu.memory_space<vmem>>) dst(%dma_wait3A_139 : memref<128x128xi32, #tpu.memory_space<hbm>>)
          %add3A_140 = arith.constant 384 : i32
          %add3A_141 = arith.addi %add3A_134, %add3A_140 : i32
          %dma_start3A_142 = tpu.memref_slice %arg8[%add3A_141] : memref<10000xi32, #tpu.memory_space<vmem>> -> memref<128xi32, #tpu.memory_space<vmem>>
          %dma_start3A_143 = arith.constant 0 : i32
          %dma_start3A_144 = arith.constant 0 : i32
          %dma_start3A_145 = tpu.memref_slice %arg2[%dma_start3A_143, %dma_start3A_144] : memref<10000x128xi32, #tpu.memory_space<hbm>> -> memref<10000x128xi32, #tpu.memory_space<hbm>>
          tpu.enqueue_indirect_dma source(%dma_start3A_145 : memref<10000x128xi32, #tpu.memory_space<hbm>>) target(%arg11 : memref<128x128xi32, #tpu.memory_space<vmem>>) offsets(%dma_start3A_142 : memref<128xi32, #tpu.memory_space<vmem>>) semaphore(%arg14 : memref<!tpu.dma_semaphore, #tpu.memory_space<semaphore_mem>>)
        } else {
        }
      }
      %scan3A_26 = arith.constant 26 : i32
      %add3A = arith.constant 9600 : i32
      %add3A_27 = arith.addi %mul3A_0, %add3A : i32
      %add3A_28 = arith.constant 0 : i32
      %add3A_29 = arith.addi %add3A_27, %add3A_28 : i32
      %dma_wait3A = arith.constant 0 : i32
      %dma_wait3A_30 = tpu.memref_slice %arg6[%add3A_29, %dma_wait3A] : memref<160000x128xi32, #tpu.memory_space<hbm>> -> memref<128x128xi32, #tpu.memory_space<hbm>>
      %dma_wait3A_31 = arith.constant 0 : i32
      %dma_wait3A_32 = tpu.memref_slice %arg6[%add3A_29, %dma_wait3A_31] : memref<160000x128xi32, #tpu.memory_space<hbm>> -> memref<128x128xi32, #tpu.memory_space<hbm>>
      tpu.wait_dma2 semaphore(%arg15 : memref<!tpu.dma_semaphore, #tpu.memory_space<semaphore_mem>>) src(%arg9 : memref<128x128xi32, #tpu.memory_space<vmem>>) dst(%dma_wait3A_32 : memref<128x128xi32, #tpu.memory_space<hbm>>)
      %add3A_33 = arith.constant 9600 : i32
      %add3A_34 = arith.addi %mul3A_0, %add3A_33 : i32
      %add3A_35 = arith.constant 128 : i32
      %add3A_36 = arith.addi %add3A_34, %add3A_35 : i32
      %dma_wait3A_37 = arith.constant 0 : i32
      %dma_wait3A_38 = tpu.memref_slice %arg6[%add3A_36, %dma_wait3A_37] : memref<160000x128xi32, #tpu.memory_space<hbm>> -> memref<128x128xi32, #tpu.memory_space<hbm>>
      %dma_wait3A_39 = arith.constant 0 : i32
      %dma_wait3A_40 = tpu.memref_slice %arg6[%add3A_36, %dma_wait3A_39] : memref<160000x128xi32, #tpu.memory_space<hbm>> -> memref<128x128xi32, #tpu.memory_space<hbm>>
      tpu.wait_dma2 semaphore(%arg16 : memref<!tpu.dma_semaphore, #tpu.memory_space<semaphore_mem>>) src(%arg10 : memref<128x128xi32, #tpu.memory_space<vmem>>) dst(%dma_wait3A_40 : memref<128x128xi32, #tpu.memory_space<hbm>>)
      %add3A_41 = arith.constant 9600 : i32
      %add3A_42 = arith.addi %mul3A_0, %add3A_41 : i32
      %add3A_43 = arith.constant 256 : i32
      %add3A_44 = arith.addi %add3A_42, %add3A_43 : i32
      %dma_wait3A_45 = arith.constant 0 : i32
      %dma_wait3A_46 = tpu.memref_slice %arg6[%add3A_44, %dma_wait3A_45] : memref<160000x128xi32, #tpu.memory_space<hbm>> -> memref<128x128xi32, #tpu.memory_space<hbm>>
      %dma_wait3A_47 = arith.constant 0 : i32
      %dma_wait3A_48 = tpu.memref_slice %arg6[%add3A_44, %dma_wait3A_47] : memref<160000x128xi32, #tpu.memory_space<hbm>> -> memref<128x128xi32, #tpu.memory_space<hbm>>
      tpu.wait_dma2 semaphore(%arg17 : memref<!tpu.dma_semaphore, #tpu.memory_space<semaphore_mem>>) src(%arg11 : memref<128x128xi32, #tpu.memory_space<vmem>>) dst(%dma_wait3A_48 : memref<128x128xi32, #tpu.memory_space<hbm>>)
      %dma_start3A_49 = arith.constant 0 : i32
      %dma_start3A_50 = arith.constant 0 : i32
      %dma_start3A_51 = tpu.memref_slice %arg9[%dma_start3A_49, %dma_start3A_50] : memref<128x128xi32, #tpu.memory_space<vmem>> -> memref<16x128xi32, #tpu.memory_space<vmem>>
      %dma_start3A_52 = arith.constant 9984 : i32
      %dma_start3A_53 = tpu.memref_slice %arg8[%dma_start3A_52] : memref<10000xi32, #tpu.memory_space<vmem>> -> memref<16xi32, #tpu.memory_space<vmem>>
      %dma_start3A_54 = arith.constant 0 : i32
      %dma_start3A_55 = arith.constant 0 : i32
      %dma_start3A_56 = tpu.memref_slice %arg2[%dma_start3A_54, %dma_start3A_55] : memref<10000x128xi32, #tpu.memory_space<hbm>> -> memref<10000x128xi32, #tpu.memory_space<hbm>>
      tpu.enqueue_indirect_dma source(%dma_start3A_56 : memref<10000x128xi32, #tpu.memory_space<hbm>>) target(%dma_start3A_51 : memref<16x128xi32, #tpu.memory_space<vmem>>) offsets(%dma_start3A_53 : memref<16xi32, #tpu.memory_space<vmem>>) semaphore(%arg12 : memref<!tpu.dma_semaphore, #tpu.memory_space<semaphore_mem>>)
      %dma_wait3A_57 = arith.constant 0 : i32
      %dma_wait3A_58 = arith.constant 0 : i32
      %dma_wait3A_59 = tpu.memref_slice %arg9[%dma_wait3A_57, %dma_wait3A_58] : memref<128x128xi32, #tpu.memory_space<vmem>> -> memref<16x128xi32, #tpu.memory_space<vmem>>
      %dma_wait3A_60 = arith.constant 9984 : i32
      %dma_wait3A_61 = tpu.memref_slice %arg8[%dma_wait3A_60] : memref<10000xi32, #tpu.memory_space<vmem>> -> memref<16xi32, #tpu.memory_space<vmem>>
      %dma_wait3A_62 = arith.constant 0 : i32
      %dma_wait3A_63 = arith.constant 0 : i32
      %dma_wait3A_64 = tpu.memref_slice %arg2[%dma_wait3A_62, %dma_wait3A_63] : memref<10000x128xi32, #tpu.memory_space<hbm>> -> memref<10000x128xi32, #tpu.memory_space<hbm>>
      tpu.wait_indirect_dma semaphore(%arg12 : memref<!tpu.dma_semaphore, #tpu.memory_space<semaphore_mem>>) src(%dma_wait3A_64 : memref<10000x128xi32, #tpu.memory_space<hbm>>) dst(%dma_wait3A_59 : memref<16x128xi32, #tpu.memory_space<vmem>>)
      %add3A_65 = arith.constant 9984 : i32
      %add3A_66 = arith.addi %mul3A_0, %add3A_65 : i32
      "tpu.region"() ({
        %run_scoped3A = tpu.sem_alloc : memref<!tpu.dma_semaphore, #tpu.memory_space<semaphore_mem>>
        %dma_start3A_67 = arith.constant 0 : i32
        %dma_start3A_68 = arith.constant 0 : i32
        %dma_start3A_69 = tpu.memref_slice %arg9[%dma_start3A_67, %dma_start3A_68] : memref<128x128xi32, #tpu.memory_space<vmem>> -> memref<16x128xi32, #tpu.memory_space<vmem>>
        %dma_start3A_70 = arith.constant 0 : i32
        %dma_start3A_71 = tpu.memref_slice %arg6[%add3A_66, %dma_start3A_70] : memref<160000x128xi32, #tpu.memory_space<hbm>> -> memref<16x128xi32, #tpu.memory_space<hbm>>
        %dma_start3A_72 = arith.constant 0 : i32
        %dma_start3A_73 = tpu.memref_slice %arg6[%add3A_66, %dma_start3A_72] : memref<160000x128xi32, #tpu.memory_space<hbm>> -> memref<16x128xi32, #tpu.memory_space<hbm>>
        %dma_start3A_74 = arith.constant 0 : i32
        %dma_start3A_75 = arith.constant 0 : i32
        %dma_start3A_76 = tpu.memref_slice %arg9[%dma_start3A_74, %dma_start3A_75] : memref<128x128xi32, #tpu.memory_space<vmem>> -> memref<16x128xi32, #tpu.memory_space<vmem>>
        tpu.enqueue_dma source(%dma_start3A_76 : memref<16x128xi32, #tpu.memory_space<vmem>>) target(%dma_start3A_73 : memref<16x128xi32, #tpu.memory_space<hbm>>) target_semaphore(%run_scoped3A : memref<!tpu.dma_semaphore, #tpu.memory_space<semaphore_mem>>)
        %dma_wait3A_77 = arith.constant 0 : i32
        %dma_wait3A_78 = arith.constant 0 : i32
        %dma_wait3A_79 = tpu.memref_slice %arg9[%dma_wait3A_77, %dma_wait3A_78] : memref<128x128xi32, #tpu.memory_space<vmem>> -> memref<16x128xi32, #tpu.memory_space<vmem>>
        %dma_wait3A_80 = arith.constant 0 : i32
        %dma_wait3A_81 = tpu.memref_slice %arg6[%add3A_66, %dma_wait3A_80] : memref<160000x128xi32, #tpu.memory_space<hbm>> -> memref<16x128xi32, #tpu.memory_space<hbm>>
        %dma_wait3A_82 = arith.constant 0 : i32
        %dma_wait3A_83 = tpu.memref_slice %arg6[%add3A_66, %dma_wait3A_82] : memref<160000x128xi32, #tpu.memory_space<hbm>> -> memref<16x128xi32, #tpu.memory_space<hbm>>
        %dma_wait3A_84 = arith.constant 0 : i32
        %dma_wait3A_85 = arith.constant 0 : i32
        %dma_wait3A_86 = tpu.memref_slice %arg9[%dma_wait3A_84, %dma_wait3A_85] : memref<128x128xi32, #tpu.memory_space<vmem>> -> memref<16x128xi32, #tpu.memory_space<vmem>>
        tpu.wait_dma2 semaphore(%run_scoped3A : memref<!tpu.dma_semaphore, #tpu.memory_space<semaphore_mem>>) src(%dma_wait3A_86 : memref<16x128xi32, #tpu.memory_space<vmem>>) dst(%dma_wait3A_83 : memref<16x128xi32, #tpu.memory_space<hbm>>)
        tpu.yield
      }) : () -> ()
    } else {
    }
    %eq3A_3 = arith.constant 1 : i32
    %eq3A_4 = arith.cmpi eq, %arg0, %eq3A_3 : i32
    %convert_element_type3A_5 = arith.extui %eq3A_4 : i1 to i32
    %cond3A_6 = arith.constant 0 : i32
    %cond3A_7 = arith.cmpi ne, %convert_element_type3A_5, %cond3A_6 : i32
    scf.if %cond3A_7 {
      "tpu.region"() ({
        %run_scoped3A = tpu.sem_alloc : memref<!tpu.dma_semaphore, #tpu.memory_space<semaphore_mem>>
        %dma_start3A_67 = tpu.memref_slice %arg5[%mul3A_0] : memref<160000xi32, #tpu.memory_space<hbm>> -> memref<10000xi32, #tpu.memory_space<hbm>>
        %dma_start3A_68 = tpu.memref_slice %arg5[%mul3A_0] : memref<160000xi32, #tpu.memory_space<hbm>> -> memref<10000xi32, #tpu.memory_space<hbm>>
        tpu.enqueue_dma source(%dma_start3A_68 : memref<10000xi32, #tpu.memory_space<hbm>>) target(%arg8 : memref<10000xi32, #tpu.memory_space<vmem>>) target_semaphore(%run_scoped3A : memref<!tpu.dma_semaphore, #tpu.memory_space<semaphore_mem>>)
        %dma_wait3A_69 = tpu.memref_slice %arg5[%mul3A_0] : memref<160000xi32, #tpu.memory_space<hbm>> -> memref<10000xi32, #tpu.memory_space<hbm>>
        %dma_wait3A_70 = tpu.memref_slice %arg5[%mul3A_0] : memref<160000xi32, #tpu.memory_space<hbm>> -> memref<10000xi32, #tpu.memory_space<hbm>>
        tpu.wait_dma2 semaphore(%run_scoped3A : memref<!tpu.dma_semaphore, #tpu.memory_space<semaphore_mem>>) src(%dma_wait3A_70 : memref<10000xi32, #tpu.memory_space<hbm>>) dst(%arg8 : memref<10000xi32, #tpu.memory_space<vmem>>)
        tpu.yield
      }) : () -> ()
      %dma_start3A = arith.constant 0 : i32
      %dma_start3A_8 = tpu.memref_slice %arg8[%dma_start3A] : memref<10000xi32, #tpu.memory_space<vmem>> -> memref<128xi32, #tpu.memory_space<vmem>>
      %dma_start3A_9 = arith.constant 0 : i32
      %dma_start3A_10 = arith.constant 0 : i32
      %dma_start3A_11 = tpu.memref_slice %arg3[%dma_start3A_9, %dma_start3A_10] : memref<10000x128xi32, #tpu.memory_space<hbm>> -> memref<10000x128xi32, #tpu.memory_space<hbm>>
      tpu.enqueue_indirect_dma source(%dma_start3A_11 : memref<10000x128xi32, #tpu.memory_space<hbm>>) target(%arg9 : memref<128x128xi32, #tpu.memory_space<vmem>>) offsets(%dma_start3A_8 : memref<128xi32, #tpu.memory_space<vmem>>) semaphore(%arg12 : memref<!tpu.dma_semaphore, #tpu.memory_space<semaphore_mem>>)
      %dma_start3A_12 = arith.constant 128 : i32
      %dma_start3A_13 = tpu.memref_slice %arg8[%dma_start3A_12] : memref<10000xi32, #tpu.memory_space<vmem>> -> memref<128xi32, #tpu.memory_space<vmem>>
      %dma_start3A_14 = arith.constant 0 : i32
      %dma_start3A_15 = arith.constant 0 : i32
      %dma_start3A_16 = tpu.memref_slice %arg3[%dma_start3A_14, %dma_start3A_15] : memref<10000x128xi32, #tpu.memory_space<hbm>> -> memref<10000x128xi32, #tpu.memory_space<hbm>>
      tpu.enqueue_indirect_dma source(%dma_start3A_16 : memref<10000x128xi32, #tpu.memory_space<hbm>>) target(%arg10 : memref<128x128xi32, #tpu.memory_space<vmem>>) offsets(%dma_start3A_13 : memref<128xi32, #tpu.memory_space<vmem>>) semaphore(%arg13 : memref<!tpu.dma_semaphore, #tpu.memory_space<semaphore_mem>>)
      %dma_start3A_17 = arith.constant 256 : i32
      %dma_start3A_18 = tpu.memref_slice %arg8[%dma_start3A_17] : memref<10000xi32, #tpu.memory_space<vmem>> -> memref<128xi32, #tpu.memory_space<vmem>>
      %dma_start3A_19 = arith.constant 0 : i32
      %dma_start3A_20 = arith.constant 0 : i32
      %dma_start3A_21 = tpu.memref_slice %arg3[%dma_start3A_19, %dma_start3A_20] : memref<10000x128xi32, #tpu.memory_space<hbm>> -> memref<10000x128xi32, #tpu.memory_space<hbm>>
      tpu.enqueue_indirect_dma source(%dma_start3A_21 : memref<10000x128xi32, #tpu.memory_space<hbm>>) target(%arg11 : memref<128x128xi32, #tpu.memory_space<vmem>>) offsets(%dma_start3A_18 : memref<128xi32, #tpu.memory_space<vmem>>) semaphore(%arg14 : memref<!tpu.dma_semaphore, #tpu.memory_space<semaphore_mem>>)
      %scan3A = arith.constant 0 : i32
      %scan3A_22 = arith.constant 0 : i32
      %scan3A_23 = arith.constant 26 : i32
      %scan3A_24 = arith.addi %scan3A_22, %scan3A_23 : i32
      %scan3A_25 = arith.constant 1 : i32
      scf.for %scan3A_67 = %scan3A_22 to %scan3A_24 step %scan3A_25  : i32 {
        %mul3A_68 = arith.constant 384 : i32
        %mul3A_69 = arith.muli %scan3A_67, %mul3A_68 : i32
        %add3A_70 = arith.constant 0 : i32
        %add3A_71 = arith.addi %mul3A_69, %add3A_70 : i32
        %dma_wait3A_72 = tpu.memref_slice %arg8[%add3A_71] : memref<10000xi32, #tpu.memory_space<vmem>> -> memref<128xi32, #tpu.memory_space<vmem>>
        %dma_wait3A_73 = arith.constant 0 : i32
        %dma_wait3A_74 = arith.constant 0 : i32
        %dma_wait3A_75 = tpu.memref_slice %arg3[%dma_wait3A_73, %dma_wait3A_74] : memref<10000x128xi32, #tpu.memory_space<hbm>> -> memref<10000x128xi32, #tpu.memory_space<hbm>>
        tpu.wait_indirect_dma semaphore(%arg12 : memref<!tpu.dma_semaphore, #tpu.memory_space<semaphore_mem>>) src(%dma_wait3A_75 : memref<10000x128xi32, #tpu.memory_space<hbm>>) dst(%arg9 : memref<128x128xi32, #tpu.memory_space<vmem>>)
        %add3A_76 = arith.addi %mul3A_0, %add3A_71 : i32
        %dma_start3A_77 = arith.constant 0 : i32
        %dma_start3A_78 = tpu.memref_slice %arg7[%add3A_76, %dma_start3A_77] : memref<160000x128xi32, #tpu.memory_space<hbm>> -> memref<128x128xi32, #tpu.memory_space<hbm>>
        %dma_start3A_79 = arith.constant 0 : i32
        %dma_start3A_80 = tpu.memref_slice %arg7[%add3A_76, %dma_start3A_79] : memref<160000x128xi32, #tpu.memory_space<hbm>> -> memref<128x128xi32, #tpu.memory_space<hbm>>
        tpu.enqueue_dma source(%arg9 : memref<128x128xi32, #tpu.memory_space<vmem>>) target(%dma_start3A_80 : memref<128x128xi32, #tpu.memory_space<hbm>>) target_semaphore(%arg15 : memref<!tpu.dma_semaphore, #tpu.memory_space<semaphore_mem>>)
        %add3A_81 = arith.constant 128 : i32
        %add3A_82 = arith.addi %mul3A_69, %add3A_81 : i32
        %dma_wait3A_83 = tpu.memref_slice %arg8[%add3A_82] : memref<10000xi32, #tpu.memory_space<vmem>> -> memref<128xi32, #tpu.memory_space<vmem>>
        %dma_wait3A_84 = arith.constant 0 : i32
        %dma_wait3A_85 = arith.constant 0 : i32
        %dma_wait3A_86 = tpu.memref_slice %arg3[%dma_wait3A_84, %dma_wait3A_85] : memref<10000x128xi32, #tpu.memory_space<hbm>> -> memref<10000x128xi32, #tpu.memory_space<hbm>>
        tpu.wait_indirect_dma semaphore(%arg13 : memref<!tpu.dma_semaphore, #tpu.memory_space<semaphore_mem>>) src(%dma_wait3A_86 : memref<10000x128xi32, #tpu.memory_space<hbm>>) dst(%arg10 : memref<128x128xi32, #tpu.memory_space<vmem>>)
        %add3A_87 = arith.addi %mul3A_0, %add3A_82 : i32
        %dma_start3A_88 = arith.constant 0 : i32
        %dma_start3A_89 = tpu.memref_slice %arg7[%add3A_87, %dma_start3A_88] : memref<160000x128xi32, #tpu.memory_space<hbm>> -> memref<128x128xi32, #tpu.memory_space<hbm>>
        %dma_start3A_90 = arith.constant 0 : i32
        %dma_start3A_91 = tpu.memref_slice %arg7[%add3A_87, %dma_start3A_90] : memref<160000x128xi32, #tpu.memory_space<hbm>> -> memref<128x128xi32, #tpu.memory_space<hbm>>
        tpu.enqueue_dma source(%arg10 : memref<128x128xi32, #tpu.memory_space<vmem>>) target(%dma_start3A_91 : memref<128x128xi32, #tpu.memory_space<hbm>>) target_semaphore(%arg16 : memref<!tpu.dma_semaphore, #tpu.memory_space<semaphore_mem>>)
        %add3A_92 = arith.constant 256 : i32
        %add3A_93 = arith.addi %mul3A_69, %add3A_92 : i32
        %dma_wait3A_94 = tpu.memref_slice %arg8[%add3A_93] : memref<10000xi32, #tpu.memory_space<vmem>> -> memref<128xi32, #tpu.memory_space<vmem>>
        %dma_wait3A_95 = arith.constant 0 : i32
        %dma_wait3A_96 = arith.constant 0 : i32
        %dma_wait3A_97 = tpu.memref_slice %arg3[%dma_wait3A_95, %dma_wait3A_96] : memref<10000x128xi32, #tpu.memory_space<hbm>> -> memref<10000x128xi32, #tpu.memory_space<hbm>>
        tpu.wait_indirect_dma semaphore(%arg14 : memref<!tpu.dma_semaphore, #tpu.memory_space<semaphore_mem>>) src(%dma_wait3A_97 : memref<10000x128xi32, #tpu.memory_space<hbm>>) dst(%arg11 : memref<128x128xi32, #tpu.memory_space<vmem>>)
        %add3A_98 = arith.addi %mul3A_0, %add3A_93 : i32
        %dma_start3A_99 = arith.constant 0 : i32
        %dma_start3A_100 = tpu.memref_slice %arg7[%add3A_98, %dma_start3A_99] : memref<160000x128xi32, #tpu.memory_space<hbm>> -> memref<128x128xi32, #tpu.memory_space<hbm>>
        %dma_start3A_101 = arith.constant 0 : i32
        %dma_start3A_102 = tpu.memref_slice %arg7[%add3A_98, %dma_start3A_101] : memref<160000x128xi32, #tpu.memory_space<hbm>> -> memref<128x128xi32, #tpu.memory_space<hbm>>
        tpu.enqueue_dma source(%arg11 : memref<128x128xi32, #tpu.memory_space<vmem>>) target(%dma_start3A_102 : memref<128x128xi32, #tpu.memory_space<hbm>>) target_semaphore(%arg17 : memref<!tpu.dma_semaphore, #tpu.memory_space<semaphore_mem>>)
        %lt3A = arith.constant 25 : i32
        %lt3A_103 = arith.cmpi slt, %scan3A_67, %lt3A : i32
        %convert_element_type3A_104 = arith.extui %lt3A_103 : i1 to i32
        %cond3A_105 = arith.constant 0 : i32
        %cond3A_106 = arith.cmpi ne, %convert_element_type3A_104, %cond3A_105 : i32
        scf.if %cond3A_106 {
          %add3A_107 = arith.constant 0 : i32
          %add3A_108 = arith.addi %mul3A_69, %add3A_107 : i32
          %add3A_109 = arith.addi %mul3A_0, %add3A_108 : i32
          %dma_wait3A_110 = arith.constant 0 : i32
          %dma_wait3A_111 = tpu.memref_slice %arg7[%add3A_109, %dma_wait3A_110] : memref<160000x128xi32, #tpu.memory_space<hbm>> -> memref<128x128xi32, #tpu.memory_space<hbm>>
          %dma_wait3A_112 = arith.constant 0 : i32
          %dma_wait3A_113 = tpu.memref_slice %arg7[%add3A_109, %dma_wait3A_112] : memref<160000x128xi32, #tpu.memory_space<hbm>> -> memref<128x128xi32, #tpu.memory_space<hbm>>
          tpu.wait_dma2 semaphore(%arg15 : memref<!tpu.dma_semaphore, #tpu.memory_space<semaphore_mem>>) src(%arg9 : memref<128x128xi32, #tpu.memory_space<vmem>>) dst(%dma_wait3A_113 : memref<128x128xi32, #tpu.memory_space<hbm>>)
          %add3A_114 = arith.constant 384 : i32
          %add3A_115 = arith.addi %add3A_108, %add3A_114 : i32
          %dma_start3A_116 = tpu.memref_slice %arg8[%add3A_115] : memref<10000xi32, #tpu.memory_space<vmem>> -> memref<128xi32, #tpu.memory_space<vmem>>
          %dma_start3A_117 = arith.constant 0 : i32
          %dma_start3A_118 = arith.constant 0 : i32
          %dma_start3A_119 = tpu.memref_slice %arg3[%dma_start3A_117, %dma_start3A_118] : memref<10000x128xi32, #tpu.memory_space<hbm>> -> memref<10000x128xi32, #tpu.memory_space<hbm>>
          tpu.enqueue_indirect_dma source(%dma_start3A_119 : memref<10000x128xi32, #tpu.memory_space<hbm>>) target(%arg9 : memref<128x128xi32, #tpu.memory_space<vmem>>) offsets(%dma_start3A_116 : memref<128xi32, #tpu.memory_space<vmem>>) semaphore(%arg12 : memref<!tpu.dma_semaphore, #tpu.memory_space<semaphore_mem>>)
          %add3A_120 = arith.constant 128 : i32
          %add3A_121 = arith.addi %mul3A_69, %add3A_120 : i32
          %add3A_122 = arith.addi %mul3A_0, %add3A_121 : i32
          %dma_wait3A_123 = arith.constant 0 : i32
          %dma_wait3A_124 = tpu.memref_slice %arg7[%add3A_122, %dma_wait3A_123] : memref<160000x128xi32, #tpu.memory_space<hbm>> -> memref<128x128xi32, #tpu.memory_space<hbm>>
          %dma_wait3A_125 = arith.constant 0 : i32
          %dma_wait3A_126 = tpu.memref_slice %arg7[%add3A_122, %dma_wait3A_125] : memref<160000x128xi32, #tpu.memory_space<hbm>> -> memref<128x128xi32, #tpu.memory_space<hbm>>
          tpu.wait_dma2 semaphore(%arg16 : memref<!tpu.dma_semaphore, #tpu.memory_space<semaphore_mem>>) src(%arg10 : memref<128x128xi32, #tpu.memory_space<vmem>>) dst(%dma_wait3A_126 : memref<128x128xi32, #tpu.memory_space<hbm>>)
          %add3A_127 = arith.constant 384 : i32
          %add3A_128 = arith.addi %add3A_121, %add3A_127 : i32
          %dma_start3A_129 = tpu.memref_slice %arg8[%add3A_128] : memref<10000xi32, #tpu.memory_space<vmem>> -> memref<128xi32, #tpu.memory_space<vmem>>
          %dma_start3A_130 = arith.constant 0 : i32
          %dma_start3A_131 = arith.constant 0 : i32
          %dma_start3A_132 = tpu.memref_slice %arg3[%dma_start3A_130, %dma_start3A_131] : memref<10000x128xi32, #tpu.memory_space<hbm>> -> memref<10000x128xi32, #tpu.memory_space<hbm>>
          tpu.enqueue_indirect_dma source(%dma_start3A_132 : memref<10000x128xi32, #tpu.memory_space<hbm>>) target(%arg10 : memref<128x128xi32, #tpu.memory_space<vmem>>) offsets(%dma_start3A_129 : memref<128xi32, #tpu.memory_space<vmem>>) semaphore(%arg13 : memref<!tpu.dma_semaphore, #tpu.memory_space<semaphore_mem>>)
          %add3A_133 = arith.constant 256 : i32
          %add3A_134 = arith.addi %mul3A_69, %add3A_133 : i32
          %add3A_135 = arith.addi %mul3A_0, %add3A_134 : i32
          %dma_wait3A_136 = arith.constant 0 : i32
          %dma_wait3A_137 = tpu.memref_slice %arg7[%add3A_135, %dma_wait3A_136] : memref<160000x128xi32, #tpu.memory_space<hbm>> -> memref<128x128xi32, #tpu.memory_space<hbm>>
          %dma_wait3A_138 = arith.constant 0 : i32
          %dma_wait3A_139 = tpu.memref_slice %arg7[%add3A_135, %dma_wait3A_138] : memref<160000x128xi32, #tpu.memory_space<hbm>> -> memref<128x128xi32, #tpu.memory_space<hbm>>
          tpu.wait_dma2 semaphore(%arg17 : memref<!tpu.dma_semaphore, #tpu.memory_space<semaphore_mem>>) src(%arg11 : memref<128x128xi32, #tpu.memory_space<vmem>>) dst(%dma_wait3A_139 : memref<128x128xi32, #tpu.memory_space<hbm>>)
          %add3A_140 = arith.constant 384 : i32
          %add3A_141 = arith.addi %add3A_134, %add3A_140 : i32
          %dma_start3A_142 = tpu.memref_slice %arg8[%add3A_141] : memref<10000xi32, #tpu.memory_space<vmem>> -> memref<128xi32, #tpu.memory_space<vmem>>
          %dma_start3A_143 = arith.constant 0 : i32
          %dma_start3A_144 = arith.constant 0 : i32
          %dma_start3A_145 = tpu.memref_slice %arg3[%dma_start3A_143, %dma_start3A_144] : memref<10000x128xi32, #tpu.memory_space<hbm>> -> memref<10000x128xi32, #tpu.memory_space<hbm>>
          tpu.enqueue_indirect_dma source(%dma_start3A_145 : memref<10000x128xi32, #tpu.memory_space<hbm>>) target(%arg11 : memref<128x128xi32, #tpu.memory_space<vmem>>) offsets(%dma_start3A_142 : memref<128xi32, #tpu.memory_space<vmem>>) semaphore(%arg14 : memref<!tpu.dma_semaphore, #tpu.memory_space<semaphore_mem>>)
        } else {
        }
      }
      %scan3A_26 = arith.constant 26 : i32
      %add3A = arith.constant 9600 : i32
      %add3A_27 = arith.addi %mul3A_0, %add3A : i32
      %add3A_28 = arith.constant 0 : i32
      %add3A_29 = arith.addi %add3A_27, %add3A_28 : i32
      %dma_wait3A = arith.constant 0 : i32
      %dma_wait3A_30 = tpu.memref_slice %arg7[%add3A_29, %dma_wait3A] : memref<160000x128xi32, #tpu.memory_space<hbm>> -> memref<128x128xi32, #tpu.memory_space<hbm>>
      %dma_wait3A_31 = arith.constant 0 : i32
      %dma_wait3A_32 = tpu.memref_slice %arg7[%add3A_29, %dma_wait3A_31] : memref<160000x128xi32, #tpu.memory_space<hbm>> -> memref<128x128xi32, #tpu.memory_space<hbm>>
      tpu.wait_dma2 semaphore(%arg15 : memref<!tpu.dma_semaphore, #tpu.memory_space<semaphore_mem>>) src(%arg9 : memref<128x128xi32, #tpu.memory_space<vmem>>) dst(%dma_wait3A_32 : memref<128x128xi32, #tpu.memory_space<hbm>>)
      %add3A_33 = arith.constant 9600 : i32
      %add3A_34 = arith.addi %mul3A_0, %add3A_33 : i32
      %add3A_35 = arith.constant 128 : i32
      %add3A_36 = arith.addi %add3A_34, %add3A_35 : i32
      %dma_wait3A_37 = arith.constant 0 : i32
      %dma_wait3A_38 = tpu.memref_slice %arg7[%add3A_36, %dma_wait3A_37] : memref<160000x128xi32, #tpu.memory_space<hbm>> -> memref<128x128xi32, #tpu.memory_space<hbm>>
      %dma_wait3A_39 = arith.constant 0 : i32
      %dma_wait3A_40 = tpu.memref_slice %arg7[%add3A_36, %dma_wait3A_39] : memref<160000x128xi32, #tpu.memory_space<hbm>> -> memref<128x128xi32, #tpu.memory_space<hbm>>
      tpu.wait_dma2 semaphore(%arg16 : memref<!tpu.dma_semaphore, #tpu.memory_space<semaphore_mem>>) src(%arg10 : memref<128x128xi32, #tpu.memory_space<vmem>>) dst(%dma_wait3A_40 : memref<128x128xi32, #tpu.memory_space<hbm>>)
      %add3A_41 = arith.constant 9600 : i32
      %add3A_42 = arith.addi %mul3A_0, %add3A_41 : i32
      %add3A_43 = arith.constant 256 : i32
      %add3A_44 = arith.addi %add3A_42, %add3A_43 : i32
      %dma_wait3A_45 = arith.constant 0 : i32
      %dma_wait3A_46 = tpu.memref_slice %arg7[%add3A_44, %dma_wait3A_45] : memref<160000x128xi32, #tpu.memory_space<hbm>> -> memref<128x128xi32, #tpu.memory_space<hbm>>
      %dma_wait3A_47 = arith.constant 0 : i32
      %dma_wait3A_48 = tpu.memref_slice %arg7[%add3A_44, %dma_wait3A_47] : memref<160000x128xi32, #tpu.memory_space<hbm>> -> memref<128x128xi32, #tpu.memory_space<hbm>>
      tpu.wait_dma2 semaphore(%arg17 : memref<!tpu.dma_semaphore, #tpu.memory_space<semaphore_mem>>) src(%arg11 : memref<128x128xi32, #tpu.memory_space<vmem>>) dst(%dma_wait3A_48 : memref<128x128xi32, #tpu.memory_space<hbm>>)
      %dma_start3A_49 = arith.constant 0 : i32
      %dma_start3A_50 = arith.constant 0 : i32
      %dma_start3A_51 = tpu.memref_slice %arg9[%dma_start3A_49, %dma_start3A_50] : memref<128x128xi32, #tpu.memory_space<vmem>> -> memref<16x128xi32, #tpu.memory_space<vmem>>
      %dma_start3A_52 = arith.constant 9984 : i32
      %dma_start3A_53 = tpu.memref_slice %arg8[%dma_start3A_52] : memref<10000xi32, #tpu.memory_space<vmem>> -> memref<16xi32, #tpu.memory_space<vmem>>
      %dma_start3A_54 = arith.constant 0 : i32
      %dma_start3A_55 = arith.constant 0 : i32
      %dma_start3A_56 = tpu.memref_slice %arg3[%dma_start3A_54, %dma_start3A_55] : memref<10000x128xi32, #tpu.memory_space<hbm>> -> memref<10000x128xi32, #tpu.memory_space<hbm>>
      tpu.enqueue_indirect_dma source(%dma_start3A_56 : memref<10000x128xi32, #tpu.memory_space<hbm>>) target(%dma_start3A_51 : memref<16x128xi32, #tpu.memory_space<vmem>>) offsets(%dma_start3A_53 : memref<16xi32, #tpu.memory_space<vmem>>) semaphore(%arg12 : memref<!tpu.dma_semaphore, #tpu.memory_space<semaphore_mem>>)
      %dma_wait3A_57 = arith.constant 0 : i32
      %dma_wait3A_58 = arith.constant 0 : i32
      %dma_wait3A_59 = tpu.memref_slice %arg9[%dma_wait3A_57, %dma_wait3A_58] : memref<128x128xi32, #tpu.memory_space<vmem>> -> memref<16x128xi32, #tpu.memory_space<vmem>>
      %dma_wait3A_60 = arith.constant 9984 : i32
      %dma_wait3A_61 = tpu.memref_slice %arg8[%dma_wait3A_60] : memref<10000xi32, #tpu.memory_space<vmem>> -> memref<16xi32, #tpu.memory_space<vmem>>
      %dma_wait3A_62 = arith.constant 0 : i32
      %dma_wait3A_63 = arith.constant 0 : i32
      %dma_wait3A_64 = tpu.memref_slice %arg3[%dma_wait3A_62, %dma_wait3A_63] : memref<10000x128xi32, #tpu.memory_space<hbm>> -> memref<10000x128xi32, #tpu.memory_space<hbm>>
      tpu.wait_indirect_dma semaphore(%arg12 : memref<!tpu.dma_semaphore, #tpu.memory_space<semaphore_mem>>) src(%dma_wait3A_64 : memref<10000x128xi32, #tpu.memory_space<hbm>>) dst(%dma_wait3A_59 : memref<16x128xi32, #tpu.memory_space<vmem>>)
      %add3A_65 = arith.constant 9984 : i32
      %add3A_66 = arith.addi %mul3A_0, %add3A_65 : i32
      "tpu.region"() ({
        %run_scoped3A = tpu.sem_alloc : memref<!tpu.dma_semaphore, #tpu.memory_space<semaphore_mem>>
        %dma_start3A_67 = arith.constant 0 : i32
        %dma_start3A_68 = arith.constant 0 : i32
        %dma_start3A_69 = tpu.memref_slice %arg9[%dma_start3A_67, %dma_start3A_68] : memref<128x128xi32, #tpu.memory_space<vmem>> -> memref<16x128xi32, #tpu.memory_space<vmem>>
        %dma_start3A_70 = arith.constant 0 : i32
        %dma_start3A_71 = tpu.memref_slice %arg7[%add3A_66, %dma_start3A_70] : memref<160000x128xi32, #tpu.memory_space<hbm>> -> memref<16x128xi32, #tpu.memory_space<hbm>>
        %dma_start3A_72 = arith.constant 0 : i32
        %dma_start3A_73 = tpu.memref_slice %arg7[%add3A_66, %dma_start3A_72] : memref<160000x128xi32, #tpu.memory_space<hbm>> -> memref<16x128xi32, #tpu.memory_space<hbm>>
        %dma_start3A_74 = arith.constant 0 : i32
        %dma_start3A_75 = arith.constant 0 : i32
        %dma_start3A_76 = tpu.memref_slice %arg9[%dma_start3A_74, %dma_start3A_75] : memref<128x128xi32, #tpu.memory_space<vmem>> -> memref<16x128xi32, #tpu.memory_space<vmem>>
        tpu.enqueue_dma source(%dma_start3A_76 : memref<16x128xi32, #tpu.memory_space<vmem>>) target(%dma_start3A_73 : memref<16x128xi32, #tpu.memory_space<hbm>>) target_semaphore(%run_scoped3A : memref<!tpu.dma_semaphore, #tpu.memory_space<semaphore_mem>>)
        %dma_wait3A_77 = arith.constant 0 : i32
        %dma_wait3A_78 = arith.constant 0 : i32
        %dma_wait3A_79 = tpu.memref_slice %arg9[%dma_wait3A_77, %dma_wait3A_78] : memref<128x128xi32, #tpu.memory_space<vmem>> -> memref<16x128xi32, #tpu.memory_space<vmem>>
        %dma_wait3A_80 = arith.constant 0 : i32
        %dma_wait3A_81 = tpu.memref_slice %arg7[%add3A_66, %dma_wait3A_80] : memref<160000x128xi32, #tpu.memory_space<hbm>> -> memref<16x128xi32, #tpu.memory_space<hbm>>
        %dma_wait3A_82 = arith.constant 0 : i32
        %dma_wait3A_83 = tpu.memref_slice %arg7[%add3A_66, %dma_wait3A_82] : memref<160000x128xi32, #tpu.memory_space<hbm>> -> memref<16x128xi32, #tpu.memory_space<hbm>>
        %dma_wait3A_84 = arith.constant 0 : i32
        %dma_wait3A_85 = arith.constant 0 : i32
        %dma_wait3A_86 = tpu.memref_slice %arg9[%dma_wait3A_84, %dma_wait3A_85] : memref<128x128xi32, #tpu.memory_space<vmem>> -> memref<16x128xi32, #tpu.memory_space<vmem>>
        tpu.wait_dma2 semaphore(%run_scoped3A : memref<!tpu.dma_semaphore, #tpu.memory_space<semaphore_mem>>) src(%dma_wait3A_86 : memref<16x128xi32, #tpu.memory_space<vmem>>) dst(%dma_wait3A_83 : memref<16x128xi32, #tpu.memory_space<hbm>>)
        tpu.yield
      }) : () -> ()
    } else {
    }
    return
  }
}

module attributes {stable_mosaic.version = 14 : i64} {
  func.func @_enc_node_body(%arg0: i32, %arg1: memref<1000x8xf32, #tpu.memory_space<vmem>>, %arg2: memref<8x256xf32, #tpu.memory_space<vmem>>, %arg3: memref<1x256xf32, #tpu.memory_space<vmem>>, %arg4: memref<256x256xf32, #tpu.memory_space<vmem>>, %arg5: memref<1x256xf32, #tpu.memory_space<vmem>>, %arg6: memref<1x256xf32, #tpu.memory_space<vmem>>, %arg7: memref<1x256xf32, #tpu.memory_space<vmem>>, %arg8: memref<256x256xf32, #tpu.memory_space<vmem>>, %arg9: memref<256x256xf32, #tpu.memory_space<vmem>>, %arg10: memref<1000x256xf32, #tpu.memory_space<vmem>>, %arg11: memref<1000x128xi32, #tpu.memory_space<vmem>>, %arg12: memref<1000x128xi32, #tpu.memory_space<vmem>>) attributes {dimension_semantics = [#tpu.dimension_semantics<arbitrary>], iteration_bounds = array<i64: 10>, scalar_prefetch = 0 : i64, scratch_operands = 0 : i64, tpu.core_type = #tpu.core_type<tc>, window_params = [{transform_indices = @transform_0, window_bounds = array<i64: 1000, 8>}, {pipeline_mode = #tpu.pipeline_mode<synchronous>, transform_indices = @transform_1, window_bounds = array<i64: 8, 256>}, {pipeline_mode = #tpu.pipeline_mode<synchronous>, transform_indices = @transform_2, window_bounds = array<i64: 1, 256>}, {pipeline_mode = #tpu.pipeline_mode<synchronous>, transform_indices = @transform_3, window_bounds = array<i64: 256, 256>}, {pipeline_mode = #tpu.pipeline_mode<synchronous>, transform_indices = @transform_4, window_bounds = array<i64: 1, 256>}, {pipeline_mode = #tpu.pipeline_mode<synchronous>, transform_indices = @transform_5, window_bounds = array<i64: 1, 256>}, {pipeline_mode = #tpu.pipeline_mode<synchronous>, transform_indices = @transform_6, window_bounds = array<i64: 1, 256>}, {pipeline_mode = #tpu.pipeline_mode<synchronous>, transform_indices = @transform_7, window_bounds = array<i64: 256, 256>}, {pipeline_mode = #tpu.pipeline_mode<synchronous>, transform_indices = @transform_8, window_bounds = array<i64: 256, 256>}, {transform_indices = @transform_9, window_bounds = array<i64: 1000, 256>}, {transform_indices = @transform_10, window_bounds = array<i64: 1000, 128>}, {transform_indices = @transform_11, window_bounds = array<i64: 1000, 128>}]} {
    %get3A = arith.constant 0 : index
    %get3A_0 = arith.constant 0 : index
    %get3A_1 = vector.load %arg1[%get3A, %get3A_0] : memref<1000x8xf32, #tpu.memory_space<vmem>>, vector<1000x8xf32>
    %get3A_2 = arith.constant 0 : index
    %get3A_3 = arith.constant 0 : index
    %get3A_4 = vector.load %arg2[%get3A_2, %get3A_3] : memref<8x256xf32, #tpu.memory_space<vmem>>, vector<8x256xf32>
    %dot_general3A = arith.constant dense<0.000000e+00> : vector<1000x256xf32>
    %dot_general3A_5 = tpu.matmul %get3A_1, %get3A_4, %dot_general3A {dimension_numbers = #tpu.dot_dimension_numbers<[1], [0], [0], [1], [0, 0, 1, 1], [], []>, transpose_lhs_hint = false} : vector<1000x8xf32>, vector<8x256xf32>, vector<1000x256xf32> -> vector<1000x256xf32>
    %get3A_6 = arith.constant 0 : index
    %get3A_7 = arith.constant 0 : index
    %get3A_8 = vector.load %arg3[%get3A_6, %get3A_7] : memref<1x256xf32, #tpu.memory_space<vmem>>, vector<1x256xf32>
    %add3A = vector.broadcast %get3A_8 : vector<1x256xf32> to vector<1000x256xf32>
    %add3A_9 = arith.addf %dot_general3A_5, %add3A : vector<1000x256xf32>
    %max3A = arith.constant 0.000000e+00 : f32
    %max3A_10 = vector.broadcast %max3A : f32 to vector<1000x256xf32>
    %max3A_11 = arith.maximumf %add3A_9, %max3A_10 : vector<1000x256xf32>
    %get3A_12 = arith.constant 0 : index
    %get3A_13 = arith.constant 0 : index
    %get3A_14 = vector.load %arg4[%get3A_12, %get3A_13] : memref<256x256xf32, #tpu.memory_space<vmem>>, vector<256x256xf32>
    %dot_general3A_15 = arith.constant dense<0.000000e+00> : vector<1000x256xf32>
    %dot_general3A_16 = tpu.matmul %max3A_11, %get3A_14, %dot_general3A_15 {dimension_numbers = #tpu.dot_dimension_numbers<[1], [0], [0], [1], [0, 0, 1, 1], [], []>, transpose_lhs_hint = false} : vector<1000x256xf32>, vector<256x256xf32>, vector<1000x256xf32> -> vector<1000x256xf32>
    %get3A_17 = arith.constant 0 : index
    %get3A_18 = arith.constant 0 : index
    %get3A_19 = vector.load %arg5[%get3A_17, %get3A_18] : memref<1x256xf32, #tpu.memory_space<vmem>>, vector<1x256xf32>
    %add3A_20 = vector.broadcast %get3A_19 : vector<1x256xf32> to vector<1000x256xf32>
    %add3A_21 = arith.addf %dot_general3A_16, %add3A_20 : vector<1000x256xf32>
    %get3A_22 = arith.constant 0 : index
    %get3A_23 = arith.constant 0 : index
    %get3A_24 = vector.load %arg6[%get3A_22, %get3A_23] : memref<1x256xf32, #tpu.memory_space<vmem>>, vector<1x256xf32>
    %get3A_25 = arith.constant 0 : index
    %get3A_26 = arith.constant 0 : index
    %get3A_27 = vector.load %arg7[%get3A_25, %get3A_26] : memref<1x256xf32, #tpu.memory_space<vmem>>, vector<1x256xf32>
    %reduce_sum3A = arith.constant dense<0.000000e+00> : vector<1000xf32>
    %reduce_sum3A_28 = vector.multi_reduction <add>, %add3A_21, %reduce_sum3A [1] : vector<1000x256xf32> to vector<1000xf32>
    %broadcast_in_dim3A = vector.shape_cast %reduce_sum3A_28 : vector<1000xf32> to vector<1000x1xf32>
    %div3A = arith.constant 2.560000e+02 : f32
    %div3A_29 = vector.broadcast %div3A : f32 to vector<1000x1xf32>
    %div3A_30 = arith.divf %broadcast_in_dim3A, %div3A_29 : vector<1000x1xf32>
    %sub3A = vector.broadcast %div3A_30 : vector<1000x1xf32> to vector<1000x256xf32>
    %sub3A_31 = arith.subf %add3A_21, %sub3A : vector<1000x256xf32>
    %mul3A = arith.mulf %sub3A_31, %sub3A_31 : vector<1000x256xf32>
    %reduce_sum3A_32 = arith.constant dense<0.000000e+00> : vector<1000xf32>
    %reduce_sum3A_33 = vector.multi_reduction <add>, %mul3A, %reduce_sum3A_32 [1] : vector<1000x256xf32> to vector<1000xf32>
    %broadcast_in_dim3A_34 = vector.shape_cast %reduce_sum3A_33 : vector<1000xf32> to vector<1000x1xf32>
    %div3A_35 = arith.constant 2.560000e+02 : f32
    %div3A_36 = vector.broadcast %div3A_35 : f32 to vector<1000x1xf32>
    %div3A_37 = arith.divf %broadcast_in_dim3A_34, %div3A_36 : vector<1000x1xf32>
    %add3A_38 = arith.constant 9.99999974E-6 : f32
    %add3A_39 = vector.broadcast %add3A_38 : f32 to vector<1000x1xf32>
    %add3A_40 = arith.addf %div3A_37, %add3A_39 : vector<1000x1xf32>
    %rsqrt3A = math.rsqrt %add3A_40 : vector<1000x1xf32>
    %mul3A_41 = vector.broadcast %rsqrt3A : vector<1000x1xf32> to vector<1000x256xf32>
    %mul3A_42 = arith.mulf %sub3A_31, %mul3A_41 : vector<1000x256xf32>
    %mul3A_43 = vector.broadcast %get3A_24 : vector<1x256xf32> to vector<1000x256xf32>
    %mul3A_44 = arith.mulf %mul3A_42, %mul3A_43 : vector<1000x256xf32>
    %add3A_45 = vector.broadcast %get3A_27 : vector<1x256xf32> to vector<1000x256xf32>
    %add3A_46 = arith.addf %mul3A_44, %add3A_45 : vector<1000x256xf32>
    %swap3A = arith.constant 0 : index
    %swap3A_47 = arith.constant 0 : index
    %swap3A_48 = vector.load %arg10[%swap3A, %swap3A_47] : memref<1000x256xf32, #tpu.memory_space<vmem>>, vector<1000x256xf32>
    tpu.vector_store %arg10[%swap3A, %swap3A_47], %add3A_46 {strides = array<i32>} : memref<1000x256xf32, #tpu.memory_space<vmem>>, vector<1000x256xf32>,
    %get3A_49 = arith.constant 0 : index
    %get3A_50 = arith.constant 0 : index
    %get3A_51 = vector.load %arg8[%get3A_49, %get3A_50] : memref<256x256xf32, #tpu.memory_space<vmem>>, vector<256x256xf32>
    %dot_general3A_52 = arith.constant dense<0.000000e+00> : vector<1000x256xf32>
    %dot_general3A_53 = tpu.matmul %add3A_46, %get3A_51, %dot_general3A_52 {dimension_numbers = #tpu.dot_dimension_numbers<[1], [0], [0], [1], [0, 0, 1, 1], [], []>, transpose_lhs_hint = false} : vector<1000x256xf32>, vector<256x256xf32>, vector<1000x256xf32> -> vector<1000x256xf32>
    %slice3A = vector.extract_strided_slice %dot_general3A_53 {offsets = [0, 0], sizes = [1000, 128], strides = [1, 1]} : vector<1000x256xf32> to vector<1000x128xf32>
    %slice3A_54 = vector.extract_strided_slice %dot_general3A_53 {offsets = [0, 128], sizes = [1000, 128], strides = [1, 1]} : vector<1000x256xf32> to vector<1000x128xf32>
    %convert_element_type3A = arith.truncf %slice3A : vector<1000x128xf32> to vector<1000x128xbf16>
    %convert_element_type3A_55 = arith.extf %convert_element_type3A : vector<1000x128xbf16> to vector<1000x128xf32>
    %bitcast_convert_type3A = tpu.bitcast %convert_element_type3A_55 : vector<1000x128xf32> -> vector<1000x128xi32>
    %shift_right_logical3A = arith.constant 16 : i32
    %shift_right_logical3A_56 = vector.broadcast %shift_right_logical3A : i32 to vector<1000x128xi32>
    %shift_right_logical3A_57 = arith.shrui %bitcast_convert_type3A, %shift_right_logical3A_56 : vector<1000x128xi32>
    %convert_element_type3A_58 = arith.truncf %slice3A_54 : vector<1000x128xf32> to vector<1000x128xbf16>
    %convert_element_type3A_59 = arith.extf %convert_element_type3A_58 : vector<1000x128xbf16> to vector<1000x128xf32>
    %bitcast_convert_type3A_60 = tpu.bitcast %convert_element_type3A_59 : vector<1000x128xf32> -> vector<1000x128xi32>
    %and3A = arith.constant -65536 : i32
    %and3A_61 = vector.broadcast %and3A : i32 to vector<1000x128xi32>
    %and3A_62 = arith.andi %bitcast_convert_type3A_60, %and3A_61 : vector<1000x128xi32>
    %or3A = arith.ori %and3A_62, %shift_right_logical3A_57 : vector<1000x128xi32>
    %swap3A_63 = arith.constant 0 : index
    %swap3A_64 = arith.constant 0 : index
    %swap3A_65 = vector.load %arg11[%swap3A_63, %swap3A_64] : memref<1000x128xi32, #tpu.memory_space<vmem>>, vector<1000x128xi32>
    tpu.vector_store %arg11[%swap3A_63, %swap3A_64], %or3A {strides = array<i32>} : memref<1000x128xi32, #tpu.memory_space<vmem>>, vector<1000x128xi32>,
    %get3A_66 = arith.constant 0 : index
    %get3A_67 = arith.constant 0 : index
    %get3A_68 = vector.load %arg9[%get3A_66, %get3A_67] : memref<256x256xf32, #tpu.memory_space<vmem>>, vector<256x256xf32>
    %dot_general3A_69 = arith.constant dense<0.000000e+00> : vector<1000x256xf32>
    %dot_general3A_70 = tpu.matmul %add3A_46, %get3A_68, %dot_general3A_69 {dimension_numbers = #tpu.dot_dimension_numbers<[1], [0], [0], [1], [0, 0, 1, 1], [], []>, transpose_lhs_hint = false} : vector<1000x256xf32>, vector<256x256xf32>, vector<1000x256xf32> -> vector<1000x256xf32>
    %slice3A_71 = vector.extract_strided_slice %dot_general3A_70 {offsets = [0, 0], sizes = [1000, 128], strides = [1, 1]} : vector<1000x256xf32> to vector<1000x128xf32>
    %slice3A_72 = vector.extract_strided_slice %dot_general3A_70 {offsets = [0, 128], sizes = [1000, 128], strides = [1, 1]} : vector<1000x256xf32> to vector<1000x128xf32>
    %convert_element_type3A_73 = arith.truncf %slice3A_71 : vector<1000x128xf32> to vector<1000x128xbf16>
    %convert_element_type3A_74 = arith.extf %convert_element_type3A_73 : vector<1000x128xbf16> to vector<1000x128xf32>
    %bitcast_convert_type3A_75 = tpu.bitcast %convert_element_type3A_74 : vector<1000x128xf32> -> vector<1000x128xi32>
    %shift_right_logical3A_76 = arith.constant 16 : i32
    %shift_right_logical3A_77 = vector.broadcast %shift_right_logical3A_76 : i32 to vector<1000x128xi32>
    %shift_right_logical3A_78 = arith.shrui %bitcast_convert_type3A_75, %shift_right_logical3A_77 : vector<1000x128xi32>
    %convert_element_type3A_79 = arith.truncf %slice3A_72 : vector<1000x128xf32> to vector<1000x128xbf16>
    %convert_element_type3A_80 = arith.extf %convert_element_type3A_79 : vector<1000x128xbf16> to vector<1000x128xf32>
    %bitcast_convert_type3A_81 = tpu.bitcast %convert_element_type3A_80 : vector<1000x128xf32> -> vector<1000x128xi32>
    %and3A_82 = arith.constant -65536 : i32
    %and3A_83 = vector.broadcast %and3A_82 : i32 to vector<1000x128xi32>
    %and3A_84 = arith.andi %bitcast_convert_type3A_81, %and3A_83 : vector<1000x128xi32>
    %or3A_85 = arith.ori %and3A_84, %shift_right_logical3A_78 : vector<1000x128xi32>
    %swap3A_86 = arith.constant 0 : index
    %swap3A_87 = arith.constant 0 : index
    %swap3A_88 = vector.load %arg12[%swap3A_86, %swap3A_87] : memref<1000x128xi32, #tpu.memory_space<vmem>>, vector<1000x128xi32>
    tpu.vector_store %arg12[%swap3A_86, %swap3A_87], %or3A_85 {strides = array<i32>} : memref<1000x128xi32, #tpu.memory_space<vmem>>, vector<1000x128xi32>,
    return
  }
  func.func @transform_0(%arg0: i32) -> (i32, i32) {
    %c0_i32 = arith.constant 0 : i32
    %c0_i32_0 = arith.constant 0 : i32
    return %arg0, %c0_i32 : i32, i32
  }
  func.func @transform_1(%arg0: i32) -> (i32, i32) {
    %c0_i32 = arith.constant 0 : i32
    %c0_i32_0 = arith.constant 0 : i32
    %c0_i32_1 = arith.constant 0 : i32
    return %c0_i32, %c0_i32_0 : i32, i32
  }
  func.func @transform_2(%arg0: i32) -> (i32, i32) {
    %c0_i32 = arith.constant 0 : i32
    %c0_i32_0 = arith.constant 0 : i32
    %c0_i32_1 = arith.constant 0 : i32
    return %c0_i32, %c0_i32_0 : i32, i32
  }
  func.func @transform_3(%arg0: i32) -> (i32, i32) {
    %c0_i32 = arith.constant 0 : i32
    %c0_i32_0 = arith.constant 0 : i32
    %c0_i32_1 = arith.constant 0 : i32
    return %c0_i32, %c0_i32_0 : i32, i32
  }
  func.func @transform_4(%arg0: i32) -> (i32, i32) {
    %c0_i32 = arith.constant 0 : i32
    %c0_i32_0 = arith.constant 0 : i32
    %c0_i32_1 = arith.constant 0 : i32
    return %c0_i32, %c0_i32_0 : i32, i32
  }
  func.func @transform_5(%arg0: i32) -> (i32, i32) {
    %c0_i32 = arith.constant 0 : i32
    %c0_i32_0 = arith.constant 0 : i32
    %c0_i32_1 = arith.constant 0 : i32
    return %c0_i32, %c0_i32_0 : i32, i32
  }
  func.func @transform_6(%arg0: i32) -> (i32, i32) {
    %c0_i32 = arith.constant 0 : i32
    %c0_i32_0 = arith.constant 0 : i32
    %c0_i32_1 = arith.constant 0 : i32
    return %c0_i32, %c0_i32_0 : i32, i32
  }
  func.func @transform_7(%arg0: i32) -> (i32, i32) {
    %c0_i32 = arith.constant 0 : i32
    %c0_i32_0 = arith.constant 0 : i32
    %c0_i32_1 = arith.constant 0 : i32
    return %c0_i32, %c0_i32_0 : i32, i32
  }
  func.func @transform_8(%arg0: i32) -> (i32, i32) {
    %c0_i32 = arith.constant 0 : i32
    %c0_i32_0 = arith.constant 0 : i32
    %c0_i32_1 = arith.constant 0 : i32
    return %c0_i32, %c0_i32_0 : i32, i32
  }
  func.func @transform_9(%arg0: i32) -> (i32, i32) {
    %c0_i32 = arith.constant 0 : i32
    %c0_i32_0 = arith.constant 0 : i32
    return %arg0, %c0_i32 : i32, i32
  }
  func.func @transform_10(%arg0: i32) -> (i32, i32) {
    %c0_i32 = arith.constant 0 : i32
    %c0_i32_0 = arith.constant 0 : i32
    return %arg0, %c0_i32 : i32, i32
  }
  func.func @transform_11(%arg0: i32) -> (i32, i32) {
    %c0_i32 = arith.constant 0 : i32
    %c0_i32_0 = arith.constant 0 : i32
    return %arg0, %c0_i32 : i32, i32
  }
}

module attributes {stable_mosaic.version = 14 : i64} {
  func.func @_edge1_body(%arg0: i32, %arg1: memref<8x1280xbf16, #tpu.memory_space<vmem>>, %arg2: memref<1280x128xi32, #tpu.memory_space<vmem>>, %arg3: memref<1280x128xi32, #tpu.memory_space<vmem>>, %arg4: memref<8x256xbf16, #tpu.memory_space<vmem>>, %arg5: memref<1x256xf32, #tpu.memory_space<vmem>>, %arg6: memref<256x256xbf16, #tpu.memory_space<vmem>>, %arg7: memref<1x256xf32, #tpu.memory_space<vmem>>, %arg8: memref<1x256xf32, #tpu.memory_space<vmem>>, %arg9: memref<1x256xf32, #tpu.memory_space<vmem>>, %arg10: memref<256x256xbf16, #tpu.memory_space<vmem>>, %arg11: memref<1x256xf32, #tpu.memory_space<vmem>>, %arg12: memref<256x256xbf16, #tpu.memory_space<vmem>>, %arg13: memref<1x256xf32, #tpu.memory_space<vmem>>, %arg14: memref<1x256xf32, #tpu.memory_space<vmem>>, %arg15: memref<1x256xf32, #tpu.memory_space<vmem>>, %arg16: memref<1280x128xf32, #tpu.memory_space<vmem>>, %arg17: memref<1280x128xf32, #tpu.memory_space<vmem>>, %arg18: memref<1280x256xbf16, #tpu.memory_space<vmem>>) attributes {dimension_semantics = [#tpu.dimension_semantics<arbitrary>], iteration_bounds = array<i64: 125>, scalar_prefetch = 0 : i64, scratch_operands = 0 : i64, tpu.core_type = #tpu.core_type<tc>, window_params = [{transform_indices = @transform_0, window_bounds = array<i64: 8, 1280>}, {transform_indices = @transform_1, window_bounds = array<i64: 1280, 128>}, {transform_indices = @transform_2, window_bounds = array<i64: 1280, 128>}, {pipeline_mode = #tpu.pipeline_mode<synchronous>, transform_indices = @transform_3, window_bounds = array<i64: 8, 256>}, {pipeline_mode = #tpu.pipeline_mode<synchronous>, transform_indices = @transform_4, window_bounds = array<i64: 1, 256>}, {pipeline_mode = #tpu.pipeline_mode<synchronous>, transform_indices = @transform_5, window_bounds = array<i64: 256, 256>}, {pipeline_mode = #tpu.pipeline_mode<synchronous>, transform_indices = @transform_6, window_bounds = array<i64: 1, 256>}, {pipeline_mode = #tpu.pipeline_mode<synchronous>, transform_indices = @transform_7, window_bounds = array<i64: 1, 256>}, {pipeline_mode = #tpu.pipeline_mode<synchronous>, transform_indices = @transform_8, window_bounds = array<i64: 1, 256>}, {pipeline_mode = #tpu.pipeline_mode<synchronous>, transform_indices = @transform_9, window_bounds = array<i64: 256, 256>}, {pipeline_mode = #tpu.pipeline_mode<synchronous>, transform_indices = @transform_10, window_bounds = array<i64: 1, 256>}, {pipeline_mode = #tpu.pipeline_mode<synchronous>, transform_indices = @transform_11, window_bounds = array<i64: 256, 256>}, {pipeline_mode = #tpu.pipeline_mode<synchronous>, transform_indices = @transform_12, window_bounds = array<i64: 1, 256>}, {pipeline_mode = #tpu.pipeline_mode<synchronous>, transform_indices = @transform_13, window_bounds = array<i64: 1, 256>}, {pipeline_mode = #tpu.pipeline_mode<synchronous>, transform_indices = @transform_14, window_bounds = array<i64: 1, 256>}, {transform_indices = @transform_15, window_bounds = array<i64: 1280, 128>}, {transform_indices = @transform_16, window_bounds = array<i64: 1280, 128>}, {transform_indices = @transform_17, window_bounds = array<i64: 1280, 256>}]} {
    %get3A = arith.constant 0 : index
    %get3A_0 = arith.constant 0 : index
    %get3A_1 = vector.load %arg1[%get3A, %get3A_0] : memref<8x1280xbf16, #tpu.memory_space<vmem>>, vector<8x1280xbf16>
    %get3A_2 = arith.constant 0 : index
    %get3A_3 = arith.constant 0 : index
    %get3A_4 = vector.load %arg4[%get3A_2, %get3A_3] : memref<8x256xbf16, #tpu.memory_space<vmem>>, vector<8x256xbf16>
    %dot_general3A = arith.constant dense<0.000000e+00> : vector<1280x256xf32>
    %dot_general3A_5 = tpu.matmul %get3A_1, %get3A_4, %dot_general3A {dimension_numbers = #tpu.dot_dimension_numbers<[0], [0], [1], [1], [0, 1, 1, 1], [], []>, transpose_lhs_hint = false} : vector<8x1280xbf16>, vector<8x256xbf16>, vector<1280x256xf32> -> vector<1280x256xf32>
    %get3A_6 = arith.constant 0 : index
    %get3A_7 = arith.constant 0 : index
    %get3A_8 = vector.load %arg5[%get3A_6, %get3A_7] : memref<1x256xf32, #tpu.memory_space<vmem>>, vector<1x256xf32>
    %add3A = vector.broadcast %get3A_8 : vector<1x256xf32> to vector<1280x256xf32>
    %add3A_9 = arith.addf %dot_general3A_5, %add3A : vector<1280x256xf32>
    %max3A = arith.constant 0.000000e+00 : f32
    %max3A_10 = vector.broadcast %max3A : f32 to vector<1280x256xf32>
    %max3A_11 = arith.maximumf %add3A_9, %max3A_10 : vector<1280x256xf32>
    %convert_element_type3A = arith.truncf %max3A_11 : vector<1280x256xf32> to vector<1280x256xbf16>
    %get3A_12 = arith.constant 0 : index
    %get3A_13 = arith.constant 0 : index
    %get3A_14 = vector.load %arg6[%get3A_12, %get3A_13] : memref<256x256xbf16, #tpu.memory_space<vmem>>, vector<256x256xbf16>
    %dot_general3A_15 = arith.constant dense<0.000000e+00> : vector<1280x256xf32>
    %dot_general3A_16 = tpu.matmul %convert_element_type3A, %get3A_14, %dot_general3A_15 {dimension_numbers = #tpu.dot_dimension_numbers<[1], [0], [0], [1], [0, 0, 1, 1], [], []>, transpose_lhs_hint = false} : vector<1280x256xbf16>, vector<256x256xbf16>, vector<1280x256xf32> -> vector<1280x256xf32>
    %get3A_17 = arith.constant 0 : index
    %get3A_18 = arith.constant 0 : index
    %get3A_19 = vector.load %arg7[%get3A_17, %get3A_18] : memref<1x256xf32, #tpu.memory_space<vmem>>, vector<1x256xf32>
    %add3A_20 = vector.broadcast %get3A_19 : vector<1x256xf32> to vector<1280x256xf32>
    %add3A_21 = arith.addf %dot_general3A_16, %add3A_20 : vector<1280x256xf32>
    %get3A_22 = arith.constant 0 : index
    %get3A_23 = arith.constant 0 : index
    %get3A_24 = vector.load %arg8[%get3A_22, %get3A_23] : memref<1x256xf32, #tpu.memory_space<vmem>>, vector<1x256xf32>
    %get3A_25 = arith.constant 0 : index
    %get3A_26 = arith.constant 0 : index
    %get3A_27 = vector.load %arg9[%get3A_25, %get3A_26] : memref<1x256xf32, #tpu.memory_space<vmem>>, vector<1x256xf32>
    %reduce_sum3A = arith.constant dense<0.000000e+00> : vector<1280xf32>
    %reduce_sum3A_28 = vector.multi_reduction <add>, %add3A_21, %reduce_sum3A [1] : vector<1280x256xf32> to vector<1280xf32>
    %broadcast_in_dim3A = vector.shape_cast %reduce_sum3A_28 : vector<1280xf32> to vector<1280x1xf32>
    %div3A = arith.constant 2.560000e+02 : f32
    %div3A_29 = vector.broadcast %div3A : f32 to vector<1280x1xf32>
    %div3A_30 = arith.divf %broadcast_in_dim3A, %div3A_29 : vector<1280x1xf32>
    %sub3A = vector.broadcast %div3A_30 : vector<1280x1xf32> to vector<1280x256xf32>
    %sub3A_31 = arith.subf %add3A_21, %sub3A : vector<1280x256xf32>
    %mul3A = arith.mulf %sub3A_31, %sub3A_31 : vector<1280x256xf32>
    %reduce_sum3A_32 = arith.constant dense<0.000000e+00> : vector<1280xf32>
    %reduce_sum3A_33 = vector.multi_reduction <add>, %mul3A, %reduce_sum3A_32 [1] : vector<1280x256xf32> to vector<1280xf32>
    %broadcast_in_dim3A_34 = vector.shape_cast %reduce_sum3A_33 : vector<1280xf32> to vector<1280x1xf32>
    %div3A_35 = arith.constant 2.560000e+02 : f32
    %div3A_36 = vector.broadcast %div3A_35 : f32 to vector<1280x1xf32>
    %div3A_37 = arith.divf %broadcast_in_dim3A_34, %div3A_36 : vector<1280x1xf32>
    %add3A_38 = arith.constant 9.99999974E-6 : f32
    %add3A_39 = vector.broadcast %add3A_38 : f32 to vector<1280x1xf32>
    %add3A_40 = arith.addf %div3A_37, %add3A_39 : vector<1280x1xf32>
    %rsqrt3A = math.rsqrt %add3A_40 : vector<1280x1xf32>
    %mul3A_41 = vector.broadcast %rsqrt3A : vector<1280x1xf32> to vector<1280x256xf32>
    %mul3A_42 = arith.mulf %sub3A_31, %mul3A_41 : vector<1280x256xf32>
    %mul3A_43 = vector.broadcast %get3A_24 : vector<1x256xf32> to vector<1280x256xf32>
    %mul3A_44 = arith.mulf %mul3A_42, %mul3A_43 : vector<1280x256xf32>
    %add3A_45 = vector.broadcast %get3A_27 : vector<1x256xf32> to vector<1280x256xf32>
    %add3A_46 = arith.addf %mul3A_44, %add3A_45 : vector<1280x256xf32>
    %get3A_47 = arith.constant 0 : index
    %get3A_48 = arith.constant 0 : index
    %get3A_49 = vector.load %arg2[%get3A_47, %get3A_48] : memref<1280x128xi32, #tpu.memory_space<vmem>>, vector<1280x128xi32>
    %shift_left3A = arith.constant 16 : i32
    %shift_left3A_50 = vector.broadcast %shift_left3A : i32 to vector<1280x128xi32>
    %shift_left3A_51 = arith.shli %get3A_49, %shift_left3A_50 : vector<1280x128xi32>
    %bitcast_convert_type3A = tpu.bitcast %shift_left3A_51 : vector<1280x128xi32> -> vector<1280x128xf32>
    %and3A = arith.constant -65536 : i32
    %and3A_52 = vector.broadcast %and3A : i32 to vector<1280x128xi32>
    %and3A_53 = arith.andi %get3A_49, %and3A_52 : vector<1280x128xi32>
    %bitcast_convert_type3A_54 = tpu.bitcast %and3A_53 : vector<1280x128xi32> -> vector<1280x128xf32>
    %get3A_55 = arith.constant 0 : index
    %get3A_56 = arith.constant 0 : index
    %get3A_57 = vector.load %arg3[%get3A_55, %get3A_56] : memref<1280x128xi32, #tpu.memory_space<vmem>>, vector<1280x128xi32>
    %shift_left3A_58 = arith.constant 16 : i32
    %shift_left3A_59 = vector.broadcast %shift_left3A_58 : i32 to vector<1280x128xi32>
    %shift_left3A_60 = arith.shli %get3A_57, %shift_left3A_59 : vector<1280x128xi32>
    %bitcast_convert_type3A_61 = tpu.bitcast %shift_left3A_60 : vector<1280x128xi32> -> vector<1280x128xf32>
    %and3A_62 = arith.constant -65536 : i32
    %and3A_63 = vector.broadcast %and3A_62 : i32 to vector<1280x128xi32>
    %and3A_64 = arith.andi %get3A_57, %and3A_63 : vector<1280x128xi32>
    %bitcast_convert_type3A_65 = tpu.bitcast %and3A_64 : vector<1280x128xi32> -> vector<1280x128xf32>
    %add3A_66 = arith.addf %bitcast_convert_type3A, %bitcast_convert_type3A_61 : vector<1280x128xf32>
    %add3A_67 = arith.addf %bitcast_convert_type3A_54, %bitcast_convert_type3A_65 : vector<1280x128xf32>
    %concatenate3A = tpu.concatenate %add3A_66, %add3A_67 in 1 : vector<1280x128xf32>, vector<1280x128xf32> -> vector<1280x256xf32>
    %convert_element_type3A_68 = arith.truncf %add3A_46 : vector<1280x256xf32> to vector<1280x256xbf16>
    %get3A_69 = arith.constant 0 : index
    %get3A_70 = arith.constant 0 : index
    %get3A_71 = vector.load %arg10[%get3A_69, %get3A_70] : memref<256x256xbf16, #tpu.memory_space<vmem>>, vector<256x256xbf16>
    %dot_general3A_72 = arith.constant dense<0.000000e+00> : vector<1280x256xf32>
    %dot_general3A_73 = tpu.matmul %convert_element_type3A_68, %get3A_71, %dot_general3A_72 {dimension_numbers = #tpu.dot_dimension_numbers<[1], [0], [0], [1], [0, 0, 1, 1], [], []>, transpose_lhs_hint = false} : vector<1280x256xbf16>, vector<256x256xbf16>, vector<1280x256xf32> -> vector<1280x256xf32>
    %add3A_74 = arith.addf %dot_general3A_73, %concatenate3A : vector<1280x256xf32>
    %get3A_75 = arith.constant 0 : index
    %get3A_76 = arith.constant 0 : index
    %get3A_77 = vector.load %arg11[%get3A_75, %get3A_76] : memref<1x256xf32, #tpu.memory_space<vmem>>, vector<1x256xf32>
    %add3A_78 = vector.broadcast %get3A_77 : vector<1x256xf32> to vector<1280x256xf32>
    %add3A_79 = arith.addf %add3A_74, %add3A_78 : vector<1280x256xf32>
    %max3A_80 = arith.constant 0.000000e+00 : f32
    %max3A_81 = vector.broadcast %max3A_80 : f32 to vector<1280x256xf32>
    %max3A_82 = arith.maximumf %add3A_79, %max3A_81 : vector<1280x256xf32>
    %convert_element_type3A_83 = arith.truncf %max3A_82 : vector<1280x256xf32> to vector<1280x256xbf16>
    %get3A_84 = arith.constant 0 : index
    %get3A_85 = arith.constant 0 : index
    %get3A_86 = vector.load %arg12[%get3A_84, %get3A_85] : memref<256x256xbf16, #tpu.memory_space<vmem>>, vector<256x256xbf16>
    %dot_general3A_87 = arith.constant dense<0.000000e+00> : vector<1280x256xf32>
    %dot_general3A_88 = tpu.matmul %convert_element_type3A_83, %get3A_86, %dot_general3A_87 {dimension_numbers = #tpu.dot_dimension_numbers<[1], [0], [0], [1], [0, 0, 1, 1], [], []>, transpose_lhs_hint = false} : vector<1280x256xbf16>, vector<256x256xbf16>, vector<1280x256xf32> -> vector<1280x256xf32>
    %get3A_89 = arith.constant 0 : index
    %get3A_90 = arith.constant 0 : index
    %get3A_91 = vector.load %arg13[%get3A_89, %get3A_90] : memref<1x256xf32, #tpu.memory_space<vmem>>, vector<1x256xf32>
    %add3A_92 = vector.broadcast %get3A_91 : vector<1x256xf32> to vector<1280x256xf32>
    %add3A_93 = arith.addf %dot_general3A_88, %add3A_92 : vector<1280x256xf32>
    %get3A_94 = arith.constant 0 : index
    %get3A_95 = arith.constant 0 : index
    %get3A_96 = vector.load %arg14[%get3A_94, %get3A_95] : memref<1x256xf32, #tpu.memory_space<vmem>>, vector<1x256xf32>
    %get3A_97 = arith.constant 0 : index
    %get3A_98 = arith.constant 0 : index
    %get3A_99 = vector.load %arg15[%get3A_97, %get3A_98] : memref<1x256xf32, #tpu.memory_space<vmem>>, vector<1x256xf32>
    %reduce_sum3A_100 = arith.constant dense<0.000000e+00> : vector<1280xf32>
    %reduce_sum3A_101 = vector.multi_reduction <add>, %add3A_93, %reduce_sum3A_100 [1] : vector<1280x256xf32> to vector<1280xf32>
    %broadcast_in_dim3A_102 = vector.shape_cast %reduce_sum3A_101 : vector<1280xf32> to vector<1280x1xf32>
    %div3A_103 = arith.constant 2.560000e+02 : f32
    %div3A_104 = vector.broadcast %div3A_103 : f32 to vector<1280x1xf32>
    %div3A_105 = arith.divf %broadcast_in_dim3A_102, %div3A_104 : vector<1280x1xf32>
    %sub3A_106 = vector.broadcast %div3A_105 : vector<1280x1xf32> to vector<1280x256xf32>
    %sub3A_107 = arith.subf %add3A_93, %sub3A_106 : vector<1280x256xf32>
    %mul3A_108 = arith.mulf %sub3A_107, %sub3A_107 : vector<1280x256xf32>
    %reduce_sum3A_109 = arith.constant dense<0.000000e+00> : vector<1280xf32>
    %reduce_sum3A_110 = vector.multi_reduction <add>, %mul3A_108, %reduce_sum3A_109 [1] : vector<1280x256xf32> to vector<1280xf32>
    %broadcast_in_dim3A_111 = vector.shape_cast %reduce_sum3A_110 : vector<1280xf32> to vector<1280x1xf32>
    %div3A_112 = arith.constant 2.560000e+02 : f32
    %div3A_113 = vector.broadcast %div3A_112 : f32 to vector<1280x1xf32>
    %div3A_114 = arith.divf %broadcast_in_dim3A_111, %div3A_113 : vector<1280x1xf32>
    %add3A_115 = arith.constant 9.99999974E-6 : f32
    %add3A_116 = vector.broadcast %add3A_115 : f32 to vector<1280x1xf32>
    %add3A_117 = arith.addf %div3A_114, %add3A_116 : vector<1280x1xf32>
    %rsqrt3A_118 = math.rsqrt %add3A_117 : vector<1280x1xf32>
    %mul3A_119 = vector.broadcast %rsqrt3A_118 : vector<1280x1xf32> to vector<1280x256xf32>
    %mul3A_120 = arith.mulf %sub3A_107, %mul3A_119 : vector<1280x256xf32>
    %mul3A_121 = vector.broadcast %get3A_96 : vector<1x256xf32> to vector<1280x256xf32>
    %mul3A_122 = arith.mulf %mul3A_120, %mul3A_121 : vector<1280x256xf32>
    %add3A_123 = vector.broadcast %get3A_99 : vector<1x256xf32> to vector<1280x256xf32>
    %add3A_124 = arith.addf %mul3A_122, %add3A_123 : vector<1280x256xf32>
    %slice3A = vector.extract_strided_slice %add3A_124 {offsets = [0, 0], sizes = [1280, 128], strides = [1, 1]} : vector<1280x256xf32> to vector<1280x128xf32>
    %swap3A = arith.constant 0 : index
    %swap3A_125 = arith.constant 0 : index
    %swap3A_126 = vector.load %arg16[%swap3A, %swap3A_125] : memref<1280x128xf32, #tpu.memory_space<vmem>>, vector<1280x128xf32>
    tpu.vector_store %arg16[%swap3A, %swap3A_125], %slice3A {strides = array<i32>} : memref<1280x128xf32, #tpu.memory_space<vmem>>, vector<1280x128xf32>,
    %slice3A_127 = vector.extract_strided_slice %add3A_124 {offsets = [0, 128], sizes = [1280, 128], strides = [1, 1]} : vector<1280x256xf32> to vector<1280x128xf32>
    %swap3A_128 = arith.constant 0 : index
    %swap3A_129 = arith.constant 0 : index
    %swap3A_130 = vector.load %arg17[%swap3A_128, %swap3A_129] : memref<1280x128xf32, #tpu.memory_space<vmem>>, vector<1280x128xf32>
    tpu.vector_store %arg17[%swap3A_128, %swap3A_129], %slice3A_127 {strides = array<i32>} : memref<1280x128xf32, #tpu.memory_space<vmem>>, vector<1280x128xf32>,
    %add3A_131 = arith.addf %add3A_46, %add3A_124 : vector<1280x256xf32>
    %convert_element_type3A_132 = arith.truncf %add3A_131 : vector<1280x256xf32> to vector<1280x256xbf16>
    %swap3A_133 = arith.constant 0 : index
    %swap3A_134 = arith.constant 0 : index
    %swap3A_135 = vector.load %arg18[%swap3A_133, %swap3A_134] : memref<1280x256xbf16, #tpu.memory_space<vmem>>, vector<1280x256xbf16>
    tpu.vector_store %arg18[%swap3A_133, %swap3A_134], %convert_element_type3A_132 {strides = array<i32>} : memref<1280x256xbf16, #tpu.memory_space<vmem>>, vector<1280x256xbf16>,
    return
  }
  func.func @transform_0(%arg0: i32) -> (i32, i32) {
    %c0_i32 = arith.constant 0 : i32
    %c0_i32_0 = arith.constant 0 : i32
    return %c0_i32, %arg0 : i32, i32
  }
  func.func @transform_1(%arg0: i32) -> (i32, i32) {
    %c0_i32 = arith.constant 0 : i32
    %c0_i32_0 = arith.constant 0 : i32
    return %arg0, %c0_i32 : i32, i32
  }
  func.func @transform_2(%arg0: i32) -> (i32, i32) {
    %c0_i32 = arith.constant 0 : i32
    %c0_i32_0 = arith.constant 0 : i32
    return %arg0, %c0_i32 : i32, i32
  }
  func.func @transform_3(%arg0: i32) -> (i32, i32) {
    %c0_i32 = arith.constant 0 : i32
    %c0_i32_0 = arith.constant 0 : i32
    %c0_i32_1 = arith.constant 0 : i32
    return %c0_i32, %c0_i32_0 : i32, i32
  }
  func.func @transform_4(%arg0: i32) -> (i32, i32) {
    %c0_i32 = arith.constant 0 : i32
    %c0_i32_0 = arith.constant 0 : i32
    %c0_i32_1 = arith.constant 0 : i32
    return %c0_i32, %c0_i32_0 : i32, i32
  }
  func.func @transform_5(%arg0: i32) -> (i32, i32) {
    %c0_i32 = arith.constant 0 : i32
    %c0_i32_0 = arith.constant 0 : i32
    %c0_i32_1 = arith.constant 0 : i32
    return %c0_i32, %c0_i32_0 : i32, i32
  }
  func.func @transform_6(%arg0: i32) -> (i32, i32) {
    %c0_i32 = arith.constant 0 : i32
    %c0_i32_0 = arith.constant 0 : i32
    %c0_i32_1 = arith.constant 0 : i32
    return %c0_i32, %c0_i32_0 : i32, i32
  }
  func.func @transform_7(%arg0: i32) -> (i32, i32) {
    %c0_i32 = arith.constant 0 : i32
    %c0_i32_0 = arith.constant 0 : i32
    %c0_i32_1 = arith.constant 0 : i32
    return %c0_i32, %c0_i32_0 : i32, i32
  }
  func.func @transform_8(%arg0: i32) -> (i32, i32) {
    %c0_i32 = arith.constant 0 : i32
    %c0_i32_0 = arith.constant 0 : i32
    %c0_i32_1 = arith.constant 0 : i32
    return %c0_i32, %c0_i32_0 : i32, i32
  }
  func.func @transform_9(%arg0: i32) -> (i32, i32) {
    %c0_i32 = arith.constant 0 : i32
    %c0_i32_0 = arith.constant 0 : i32
    %c0_i32_1 = arith.constant 0 : i32
    return %c0_i32, %c0_i32_0 : i32, i32
  }
  func.func @transform_10(%arg0: i32) -> (i32, i32) {
    %c0_i32 = arith.constant 0 : i32
    %c0_i32_0 = arith.constant 0 : i32
    %c0_i32_1 = arith.constant 0 : i32
    return %c0_i32, %c0_i32_0 : i32, i32
  }
  func.func @transform_11(%arg0: i32) -> (i32, i32) {
    %c0_i32 = arith.constant 0 : i32
    %c0_i32_0 = arith.constant 0 : i32
    %c0_i32_1 = arith.constant 0 : i32
    return %c0_i32, %c0_i32_0 : i32, i32
  }
  func.func @transform_12(%arg0: i32) -> (i32, i32) {
    %c0_i32 = arith.constant 0 : i32
    %c0_i32_0 = arith.constant 0 : i32
    %c0_i32_1 = arith.constant 0 : i32
    return %c0_i32, %c0_i32_0 : i32, i32
  }
  func.func @transform_13(%arg0: i32) -> (i32, i32) {
    %c0_i32 = arith.constant 0 : i32
    %c0_i32_0 = arith.constant 0 : i32
    %c0_i32_1 = arith.constant 0 : i32
    return %c0_i32, %c0_i32_0 : i32, i32
  }
  func.func @transform_14(%arg0: i32) -> (i32, i32) {
    %c0_i32 = arith.constant 0 : i32
    %c0_i32_0 = arith.constant 0 : i32
    %c0_i32_1 = arith.constant 0 : i32
    return %c0_i32, %c0_i32_0 : i32, i32
  }
  func.func @transform_15(%arg0: i32) -> (i32, i32) {
    %c0_i32 = arith.constant 0 : i32
    %c0_i32_0 = arith.constant 0 : i32
    return %arg0, %c0_i32 : i32, i32
  }
  func.func @transform_16(%arg0: i32) -> (i32, i32) {
    %c0_i32 = arith.constant 0 : i32
    %c0_i32_0 = arith.constant 0 : i32
    return %arg0, %c0_i32 : i32, i32
  }
  func.func @transform_17(%arg0: i32) -> (i32, i32) {
    %c0_i32 = arith.constant 0 : i32
    %c0_i32_0 = arith.constant 0 : i32
    return %arg0, %c0_i32 : i32, i32
  }
}

module attributes {stable_mosaic.version = 14 : i64} {
  func.func @_node1_body(%arg0: i32, %arg1: memref<1000x256xf32, #tpu.memory_space<vmem>>, %arg2: memref<1000x128xf32, #tpu.memory_space<vmem>>, %arg3: memref<1000x128xf32, #tpu.memory_space<vmem>>, %arg4: memref<256x256xf32, #tpu.memory_space<vmem>>, %arg5: memref<128x256xf32, #tpu.memory_space<vmem>>, %arg6: memref<128x256xf32, #tpu.memory_space<vmem>>, %arg7: memref<1x256xf32, #tpu.memory_space<vmem>>, %arg8: memref<256x256xf32, #tpu.memory_space<vmem>>, %arg9: memref<1x256xf32, #tpu.memory_space<vmem>>, %arg10: memref<1x256xf32, #tpu.memory_space<vmem>>, %arg11: memref<1x256xf32, #tpu.memory_space<vmem>>, %arg12: memref<256x256xf32, #tpu.memory_space<vmem>>, %arg13: memref<256x256xf32, #tpu.memory_space<vmem>>, %arg14: memref<1000x256xf32, #tpu.memory_space<vmem>>, %arg15: memref<1000x128xi32, #tpu.memory_space<vmem>>, %arg16: memref<1000x128xi32, #tpu.memory_space<vmem>>) attributes {dimension_semantics = [#tpu.dimension_semantics<arbitrary>], iteration_bounds = array<i64: 10>, scalar_prefetch = 0 : i64, scratch_operands = 0 : i64, tpu.core_type = #tpu.core_type<tc>, window_params = [{transform_indices = @transform_0, window_bounds = array<i64: 1000, 256>}, {transform_indices = @transform_1, window_bounds = array<i64: 1000, 128>}, {transform_indices = @transform_2, window_bounds = array<i64: 1000, 128>}, {pipeline_mode = #tpu.pipeline_mode<synchronous>, transform_indices = @transform_3, window_bounds = array<i64: 256, 256>}, {pipeline_mode = #tpu.pipeline_mode<synchronous>, transform_indices = @transform_4, window_bounds = array<i64: 128, 256>}, {pipeline_mode = #tpu.pipeline_mode<synchronous>, transform_indices = @transform_5, window_bounds = array<i64: 128, 256>}, {pipeline_mode = #tpu.pipeline_mode<synchronous>, transform_indices = @transform_6, window_bounds = array<i64: 1, 256>}, {pipeline_mode = #tpu.pipeline_mode<synchronous>, transform_indices = @transform_7, window_bounds = array<i64: 256, 256>}, {pipeline_mode = #tpu.pipeline_mode<synchronous>, transform_indices = @transform_8, window_bounds = array<i64: 1, 256>}, {pipeline_mode = #tpu.pipeline_mode<synchronous>, transform_indices = @transform_9, window_bounds = array<i64: 1, 256>}, {pipeline_mode = #tpu.pipeline_mode<synchronous>, transform_indices = @transform_10, window_bounds = array<i64: 1, 256>}, {pipeline_mode = #tpu.pipeline_mode<synchronous>, transform_indices = @transform_11, window_bounds = array<i64: 256, 256>}, {pipeline_mode = #tpu.pipeline_mode<synchronous>, transform_indices = @transform_12, window_bounds = array<i64: 256, 256>}, {transform_indices = @transform_13, window_bounds = array<i64: 1000, 256>}, {transform_indices = @transform_14, window_bounds = array<i64: 1000, 128>}, {transform_indices = @transform_15, window_bounds = array<i64: 1000, 128>}]} {
    %get3A = arith.constant 0 : index
    %get3A_0 = arith.constant 0 : index
    %get3A_1 = vector.load %arg1[%get3A, %get3A_0] : memref<1000x256xf32, #tpu.memory_space<vmem>>, vector<1000x256xf32>
    %get3A_2 = arith.constant 0 : index
    %get3A_3 = arith.constant 0 : index
    %get3A_4 = vector.load %arg4[%get3A_2, %get3A_3] : memref<256x256xf32, #tpu.memory_space<vmem>>, vector<256x256xf32>
    %dot_general3A = arith.constant dense<0.000000e+00> : vector<1000x256xf32>
    %dot_general3A_5 = tpu.matmul %get3A_1, %get3A_4, %dot_general3A {dimension_numbers = #tpu.dot_dimension_numbers<[1], [0], [0], [1], [0, 0, 1, 1], [], []>, transpose_lhs_hint = false} : vector<1000x256xf32>, vector<256x256xf32>, vector<1000x256xf32> -> vector<1000x256xf32>
    %get3A_6 = arith.constant 0 : index
    %get3A_7 = arith.constant 0 : index
    %get3A_8 = vector.load %arg2[%get3A_6, %get3A_7] : memref<1000x128xf32, #tpu.memory_space<vmem>>, vector<1000x128xf32>
    %get3A_9 = arith.constant 0 : index
    %get3A_10 = arith.constant 0 : index
    %get3A_11 = vector.load %arg5[%get3A_9, %get3A_10] : memref<128x256xf32, #tpu.memory_space<vmem>>, vector<128x256xf32>
    %dot_general3A_12 = arith.constant dense<0.000000e+00> : vector<1000x256xf32>
    %dot_general3A_13 = tpu.matmul %get3A_8, %get3A_11, %dot_general3A_12 {dimension_numbers = #tpu.dot_dimension_numbers<[1], [0], [0], [1], [0, 0, 1, 1], [], []>, transpose_lhs_hint = false} : vector<1000x128xf32>, vector<128x256xf32>, vector<1000x256xf32> -> vector<1000x256xf32>
    %add3A = arith.addf %dot_general3A_5, %dot_general3A_13 : vector<1000x256xf32>
    %get3A_14 = arith.constant 0 : index
    %get3A_15 = arith.constant 0 : index
    %get3A_16 = vector.load %arg3[%get3A_14, %get3A_15] : memref<1000x128xf32, #tpu.memory_space<vmem>>, vector<1000x128xf32>
    %get3A_17 = arith.constant 0 : index
    %get3A_18 = arith.constant 0 : index
    %get3A_19 = vector.load %arg6[%get3A_17, %get3A_18] : memref<128x256xf32, #tpu.memory_space<vmem>>, vector<128x256xf32>
    %dot_general3A_20 = arith.constant dense<0.000000e+00> : vector<1000x256xf32>
    %dot_general3A_21 = tpu.matmul %get3A_16, %get3A_19, %dot_general3A_20 {dimension_numbers = #tpu.dot_dimension_numbers<[1], [0], [0], [1], [0, 0, 1, 1], [], []>, transpose_lhs_hint = false} : vector<1000x128xf32>, vector<128x256xf32>, vector<1000x256xf32> -> vector<1000x256xf32>
    %add3A_22 = arith.addf %add3A, %dot_general3A_21 : vector<1000x256xf32>
    %get3A_23 = arith.constant 0 : index
    %get3A_24 = arith.constant 0 : index
    %get3A_25 = vector.load %arg7[%get3A_23, %get3A_24] : memref<1x256xf32, #tpu.memory_space<vmem>>, vector<1x256xf32>
    %add3A_26 = vector.broadcast %get3A_25 : vector<1x256xf32> to vector<1000x256xf32>
    %add3A_27 = arith.addf %add3A_22, %add3A_26 : vector<1000x256xf32>
    %max3A = arith.constant 0.000000e+00 : f32
    %max3A_28 = vector.broadcast %max3A : f32 to vector<1000x256xf32>
    %max3A_29 = arith.maximumf %add3A_27, %max3A_28 : vector<1000x256xf32>
    %get3A_30 = arith.constant 0 : index
    %get3A_31 = arith.constant 0 : index
    %get3A_32 = vector.load %arg8[%get3A_30, %get3A_31] : memref<256x256xf32, #tpu.memory_space<vmem>>, vector<256x256xf32>
    %dot_general3A_33 = arith.constant dense<0.000000e+00> : vector<1000x256xf32>
    %dot_general3A_34 = tpu.matmul %max3A_29, %get3A_32, %dot_general3A_33 {dimension_numbers = #tpu.dot_dimension_numbers<[1], [0], [0], [1], [0, 0, 1, 1], [], []>, transpose_lhs_hint = false} : vector<1000x256xf32>, vector<256x256xf32>, vector<1000x256xf32> -> vector<1000x256xf32>
    %get3A_35 = arith.constant 0 : index
    %get3A_36 = arith.constant 0 : index
    %get3A_37 = vector.load %arg9[%get3A_35, %get3A_36] : memref<1x256xf32, #tpu.memory_space<vmem>>, vector<1x256xf32>
    %add3A_38 = vector.broadcast %get3A_37 : vector<1x256xf32> to vector<1000x256xf32>
    %add3A_39 = arith.addf %dot_general3A_34, %add3A_38 : vector<1000x256xf32>
    %get3A_40 = arith.constant 0 : index
    %get3A_41 = arith.constant 0 : index
    %get3A_42 = vector.load %arg10[%get3A_40, %get3A_41] : memref<1x256xf32, #tpu.memory_space<vmem>>, vector<1x256xf32>
    %get3A_43 = arith.constant 0 : index
    %get3A_44 = arith.constant 0 : index
    %get3A_45 = vector.load %arg11[%get3A_43, %get3A_44] : memref<1x256xf32, #tpu.memory_space<vmem>>, vector<1x256xf32>
    %reduce_sum3A = arith.constant dense<0.000000e+00> : vector<1000xf32>
    %reduce_sum3A_46 = vector.multi_reduction <add>, %add3A_39, %reduce_sum3A [1] : vector<1000x256xf32> to vector<1000xf32>
    %broadcast_in_dim3A = vector.shape_cast %reduce_sum3A_46 : vector<1000xf32> to vector<1000x1xf32>
    %div3A = arith.constant 2.560000e+02 : f32
    %div3A_47 = vector.broadcast %div3A : f32 to vector<1000x1xf32>
    %div3A_48 = arith.divf %broadcast_in_dim3A, %div3A_47 : vector<1000x1xf32>
    %sub3A = vector.broadcast %div3A_48 : vector<1000x1xf32> to vector<1000x256xf32>
    %sub3A_49 = arith.subf %add3A_39, %sub3A : vector<1000x256xf32>
    %mul3A = arith.mulf %sub3A_49, %sub3A_49 : vector<1000x256xf32>
    %reduce_sum3A_50 = arith.constant dense<0.000000e+00> : vector<1000xf32>
    %reduce_sum3A_51 = vector.multi_reduction <add>, %mul3A, %reduce_sum3A_50 [1] : vector<1000x256xf32> to vector<1000xf32>
    %broadcast_in_dim3A_52 = vector.shape_cast %reduce_sum3A_51 : vector<1000xf32> to vector<1000x1xf32>
    %div3A_53 = arith.constant 2.560000e+02 : f32
    %div3A_54 = vector.broadcast %div3A_53 : f32 to vector<1000x1xf32>
    %div3A_55 = arith.divf %broadcast_in_dim3A_52, %div3A_54 : vector<1000x1xf32>
    %add3A_56 = arith.constant 9.99999974E-6 : f32
    %add3A_57 = vector.broadcast %add3A_56 : f32 to vector<1000x1xf32>
    %add3A_58 = arith.addf %div3A_55, %add3A_57 : vector<1000x1xf32>
    %rsqrt3A = math.rsqrt %add3A_58 : vector<1000x1xf32>
    %mul3A_59 = vector.broadcast %rsqrt3A : vector<1000x1xf32> to vector<1000x256xf32>
    %mul3A_60 = arith.mulf %sub3A_49, %mul3A_59 : vector<1000x256xf32>
    %mul3A_61 = vector.broadcast %get3A_42 : vector<1x256xf32> to vector<1000x256xf32>
    %mul3A_62 = arith.mulf %mul3A_60, %mul3A_61 : vector<1000x256xf32>
    %add3A_63 = vector.broadcast %get3A_45 : vector<1x256xf32> to vector<1000x256xf32>
    %add3A_64 = arith.addf %mul3A_62, %add3A_63 : vector<1000x256xf32>
    %get3A_65 = arith.constant 0 : index
    %get3A_66 = arith.constant 0 : index
    %get3A_67 = vector.load %arg1[%get3A_65, %get3A_66] : memref<1000x256xf32, #tpu.memory_space<vmem>>, vector<1000x256xf32>
    %add3A_68 = arith.addf %get3A_67, %add3A_64 : vector<1000x256xf32>
    %swap3A = arith.constant 0 : index
    %swap3A_69 = arith.constant 0 : index
    %swap3A_70 = vector.load %arg14[%swap3A, %swap3A_69] : memref<1000x256xf32, #tpu.memory_space<vmem>>, vector<1000x256xf32>
    tpu.vector_store %arg14[%swap3A, %swap3A_69], %add3A_68 {strides = array<i32>} : memref<1000x256xf32, #tpu.memory_space<vmem>>, vector<1000x256xf32>,
    %get3A_71 = arith.constant 0 : index
    %get3A_72 = arith.constant 0 : index
    %get3A_73 = vector.load %arg12[%get3A_71, %get3A_72] : memref<256x256xf32, #tpu.memory_space<vmem>>, vector<256x256xf32>
    %dot_general3A_74 = arith.constant dense<0.000000e+00> : vector<1000x256xf32>
    %dot_general3A_75 = tpu.matmul %add3A_68, %get3A_73, %dot_general3A_74 {dimension_numbers = #tpu.dot_dimension_numbers<[1], [0], [0], [1], [0, 0, 1, 1], [], []>, transpose_lhs_hint = false} : vector<1000x256xf32>, vector<256x256xf32>, vector<1000x256xf32> -> vector<1000x256xf32>
    %slice3A = vector.extract_strided_slice %dot_general3A_75 {offsets = [0, 0], sizes = [1000, 128], strides = [1, 1]} : vector<1000x256xf32> to vector<1000x128xf32>
    %slice3A_76 = vector.extract_strided_slice %dot_general3A_75 {offsets = [0, 128], sizes = [1000, 128], strides = [1, 1]} : vector<1000x256xf32> to vector<1000x128xf32>
    %convert_element_type3A = arith.truncf %slice3A : vector<1000x128xf32> to vector<1000x128xbf16>
    %convert_element_type3A_77 = arith.extf %convert_element_type3A : vector<1000x128xbf16> to vector<1000x128xf32>
    %bitcast_convert_type3A = tpu.bitcast %convert_element_type3A_77 : vector<1000x128xf32> -> vector<1000x128xi32>
    %shift_right_logical3A = arith.constant 16 : i32
    %shift_right_logical3A_78 = vector.broadcast %shift_right_logical3A : i32 to vector<1000x128xi32>
    %shift_right_logical3A_79 = arith.shrui %bitcast_convert_type3A, %shift_right_logical3A_78 : vector<1000x128xi32>
    %convert_element_type3A_80 = arith.truncf %slice3A_76 : vector<1000x128xf32> to vector<1000x128xbf16>
    %convert_element_type3A_81 = arith.extf %convert_element_type3A_80 : vector<1000x128xbf16> to vector<1000x128xf32>
    %bitcast_convert_type3A_82 = tpu.bitcast %convert_element_type3A_81 : vector<1000x128xf32> -> vector<1000x128xi32>
    %and3A = arith.constant -65536 : i32
    %and3A_83 = vector.broadcast %and3A : i32 to vector<1000x128xi32>
    %and3A_84 = arith.andi %bitcast_convert_type3A_82, %and3A_83 : vector<1000x128xi32>
    %or3A = arith.ori %and3A_84, %shift_right_logical3A_79 : vector<1000x128xi32>
    %swap3A_85 = arith.constant 0 : index
    %swap3A_86 = arith.constant 0 : index
    %swap3A_87 = vector.load %arg15[%swap3A_85, %swap3A_86] : memref<1000x128xi32, #tpu.memory_space<vmem>>, vector<1000x128xi32>
    tpu.vector_store %arg15[%swap3A_85, %swap3A_86], %or3A {strides = array<i32>} : memref<1000x128xi32, #tpu.memory_space<vmem>>, vector<1000x128xi32>,
    %get3A_88 = arith.constant 0 : index
    %get3A_89 = arith.constant 0 : index
    %get3A_90 = vector.load %arg13[%get3A_88, %get3A_89] : memref<256x256xf32, #tpu.memory_space<vmem>>, vector<256x256xf32>
    %dot_general3A_91 = arith.constant dense<0.000000e+00> : vector<1000x256xf32>
    %dot_general3A_92 = tpu.matmul %add3A_68, %get3A_90, %dot_general3A_91 {dimension_numbers = #tpu.dot_dimension_numbers<[1], [0], [0], [1], [0, 0, 1, 1], [], []>, transpose_lhs_hint = false} : vector<1000x256xf32>, vector<256x256xf32>, vector<1000x256xf32> -> vector<1000x256xf32>
    %slice3A_93 = vector.extract_strided_slice %dot_general3A_92 {offsets = [0, 0], sizes = [1000, 128], strides = [1, 1]} : vector<1000x256xf32> to vector<1000x128xf32>
    %slice3A_94 = vector.extract_strided_slice %dot_general3A_92 {offsets = [0, 128], sizes = [1000, 128], strides = [1, 1]} : vector<1000x256xf32> to vector<1000x128xf32>
    %convert_element_type3A_95 = arith.truncf %slice3A_93 : vector<1000x128xf32> to vector<1000x128xbf16>
    %convert_element_type3A_96 = arith.extf %convert_element_type3A_95 : vector<1000x128xbf16> to vector<1000x128xf32>
    %bitcast_convert_type3A_97 = tpu.bitcast %convert_element_type3A_96 : vector<1000x128xf32> -> vector<1000x128xi32>
    %shift_right_logical3A_98 = arith.constant 16 : i32
    %shift_right_logical3A_99 = vector.broadcast %shift_right_logical3A_98 : i32 to vector<1000x128xi32>
    %shift_right_logical3A_100 = arith.shrui %bitcast_convert_type3A_97, %shift_right_logical3A_99 : vector<1000x128xi32>
    %convert_element_type3A_101 = arith.truncf %slice3A_94 : vector<1000x128xf32> to vector<1000x128xbf16>
    %convert_element_type3A_102 = arith.extf %convert_element_type3A_101 : vector<1000x128xbf16> to vector<1000x128xf32>
    %bitcast_convert_type3A_103 = tpu.bitcast %convert_element_type3A_102 : vector<1000x128xf32> -> vector<1000x128xi32>
    %and3A_104 = arith.constant -65536 : i32
    %and3A_105 = vector.broadcast %and3A_104 : i32 to vector<1000x128xi32>
    %and3A_106 = arith.andi %bitcast_convert_type3A_103, %and3A_105 : vector<1000x128xi32>
    %or3A_107 = arith.ori %and3A_106, %shift_right_logical3A_100 : vector<1000x128xi32>
    %swap3A_108 = arith.constant 0 : index
    %swap3A_109 = arith.constant 0 : index
    %swap3A_110 = vector.load %arg16[%swap3A_108, %swap3A_109] : memref<1000x128xi32, #tpu.memory_space<vmem>>, vector<1000x128xi32>
    tpu.vector_store %arg16[%swap3A_108, %swap3A_109], %or3A_107 {strides = array<i32>} : memref<1000x128xi32, #tpu.memory_space<vmem>>, vector<1000x128xi32>,
    return
  }
  func.func @transform_0(%arg0: i32) -> (i32, i32) {
    %c0_i32 = arith.constant 0 : i32
    %c0_i32_0 = arith.constant 0 : i32
    return %arg0, %c0_i32 : i32, i32
  }
  func.func @transform_1(%arg0: i32) -> (i32, i32) {
    %c0_i32 = arith.constant 0 : i32
    %c0_i32_0 = arith.constant 0 : i32
    return %arg0, %c0_i32 : i32, i32
  }
  func.func @transform_2(%arg0: i32) -> (i32, i32) {
    %c0_i32 = arith.constant 0 : i32
    %c0_i32_0 = arith.constant 0 : i32
    return %arg0, %c0_i32 : i32, i32
  }
  func.func @transform_3(%arg0: i32) -> (i32, i32) {
    %c0_i32 = arith.constant 0 : i32
    %c0_i32_0 = arith.constant 0 : i32
    %c0_i32_1 = arith.constant 0 : i32
    return %c0_i32, %c0_i32_0 : i32, i32
  }
  func.func @transform_4(%arg0: i32) -> (i32, i32) {
    %c0_i32 = arith.constant 0 : i32
    %c0_i32_0 = arith.constant 0 : i32
    %c0_i32_1 = arith.constant 0 : i32
    return %c0_i32, %c0_i32_0 : i32, i32
  }
  func.func @transform_5(%arg0: i32) -> (i32, i32) {
    %c0_i32 = arith.constant 0 : i32
    %c0_i32_0 = arith.constant 0 : i32
    %c0_i32_1 = arith.constant 0 : i32
    return %c0_i32, %c0_i32_0 : i32, i32
  }
  func.func @transform_6(%arg0: i32) -> (i32, i32) {
    %c0_i32 = arith.constant 0 : i32
    %c0_i32_0 = arith.constant 0 : i32
    %c0_i32_1 = arith.constant 0 : i32
    return %c0_i32, %c0_i32_0 : i32, i32
  }
  func.func @transform_7(%arg0: i32) -> (i32, i32) {
    %c0_i32 = arith.constant 0 : i32
    %c0_i32_0 = arith.constant 0 : i32
    %c0_i32_1 = arith.constant 0 : i32
    return %c0_i32, %c0_i32_0 : i32, i32
  }
  func.func @transform_8(%arg0: i32) -> (i32, i32) {
    %c0_i32 = arith.constant 0 : i32
    %c0_i32_0 = arith.constant 0 : i32
    %c0_i32_1 = arith.constant 0 : i32
    return %c0_i32, %c0_i32_0 : i32, i32
  }
  func.func @transform_9(%arg0: i32) -> (i32, i32) {
    %c0_i32 = arith.constant 0 : i32
    %c0_i32_0 = arith.constant 0 : i32
    %c0_i32_1 = arith.constant 0 : i32
    return %c0_i32, %c0_i32_0 : i32, i32
  }
  func.func @transform_10(%arg0: i32) -> (i32, i32) {
    %c0_i32 = arith.constant 0 : i32
    %c0_i32_0 = arith.constant 0 : i32
    %c0_i32_1 = arith.constant 0 : i32
    return %c0_i32, %c0_i32_0 : i32, i32
  }
  func.func @transform_11(%arg0: i32) -> (i32, i32) {
    %c0_i32 = arith.constant 0 : i32
    %c0_i32_0 = arith.constant 0 : i32
    %c0_i32_1 = arith.constant 0 : i32
    return %c0_i32, %c0_i32_0 : i32, i32
  }
  func.func @transform_12(%arg0: i32) -> (i32, i32) {
    %c0_i32 = arith.constant 0 : i32
    %c0_i32_0 = arith.constant 0 : i32
    %c0_i32_1 = arith.constant 0 : i32
    return %c0_i32, %c0_i32_0 : i32, i32
  }
  func.func @transform_13(%arg0: i32) -> (i32, i32) {
    %c0_i32 = arith.constant 0 : i32
    %c0_i32_0 = arith.constant 0 : i32
    return %arg0, %c0_i32 : i32, i32
  }
  func.func @transform_14(%arg0: i32) -> (i32, i32) {
    %c0_i32 = arith.constant 0 : i32
    %c0_i32_0 = arith.constant 0 : i32
    return %arg0, %c0_i32 : i32, i32
  }
  func.func @transform_15(%arg0: i32) -> (i32, i32) {
    %c0_i32 = arith.constant 0 : i32
    %c0_i32_0 = arith.constant 0 : i32
    return %arg0, %c0_i32 : i32, i32
  }
}

module attributes {stable_mosaic.version = 14 : i64} {
  func.func @_lambda_(%arg0: i32, %arg1: memref<1280x256xbf16, #tpu.memory_space<vmem>>, %arg2: memref<1280x128xi32, #tpu.memory_space<vmem>>, %arg3: memref<1280x128xi32, #tpu.memory_space<vmem>>, %arg4: memref<256x256xbf16, #tpu.memory_space<vmem>>, %arg5: memref<1x256xf32, #tpu.memory_space<vmem>>, %arg6: memref<256x256xbf16, #tpu.memory_space<vmem>>, %arg7: memref<1x256xf32, #tpu.memory_space<vmem>>, %arg8: memref<1x256xf32, #tpu.memory_space<vmem>>, %arg9: memref<1x256xf32, #tpu.memory_space<vmem>>, %arg10: memref<1280x128xf32, #tpu.memory_space<vmem>>, %arg11: memref<1280x128xf32, #tpu.memory_space<vmem>>) attributes {dimension_semantics = [#tpu.dimension_semantics<arbitrary>], iteration_bounds = array<i64: 125>, scalar_prefetch = 0 : i64, scratch_operands = 0 : i64, tpu.core_type = #tpu.core_type<tc>, window_params = [{transform_indices = @transform_0, window_bounds = array<i64: 1280, 256>}, {transform_indices = @transform_1, window_bounds = array<i64: 1280, 128>}, {transform_indices = @transform_2, window_bounds = array<i64: 1280, 128>}, {pipeline_mode = #tpu.pipeline_mode<synchronous>, transform_indices = @transform_3, window_bounds = array<i64: 256, 256>}, {pipeline_mode = #tpu.pipeline_mode<synchronous>, transform_indices = @transform_4, window_bounds = array<i64: 1, 256>}, {pipeline_mode = #tpu.pipeline_mode<synchronous>, transform_indices = @transform_5, window_bounds = array<i64: 256, 256>}, {pipeline_mode = #tpu.pipeline_mode<synchronous>, transform_indices = @transform_6, window_bounds = array<i64: 1, 256>}, {pipeline_mode = #tpu.pipeline_mode<synchronous>, transform_indices = @transform_7, window_bounds = array<i64: 1, 256>}, {pipeline_mode = #tpu.pipeline_mode<synchronous>, transform_indices = @transform_8, window_bounds = array<i64: 1, 256>}, {transform_indices = @transform_9, window_bounds = array<i64: 1280, 128>}, {transform_indices = @transform_10, window_bounds = array<i64: 1280, 128>}]} {
    %get3A = arith.constant 0 : index
    %get3A_0 = arith.constant 0 : index
    %get3A_1 = vector.load %arg1[%get3A, %get3A_0] : memref<1280x256xbf16, #tpu.memory_space<vmem>>, vector<1280x256xbf16>
    %get3A_2 = arith.constant 0 : index
    %get3A_3 = arith.constant 0 : index
    %get3A_4 = vector.load %arg2[%get3A_2, %get3A_3] : memref<1280x128xi32, #tpu.memory_space<vmem>>, vector<1280x128xi32>
    %shift_left3A = arith.constant 16 : i32
    %shift_left3A_5 = vector.broadcast %shift_left3A : i32 to vector<1280x128xi32>
    %shift_left3A_6 = arith.shli %get3A_4, %shift_left3A_5 : vector<1280x128xi32>
    %bitcast_convert_type3A = tpu.bitcast %shift_left3A_6 : vector<1280x128xi32> -> vector<1280x128xf32>
    %and3A = arith.constant -65536 : i32
    %and3A_7 = vector.broadcast %and3A : i32 to vector<1280x128xi32>
    %and3A_8 = arith.andi %get3A_4, %and3A_7 : vector<1280x128xi32>
    %bitcast_convert_type3A_9 = tpu.bitcast %and3A_8 : vector<1280x128xi32> -> vector<1280x128xf32>
    %get3A_10 = arith.constant 0 : index
    %get3A_11 = arith.constant 0 : index
    %get3A_12 = vector.load %arg3[%get3A_10, %get3A_11] : memref<1280x128xi32, #tpu.memory_space<vmem>>, vector<1280x128xi32>
    %shift_left3A_13 = arith.constant 16 : i32
    %shift_left3A_14 = vector.broadcast %shift_left3A_13 : i32 to vector<1280x128xi32>
    %shift_left3A_15 = arith.shli %get3A_12, %shift_left3A_14 : vector<1280x128xi32>
    %bitcast_convert_type3A_16 = tpu.bitcast %shift_left3A_15 : vector<1280x128xi32> -> vector<1280x128xf32>
    %and3A_17 = arith.constant -65536 : i32
    %and3A_18 = vector.broadcast %and3A_17 : i32 to vector<1280x128xi32>
    %and3A_19 = arith.andi %get3A_12, %and3A_18 : vector<1280x128xi32>
    %bitcast_convert_type3A_20 = tpu.bitcast %and3A_19 : vector<1280x128xi32> -> vector<1280x128xf32>
    %add3A = arith.addf %bitcast_convert_type3A, %bitcast_convert_type3A_16 : vector<1280x128xf32>
    %add3A_21 = arith.addf %bitcast_convert_type3A_9, %bitcast_convert_type3A_20 : vector<1280x128xf32>
    %concatenate3A = tpu.concatenate %add3A, %add3A_21 in 1 : vector<1280x128xf32>, vector<1280x128xf32> -> vector<1280x256xf32>
    %get3A_22 = arith.constant 0 : index
    %get3A_23 = arith.constant 0 : index
    %get3A_24 = vector.load %arg4[%get3A_22, %get3A_23] : memref<256x256xbf16, #tpu.memory_space<vmem>>, vector<256x256xbf16>
    %dot_general3A = arith.constant dense<0.000000e+00> : vector<1280x256xf32>
    %dot_general3A_25 = tpu.matmul %get3A_1, %get3A_24, %dot_general3A {dimension_numbers = #tpu.dot_dimension_numbers<[1], [0], [0], [1], [0, 0, 1, 1], [], []>, transpose_lhs_hint = false} : vector<1280x256xbf16>, vector<256x256xbf16>, vector<1280x256xf32> -> vector<1280x256xf32>
    %add3A_26 = arith.addf %dot_general3A_25, %concatenate3A : vector<1280x256xf32>
    %get3A_27 = arith.constant 0 : index
    %get3A_28 = arith.constant 0 : index
    %get3A_29 = vector.load %arg5[%get3A_27, %get3A_28] : memref<1x256xf32, #tpu.memory_space<vmem>>, vector<1x256xf32>
    %add3A_30 = vector.broadcast %get3A_29 : vector<1x256xf32> to vector<1280x256xf32>
    %add3A_31 = arith.addf %add3A_26, %add3A_30 : vector<1280x256xf32>
    %max3A = arith.constant 0.000000e+00 : f32
    %max3A_32 = vector.broadcast %max3A : f32 to vector<1280x256xf32>
    %max3A_33 = arith.maximumf %add3A_31, %max3A_32 : vector<1280x256xf32>
    %convert_element_type3A = arith.truncf %max3A_33 : vector<1280x256xf32> to vector<1280x256xbf16>
    %get3A_34 = arith.constant 0 : index
    %get3A_35 = arith.constant 0 : index
    %get3A_36 = vector.load %arg6[%get3A_34, %get3A_35] : memref<256x256xbf16, #tpu.memory_space<vmem>>, vector<256x256xbf16>
    %dot_general3A_37 = arith.constant dense<0.000000e+00> : vector<1280x256xf32>
    %dot_general3A_38 = tpu.matmul %convert_element_type3A, %get3A_36, %dot_general3A_37 {dimension_numbers = #tpu.dot_dimension_numbers<[1], [0], [0], [1], [0, 0, 1, 1], [], []>, transpose_lhs_hint = false} : vector<1280x256xbf16>, vector<256x256xbf16>, vector<1280x256xf32> -> vector<1280x256xf32>
    %get3A_39 = arith.constant 0 : index
    %get3A_40 = arith.constant 0 : index
    %get3A_41 = vector.load %arg7[%get3A_39, %get3A_40] : memref<1x256xf32, #tpu.memory_space<vmem>>, vector<1x256xf32>
    %add3A_42 = vector.broadcast %get3A_41 : vector<1x256xf32> to vector<1280x256xf32>
    %add3A_43 = arith.addf %dot_general3A_38, %add3A_42 : vector<1280x256xf32>
    %get3A_44 = arith.constant 0 : index
    %get3A_45 = arith.constant 0 : index
    %get3A_46 = vector.load %arg8[%get3A_44, %get3A_45] : memref<1x256xf32, #tpu.memory_space<vmem>>, vector<1x256xf32>
    %get3A_47 = arith.constant 0 : index
    %get3A_48 = arith.constant 0 : index
    %get3A_49 = vector.load %arg9[%get3A_47, %get3A_48] : memref<1x256xf32, #tpu.memory_space<vmem>>, vector<1x256xf32>
    %reduce_sum3A = arith.constant dense<0.000000e+00> : vector<1280xf32>
    %reduce_sum3A_50 = vector.multi_reduction <add>, %add3A_43, %reduce_sum3A [1] : vector<1280x256xf32> to vector<1280xf32>
    %broadcast_in_dim3A = vector.shape_cast %reduce_sum3A_50 : vector<1280xf32> to vector<1280x1xf32>
    %div3A = arith.constant 2.560000e+02 : f32
    %div3A_51 = vector.broadcast %div3A : f32 to vector<1280x1xf32>
    %div3A_52 = arith.divf %broadcast_in_dim3A, %div3A_51 : vector<1280x1xf32>
    %sub3A = vector.broadcast %div3A_52 : vector<1280x1xf32> to vector<1280x256xf32>
    %sub3A_53 = arith.subf %add3A_43, %sub3A : vector<1280x256xf32>
    %mul3A = arith.mulf %sub3A_53, %sub3A_53 : vector<1280x256xf32>
    %reduce_sum3A_54 = arith.constant dense<0.000000e+00> : vector<1280xf32>
    %reduce_sum3A_55 = vector.multi_reduction <add>, %mul3A, %reduce_sum3A_54 [1] : vector<1280x256xf32> to vector<1280xf32>
    %broadcast_in_dim3A_56 = vector.shape_cast %reduce_sum3A_55 : vector<1280xf32> to vector<1280x1xf32>
    %div3A_57 = arith.constant 2.560000e+02 : f32
    %div3A_58 = vector.broadcast %div3A_57 : f32 to vector<1280x1xf32>
    %div3A_59 = arith.divf %broadcast_in_dim3A_56, %div3A_58 : vector<1280x1xf32>
    %add3A_60 = arith.constant 9.99999974E-6 : f32
    %add3A_61 = vector.broadcast %add3A_60 : f32 to vector<1280x1xf32>
    %add3A_62 = arith.addf %div3A_59, %add3A_61 : vector<1280x1xf32>
    %rsqrt3A = math.rsqrt %add3A_62 : vector<1280x1xf32>
    %mul3A_63 = vector.broadcast %rsqrt3A : vector<1280x1xf32> to vector<1280x256xf32>
    %mul3A_64 = arith.mulf %sub3A_53, %mul3A_63 : vector<1280x256xf32>
    %mul3A_65 = vector.broadcast %get3A_46 : vector<1x256xf32> to vector<1280x256xf32>
    %mul3A_66 = arith.mulf %mul3A_64, %mul3A_65 : vector<1280x256xf32>
    %add3A_67 = vector.broadcast %get3A_49 : vector<1x256xf32> to vector<1280x256xf32>
    %add3A_68 = arith.addf %mul3A_66, %add3A_67 : vector<1280x256xf32>
    %slice3A = vector.extract_strided_slice %add3A_68 {offsets = [0, 0], sizes = [1280, 128], strides = [1, 1]} : vector<1280x256xf32> to vector<1280x128xf32>
    %swap3A = arith.constant 0 : index
    %swap3A_69 = arith.constant 0 : index
    %swap3A_70 = vector.load %arg10[%swap3A, %swap3A_69] : memref<1280x128xf32, #tpu.memory_space<vmem>>, vector<1280x128xf32>
    tpu.vector_store %arg10[%swap3A, %swap3A_69], %slice3A {strides = array<i32>} : memref<1280x128xf32, #tpu.memory_space<vmem>>, vector<1280x128xf32>,
    %slice3A_71 = vector.extract_strided_slice %add3A_68 {offsets = [0, 128], sizes = [1280, 128], strides = [1, 1]} : vector<1280x256xf32> to vector<1280x128xf32>
    %swap3A_72 = arith.constant 0 : index
    %swap3A_73 = arith.constant 0 : index
    %swap3A_74 = vector.load %arg11[%swap3A_72, %swap3A_73] : memref<1280x128xf32, #tpu.memory_space<vmem>>, vector<1280x128xf32>
    tpu.vector_store %arg11[%swap3A_72, %swap3A_73], %slice3A_71 {strides = array<i32>} : memref<1280x128xf32, #tpu.memory_space<vmem>>, vector<1280x128xf32>,
    return
  }
  func.func @transform_0(%arg0: i32) -> (i32, i32) {
    %c0_i32 = arith.constant 0 : i32
    %c0_i32_0 = arith.constant 0 : i32
    return %arg0, %c0_i32 : i32, i32
  }
  func.func @transform_1(%arg0: i32) -> (i32, i32) {
    %c0_i32 = arith.constant 0 : i32
    %c0_i32_0 = arith.constant 0 : i32
    return %arg0, %c0_i32 : i32, i32
  }
  func.func @transform_2(%arg0: i32) -> (i32, i32) {
    %c0_i32 = arith.constant 0 : i32
    %c0_i32_0 = arith.constant 0 : i32
    return %arg0, %c0_i32 : i32, i32
  }
  func.func @transform_3(%arg0: i32) -> (i32, i32) {
    %c0_i32 = arith.constant 0 : i32
    %c0_i32_0 = arith.constant 0 : i32
    %c0_i32_1 = arith.constant 0 : i32
    return %c0_i32, %c0_i32_0 : i32, i32
  }
  func.func @transform_4(%arg0: i32) -> (i32, i32) {
    %c0_i32 = arith.constant 0 : i32
    %c0_i32_0 = arith.constant 0 : i32
    %c0_i32_1 = arith.constant 0 : i32
    return %c0_i32, %c0_i32_0 : i32, i32
  }
  func.func @transform_5(%arg0: i32) -> (i32, i32) {
    %c0_i32 = arith.constant 0 : i32
    %c0_i32_0 = arith.constant 0 : i32
    %c0_i32_1 = arith.constant 0 : i32
    return %c0_i32, %c0_i32_0 : i32, i32
  }
  func.func @transform_6(%arg0: i32) -> (i32, i32) {
    %c0_i32 = arith.constant 0 : i32
    %c0_i32_0 = arith.constant 0 : i32
    %c0_i32_1 = arith.constant 0 : i32
    return %c0_i32, %c0_i32_0 : i32, i32
  }
  func.func @transform_7(%arg0: i32) -> (i32, i32) {
    %c0_i32 = arith.constant 0 : i32
    %c0_i32_0 = arith.constant 0 : i32
    %c0_i32_1 = arith.constant 0 : i32
    return %c0_i32, %c0_i32_0 : i32, i32
  }
  func.func @transform_8(%arg0: i32) -> (i32, i32) {
    %c0_i32 = arith.constant 0 : i32
    %c0_i32_0 = arith.constant 0 : i32
    %c0_i32_1 = arith.constant 0 : i32
    return %c0_i32, %c0_i32_0 : i32, i32
  }
  func.func @transform_9(%arg0: i32) -> (i32, i32) {
    %c0_i32 = arith.constant 0 : i32
    %c0_i32_0 = arith.constant 0 : i32
    return %arg0, %c0_i32 : i32, i32
  }
  func.func @transform_10(%arg0: i32) -> (i32, i32) {
    %c0_i32 = arith.constant 0 : i32
    %c0_i32_0 = arith.constant 0 : i32
    return %arg0, %c0_i32 : i32, i32
  }
}

module attributes {stable_mosaic.version = 14 : i64} {
  func.func @_node2_body(%arg0: i32, %arg1: memref<1000x256xf32, #tpu.memory_space<vmem>>, %arg2: memref<1000x128xf32, #tpu.memory_space<vmem>>, %arg3: memref<1000x128xf32, #tpu.memory_space<vmem>>, %arg4: memref<1000x1xi32, #tpu.memory_space<vmem>>, %arg5: memref<256x256xf32, #tpu.memory_space<vmem>>, %arg6: memref<128x256xf32, #tpu.memory_space<vmem>>, %arg7: memref<128x256xf32, #tpu.memory_space<vmem>>, %arg8: memref<1x256xf32, #tpu.memory_space<vmem>>, %arg9: memref<256x256xf32, #tpu.memory_space<vmem>>, %arg10: memref<1x256xf32, #tpu.memory_space<vmem>>, %arg11: memref<1x256xf32, #tpu.memory_space<vmem>>, %arg12: memref<1x256xf32, #tpu.memory_space<vmem>>, %arg13: memref<256x1xf32, #tpu.memory_space<vmem>>, %arg14: memref<1x1xf32, #tpu.memory_space<vmem>>, %arg15: memref<1000x256xf32, #tpu.memory_space<vmem>>, %arg16: memref<1000x1xf32, #tpu.memory_space<vmem>>, %arg17: memref<1x8xf32, #tpu.memory_space<vmem>>) attributes {dimension_semantics = [#tpu.dimension_semantics<arbitrary>], iteration_bounds = array<i64: 10>, scalar_prefetch = 0 : i64, scratch_operands = 0 : i64, tpu.core_type = #tpu.core_type<tc>, window_params = [{transform_indices = @transform_0, window_bounds = array<i64: 1000, 256>}, {transform_indices = @transform_1, window_bounds = array<i64: 1000, 128>}, {transform_indices = @transform_2, window_bounds = array<i64: 1000, 128>}, {transform_indices = @transform_3, window_bounds = array<i64: 1000, 1>}, {pipeline_mode = #tpu.pipeline_mode<synchronous>, transform_indices = @transform_4, window_bounds = array<i64: 256, 256>}, {pipeline_mode = #tpu.pipeline_mode<synchronous>, transform_indices = @transform_5, window_bounds = array<i64: 128, 256>}, {pipeline_mode = #tpu.pipeline_mode<synchronous>, transform_indices = @transform_6, window_bounds = array<i64: 128, 256>}, {pipeline_mode = #tpu.pipeline_mode<synchronous>, transform_indices = @transform_7, window_bounds = array<i64: 1, 256>}, {pipeline_mode = #tpu.pipeline_mode<synchronous>, transform_indices = @transform_8, window_bounds = array<i64: 256, 256>}, {pipeline_mode = #tpu.pipeline_mode<synchronous>, transform_indices = @transform_9, window_bounds = array<i64: 1, 256>}, {pipeline_mode = #tpu.pipeline_mode<synchronous>, transform_indices = @transform_10, window_bounds = array<i64: 1, 256>}, {pipeline_mode = #tpu.pipeline_mode<synchronous>, transform_indices = @transform_11, window_bounds = array<i64: 1, 256>}, {pipeline_mode = #tpu.pipeline_mode<synchronous>, transform_indices = @transform_12, window_bounds = array<i64: 256, 1>}, {pipeline_mode = #tpu.pipeline_mode<synchronous>, transform_indices = @transform_13, window_bounds = array<i64: 1, 1>}, {transform_indices = @transform_14, window_bounds = array<i64: 1000, 256>}, {transform_indices = @transform_15, window_bounds = array<i64: 1000, 1>}, {pipeline_mode = #tpu.pipeline_mode<synchronous>, transform_indices = @transform_16, window_bounds = array<i64: 1, 8>}]} {
    %get3A = arith.constant 0 : index
    %get3A_0 = arith.constant 0 : index
    %get3A_1 = vector.load %arg1[%get3A, %get3A_0] : memref<1000x256xf32, #tpu.memory_space<vmem>>, vector<1000x256xf32>
    %get3A_2 = arith.constant 0 : index
    %get3A_3 = arith.constant 0 : index
    %get3A_4 = vector.load %arg5[%get3A_2, %get3A_3] : memref<256x256xf32, #tpu.memory_space<vmem>>, vector<256x256xf32>
    %dot_general3A = arith.constant dense<0.000000e+00> : vector<1000x256xf32>
    %dot_general3A_5 = tpu.matmul %get3A_1, %get3A_4, %dot_general3A {dimension_numbers = #tpu.dot_dimension_numbers<[1], [0], [0], [1], [0, 0, 1, 1], [], []>, transpose_lhs_hint = false} : vector<1000x256xf32>, vector<256x256xf32>, vector<1000x256xf32> -> vector<1000x256xf32>
    %get3A_6 = arith.constant 0 : index
    %get3A_7 = arith.constant 0 : index
    %get3A_8 = vector.load %arg2[%get3A_6, %get3A_7] : memref<1000x128xf32, #tpu.memory_space<vmem>>, vector<1000x128xf32>
    %get3A_9 = arith.constant 0 : index
    %get3A_10 = arith.constant 0 : index
    %get3A_11 = vector.load %arg6[%get3A_9, %get3A_10] : memref<128x256xf32, #tpu.memory_space<vmem>>, vector<128x256xf32>
    %dot_general3A_12 = arith.constant dense<0.000000e+00> : vector<1000x256xf32>
    %dot_general3A_13 = tpu.matmul %get3A_8, %get3A_11, %dot_general3A_12 {dimension_numbers = #tpu.dot_dimension_numbers<[1], [0], [0], [1], [0, 0, 1, 1], [], []>, transpose_lhs_hint = false} : vector<1000x128xf32>, vector<128x256xf32>, vector<1000x256xf32> -> vector<1000x256xf32>
    %add3A = arith.addf %dot_general3A_5, %dot_general3A_13 : vector<1000x256xf32>
    %get3A_14 = arith.constant 0 : index
    %get3A_15 = arith.constant 0 : index
    %get3A_16 = vector.load %arg3[%get3A_14, %get3A_15] : memref<1000x128xf32, #tpu.memory_space<vmem>>, vector<1000x128xf32>
    %get3A_17 = arith.constant 0 : index
    %get3A_18 = arith.constant 0 : index
    %get3A_19 = vector.load %arg7[%get3A_17, %get3A_18] : memref<128x256xf32, #tpu.memory_space<vmem>>, vector<128x256xf32>
    %dot_general3A_20 = arith.constant dense<0.000000e+00> : vector<1000x256xf32>
    %dot_general3A_21 = tpu.matmul %get3A_16, %get3A_19, %dot_general3A_20 {dimension_numbers = #tpu.dot_dimension_numbers<[1], [0], [0], [1], [0, 0, 1, 1], [], []>, transpose_lhs_hint = false} : vector<1000x128xf32>, vector<128x256xf32>, vector<1000x256xf32> -> vector<1000x256xf32>
    %add3A_22 = arith.addf %add3A, %dot_general3A_21 : vector<1000x256xf32>
    %get3A_23 = arith.constant 0 : index
    %get3A_24 = arith.constant 0 : index
    %get3A_25 = vector.load %arg8[%get3A_23, %get3A_24] : memref<1x256xf32, #tpu.memory_space<vmem>>, vector<1x256xf32>
    %add3A_26 = vector.broadcast %get3A_25 : vector<1x256xf32> to vector<1000x256xf32>
    %add3A_27 = arith.addf %add3A_22, %add3A_26 : vector<1000x256xf32>
    %max3A = arith.constant 0.000000e+00 : f32
    %max3A_28 = vector.broadcast %max3A : f32 to vector<1000x256xf32>
    %max3A_29 = arith.maximumf %add3A_27, %max3A_28 : vector<1000x256xf32>
    %get3A_30 = arith.constant 0 : index
    %get3A_31 = arith.constant 0 : index
    %get3A_32 = vector.load %arg9[%get3A_30, %get3A_31] : memref<256x256xf32, #tpu.memory_space<vmem>>, vector<256x256xf32>
    %dot_general3A_33 = arith.constant dense<0.000000e+00> : vector<1000x256xf32>
    %dot_general3A_34 = tpu.matmul %max3A_29, %get3A_32, %dot_general3A_33 {dimension_numbers = #tpu.dot_dimension_numbers<[1], [0], [0], [1], [0, 0, 1, 1], [], []>, transpose_lhs_hint = false} : vector<1000x256xf32>, vector<256x256xf32>, vector<1000x256xf32> -> vector<1000x256xf32>
    %get3A_35 = arith.constant 0 : index
    %get3A_36 = arith.constant 0 : index
    %get3A_37 = vector.load %arg10[%get3A_35, %get3A_36] : memref<1x256xf32, #tpu.memory_space<vmem>>, vector<1x256xf32>
    %add3A_38 = vector.broadcast %get3A_37 : vector<1x256xf32> to vector<1000x256xf32>
    %add3A_39 = arith.addf %dot_general3A_34, %add3A_38 : vector<1000x256xf32>
    %get3A_40 = arith.constant 0 : index
    %get3A_41 = arith.constant 0 : index
    %get3A_42 = vector.load %arg11[%get3A_40, %get3A_41] : memref<1x256xf32, #tpu.memory_space<vmem>>, vector<1x256xf32>
    %get3A_43 = arith.constant 0 : index
    %get3A_44 = arith.constant 0 : index
    %get3A_45 = vector.load %arg12[%get3A_43, %get3A_44] : memref<1x256xf32, #tpu.memory_space<vmem>>, vector<1x256xf32>
    %reduce_sum3A = arith.constant dense<0.000000e+00> : vector<1000xf32>
    %reduce_sum3A_46 = vector.multi_reduction <add>, %add3A_39, %reduce_sum3A [1] : vector<1000x256xf32> to vector<1000xf32>
    %broadcast_in_dim3A = vector.shape_cast %reduce_sum3A_46 : vector<1000xf32> to vector<1000x1xf32>
    %div3A = arith.constant 2.560000e+02 : f32
    %div3A_47 = vector.broadcast %div3A : f32 to vector<1000x1xf32>
    %div3A_48 = arith.divf %broadcast_in_dim3A, %div3A_47 : vector<1000x1xf32>
    %sub3A = vector.broadcast %div3A_48 : vector<1000x1xf32> to vector<1000x256xf32>
    %sub3A_49 = arith.subf %add3A_39, %sub3A : vector<1000x256xf32>
    %mul3A = arith.mulf %sub3A_49, %sub3A_49 : vector<1000x256xf32>
    %reduce_sum3A_50 = arith.constant dense<0.000000e+00> : vector<1000xf32>
    %reduce_sum3A_51 = vector.multi_reduction <add>, %mul3A, %reduce_sum3A_50 [1] : vector<1000x256xf32> to vector<1000xf32>
    %broadcast_in_dim3A_52 = vector.shape_cast %reduce_sum3A_51 : vector<1000xf32> to vector<1000x1xf32>
    %div3A_53 = arith.constant 2.560000e+02 : f32
    %div3A_54 = vector.broadcast %div3A_53 : f32 to vector<1000x1xf32>
    %div3A_55 = arith.divf %broadcast_in_dim3A_52, %div3A_54 : vector<1000x1xf32>
    %add3A_56 = arith.constant 9.99999974E-6 : f32
    %add3A_57 = vector.broadcast %add3A_56 : f32 to vector<1000x1xf32>
    %add3A_58 = arith.addf %div3A_55, %add3A_57 : vector<1000x1xf32>
    %rsqrt3A = math.rsqrt %add3A_58 : vector<1000x1xf32>
    %mul3A_59 = vector.broadcast %rsqrt3A : vector<1000x1xf32> to vector<1000x256xf32>
    %mul3A_60 = arith.mulf %sub3A_49, %mul3A_59 : vector<1000x256xf32>
    %mul3A_61 = vector.broadcast %get3A_42 : vector<1x256xf32> to vector<1000x256xf32>
    %mul3A_62 = arith.mulf %mul3A_60, %mul3A_61 : vector<1000x256xf32>
    %add3A_63 = vector.broadcast %get3A_45 : vector<1x256xf32> to vector<1000x256xf32>
    %add3A_64 = arith.addf %mul3A_62, %add3A_63 : vector<1000x256xf32>
    %get3A_65 = arith.constant 0 : index
    %get3A_66 = arith.constant 0 : index
    %get3A_67 = vector.load %arg1[%get3A_65, %get3A_66] : memref<1000x256xf32, #tpu.memory_space<vmem>>, vector<1000x256xf32>
    %add3A_68 = arith.addf %get3A_67, %add3A_64 : vector<1000x256xf32>
    %swap3A = arith.constant 0 : index
    %swap3A_69 = arith.constant 0 : index
    %swap3A_70 = vector.load %arg15[%swap3A, %swap3A_69] : memref<1000x256xf32, #tpu.memory_space<vmem>>, vector<1000x256xf32>
    tpu.vector_store %arg15[%swap3A, %swap3A_69], %add3A_68 {strides = array<i32>} : memref<1000x256xf32, #tpu.memory_space<vmem>>, vector<1000x256xf32>,
    %get3A_71 = arith.constant 0 : index
    %get3A_72 = arith.constant 0 : index
    %get3A_73 = vector.load %arg13[%get3A_71, %get3A_72] : memref<256x1xf32, #tpu.memory_space<vmem>>, vector<256x1xf32>
    %dot_general3A_74 = arith.constant dense<0.000000e+00> : vector<1000x1xf32>
    %dot_general3A_75 = tpu.matmul %add3A_68, %get3A_73, %dot_general3A_74 {dimension_numbers = #tpu.dot_dimension_numbers<[1], [0], [0], [1], [0, 0, 1, 1], [], []>, transpose_lhs_hint = false} : vector<1000x256xf32>, vector<256x1xf32>, vector<1000x1xf32> -> vector<1000x1xf32>
    %get3A_76 = arith.constant 0 : index
    %get3A_77 = arith.constant 0 : index
    %get3A_78 = vector.load %arg14[%get3A_76, %get3A_77] : memref<1x1xf32, #tpu.memory_space<vmem>>, vector<1x1xf32>
    %add3A_79 = vector.broadcast %get3A_78 : vector<1x1xf32> to vector<1000x1xf32>
    %add3A_80 = arith.addf %dot_general3A_75, %add3A_79 : vector<1000x1xf32>
    %swap3A_81 = arith.constant 0 : index
    %swap3A_82 = arith.constant 0 : index
    %swap3A_83 = vector.load %arg16[%swap3A_81, %swap3A_82] : memref<1000x1xf32, #tpu.memory_space<vmem>>, vector<1000x1xf32>
    tpu.vector_store %arg16[%swap3A_81, %swap3A_82], %add3A_80 {strides = array<i32>} : memref<1000x1xf32, #tpu.memory_space<vmem>>, vector<1000x1xf32>,
    %get3A_84 = arith.constant 0 : index
    %get3A_85 = arith.constant 0 : index
    %get3A_86 = vector.load %arg4[%get3A_84, %get3A_85] : memref<1000x1xi32, #tpu.memory_space<vmem>>, vector<1000x1xi32>
    %iota3A = tpu.iota {dimensions = array<i32: 1>} : vector<1000x8xi32>
    %eq3A = vector.broadcast %get3A_86 : vector<1000x1xi32> to vector<1000x8xi32>
    %eq3A_87 = arith.cmpi eq, %eq3A, %iota3A : vector<1000x8xi32>
    %jit3A = arith.constant -1.000000e+30 : f32
    %broadcast_in_dim3A_88 = vector.shape_cast %add3A_80 : vector<1000x1xf32> to vector<1000x1xf32>
    %broadcast_in_dim3A_89 = vector.broadcast %broadcast_in_dim3A_88 : vector<1000x1xf32> to vector<1000x8xf32>
    %broadcast_in_dim3A_90 = vector.broadcast %jit3A : f32 to vector<1000x8xf32>
    %select_n3A = arith.select %eq3A_87, %broadcast_in_dim3A_89, %broadcast_in_dim3A_90 : vector<1000x8xi1>, vector<1000x8xf32>
    %reduce_max3A = arith.constant dense<0xFF800000> : vector<8xf32>
    %reduce_max3A_91 = vector.multi_reduction <maximumf>, %select_n3A, %reduce_max3A [0] : vector<1000x8xf32> to vector<8xf32>
    %broadcast_in_dim3A_92 = vector.shape_cast %reduce_max3A_91 : vector<8xf32> to vector<1x8xf32>
    %eq3A_93 = arith.constant 0 : i32
    %eq3A_94 = arith.cmpi eq, %arg0, %eq3A_93 : i32
    %convert_element_type3A = arith.extui %eq3A_94 : i1 to i32
    %cond3A = arith.constant 0 : i32
    %cond3A_95 = arith.cmpi ne, %convert_element_type3A, %cond3A : i32
    scf.if %cond3A_95 {
      %swap3A_100 = arith.constant 0 : index
      %swap3A_101 = arith.constant 0 : index
      %swap3A_102 = vector.load %arg17[%swap3A_100, %swap3A_101] : memref<1x8xf32, #tpu.memory_space<vmem>>, vector<1x8xf32>
      tpu.vector_store %arg17[%swap3A_100, %swap3A_101], %broadcast_in_dim3A_92 {strides = array<i32>} : memref<1x8xf32, #tpu.memory_space<vmem>>, vector<1x8xf32>,
    } else {
    }
    %gt3A = arith.constant 0 : i32
    %gt3A_96 = arith.cmpi sgt, %arg0, %gt3A : i32
    %convert_element_type3A_97 = arith.extui %gt3A_96 : i1 to i32
    %cond3A_98 = arith.constant 0 : i32
    %cond3A_99 = arith.cmpi ne, %convert_element_type3A_97, %cond3A_98 : i32
    scf.if %cond3A_99 {
      %get3A_100 = arith.constant 0 : index
      %get3A_101 = arith.constant 0 : index
      %get3A_102 = vector.load %arg17[%get3A_100, %get3A_101] : memref<1x8xf32, #tpu.memory_space<vmem>>, vector<1x8xf32>
      %max3A_103 = arith.maximumf %get3A_102, %broadcast_in_dim3A_92 : vector<1x8xf32>
      %swap3A_104 = arith.constant 0 : index
      %swap3A_105 = arith.constant 0 : index
      %swap3A_106 = vector.load %arg17[%swap3A_104, %swap3A_105] : memref<1x8xf32, #tpu.memory_space<vmem>>, vector<1x8xf32>
      tpu.vector_store %arg17[%swap3A_104, %swap3A_105], %max3A_103 {strides = array<i32>} : memref<1x8xf32, #tpu.memory_space<vmem>>, vector<1x8xf32>,
    } else {
    }
    return
  }
  func.func @transform_0(%arg0: i32) -> (i32, i32) {
    %c0_i32 = arith.constant 0 : i32
    %c0_i32_0 = arith.constant 0 : i32
    return %arg0, %c0_i32 : i32, i32
  }
  func.func @transform_1(%arg0: i32) -> (i32, i32) {
    %c0_i32 = arith.constant 0 : i32
    %c0_i32_0 = arith.constant 0 : i32
    return %arg0, %c0_i32 : i32, i32
  }
  func.func @transform_2(%arg0: i32) -> (i32, i32) {
    %c0_i32 = arith.constant 0 : i32
    %c0_i32_0 = arith.constant 0 : i32
    return %arg0, %c0_i32 : i32, i32
  }
  func.func @transform_3(%arg0: i32) -> (i32, i32) {
    %c0_i32 = arith.constant 0 : i32
    %c0_i32_0 = arith.constant 0 : i32
    return %arg0, %c0_i32 : i32, i32
  }
  func.func @transform_4(%arg0: i32) -> (i32, i32) {
    %c0_i32 = arith.constant 0 : i32
    %c0_i32_0 = arith.constant 0 : i32
    %c0_i32_1 = arith.constant 0 : i32
    return %c0_i32, %c0_i32_0 : i32, i32
  }
  func.func @transform_5(%arg0: i32) -> (i32, i32) {
    %c0_i32 = arith.constant 0 : i32
    %c0_i32_0 = arith.constant 0 : i32
    %c0_i32_1 = arith.constant 0 : i32
    return %c0_i32, %c0_i32_0 : i32, i32
  }
  func.func @transform_6(%arg0: i32) -> (i32, i32) {
    %c0_i32 = arith.constant 0 : i32
    %c0_i32_0 = arith.constant 0 : i32
    %c0_i32_1 = arith.constant 0 : i32
    return %c0_i32, %c0_i32_0 : i32, i32
  }
  func.func @transform_7(%arg0: i32) -> (i32, i32) {
    %c0_i32 = arith.constant 0 : i32
    %c0_i32_0 = arith.constant 0 : i32
    %c0_i32_1 = arith.constant 0 : i32
    return %c0_i32, %c0_i32_0 : i32, i32
  }
  func.func @transform_8(%arg0: i32) -> (i32, i32) {
    %c0_i32 = arith.constant 0 : i32
    %c0_i32_0 = arith.constant 0 : i32
    %c0_i32_1 = arith.constant 0 : i32
    return %c0_i32, %c0_i32_0 : i32, i32
  }
  func.func @transform_9(%arg0: i32) -> (i32, i32) {
    %c0_i32 = arith.constant 0 : i32
    %c0_i32_0 = arith.constant 0 : i32
    %c0_i32_1 = arith.constant 0 : i32
    return %c0_i32, %c0_i32_0 : i32, i32
  }
  func.func @transform_10(%arg0: i32) -> (i32, i32) {
    %c0_i32 = arith.constant 0 : i32
    %c0_i32_0 = arith.constant 0 : i32
    %c0_i32_1 = arith.constant 0 : i32
    return %c0_i32, %c0_i32_0 : i32, i32
  }
  func.func @transform_11(%arg0: i32) -> (i32, i32) {
    %c0_i32 = arith.constant 0 : i32
    %c0_i32_0 = arith.constant 0 : i32
    %c0_i32_1 = arith.constant 0 : i32
    return %c0_i32, %c0_i32_0 : i32, i32
  }
  func.func @transform_12(%arg0: i32) -> (i32, i32) {
    %c0_i32 = arith.constant 0 : i32
    %c0_i32_0 = arith.constant 0 : i32
    %c0_i32_1 = arith.constant 0 : i32
    return %c0_i32, %c0_i32_0 : i32, i32
  }
  func.func @transform_13(%arg0: i32) -> (i32, i32) {
    %c0_i32 = arith.constant 0 : i32
    %c0_i32_0 = arith.constant 0 : i32
    %c0_i32_1 = arith.constant 0 : i32
    return %c0_i32, %c0_i32_0 : i32, i32
  }
  func.func @transform_14(%arg0: i32) -> (i32, i32) {
    %c0_i32 = arith.constant 0 : i32
    %c0_i32_0 = arith.constant 0 : i32
    return %arg0, %c0_i32 : i32, i32
  }
  func.func @transform_15(%arg0: i32) -> (i32, i32) {
    %c0_i32 = arith.constant 0 : i32
    %c0_i32_0 = arith.constant 0 : i32
    return %arg0, %c0_i32 : i32, i32
  }
  func.func @transform_16(%arg0: i32) -> (i32, i32) {
    %c0_i32 = arith.constant 0 : i32
    %c0_i32_0 = arith.constant 0 : i32
    %c0_i32_1 = arith.constant 0 : i32
    return %c0_i32, %c0_i32_0 : i32, i32
  }
}

module attributes {stable_mosaic.version = 14 : i64} {
  func.func @_pool_body(%arg0: i32, %arg1: memref<1000x256xf32, #tpu.memory_space<vmem>>, %arg2: memref<1000x1xf32, #tpu.memory_space<vmem>>, %arg3: memref<1000x1xi32, #tpu.memory_space<vmem>>, %arg4: memref<1x8xf32, #tpu.memory_space<vmem>>, %arg5: memref<8x256xf32, #tpu.memory_space<vmem>>, %arg6: memref<8x1xf32, #tpu.memory_space<vmem>>) attributes {dimension_semantics = [#tpu.dimension_semantics<arbitrary>], iteration_bounds = array<i64: 10>, scalar_prefetch = 0 : i64, scratch_operands = 0 : i64, tpu.core_type = #tpu.core_type<tc>, window_params = [{transform_indices = @transform_0, window_bounds = array<i64: 1000, 256>}, {transform_indices = @transform_1, window_bounds = array<i64: 1000, 1>}, {transform_indices = @transform_2, window_bounds = array<i64: 1000, 1>}, {pipeline_mode = #tpu.pipeline_mode<synchronous>, transform_indices = @transform_3, window_bounds = array<i64: 1, 8>}, {pipeline_mode = #tpu.pipeline_mode<synchronous>, transform_indices = @transform_4, window_bounds = array<i64: 8, 256>}, {pipeline_mode = #tpu.pipeline_mode<synchronous>, transform_indices = @transform_5, window_bounds = array<i64: 8, 1>}]} {
    %get3A = arith.constant 0 : index
    %get3A_0 = arith.constant 0 : index
    %get3A_1 = vector.load %arg3[%get3A, %get3A_0] : memref<1000x1xi32, #tpu.memory_space<vmem>>, vector<1000x1xi32>
    %iota3A = tpu.iota {dimensions = array<i32: 1>} : vector<1000x8xi32>
    %eq3A = vector.broadcast %get3A_1 : vector<1000x1xi32> to vector<1000x8xi32>
    %eq3A_2 = arith.cmpi eq, %eq3A, %iota3A : vector<1000x8xi32>
    %convert_element_type3A = arith.extui %eq3A_2 : vector<1000x8xi1> to vector<1000x8xi32>
    %convert_element_type3A_3 = arith.sitofp %convert_element_type3A : vector<1000x8xi32> to vector<1000x8xf32>
    %get3A_4 = arith.constant 0 : index
    %get3A_5 = arith.constant 0 : index
    %get3A_6 = vector.load %arg4[%get3A_4, %get3A_5] : memref<1x8xf32, #tpu.memory_space<vmem>>, vector<1x8xf32>
    %mul3A = vector.broadcast %get3A_6 : vector<1x8xf32> to vector<1000x8xf32>
    %mul3A_7 = arith.mulf %convert_element_type3A_3, %mul3A : vector<1000x8xf32>
    %reduce_sum3A = arith.constant dense<0.000000e+00> : vector<1000xf32>
    %reduce_sum3A_8 = vector.multi_reduction <add>, %mul3A_7, %reduce_sum3A [1] : vector<1000x8xf32> to vector<1000xf32>
    %broadcast_in_dim3A = vector.shape_cast %reduce_sum3A_8 : vector<1000xf32> to vector<1000x1xf32>
    %get3A_9 = arith.constant 0 : index
    %get3A_10 = arith.constant 0 : index
    %get3A_11 = vector.load %arg2[%get3A_9, %get3A_10] : memref<1000x1xf32, #tpu.memory_space<vmem>>, vector<1000x1xf32>
    %sub3A = arith.subf %get3A_11, %broadcast_in_dim3A : vector<1000x1xf32>
    %exp3A = math.exp %sub3A : vector<1000x1xf32>
    %get3A_12 = arith.constant 0 : index
    %get3A_13 = arith.constant 0 : index
    %get3A_14 = vector.load %arg1[%get3A_12, %get3A_13] : memref<1000x256xf32, #tpu.memory_space<vmem>>, vector<1000x256xf32>
    %mul3A_15 = vector.broadcast %exp3A : vector<1000x1xf32> to vector<1000x256xf32>
    %mul3A_16 = arith.mulf %mul3A_15, %get3A_14 : vector<1000x256xf32>
    %dot_general3A = arith.constant dense<0.000000e+00> : vector<8x256xf32>
    %dot_general3A_17 = tpu.matmul %convert_element_type3A_3, %mul3A_16, %dot_general3A {dimension_numbers = #tpu.dot_dimension_numbers<[0], [0], [1], [1], [0, 1, 1, 1], [], []>, transpose_lhs_hint = false} : vector<1000x8xf32>, vector<1000x256xf32>, vector<8x256xf32> -> vector<8x256xf32>
    %dot_general3A_18 = arith.constant dense<0.000000e+00> : vector<8x1xf32>
    %dot_general3A_19 = tpu.matmul %convert_element_type3A_3, %exp3A, %dot_general3A_18 {dimension_numbers = #tpu.dot_dimension_numbers<[0], [0], [1], [1], [0, 1, 1, 1], [], []>, transpose_lhs_hint = false} : vector<1000x8xf32>, vector<1000x1xf32>, vector<8x1xf32> -> vector<8x1xf32>
    %eq3A_20 = arith.constant 0 : i32
    %eq3A_21 = arith.cmpi eq, %arg0, %eq3A_20 : i32
    %convert_element_type3A_22 = arith.extui %eq3A_21 : i1 to i32
    %cond3A = arith.constant 0 : i32
    %cond3A_23 = arith.cmpi ne, %convert_element_type3A_22, %cond3A : i32
    scf.if %cond3A_23 {
      %swap3A = arith.constant 0 : index
      %swap3A_28 = arith.constant 0 : index
      %swap3A_29 = vector.load %arg5[%swap3A, %swap3A_28] : memref<8x256xf32, #tpu.memory_space<vmem>>, vector<8x256xf32>
      tpu.vector_store %arg5[%swap3A, %swap3A_28], %dot_general3A_17 {strides = array<i32>} : memref<8x256xf32, #tpu.memory_space<vmem>>, vector<8x256xf32>,
      %swap3A_30 = arith.constant 0 : index
      %swap3A_31 = arith.constant 0 : index
      %swap3A_32 = vector.load %arg6[%swap3A_30, %swap3A_31] : memref<8x1xf32, #tpu.memory_space<vmem>>, vector<8x1xf32>
      tpu.vector_store %arg6[%swap3A_30, %swap3A_31], %dot_general3A_19 {strides = array<i32>} : memref<8x1xf32, #tpu.memory_space<vmem>>, vector<8x1xf32>,
    } else {
    }
    %gt3A = arith.constant 0 : i32
    %gt3A_24 = arith.cmpi sgt, %arg0, %gt3A : i32
    %convert_element_type3A_25 = arith.extui %gt3A_24 : i1 to i32
    %cond3A_26 = arith.constant 0 : i32
    %cond3A_27 = arith.cmpi ne, %convert_element_type3A_25, %cond3A_26 : i32
    scf.if %cond3A_27 {
      %get3A_28 = arith.constant 0 : index
      %get3A_29 = arith.constant 0 : index
      %get3A_30 = vector.load %arg5[%get3A_28, %get3A_29] : memref<8x256xf32, #tpu.memory_space<vmem>>, vector<8x256xf32>
      %add3A = arith.addf %get3A_30, %dot_general3A_17 : vector<8x256xf32>
      %swap3A = arith.constant 0 : index
      %swap3A_31 = arith.constant 0 : index
      %swap3A_32 = vector.load %arg5[%swap3A, %swap3A_31] : memref<8x256xf32, #tpu.memory_space<vmem>>, vector<8x256xf32>
      tpu.vector_store %arg5[%swap3A, %swap3A_31], %add3A {strides = array<i32>} : memref<8x256xf32, #tpu.memory_space<vmem>>, vector<8x256xf32>,
      %get3A_33 = arith.constant 0 : index
      %get3A_34 = arith.constant 0 : index
      %get3A_35 = vector.load %arg6[%get3A_33, %get3A_34] : memref<8x1xf32, #tpu.memory_space<vmem>>, vector<8x1xf32>
      %add3A_36 = arith.addf %get3A_35, %dot_general3A_19 : vector<8x1xf32>
      %swap3A_37 = arith.constant 0 : index
      %swap3A_38 = arith.constant 0 : index
      %swap3A_39 = vector.load %arg6[%swap3A_37, %swap3A_38] : memref<8x1xf32, #tpu.memory_space<vmem>>, vector<8x1xf32>
      tpu.vector_store %arg6[%swap3A_37, %swap3A_38], %add3A_36 {strides = array<i32>} : memref<8x1xf32, #tpu.memory_space<vmem>>, vector<8x1xf32>,
    } else {
    }
    return
  }
  func.func @transform_0(%arg0: i32) -> (i32, i32) {
    %c0_i32 = arith.constant 0 : i32
    %c0_i32_0 = arith.constant 0 : i32
    return %arg0, %c0_i32 : i32, i32
  }
  func.func @transform_1(%arg0: i32) -> (i32, i32) {
    %c0_i32 = arith.constant 0 : i32
    %c0_i32_0 = arith.constant 0 : i32
    return %arg0, %c0_i32 : i32, i32
  }
  func.func @transform_2(%arg0: i32) -> (i32, i32) {
    %c0_i32 = arith.constant 0 : i32
    %c0_i32_0 = arith.constant 0 : i32
    return %arg0, %c0_i32 : i32, i32
  }
  func.func @transform_3(%arg0: i32) -> (i32, i32) {
    %c0_i32 = arith.constant 0 : i32
    %c0_i32_0 = arith.constant 0 : i32
    %c0_i32_1 = arith.constant 0 : i32
    return %c0_i32, %c0_i32_0 : i32, i32
  }
  func.func @transform_4(%arg0: i32) -> (i32, i32) {
    %c0_i32 = arith.constant 0 : i32
    %c0_i32_0 = arith.constant 0 : i32
    %c0_i32_1 = arith.constant 0 : i32
    return %c0_i32, %c0_i32_0 : i32, i32
  }
  func.func @transform_5(%arg0: i32) -> (i32, i32) {
    %c0_i32 = arith.constant 0 : i32
    %c0_i32_0 = arith.constant 0 : i32
    %c0_i32_1 = arith.constant 0 : i32
    return %c0_i32, %c0_i32_0 : i32, i32
  }
}

module attributes {stable_mosaic.version = 14 : i64} {
  func.func @_head_body(%arg0: i32, %arg1: memref<8x256xf32, #tpu.memory_space<vmem>>, %arg2: memref<8x1xf32, #tpu.memory_space<vmem>>, %arg3: memref<256x64xf32, #tpu.memory_space<vmem>>, %arg4: memref<1x64xf32, #tpu.memory_space<vmem>>, %arg5: memref<256x64xf32, #tpu.memory_space<vmem>>, %arg6: memref<1x64xf32, #tpu.memory_space<vmem>>, %arg7: memref<8x64xf32, #tpu.memory_space<vmem>>, %arg8: memref<8x64xf32, #tpu.memory_space<vmem>>, %arg9: memref<8x64xf32, #tpu.memory_space<vmem>>, %arg10: memref<8x64xf32, #tpu.memory_space<vmem>>) attributes {dimension_semantics = [#tpu.dimension_semantics<arbitrary>], iteration_bounds = array<i64: 1>, scalar_prefetch = 0 : i64, scratch_operands = 0 : i64, tpu.core_type = #tpu.core_type<tc>, window_params = [{pipeline_mode = #tpu.pipeline_mode<synchronous>, transform_indices = @transform_0, window_bounds = array<i64: 8, 256>}, {pipeline_mode = #tpu.pipeline_mode<synchronous>, transform_indices = @transform_1, window_bounds = array<i64: 8, 1>}, {pipeline_mode = #tpu.pipeline_mode<synchronous>, transform_indices = @transform_2, window_bounds = array<i64: 256, 64>}, {pipeline_mode = #tpu.pipeline_mode<synchronous>, transform_indices = @transform_3, window_bounds = array<i64: 1, 64>}, {pipeline_mode = #tpu.pipeline_mode<synchronous>, transform_indices = @transform_4, window_bounds = array<i64: 256, 64>}, {pipeline_mode = #tpu.pipeline_mode<synchronous>, transform_indices = @transform_5, window_bounds = array<i64: 1, 64>}, {pipeline_mode = #tpu.pipeline_mode<synchronous>, transform_indices = @transform_6, window_bounds = array<i64: 8, 64>}, {pipeline_mode = #tpu.pipeline_mode<synchronous>, transform_indices = @transform_7, window_bounds = array<i64: 8, 64>}, {pipeline_mode = #tpu.pipeline_mode<synchronous>, transform_indices = @transform_8, window_bounds = array<i64: 8, 64>}, {pipeline_mode = #tpu.pipeline_mode<synchronous>, transform_indices = @transform_9, window_bounds = array<i64: 8, 64>}]} {
    %get3A = arith.constant 0 : index
    %get3A_0 = arith.constant 0 : index
    %get3A_1 = vector.load %arg1[%get3A, %get3A_0] : memref<8x256xf32, #tpu.memory_space<vmem>>, vector<8x256xf32>
    %get3A_2 = arith.constant 0 : index
    %get3A_3 = arith.constant 0 : index
    %get3A_4 = vector.load %arg2[%get3A_2, %get3A_3] : memref<8x1xf32, #tpu.memory_space<vmem>>, vector<8x1xf32>
    %add3A = arith.constant 1.000000e-16 : f32
    %add3A_5 = vector.broadcast %add3A : f32 to vector<8x1xf32>
    %add3A_6 = arith.addf %get3A_4, %add3A_5 : vector<8x1xf32>
    %div3A = vector.broadcast %add3A_6 : vector<8x1xf32> to vector<8x256xf32>
    %div3A_7 = arith.divf %get3A_1, %div3A : vector<8x256xf32>
    %get3A_8 = arith.constant 0 : index
    %get3A_9 = arith.constant 0 : index
    %get3A_10 = vector.load %arg3[%get3A_8, %get3A_9] : memref<256x64xf32, #tpu.memory_space<vmem>>, vector<256x64xf32>
    %dot_general3A = arith.constant dense<0.000000e+00> : vector<8x64xf32>
    %dot_general3A_11 = tpu.matmul %div3A_7, %get3A_10, %dot_general3A {dimension_numbers = #tpu.dot_dimension_numbers<[1], [0], [0], [1], [0, 0, 1, 1], [], []>, transpose_lhs_hint = false} : vector<8x256xf32>, vector<256x64xf32>, vector<8x64xf32> -> vector<8x64xf32>
    %get3A_12 = arith.constant 0 : index
    %get3A_13 = arith.constant 0 : index
    %get3A_14 = vector.load %arg4[%get3A_12, %get3A_13] : memref<1x64xf32, #tpu.memory_space<vmem>>, vector<1x64xf32>
    %add3A_15 = vector.broadcast %get3A_14 : vector<1x64xf32> to vector<8x64xf32>
    %add3A_16 = arith.addf %dot_general3A_11, %add3A_15 : vector<8x64xf32>
    %get3A_17 = arith.constant 0 : index
    %get3A_18 = arith.constant 0 : index
    %get3A_19 = vector.load %arg5[%get3A_17, %get3A_18] : memref<256x64xf32, #tpu.memory_space<vmem>>, vector<256x64xf32>
    %dot_general3A_20 = arith.constant dense<0.000000e+00> : vector<8x64xf32>
    %dot_general3A_21 = tpu.matmul %div3A_7, %get3A_19, %dot_general3A_20 {dimension_numbers = #tpu.dot_dimension_numbers<[1], [0], [0], [1], [0, 0, 1, 1], [], []>, transpose_lhs_hint = false} : vector<8x256xf32>, vector<256x64xf32>, vector<8x64xf32> -> vector<8x64xf32>
    %get3A_22 = arith.constant 0 : index
    %get3A_23 = arith.constant 0 : index
    %get3A_24 = vector.load %arg6[%get3A_22, %get3A_23] : memref<1x64xf32, #tpu.memory_space<vmem>>, vector<1x64xf32>
    %add3A_25 = vector.broadcast %get3A_24 : vector<1x64xf32> to vector<8x64xf32>
    %add3A_26 = arith.addf %dot_general3A_21, %add3A_25 : vector<8x64xf32>
    %max3A = arith.constant -4.60517025 : f32
    %max3A_27 = vector.broadcast %max3A : f32 to vector<8x64xf32>
    %max3A_28 = arith.maximumf %add3A_26, %max3A_27 : vector<8x64xf32>
    %swap3A = arith.constant 0 : index
    %swap3A_29 = arith.constant 0 : index
    %swap3A_30 = vector.load %arg9[%swap3A, %swap3A_29] : memref<8x64xf32, #tpu.memory_space<vmem>>, vector<8x64xf32>
    tpu.vector_store %arg9[%swap3A, %swap3A_29], %add3A_16 {strides = array<i32>} : memref<8x64xf32, #tpu.memory_space<vmem>>, vector<8x64xf32>,
    %swap3A_31 = arith.constant 0 : index
    %swap3A_32 = arith.constant 0 : index
    %swap3A_33 = vector.load %arg10[%swap3A_31, %swap3A_32] : memref<8x64xf32, #tpu.memory_space<vmem>>, vector<8x64xf32>
    tpu.vector_store %arg10[%swap3A_31, %swap3A_32], %max3A_28 {strides = array<i32>} : memref<8x64xf32, #tpu.memory_space<vmem>>, vector<8x64xf32>,
    %mul3A = arith.constant 5.000000e-01 : f32
    %mul3A_34 = vector.broadcast %mul3A : f32 to vector<8x64xf32>
    %mul3A_35 = arith.mulf %mul3A_34, %max3A_28 : vector<8x64xf32>
    %exp3A = math.exp %mul3A_35 : vector<8x64xf32>
    %get3A_36 = arith.constant 0 : index
    %get3A_37 = arith.constant 0 : index
    %get3A_38 = vector.load %arg7[%get3A_36, %get3A_37] : memref<8x64xf32, #tpu.memory_space<vmem>>, vector<8x64xf32>
    %mul3A_39 = arith.mulf %exp3A, %get3A_38 : vector<8x64xf32>
    %add3A_40 = arith.addf %add3A_16, %mul3A_39 : vector<8x64xf32>
    %swap3A_41 = arith.constant 0 : index
    %swap3A_42 = arith.constant 0 : index
    %swap3A_43 = vector.load %arg8[%swap3A_41, %swap3A_42] : memref<8x64xf32, #tpu.memory_space<vmem>>, vector<8x64xf32>
    tpu.vector_store %arg8[%swap3A_41, %swap3A_42], %add3A_40 {strides = array<i32>} : memref<8x64xf32, #tpu.memory_space<vmem>>, vector<8x64xf32>,
    return
  }
  func.func @transform_0(%arg0: i32) -> (i32, i32) {
    %c0_i32 = arith.constant 0 : i32
    %c0_i32_0 = arith.constant 0 : i32
    %c0_i32_1 = arith.constant 0 : i32
    return %c0_i32, %c0_i32_0 : i32, i32
  }
  func.func @transform_1(%arg0: i32) -> (i32, i32) {
    %c0_i32 = arith.constant 0 : i32
    %c0_i32_0 = arith.constant 0 : i32
    %c0_i32_1 = arith.constant 0 : i32
    return %c0_i32, %c0_i32_0 : i32, i32
  }
  func.func @transform_2(%arg0: i32) -> (i32, i32) {
    %c0_i32 = arith.constant 0 : i32
    %c0_i32_0 = arith.constant 0 : i32
    %c0_i32_1 = arith.constant 0 : i32
    return %c0_i32, %c0_i32_0 : i32, i32
  }
  func.func @transform_3(%arg0: i32) -> (i32, i32) {
    %c0_i32 = arith.constant 0 : i32
    %c0_i32_0 = arith.constant 0 : i32
    %c0_i32_1 = arith.constant 0 : i32
    return %c0_i32, %c0_i32_0 : i32, i32
  }
  func.func @transform_4(%arg0: i32) -> (i32, i32) {
    %c0_i32 = arith.constant 0 : i32
    %c0_i32_0 = arith.constant 0 : i32
    %c0_i32_1 = arith.constant 0 : i32
    return %c0_i32, %c0_i32_0 : i32, i32
  }
  func.func @transform_5(%arg0: i32) -> (i32, i32) {
    %c0_i32 = arith.constant 0 : i32
    %c0_i32_0 = arith.constant 0 : i32
    %c0_i32_1 = arith.constant 0 : i32
    return %c0_i32, %c0_i32_0 : i32, i32
  }
  func.func @transform_6(%arg0: i32) -> (i32, i32) {
    %c0_i32 = arith.constant 0 : i32
    %c0_i32_0 = arith.constant 0 : i32
    %c0_i32_1 = arith.constant 0 : i32
    return %c0_i32, %c0_i32_0 : i32, i32
  }
  func.func @transform_7(%arg0: i32) -> (i32, i32) {
    %c0_i32 = arith.constant 0 : i32
    %c0_i32_0 = arith.constant 0 : i32
    %c0_i32_1 = arith.constant 0 : i32
    return %c0_i32, %c0_i32_0 : i32, i32
  }
  func.func @transform_8(%arg0: i32) -> (i32, i32) {
    %c0_i32 = arith.constant 0 : i32
    %c0_i32_0 = arith.constant 0 : i32
    %c0_i32_1 = arith.constant 0 : i32
    return %c0_i32, %c0_i32_0 : i32, i32
  }
  func.func @transform_9(%arg0: i32) -> (i32, i32) {
    %c0_i32 = arith.constant 0 : i32
    %c0_i32_0 = arith.constant 0 : i32
    %c0_i32_1 = arith.constant 0 : i32
    return %c0_i32, %c0_i32_0 : i32, i32
  }
}

</mosaic_0001>

<sc_bundles>
// kernel: kernel.13.cloned.1.call-start
scs
__scs_entry_jumppad:
0x0: {  	(pc) =	sbr.rel $0x88, $3  }
0x1: {  	(tag) =	ssettag $0x0;
	lr =	simm.s32 $0x1  }
0x2: {  	[smem:$0x3F73] =	sst lr;
	_ =	strace $0xD0000000  }
0x3: {  	_ = 	snop  }
0x4: {  	_ = 	snop  }
0x5: {  	_ = 	snop  }
0x6: {  	_ = 	snop  }
0x7: {  	_ = 	snop  }
__scs_overlays_trampoline_lowered:
0x8: {  	[smem:$0x3F82] =	sst s0  }
0x9: {  	[smem:$0x3F83] =	sst s1  }
0xa: {  	[smem:$0x3F84] =	sst s2  }
0xb: {  	[smem:$0x3F85] =	sst s3  }
0xc: {  	[smem:$0x3F86] =	sst s4  }
0xd: {  	[smem:$0x3F87] =	sst s5  }
0xe: {  	[smem:$0x3F88] =	sst s6  }
0xf: {  	[smem:$0x3F89] =	sst s7  }
0x10: {  	[smem:$0x3F8A] =	sst s8  }
0x11: {  	[smem:$0x3F8B] =	sst s9;
	s0 =	simm.s32 @!p0 $0x0  }
0x12: {  	s1 =	sld [smem:$0x3F71];
	s0 =	simm.s32 @p0 $0x1  }
0x13: {  	[smem:$0x3F8C] =	sst s0;
	s0 =	simm.s32 @!p1 $0x0  }
0x14: {  	s2 =	sld [smem:$0x3F70];
	s0 =	simm.s32 @p1 $0x1  }
0x15: {  	[smem:$0x3F8D] =	sst s0;
	s0 =	simm.s32 @!p2 $0x0  }
0x16: {  	s3 =	sld [smem:$0x3FDB];
	s0 =	simm.s32 @p2 $0x1  }
0x17: {  	s4 =	simm.s32 $0x1BF5;
	[smem:$0x3F8F] =	sst s0  }
0x18: {  	s0 =	sld [smem:$0x3F72];
	_ =	swait.ge [sflag:s4], $0x0  }
0x19: {  	s7 =	sld [smem:$0x3F73]  }
0x1a: {  	s8 =	sadd.s32 $0xFFFFE003, lr  }
0x1b: {  	s9 =	sadd.s32 $0xFFFFFEF7, lr;
	s5 =	simm.s32 $0xFFFFFFFF;
	p2 =	slt.u32 s8, $0xFFFFF086  }
0x1c: {  	p1 =	slt.u32 s9, $0xF7A;
	s5 =	simm.s32 @!p2 $0x0  }
0x1d: {  	s5 =	simm.s32 @p1 $0x1;
	p0 =	seq.s32 s7, s2  }
0x1e: {  	s7 =	smul.u32 @!p0 $0xF7A, s2;
	p2 =	seq.s32 @!p0 s5, $0x0  }
0x1f: {  	s9 =	smul.u32 $0xF7A, s1;
	s8 =	simm.s32 @!p0 $0x1BF5;
	p2 =	por !p2, p0  }
0x20: {  	[sflag:s8] =	ssyncset.s32 @!p0 $0xFFFFF086;
	s6 =	sadd.s32 @!p0 s3, s7;
	s7 =	simm.s32 @!p0 $0x108  }
0x21: {  	s3 =	sadd.s32 s3, s9;
	s6 =	sadd.s32 @!p0 $0x88, s6;
	s7 =	simm.s32 @p2 $0x1082  }
0x22: {  	[simem:s7], [sflag:s8] =	dma.local @!p0 [hbm:s6], $0xF7A  }
0x23: {  	s9 =	sor.u32 $0xD0000000, s2;
	s6 =	simm.s32 $0x108;
	_ =	swait.ge @!p0 [sflag:s8], $0x0  }
0x24: {  	s3 =	sadd.s32 $0x88, s3;
	s6 =	simm.s32 @!p1 $0x1082;
	[sflag:s4] =	ssyncset.s32 $0xFFFFF086  }
0x25: {  	[simem:s6], [sflag:s4] =	dma.local [hbm:s3], $0xF7A  }
0x26: {  	[smem:$0x3F73] =	sst s1;
	(tag) =	ssettag s2;
	_ =	strace s9  }
0x27: {  	s1 =	sld [smem:$0x3F83]  }
0x28: {  	s2 =	sld [smem:$0x3F84]  }
0x29: {  	s4 =	sld [smem:$0x3F86]  }
0x2a: {  	p0 =	seq.s32 s5, $0x0;
	s5 =	sld [smem:$0x3F87]  }
0x2b: {  	s6 =	sld [smem:$0x3F88]  }
0x2c: {  	s7 =	sld [smem:$0x3F89]  }
0x2d: {  	s3 =	simm.s32 $0x108;
	s8 =	sld [smem:$0x3F8A]  }
0x2e: {  	s3 =	simm.s32 @!p0 $0x1082;
	s9 =	sld [smem:$0x3F8B]  }
0x2f: {  	lr =	sadd.s32 s0, s3;
	s0 =	sld [smem:$0x3F82]  }
0x30: {  	s3 =	sld [smem:$0x3F85]  }
0x31: {  	[smem:$0x3F8E] =	sst s10  }
0x32: {  	s10 =	sld [smem:$0x3F8C];
	_ =	sdelay $0x3  }
0x33: {  	p0 =	seq.s32 s10, $0x1;
	s10 =	sld [smem:$0x3F8E];
	_ =	sdelay $0x3  }
0x34: {  	[smem:$0x3F8E] =	sst s10  }
0x35: {  	s10 =	sld [smem:$0x3F8D];
	_ =	sdelay $0x3  }
0x36: {  	p1 =	seq.s32 s10, $0x1;
	s10 =	sld [smem:$0x3F8E];
	_ =	sdelay $0x3  }
0x37: {  	[smem:$0x3F8E] =	sst s10  }
0x38: {  	s10 =	sld [smem:$0x3F8F]  }
0x39: {  	_ = 	snop;
	(pc) =	sbr.ind lr, $3  }
0x3a: {  	_ = 	snop  }
0x3b: {  	_ = 	snop  }
0x3c: {  	p2 =	seq.s32 s10, $0x1;
	s10 =	sld [smem:$0x3F8E]  }
0x3d: {  	_ =	shalt  }
0x3e: {  	_ =	shalt  }
0x3f: {  	_ =	shalt  }
0x40: {  	_ =	shalt  }
0x41: {  	_ =	shalt  }
0x42: {  	_ =	shalt  }
0x43: {  	_ =	shalt  }
0x44: {  	_ =	shalt  }
0x45: {  	_ =	shalt  }
0x46: {  	_ =	shalt  }
0x47: {  	_ =	shalt  }
0x48: {  	_ =	shalt  }
0x49: {  	_ =	shalt  }
0x4a: {  	_ =	shalt  }
0x4b: {  	_ =	shalt  }
0x4c: {  	_ =	shalt  }
0x4d: {  	_ =	shalt  }
0x4e: {  	_ =	shalt  }
0x4f: {  	_ =	shalt  }
0x50: {  	_ =	shalt  }
0x51: {  	_ =	shalt  }
0x52: {  	_ =	shalt  }
0x53: {  	_ =	shalt  }
0x54: {  	_ =	shalt  }
0x55: {  	_ =	shalt  }
0x56: {  	_ =	shalt  }
0x57: {  	_ =	shalt  }
0x58: {  	_ =	shalt  }
0x59: {  	_ =	shalt  }
0x5a: {  	_ =	shalt  }
0x5b: {  	_ =	shalt  }
0x5c: {  	_ =	shalt  }
0x5d: {  	_ =	shalt  }
0x5e: {  	_ =	shalt  }
0x5f: {  	_ =	shalt  }
0x60: {  	_ =	shalt  }
0x61: {  	_ =	shalt  }
0x62: {  	_ =	shalt  }
0x63: {  	_ =	shalt  }
0x64: {  	_ =	shalt  }
0x65: {  	_ =	shalt  }
0x66: {  	_ =	shalt  }
0x67: {  	_ =	shalt  }
0x68: {  	_ =	shalt  }
0x69: {  	_ =	shalt  }
0x6a: {  	_ =	shalt  }
0x6b: {  	_ =	shalt  }
0x6c: {  	_ =	shalt  }
0x6d: {  	_ =	shalt  }
0x6e: {  	_ =	shalt  }
0x6f: {  	_ =	shalt  }
0x70: {  	_ =	shalt  }
0x71: {  	_ =	shalt  }
0x72: {  	_ =	shalt  }
0x73: {  	_ =	shalt  }
0x74: {  	_ =	shalt  }
0x75: {  	_ =	shalt  }
0x76: {  	_ =	shalt  }
0x77: {  	_ =	shalt  }
0x78: {  	_ =	shalt  }
0x79: {  	_ =	shalt  }
0x7a: {  	_ =	shalt  }
0x7b: {  	_ =	shalt  }
0x7c: {  	_ =	shalt  }
0x7d: {  	_ =	shalt  }
0x7e: {  	_ =	shalt  }
0x7f: {  	_ =	shalt  }
0x80: {  	_ =	shalt  }
0x81: {  	_ =	shalt  }
0x82: {  	_ =	shalt  }
0x83: {  	_ =	shalt  }
0x84: {  	_ =	shalt  }
0x85: {  	_ =	shalt  }
0x86: {  	_ =	shalt  }
0x87: {  	_ =	shalt  }
.Lfunc_end0:
.L_simem_size_0:
called_computation_lowered:
.L_overlay_start_0:
0x88: {  	s2 =	sld [smem:$0x3FD9]  }
0x89: {  	s3 =	sld [smem:$0x3FFE];
	_ =	sdelay $0x1  }
0x8a: {  	s1 =	srdreg.scid  }
0x8b: {  	s0 =	sand.u32 $0x1, s1  }
0x8c: {  	s16 =	sshll.u32 s0, $0xA;
	s2 =	sadd.s32 s3, s2  }
0x8d: {  	s2 =	sadd.s32 s2, s16  }
0x8e: {  	[smem:$0x3F9A] =	sst s2  }
0x8f: {  	_ = 	snop  }
0x90: {  	(tm) =	ssettm $0x1  }
0x91: {  	s17 =	sld [smem:$0x3FFB];
	_ =	sdelay $0x3  }
0x92: {  	_ =	strace s17  }
0x93: {  	s2 =	sld [smem:$0x3FFC];
	_ =	sdelay $0x3  }
0x94: {  	_ =	strace s2  }
0x95: {  	s2 =	sld [smem:$0x3FFD];
	_ =	sdelay $0x3  }
0x96: {  	_ =	strace s2  }
0x97: {  	_ =	strace $0x8FFFFFFF  }
0x98: {  	s18 =	sld [smem:$0x3FDB];
	_ =	sdelay $0x1  }
0x99: {  	s19 =	simm.s32 $_scs_section_size  }
0x9a: {  	s4 =	simm.s32 $_size__tile_overlayer_lowered;
	s5 =	simm.s32 $_tile_overlayer_lowered  }
0x9b: {  	s22 =	simm.s32 $0x1BFF;
	s21 =	sshll.u32 s5, $0x1;
	s2 =	sadd.s32 s19, s18  }
0x9c: {  	s6 =	simm.s32 $0x0;
	s20 =	sshll.u32 s4, $0x1;
	s4 =	sadd.s32 s21, s2  }
0x9d: {  	[timem:s6], [sflag:s22] =	dma.local [hbm:s4], s20  }
0x9e: {  	_ =	swait.ge [sflag:s22], s20  }
0x9f: {  	s3 =	ssub.s32 $0x0, s20;
	[sflag:s22] =	ssyncset.done $0x0  }
0xa0: {  	[sflag:s22] =	ssyncadd.s32 s3;
	_ =	sdelay $0x1  }
0xa1: {  	s23 =	simm.s32 $0x1B8B  }
0xa2: {  	_ =	swait.ge [sflag:s23], $0x1  }
0xa3: {  	[sflag:s23] =	ssyncset.done $0x0  }
0xa4: {  	s25 =	simm.s32 $0x1B8E;
	s24 =	sld [smem:$0x3FFE];
	[sflag:s23] =	ssyncadd.s32 $0xFFFFFFFF  }
0xa5: {  	s26 =	simm.s32 $execute0_lowered;
	[smem:$0x3FD2] =	sst s25  }
0xa6: {  	s4 =	sshll.u32 s26, $0x1;
	_ =	strace $0x80000046;
	[dreg:$0x1] =	wrdreg $0xFFFFFFFF  }
0xa7: {  	s28 =	simm.s32 $_size_execute0_lowered;
	s2 =	sadd.s32 s2, s4;
	[dreg:$0x0] =	wrdreg $0x0  }
0xa8: {  	s4 =	sshll.u32 s28, $0x1;
	[dreg:$0x2] =	wrdreg s2  }
0xa9: {  	[dreg:$0x3] =	wrdreg s4  }
0xaa: {  	[dreg:$0x4] =	wrdreg $0xC0  }
0xab: {  	_ =	task [dreg:s6], $0x5FFFF  }
0xac: {  	[dreg:$0x1] =	wrdreg $0xFFFFFFFF  }
0xad: {  	[dreg:$0x0] =	wrdreg $0x60  }
0xae: {  	[dreg:$0x2] =	wrdreg s24  }
0xaf: {  	[dreg:$0x3] =	wrdreg $0x9  }
0xb0: {  	_ =	task.clear_ibuf [dreg:s6], $0x4FFFF;
	_ =	strace $0x90000046  }
0xb1: {  	s29 =	simm.s32 $0x9;
	_ =	strace $0x80000048  }
0xb2: {  	_ =	swait.ge [sflag:s29], $0x1  }
0xb3: {  	[sflag:s29] =	ssyncadd.s32 $0xFFFFFFFF  }
0xb4: {  	_ =	strace $0x90000048  }
0xb5: {  	_ =	sfence  }
0xb6: {  	s30 =	sld [smem:$0x0];
	_ =	sdelay $0x2  }
0xb7: {  	s31 =	sshll.u32 s1, $0xD;
	s1 =	sshrl.u32 s1, $0x2  }
0xb8: {  	s3 =	sand.u32 $0x4000, s31;
	s1 =	sadd.s32 s1, s30  }
0xb9: {  	s0 =	sor.u32 s3, s0;
	s1 =	sshll.u32 s1, $0x11  }
0xba: {  	s0 =	sor.u32 s1, s0  }
0xbb: {  	s0 =	sadd.s32 $0x8F2B, s0  }
0xbc: {  	[sflag:s0] =	ssyncadd.remote.s32 $0x1  }
0xbd: {  	_ =	sfence.sel $0xFFFF  }
0xbe: {  	[dreg:$0x0] =	wrdreg $0xFFFFFFFF;
	(pc) =	sbr.abs _section_cstart, $3  }
0xbf: {  	[dreg:$0x1] =	wrdreg $0xFFFFFFFF  }
0xc0: {  	_ =	task.clear_ibuf [dreg:s6], $0x2FFFF;
	_ =	strace $0x9FFFFFFF  }
0xc1: {  	(tm) =	ssettm $0x7FFFFFFF  }
tec
execute0_lowered:
.L_overlay_start_1:
0x0: {  	(tag) =	ssettag $0x1  }
0x1: {  	s0 =	rddreg [dreg:$0x0];
	s2 =	simm.s32 $0x0  }
0x2: {  	s11 =	stileid.u32;
	s4 =	srdreg.scid;
	s16 =	simm.s32 $0x7  }
0x3: {  	s17 =	simm.s32 $0x80;
	s18 =	simm.s32 $0x2780;
	s19 =	simm.s32 $0x6780  }
0x4: {  	s21 =	simm.s32 $0xA780;
	s22 =	simm.s32 $0x1;
	s23 =	simm.s32 $0x2  }
0x5: {  	s28 =	simm.s32 $0x6;
	s29 =	simm.s32 $0x10;
	s30 =	simm.s32 $0x2700  }
0x6: {  	s31 =	simm.s32 $0x0;
	[smem:$0x7FF] =	sst s2;
	s1 =	smul.u32 $0x2710, s11  }
0x7: {  	s3 =	sadd.s32 $0x62200, s0;
	s7 =	sand.u32 $0x1, s4;
	s10 =	smul.u32 $0x138800, s11  }
0x8: {  	s4 =	sadd.s32 $0x89400, s0;
	s5 =	sadd.s32 $0xB0600, s0;
	s6 =	sadd.s32 $0x321600, s0  }
0x9: {  	s15 =	smul.u32 $0x27100, s11;
	_ =	strace $0x80000047;
	s8 =	ssub.s32 $0x2, s7  }
0xa: {  	p0 =	seq.s32 s7, $0x1;
	s1 =	sshrl.u32 s1, $0x3;
	s9 =	sshrl.u32 s8, $0x1  }
0xb: {  	s25 =	sshrl.u32 s10, $0x3;
	s11 =	sadd.s32 $0x25800, s15;
	s12 =	sadd.s32 $0x26000, s15  }
.Ltmp0:
0xc: {  	s13 =	sadd.s32 $0x26800, s15;
	s14 =	sadd.s32 s15, s5;
	(pc) =	sbr.rel .LBB2_1-.Ltmp0, $4  }
0xd: {  	s15 =	sadd.s32 s15, s6;
	s1 =	sadd.s32 s1, s0;
	s24 =	ssub.s32 s8, s9  }
0xe: {  	s8 =	sadd.s32 $0x27000, s25;
	s25 =	simm.s32 $0x4;
	s26 =	sadd.s32 $0xF000, s1  }
0xf: {  	s1 =	sadd.s32 $0xA000, s1;
	s10 =	smax.u32 s24, $0x1;
	[dreg:$0x2] =	wrdreg s26  }
0x10: {  	s24 =	simm.s32 $0x3;
	[dreg:$0x3] =	wrdreg s1;
	s26 =	simm.s32 $0x5  }
.LBB2_7:
0x11: {  	[tilespmem:s21], [sflag:$0x3] =	stream.indirect.gather [hbm4b:s4+s17], $0x80, s0, s17, $0xb8;
	[tilespmem:$0xE780] =	vst v63  }
0x12: {  	s1 =	smov.u32 s4;
	s0 =	smov.u32 s6  }
.LBB2_8:
0x13: {  	_ =	swait.ge [sflag:s22], $0x4000  }
0x14: {  	[sflag:s22] =	ssyncset.done $0x0  }
0x15: {  	s7 =	sadd.s32 s0, s11;
	[sflag:s22] =	ssyncadd.s32 $0xFFFFC000  }
0x16: {  	[hbm4b:s7+s2] =	stream.linear.scatter [tilespmem:s18], [sflag:$0x4], $0x4000, $0x38;
	[tilespmem:$0xE780] =	vst v63  }
0x17: {  	_ =	swait.ge [sflag:s23], $0x4000  }
0x18: {  	[sflag:s23] =	ssyncset.done $0x0  }
0x19: {  	s20 =	sadd.s32 s0, s12;
	[sflag:s23] =	ssyncadd.s32 $0xFFFFC000  }
0x1a: {  	[hbm4b:s20+s2] =	stream.linear.scatter [tilespmem:s19], [sflag:$0x5], $0x4000, $0x38;
	[tilespmem:$0xE780] =	vst v63  }
0x1b: {  	_ =	swait.ge [sflag:s24], $0x4000  }
0x1c: {  	[sflag:s24] =	ssyncset.done $0x0  }
0x1d: {  	s9 =	sadd.s32 s0, s13;
	[sflag:s24] =	ssyncadd.s32 $0xFFFFC000  }
0x1e: {  	[hbm4b:s9+s2] =	stream.linear.scatter [tilespmem:s21], [sflag:$0x6], $0x4000, $0x38;
	[tilespmem:$0xE780] =	vst v63  }
0x1f: {  	_ =	swait.ge [sflag:s25], $0x4000  }
0x20: {  	[sflag:s25] =	ssyncset.done $0x0  }
0x21: {  	[sflag:s25] =	ssyncadd.s32 $0xFFFFC000  }
0x22: {  	_ =	swait.ge [sflag:s26], $0x4000  }
0x23: {  	[sflag:s26] =	ssyncset.done $0x0  }
0x24: {  	[sflag:s26] =	ssyncadd.s32 $0xFFFFC000  }
0x25: {  	_ =	swait.ge [sflag:s28], $0x4000  }
0x26: {  	[sflag:s28] =	ssyncset.done $0x0  }
0x27: {  	[sflag:s28] =	ssyncadd.s32 $0xFFFFC000  }
0x28: {  	[tilespmem:s18], [sflag:$0x1] =	stream.indirect.gather [hbm4b:s1+s29], $0x80, s30, s29, $0xb8;
	[tilespmem:$0xE780] =	vst v63  }
0x29: {  	s31 =	sadd.s32 $0x1, s31;
	_ =	swait.ge [sflag:s22], $0x800  }
0x2a: {  	p1 =	sne.s32 s31, s10;
	[sflag:s22] =	ssyncset.done $0x0  }
.Ltmp1:
0x2b: {  	s20 =	sadd.s32 s0, s8;
	[sflag:s22] =	ssyncadd.s32 $0xFFFFF800;
	(pc) =	sbr.rel @!p1 .LBB2_9-.Ltmp1, $4  }
0x2c: {  	[hbm4b:s20+s2] =	stream.linear.scatter [tilespmem:s18], [sflag:$0x7], $0x800, $0x38;
	[tilespmem:$0xE780] =	vst v63  }
0x2d: {  	_ =	swait.ge [sflag:s16], $0x800  }
0x2e: {  	[sflag:s16] =	ssyncset.done $0x0  }
0x2f: {  	[sflag:s16] =	ssyncadd.s32 $0xFFFFF800  }
.LBB2_1:
.Ltmp2:
0x30: {  	(pc) =	sbr.rel @!p0 .LBB2_2-.Ltmp2, $2  }
0x31: {  	_ =	sdelay $0x2  }
0x32: {  	s0 =	simm.s32 $0x0  }
0x33: {  	s1 =	rddreg [dreg:$0x3]  }
0x34: {  	[tilespmem:s0], [sflag:$0x7] =	stream.linear.gather [hbm4b:s1+s0], $0x2710, $0x38;
	[tilespmem:$0xE780] =	vst v63  }
0x35: {  	_ =	swait.ge [sflag:s16], $0x2710  }
0x36: {  	[sflag:s16] =	ssyncset.done $0x0  }
0x37: {  	[sflag:s16] =	ssyncadd.s32 $0xFFFFD8F0  }
0x38: {  	[tilespmem:s18], [sflag:$0x1] =	stream.indirect.gather [hbm4b:s4+s17], $0x80, s0, s17, $0xb8;
	[tilespmem:$0xE780] =	vst v63  }
0x39: {  	_ = 	snop  }
0x3a: {  	[tilespmem:s19], [sflag:$0x2] =	stream.indirect.gather [hbm4b:s4+s17], $0x80, s17, s17, $0xb8;
	[tilespmem:$0xE780] =	vst v63  }
0x3b: {  	s9 =	simm.s32 $0x100  }
0x3c: {  	[tilespmem:s21], [sflag:$0x3] =	stream.indirect.gather [hbm4b:s4+s17], $0x80, s9, s17, $0xb8;
	[tilespmem:$0xE780] =	vst v63  }
0x3d: {  	_ =	swait.ge [sflag:s22], $0x4000  }
0x3e: {  	[sflag:s22] =	ssyncset.done $0x0  }
0x3f: {  	s20 =	sadd.s32 $0x0, s15;
	[sflag:s22] =	ssyncadd.s32 $0xFFFFC000  }
0x40: {  	[hbm4b:s20+s2] =	stream.linear.scatter [tilespmem:s18], [sflag:$0x4], $0x4000, $0x38;
	[tilespmem:$0xE780] =	vst v63  }
0x41: {  	_ =	swait.ge [sflag:s23], $0x4000  }
0x42: {  	[sflag:s23] =	ssyncset.done $0x0  }
0x43: {  	s7 =	sadd.s32 $0x800, s20;
	[sflag:s23] =	ssyncadd.s32 $0xFFFFC000  }
0x44: {  	[hbm4b:s7+s2] =	stream.linear.scatter [tilespmem:s19], [sflag:$0x5], $0x4000, $0x38;
	[tilespmem:$0xE780] =	vst v63  }
0x45: {  	_ =	swait.ge [sflag:s24], $0x4000  }
0x46: {  	[sflag:s24] =	ssyncset.done $0x0  }
0x47: {  	s0 =	sadd.s32 $0x1000, s20;
	[sflag:s24] =	ssyncadd.s32 $0xFFFFC000  }
0x48: {  	[hbm4b:s0+s2] =	stream.linear.scatter [tilespmem:s21], [sflag:$0x6], $0x4000, $0x38;
	[tilespmem:$0xE780] =	vst v63  }
0x49: {  	_ =	swait.ge [sflag:s25], $0x4000  }
0x4a: {  	[sflag:s25] =	ssyncset.done $0x0  }
0x4b: {  	s9 =	simm.s32 $0x180;
	[sflag:s25] =	ssyncadd.s32 $0xFFFFC000  }
0x4c: {  	[tilespmem:s18], [sflag:$0x1] =	stream.indirect.gather [hbm4b:s4+s17], $0x80, s9, s17, $0xb8;
	[tilespmem:$0xE780] =	vst v63  }
0x4d: {  	_ =	swait.ge [sflag:s26], $0x4000  }
0x4e: {  	[sflag:s26] =	ssyncset.done $0x0  }
0x4f: {  	s20 =	simm.s32 $0x200;
	[sflag:s26] =	ssyncadd.s32 $0xFFFFC000  }
0x50: {  	[tilespmem:s19], [sflag:$0x2] =	stream.indirect.gather [hbm4b:s4+s17], $0x80, s20, s17, $0xb8;
	[tilespmem:$0xE780] =	vst v63  }
0x51: {  	_ =	swait.ge [sflag:s28], $0x4000  }
0x52: {  	s1 =	simm.s32 $0x1800;
	[sflag:s28] =	ssyncset.done $0x0  }
0x53: {  	s7 =	simm.s32 $0x400;
	s0 =	simm.s32 $0x280;
	[sflag:s28] =	ssyncadd.s32 $0xFFFFC000  }
.LBB2_6:
0x54: {  	[tilespmem:s21], [sflag:$0x3] =	stream.indirect.gather [hbm4b:s4+s17], $0x80, s0, s17, $0xb8;
	[tilespmem:$0xE780] =	vst v63  }
0x55: {  	s9 =	smov.u32 s1;
	s0 =	smov.u32 s7  }
0x56: {  	p1 =	sne.s32 s1, $0x24000;
	s1 =	sadd.s32 $0x1800, s1;
	_ =	swait.ge [sflag:s22], $0x4000  }
0x57: {  	[sflag:s22] =	ssyncset.done $0x0  }
0x58: {  	s9 =	sadd.s32 s9, s15;
	[sflag:s22] =	ssyncadd.s32 $0xFFFFC000  }
0x59: {  	[hbm4b:s9+s2] =	stream.linear.scatter [tilespmem:s18], [sflag:$0x4], $0x4000, $0x38;
	[tilespmem:$0xE780] =	vst v63  }
0x5a: {  	_ =	swait.ge [sflag:s23], $0x4000  }
0x5b: {  	[sflag:s23] =	ssyncset.done $0x0  }
0x5c: {  	s20 =	sadd.s32 $0x800, s9;
	[sflag:s23] =	ssyncadd.s32 $0xFFFFC000  }
0x5d: {  	[hbm4b:s20+s2] =	stream.linear.scatter [tilespmem:s19], [sflag:$0x5], $0x4000, $0x38;
	[tilespmem:$0xE780] =	vst v63  }
0x5e: {  	_ =	swait.ge [sflag:s24], $0x4000  }
0x5f: {  	[sflag:s24] =	ssyncset.done $0x0  }
0x60: {  	s9 =	sadd.s32 $0x1000, s9;
	[sflag:s24] =	ssyncadd.s32 $0xFFFFC000  }
0x61: {  	[hbm4b:s9+s2] =	stream.linear.scatter [tilespmem:s21], [sflag:$0x6], $0x4000, $0x38;
	[tilespmem:$0xE780] =	vst v63  }
0x62: {  	_ =	swait.ge [sflag:s25], $0x4000  }
0x63: {  	[sflag:s25] =	ssyncset.done $0x0  }
0x64: {  	s9 =	sadd.s32 $0xFFFFFF00, s7;
	[sflag:s25] =	ssyncadd.s32 $0xFFFFC000  }
0x65: {  	[tilespmem:s18], [sflag:$0x1] =	stream.indirect.gather [hbm4b:s4+s17], $0x80, s9, s17, $0xb8;
	[tilespmem:$0xE780] =	vst v63  }
0x66: {  	_ =	swait.ge [sflag:s26], $0x4000  }
0x67: {  	[sflag:s26] =	ssyncset.done $0x0  }
.Ltmp3:
0x68: {  	s9 =	sadd.s32 $0xFFFFFF80, s7;
	[sflag:s26] =	ssyncadd.s32 $0xFFFFC000;
	(pc) =	sbr.rel @p1 .LBB2_6-.Ltmp3, $4  }
0x69: {  	[tilespmem:s19], [sflag:$0x2] =	stream.indirect.gather [hbm4b:s4+s17], $0x80, s9, s17, $0xb8;
	[tilespmem:$0xE780] =	vst v63  }
0x6a: {  	_ =	swait.ge [sflag:s28], $0x4000  }
0x6b: {  	[sflag:s28] =	ssyncset.done $0x0  }
0x6c: {  	s7 =	sadd.s32 $0x180, s7;
	[sflag:s28] =	ssyncadd.s32 $0xFFFFC000  }
.Ltmp4:
0x6d: {  	_ = 	snop;
	(pc) =	sbr.rel .LBB2_7-.Ltmp4, $1  }
0x6e: {  	_ =	sdelay $0x3  }
.LBB2_2:
0x6f: {  	s1 =	rddreg [dreg:$0x2]  }
0x70: {  	[tilespmem:s0], [sflag:$0x7] =	stream.linear.gather [hbm4b:s1+s0], $0x2710, $0x38;
	[tilespmem:$0xE780] =	vst v63  }
0x71: {  	_ =	swait.ge [sflag:s16], $0x2710  }
0x72: {  	[sflag:s16] =	ssyncset.done $0x0  }
0x73: {  	[sflag:s16] =	ssyncadd.s32 $0xFFFFD8F0  }
0x74: {  	[tilespmem:s18], [sflag:$0x1] =	stream.indirect.gather [hbm4b:s3+s17], $0x80, s0, s17, $0xb8;
	[tilespmem:$0xE780] =	vst v63  }
0x75: {  	_ = 	snop  }
0x76: {  	[tilespmem:s19], [sflag:$0x2] =	stream.indirect.gather [hbm4b:s3+s17], $0x80, s17, s17, $0xb8;
	[tilespmem:$0xE780] =	vst v63  }
0x77: {  	s9 =	simm.s32 $0x100  }
0x78: {  	[tilespmem:s21], [sflag:$0x3] =	stream.indirect.gather [hbm4b:s3+s17], $0x80, s9, s17, $0xb8;
	[tilespmem:$0xE780] =	vst v63  }
0x79: {  	_ =	swait.ge [sflag:s22], $0x4000  }
0x7a: {  	[sflag:s22] =	ssyncset.done $0x0  }
0x7b: {  	s20 =	sadd.s32 $0x0, s14;
	[sflag:s22] =	ssyncadd.s32 $0xFFFFC000  }
0x7c: {  	[hbm4b:s20+s2] =	stream.linear.scatter [tilespmem:s18], [sflag:$0x4], $0x4000, $0x38;
	[tilespmem:$0xE780] =	vst v63  }
0x7d: {  	_ =	swait.ge [sflag:s23], $0x4000  }
0x7e: {  	[sflag:s23] =	ssyncset.done $0x0  }
0x7f: {  	s7 =	sadd.s32 $0x800, s20;
	[sflag:s23] =	ssyncadd.s32 $0xFFFFC000  }
0x80: {  	[hbm4b:s7+s2] =	stream.linear.scatter [tilespmem:s19], [sflag:$0x5], $0x4000, $0x38;
	[tilespmem:$0xE780] =	vst v63  }
0x81: {  	_ =	swait.ge [sflag:s24], $0x4000  }
0x82: {  	[sflag:s24] =	ssyncset.done $0x0  }
0x83: {  	s0 =	sadd.s32 $0x1000, s20;
	[sflag:s24] =	ssyncadd.s32 $0xFFFFC000  }
0x84: {  	[hbm4b:s0+s2] =	stream.linear.scatter [tilespmem:s21], [sflag:$0x6], $0x4000, $0x38;
	[tilespmem:$0xE780] =	vst v63  }
0x85: {  	_ =	swait.ge [sflag:s25], $0x4000  }
0x86: {  	[sflag:s25] =	ssyncset.done $0x0  }
0x87: {  	s9 =	simm.s32 $0x180;
	[sflag:s25] =	ssyncadd.s32 $0xFFFFC000  }
0x88: {  	[tilespmem:s18], [sflag:$0x1] =	stream.indirect.gather [hbm4b:s3+s17], $0x80, s9, s17, $0xb8;
	[tilespmem:$0xE780] =	vst v63  }
0x89: {  	_ =	swait.ge [sflag:s26], $0x4000  }
0x8a: {  	[sflag:s26] =	ssyncset.done $0x0  }
0x8b: {  	s20 =	simm.s32 $0x200;
	[sflag:s26] =	ssyncadd.s32 $0xFFFFC000  }
0x8c: {  	[tilespmem:s19], [sflag:$0x2] =	stream.indirect.gather [hbm4b:s3+s17], $0x80, s20, s17, $0xb8;
	[tilespmem:$0xE780] =	vst v63  }
0x8d: {  	_ =	swait.ge [sflag:s28], $0x4000  }
0x8e: {  	s1 =	simm.s32 $0x1800;
	[sflag:s28] =	ssyncset.done $0x0  }
0x8f: {  	s7 =	simm.s32 $0x400;
	s0 =	simm.s32 $0x280;
	[sflag:s28] =	ssyncadd.s32 $0xFFFFC000  }
.LBB2_3:
0x90: {  	[tilespmem:s21], [sflag:$0x3] =	stream.indirect.gather [hbm4b:s3+s17], $0x80, s0, s17, $0xb8;
	[tilespmem:$0xE780] =	vst v63  }
0x91: {  	s9 =	smov.u32 s1;
	s0 =	smov.u32 s7  }
0x92: {  	p1 =	seq.s32 s1, $0x24000;
	s1 =	sadd.s32 $0x1800, s1;
	_ =	swait.ge [sflag:s22], $0x4000  }
0x93: {  	[sflag:s22] =	ssyncset.done $0x0  }
0x94: {  	s9 =	sadd.s32 s9, s14;
	[sflag:s22] =	ssyncadd.s32 $0xFFFFC000  }
0x95: {  	[hbm4b:s9+s2] =	stream.linear.scatter [tilespmem:s18], [sflag:$0x4], $0x4000, $0x38;
	[tilespmem:$0xE780] =	vst v63  }
0x96: {  	_ =	swait.ge [sflag:s23], $0x4000  }
0x97: {  	[sflag:s23] =	ssyncset.done $0x0  }
0x98: {  	s20 =	sadd.s32 $0x800, s9;
	[sflag:s23] =	ssyncadd.s32 $0xFFFFC000  }
0x99: {  	[hbm4b:s20+s2] =	stream.linear.scatter [tilespmem:s19], [sflag:$0x5], $0x4000, $0x38;
	[tilespmem:$0xE780] =	vst v63  }
0x9a: {  	_ =	swait.ge [sflag:s24], $0x4000  }
0x9b: {  	[sflag:s24] =	ssyncset.done $0x0  }
0x9c: {  	s9 =	sadd.s32 $0x1000, s9;
	[sflag:s24] =	ssyncadd.s32 $0xFFFFC000  }
0x9d: {  	[hbm4b:s9+s2] =	stream.linear.scatter [tilespmem:s21], [sflag:$0x6], $0x4000, $0x38;
	[tilespmem:$0xE780] =	vst v63  }
0x9e: {  	_ =	swait.ge [sflag:s25], $0x4000  }
0x9f: {  	[sflag:s25] =	ssyncset.done $0x0  }
0xa0: {  	s9 =	sadd.s32 $0xFFFFFF00, s7;
	[sflag:s25] =	ssyncadd.s32 $0xFFFFC000  }
0xa1: {  	[tilespmem:s18], [sflag:$0x1] =	stream.indirect.gather [hbm4b:s3+s17], $0x80, s9, s17, $0xb8;
	[tilespmem:$0xE780] =	vst v63  }
0xa2: {  	_ =	swait.ge [sflag:s26], $0x4000  }
0xa3: {  	[sflag:s26] =	ssyncset.done $0x0  }
.Ltmp5:
0xa4: {  	s9 =	sadd.s32 $0xFFFFFF80, s7;
	[sflag:s26] =	ssyncadd.s32 $0xFFFFC000;
	(pc) =	sbr.rel @!p1 .LBB2_3-.Ltmp5, $4  }
0xa5: {  	[tilespmem:s19], [sflag:$0x2] =	stream.indirect.gather [hbm4b:s3+s17], $0x80, s9, s17, $0xb8;
	[tilespmem:$0xE780] =	vst v63  }
0xa6: {  	_ =	swait.ge [sflag:s28], $0x4000  }
0xa7: {  	[sflag:s28] =	ssyncset.done $0x0  }
0xa8: {  	s7 =	sadd.s32 $0x180, s7;
	[sflag:s28] =	ssyncadd.s32 $0xFFFFC000  }
.Ltmp6:
0xa9: {  	(pc) =	sbr.rel .LBB2_8-.Ltmp6, $3  }
0xaa: {  	_ =	sdelay $0x1  }
0xab: {  	[tilespmem:s21], [sflag:$0x3] =	stream.indirect.gather [hbm4b:s3+s17], $0x80, s0, s17, $0xb8;
	[tilespmem:$0xE780] =	vst v63  }
0xac: {  	s1 =	smov.u32 s3;
	s0 =	smov.u32 s5  }
.LBB2_9:
0xad: {  	_ =	sfence.sel $0x180000  }
0xae: {  	[bflag:$0x0] =	sbarrier.arrive $0xFFFF  }
0xaf: {  	_ =	strace $0x90000047  }
0xb0: {  	s0 =	stileid.u32;
	[bflag:$0x2] =	sbarrier.arrive $0xFFFF  }
0xb1: {  	p0 =	sne.s32 s0, $0x0;
	s0 =	rddreg [dreg:$0x1]  }
0xb2: {  	s0 =	sadd.s32 @!p0 $0x100000, s0  }
0xb3: {  	[sflag:s0] =	ssyncadd.tile.s32 @!p0 $0x1;
	_ =	shalt  }
.Lfunc_end2:
_tile_overlayer_lowered:
.L_overlay_start_2:
0xb4: {  	(tag) =	ssettag $0x2  }
0xb5: {  	s0 =	rddreg [dreg:$0x0];
	s2 =	stileid.u32  }
0xb6: {  	s1 =	rddreg [dreg:$0x1];
	p0 =	sne.s32 s2, $0x0  }
0xb7: {  	s3 =	rddreg [dreg:$0x2];
	[bflag:$0x3] =	sbarrier.arrive $0xFFFF;
	s2 =	simm.s32 @!p0 $0x1C07  }
0xb8: {  	[timem:s3], [sflag:s2] =	dma.local @!p0 [hbm:s0], s1  }
0xb9: {  	s0 =	simm.s32 @!p0 $0x7  }
0xba: {  	_ =	swait.ge @!p0 [sflag:s0], s1  }
0xbb: {  	s1 =	ssub.s32 @!p0 $0x0, s1;
	[sflag:s0] =	ssyncset.done @!p0 $0x0  }
0xbc: {  	[sflag:s0] =	ssyncadd.s32 @!p0 s1  }
0xbd: {  	[bflag:$0x3] =	sbarrier.arrive $0xFFFF  }
0xbe: {  	_ =	shalt  }

// kernel: kernel.16.cloned.1.call-start
scs
__scs_entry_jumppad:
0x0: {  	(pc) =	sbr.rel $0x88, $3  }
0x1: {  	(tag) =	ssettag $0x0;
	lr =	simm.s32 $0x1  }
0x2: {  	[smem:$0x3F73] =	sst lr;
	_ =	strace $0xD0000000  }
0x3: {  	_ = 	snop  }
0x4: {  	_ = 	snop  }
0x5: {  	_ = 	snop  }
0x6: {  	_ = 	snop  }
0x7: {  	_ = 	snop  }
__scs_overlays_trampoline_lowered:
0x8: {  	[smem:$0x3F82] =	sst s0  }
0x9: {  	[smem:$0x3F83] =	sst s1  }
0xa: {  	[smem:$0x3F84] =	sst s2  }
0xb: {  	[smem:$0x3F85] =	sst s3  }
0xc: {  	[smem:$0x3F86] =	sst s4  }
0xd: {  	[smem:$0x3F87] =	sst s5  }
0xe: {  	[smem:$0x3F88] =	sst s6  }
0xf: {  	[smem:$0x3F89] =	sst s7  }
0x10: {  	[smem:$0x3F8A] =	sst s8  }
0x11: {  	[smem:$0x3F8B] =	sst s9;
	s0 =	simm.s32 @!p0 $0x0  }
0x12: {  	s1 =	sld [smem:$0x3F71];
	s0 =	simm.s32 @p0 $0x1  }
0x13: {  	[smem:$0x3F8C] =	sst s0;
	s0 =	simm.s32 @!p1 $0x0  }
0x14: {  	s2 =	sld [smem:$0x3F70];
	s0 =	simm.s32 @p1 $0x1  }
0x15: {  	[smem:$0x3F8D] =	sst s0;
	s0 =	simm.s32 @!p2 $0x0  }
0x16: {  	s3 =	sld [smem:$0x3FDB];
	s0 =	simm.s32 @p2 $0x1  }
0x17: {  	s4 =	simm.s32 $0x1BF5;
	[smem:$0x3F8F] =	sst s0  }
0x18: {  	s0 =	sld [smem:$0x3F72];
	_ =	swait.ge [sflag:s4], $0x0  }
0x19: {  	s7 =	sld [smem:$0x3F73]  }
0x1a: {  	s8 =	sadd.s32 $0xFFFFE003, lr  }
0x1b: {  	s9 =	sadd.s32 $0xFFFFFEF7, lr;
	s5 =	simm.s32 $0xFFFFFFFF;
	p2 =	slt.u32 s8, $0xFFFFF086  }
0x1c: {  	p1 =	slt.u32 s9, $0xF7A;
	s5 =	simm.s32 @!p2 $0x0  }
0x1d: {  	s5 =	simm.s32 @p1 $0x1;
	p0 =	seq.s32 s7, s2  }
0x1e: {  	s7 =	smul.u32 @!p0 $0xF7A, s2;
	p2 =	seq.s32 @!p0 s5, $0x0  }
0x1f: {  	s9 =	smul.u32 $0xF7A, s1;
	s8 =	simm.s32 @!p0 $0x1BF5;
	p2 =	por !p2, p0  }
0x20: {  	[sflag:s8] =	ssyncset.s32 @!p0 $0xFFFFF086;
	s6 =	sadd.s32 @!p0 s3, s7;
	s7 =	simm.s32 @!p0 $0x108  }
0x21: {  	s3 =	sadd.s32 s3, s9;
	s6 =	sadd.s32 @!p0 $0x88, s6;
	s7 =	simm.s32 @p2 $0x1082  }
0x22: {  	[simem:s7], [sflag:s8] =	dma.local @!p0 [hbm:s6], $0xF7A  }
0x23: {  	s9 =	sor.u32 $0xD0000000, s2;
	s6 =	simm.s32 $0x108;
	_ =	swait.ge @!p0 [sflag:s8], $0x0  }
0x24: {  	s3 =	sadd.s32 $0x88, s3;
	s6 =	simm.s32 @!p1 $0x1082;
	[sflag:s4] =	ssyncset.s32 $0xFFFFF086  }
0x25: {  	[simem:s6], [sflag:s4] =	dma.local [hbm:s3], $0xF7A  }
0x26: {  	[smem:$0x3F73] =	sst s1;
	(tag) =	ssettag s2;
	_ =	strace s9  }
0x27: {  	s1 =	sld [smem:$0x3F83]  }
0x28: {  	s2 =	sld [smem:$0x3F84]  }
0x29: {  	s4 =	sld [smem:$0x3F86]  }
0x2a: {  	p0 =	seq.s32 s5, $0x0;
	s5 =	sld [smem:$0x3F87]  }
0x2b: {  	s6 =	sld [smem:$0x3F88]  }
0x2c: {  	s7 =	sld [smem:$0x3F89]  }
0x2d: {  	s3 =	simm.s32 $0x108;
	s8 =	sld [smem:$0x3F8A]  }
0x2e: {  	s3 =	simm.s32 @!p0 $0x1082;
	s9 =	sld [smem:$0x3F8B]  }
0x2f: {  	lr =	sadd.s32 s0, s3;
	s0 =	sld [smem:$0x3F82]  }
0x30: {  	s3 =	sld [smem:$0x3F85]  }
0x31: {  	[smem:$0x3F8E] =	sst s10  }
0x32: {  	s10 =	sld [smem:$0x3F8C];
	_ =	sdelay $0x3  }
0x33: {  	p0 =	seq.s32 s10, $0x1;
	s10 =	sld [smem:$0x3F8E];
	_ =	sdelay $0x3  }
0x34: {  	[smem:$0x3F8E] =	sst s10  }
0x35: {  	s10 =	sld [smem:$0x3F8D];
	_ =	sdelay $0x3  }
0x36: {  	p1 =	seq.s32 s10, $0x1;
	s10 =	sld [smem:$0x3F8E];
	_ =	sdelay $0x3  }
0x37: {  	[smem:$0x3F8E] =	sst s10  }
0x38: {  	s10 =	sld [smem:$0x3F8F]  }
0x39: {  	_ = 	snop;
	(pc) =	sbr.ind lr, $3  }
0x3a: {  	_ = 	snop  }
0x3b: {  	_ = 	snop  }
0x3c: {  	p2 =	seq.s32 s10, $0x1;
	s10 =	sld [smem:$0x3F8E]  }
0x3d: {  	_ =	shalt  }
0x3e: {  	_ =	shalt  }
0x3f: {  	_ =	shalt  }
0x40: {  	_ =	shalt  }
0x41: {  	_ =	shalt  }
0x42: {  	_ =	shalt  }
0x43: {  	_ =	shalt  }
0x44: {  	_ =	shalt  }
0x45: {  	_ =	shalt  }
0x46: {  	_ =	shalt  }
0x47: {  	_ =	shalt  }
0x48: {  	_ =	shalt  }
0x49: {  	_ =	shalt  }
0x4a: {  	_ =	shalt  }
0x4b: {  	_ =	shalt  }
0x4c: {  	_ =	shalt  }
0x4d: {  	_ =	shalt  }
0x4e: {  	_ =	shalt  }
0x4f: {  	_ =	shalt  }
0x50: {  	_ =	shalt  }
0x51: {  	_ =	shalt  }
0x52: {  	_ =	shalt  }
0x53: {  	_ =	shalt  }
0x54: {  	_ =	shalt  }
0x55: {  	_ =	shalt  }
0x56: {  	_ =	shalt  }
0x57: {  	_ =	shalt  }
0x58: {  	_ =	shalt  }
0x59: {  	_ =	shalt  }
0x5a: {  	_ =	shalt  }
0x5b: {  	_ =	shalt  }
0x5c: {  	_ =	shalt  }
0x5d: {  	_ =	shalt  }
0x5e: {  	_ =	shalt  }
0x5f: {  	_ =	shalt  }
0x60: {  	_ =	shalt  }
0x61: {  	_ =	shalt  }
0x62: {  	_ =	shalt  }
0x63: {  	_ =	shalt  }
0x64: {  	_ =	shalt  }
0x65: {  	_ =	shalt  }
0x66: {  	_ =	shalt  }
0x67: {  	_ =	shalt  }
0x68: {  	_ =	shalt  }
0x69: {  	_ =	shalt  }
0x6a: {  	_ =	shalt  }
0x6b: {  	_ =	shalt  }
0x6c: {  	_ =	shalt  }
0x6d: {  	_ =	shalt  }
0x6e: {  	_ =	shalt  }
0x6f: {  	_ =	shalt  }
0x70: {  	_ =	shalt  }
0x71: {  	_ =	shalt  }
0x72: {  	_ =	shalt  }
0x73: {  	_ =	shalt  }
0x74: {  	_ =	shalt  }
0x75: {  	_ =	shalt  }
0x76: {  	_ =	shalt  }
0x77: {  	_ =	shalt  }
0x78: {  	_ =	shalt  }
0x79: {  	_ =	shalt  }
0x7a: {  	_ =	shalt  }
0x7b: {  	_ =	shalt  }
0x7c: {  	_ =	shalt  }
0x7d: {  	_ =	shalt  }
0x7e: {  	_ =	shalt  }
0x7f: {  	_ =	shalt  }
0x80: {  	_ =	shalt  }
0x81: {  	_ =	shalt  }
0x82: {  	_ =	shalt  }
0x83: {  	_ =	shalt  }
0x84: {  	_ =	shalt  }
0x85: {  	_ =	shalt  }
0x86: {  	_ =	shalt  }
0x87: {  	_ =	shalt  }
.Lfunc_end0:
.L_simem_size_0:
called_computation.1_lowered:
.L_overlay_start_0:
0x88: {  	s2 =	sld [smem:$0x3FD9]  }
0x89: {  	s3 =	sld [smem:$0x3FFE];
	_ =	sdelay $0x1  }
0x8a: {  	s1 =	srdreg.scid  }
0x8b: {  	s0 =	sand.u32 $0x1, s1  }
0x8c: {  	s16 =	sshll.u32 s0, $0xA;
	s2 =	sadd.s32 s3, s2  }
0x8d: {  	s2 =	sadd.s32 s2, s16  }
0x8e: {  	[smem:$0x3F9A] =	sst s2  }
0x8f: {  	_ = 	snop  }
0x90: {  	(tm) =	ssettm $0x1  }
0x91: {  	s17 =	sld [smem:$0x3FFB];
	_ =	sdelay $0x3  }
0x92: {  	_ =	strace s17  }
0x93: {  	s2 =	sld [smem:$0x3FFC];
	_ =	sdelay $0x3  }
0x94: {  	_ =	strace s2  }
0x95: {  	s2 =	sld [smem:$0x3FFD];
	_ =	sdelay $0x3  }
0x96: {  	_ =	strace s2  }
0x97: {  	_ =	strace $0x8FFFFFFF  }
0x98: {  	s18 =	sld [smem:$0x3FDB];
	_ =	sdelay $0x1  }
0x99: {  	s19 =	simm.s32 $_scs_section_size  }
0x9a: {  	s4 =	simm.s32 $_size__tile_overlayer_lowered;
	s5 =	simm.s32 $_tile_overlayer_lowered  }
0x9b: {  	s22 =	simm.s32 $0x1BFF;
	s21 =	sshll.u32 s5, $0x1;
	s2 =	sadd.s32 s19, s18  }
0x9c: {  	s6 =	simm.s32 $0x0;
	s20 =	sshll.u32 s4, $0x1;
	s4 =	sadd.s32 s21, s2  }
0x9d: {  	[timem:s6], [sflag:s22] =	dma.local [hbm:s4], s20  }
0x9e: {  	_ =	swait.ge [sflag:s22], s20  }
0x9f: {  	s3 =	ssub.s32 $0x0, s20;
	[sflag:s22] =	ssyncset.done $0x0  }
0xa0: {  	[sflag:s22] =	ssyncadd.s32 s3;
	_ =	sdelay $0x1  }
0xa1: {  	s23 =	simm.s32 $0x1B8B  }
0xa2: {  	_ =	swait.ge [sflag:s23], $0x1  }
0xa3: {  	[sflag:s23] =	ssyncset.done $0x0  }
0xa4: {  	s25 =	simm.s32 $0x1B8E;
	s24 =	sld [smem:$0x3FFE];
	[sflag:s23] =	ssyncadd.s32 $0xFFFFFFFF  }
0xa5: {  	s26 =	simm.s32 $execute0_lowered;
	[smem:$0x3FD2] =	sst s25  }
0xa6: {  	s4 =	sshll.u32 s26, $0x1;
	_ =	strace $0x80000049;
	[dreg:$0x1] =	wrdreg $0xFFFFFFFF  }
0xa7: {  	s28 =	simm.s32 $_size_execute0_lowered;
	s2 =	sadd.s32 s2, s4;
	[dreg:$0x0] =	wrdreg $0x0  }
0xa8: {  	s4 =	sshll.u32 s28, $0x1;
	[dreg:$0x2] =	wrdreg s2  }
0xa9: {  	[dreg:$0x3] =	wrdreg s4  }
0xaa: {  	[dreg:$0x4] =	wrdreg $0xC0  }
0xab: {  	_ =	task [dreg:s6], $0x5FFFF  }
0xac: {  	[dreg:$0x1] =	wrdreg $0xFFFFFFFF  }
0xad: {  	[dreg:$0x0] =	wrdreg $0x60  }
0xae: {  	[dreg:$0x2] =	wrdreg s24  }
0xaf: {  	[dreg:$0x3] =	wrdreg $0x90000  }
0xb0: {  	[dreg:$0x4] =	wrdreg $0x9  }
0xb1: {  	_ =	task.clear_ibuf [dreg:s6], $0x5FFFF;
	_ =	strace $0x90000049  }
0xb2: {  	s29 =	simm.s32 $0x9;
	_ =	strace $0x8000004B  }
0xb3: {  	_ =	swait.ge [sflag:s29], $0x1  }
0xb4: {  	[sflag:s29] =	ssyncadd.s32 $0xFFFFFFFF  }
0xb5: {  	_ =	strace $0x9000004B  }
0xb6: {  	_ =	sfence  }
0xb7: {  	s30 =	sld [smem:$0x0];
	_ =	sdelay $0x2  }
0xb8: {  	s31 =	sshll.u32 s1, $0xD;
	s1 =	sshrl.u32 s1, $0x2  }
0xb9: {  	s3 =	sand.u32 $0x4000, s31;
	s1 =	sadd.s32 s1, s30  }
0xba: {  	s0 =	sor.u32 s3, s0;
	s1 =	sshll.u32 s1, $0x11  }
0xbb: {  	s0 =	sor.u32 s1, s0  }
0xbc: {  	s0 =	sadd.s32 $0x8F2B, s0  }
0xbd: {  	[sflag:s0] =	ssyncadd.remote.s32 $0x1  }
0xbe: {  	_ =	sfence.sel $0xFFFF  }
0xbf: {  	[dreg:$0x0] =	wrdreg $0xFFFFFFFF;
	(pc) =	sbr.abs _section_cstart, $3  }
0xc0: {  	[dreg:$0x1] =	wrdreg $0xFFFFFFFF  }
0xc1: {  	_ =	task.clear_ibuf [dreg:s6], $0x2FFFF;
	_ =	strace $0x9FFFFFFF  }
0xc2: {  	(tm) =	ssettm $0x7FFFFFFF  }
0xc3: {  	_ =	shalt  }
tec
execute0_lowered:
.L_overlay_start_1:
0x0: {  	(tag) =	ssettag $0x1  }
0x1: {  	s0 =	rddreg [dreg:$0x0]  }
0x2: {  	s1 =	rddreg [dreg:$0x1];
	s3 =	simm.s32 $0x0;
	s19 =	stileid.u32  }
0x3: {  	s4 =	srdreg.scid;
	s28 =	simm.s32 $0x50;
	s29 =	simm.s32 $0x2  }
0x4: {  	s30 =	simm.s32 $0x3;
	s31 =	simm.s32 $0x4;
	[smem:$0x7FF] =	sst s3  }
0x5: {  	s2 =	sadd.s32 $0x59A600, s0;
	s5 =	sshll.u32 s19, $0xB;
	s13 =	smul.u32 $0x2700, s19  }
0x6: {  	s4 =	sand.u32 $0x1, s4;
	s14 =	sadd.s32 $0x80B600, s0;
	s9 =	smul.u32 $0x4E000, s19  }
0x7: {  	s15 =	sadd.s32 $0x89400, s0;
	s18 =	sadd.s32 $0xB0600, s0;
	s10 =	smul.u32 $0x138800, s19  }
0x8: {  	s21 =	sshll.u32 s19, $0x6;
	s17 =	smul.u32 $0x27100, s19;
	p1 =	sne.s32 s19, $0xF  }
0x9: {  	p2 =	seq.s32 s19, $0xF;
	_ =	strace $0x8000004A;
	s5 =	sadd.s32 s5, s0  }
0xa: {  	s6 =	ssub.s32 $0x2, s4;
	p0 =	seq.s32 s4, $0x1;
	[dreg:$0x3] =	wrdreg s15  }
0xb: {  	[dreg:$0x4] =	wrdreg s18;
	s7 =	sadd.s32 s13, s0;
	s8 =	sshrl.u32 s6, $0x1  }
0xc: {  	s20 =	sshrl.u32 s9, $0x2;
	s9 =	sadd.s32 $0x138000, s1;
	s12 =	sshrl.u32 s10, $0x3  }
0xd: {  	s10 =	sadd.s32 $0x89200, s0;
	s11 =	sadd.s32 $0x592600, s5;
	s24 =	sadd.s32 s15, s13  }
0xe: {  	s15 =	sadd.s32 s14, s17;
	s25 =	sadd.s32 s18, s13;
	s26 =	sadd.s32 $0x26C00, s17  }
0xf: {  	s13 =	simm.s32 $0x3E00;
	s16 =	ssub.s32 s6, s8;
	s6 =	sadd.s32 s20, s1  }
0x10: {  	s7 =	sadd.s32 $0x62200, s7;
	s8 =	sor.u32 $0x1C05, s21;
	[dreg:$0x6] =	wrdreg s24  }
0x11: {  	s22 =	sadd.s32 $0x500, s12;
	s12 =	sadd.s32 s2, s17;
	[dreg:$0x8] =	wrdreg s25  }
0x12: {  	s20 =	sadd.s32 s14, s26;
	s24 =	simm.s32 $0x4000;
	s25 =	simm.s32 $0x6800  }
.Ltmp0:
0x13: {  	s23 =	sadd.s32 s2, s22;
	s0 =	sadd.s32 s14, s22;
	(pc) =	sbr.rel .LBB2_1-.Ltmp0, $4  }
0x14: {  	s18 =	smax.u32 s16, $0x1;
	s2 =	sadd.s32 s2, s26;
	[dreg:$0x5] =	wrdreg s23  }
0x15: {  	s17 =	sadd.s32 $0xF00, s12;
	s22 =	sadd.s32 $0xF00, s15;
	[dreg:$0x7] =	wrdreg s0  }
0x16: {  	s26 =	simm.s32 $0x1;
	s14 =	simm.s32 $0x0;
	[dreg:$0x9] =	wrdreg s2  }
0x17: {  	s23 =	simm.s32 $0x5;
	s0 =	simm.s32 $0x3D00;
	s2 =	simm.s32 $0x3D80  }
.LBB2_8:
0x18: {  	s4 =	sadd.s32 $0x27000, s4;
	s5 =	sshrl.u32 s9, $0x3  }
0x19: {  	[hbm:s4], [sflag:s8] =	dma.local [spmem:s5], $0x100  }
0x1a: {  	_ =	swait.ge [sflag:s23], $0x100  }
0x1b: {  	[sflag:s23] =	ssyncset.done $0x0  }
0x1c: {  	[sflag:s23] =	ssyncadd.s32 $0xFFFFFF00  }
.LBB2_9:
0x1d: {  	s14 =	sadd.s32 $0x1, s14  }
0x1e: {  	p3 =	sne.s32 s14, s18  }
.Ltmp1:
0x1f: {  	_ = 	snop;
	(pc) =	sbr.rel @!p3 .LBB2_10-.Ltmp1, $1  }
0x20: {  	_ =	sdelay $0x3  }
.LBB2_1:
0x21: {  	s4 =	sshrl.u32 s6, $0x3  }
0x22: {  	[spmem:s4], [sflag:s8] =	dma.local [hbm:s7], $0x2700  }
0x23: {  	_ =	swait.ge [sflag:s23], $0x2700  }
0x24: {  	[sflag:s23] =	ssyncset.done $0x0  }
0x25: {  	s5 =	sshrl.u32 @!p1 s9, $0x3;
	[sflag:s23] =	ssyncadd.s32 $0xFFFFD900  }
0x26: {  	[spmem:s5], [sflag:s8] =	dma.local @!p1 [hbm:s10], $0x100  }
0x27: {  	s5 =	simm.s32 @!p1 $0x5  }
0x28: {  	_ =	swait.ge @!p1 [sflag:s5], $0x100  }
0x29: {  	[sflag:s5] =	ssyncset.done @!p1 $0x0  }
0x2a: {  	[sflag:s5] =	ssyncadd.s32 @!p1 $0xFFFFFF00  }
0x2b: {  	[tilespmem:s3], [sflag:$0x5] =	stream.linear.gather [hbm4b:s11+s3], $0x3E80, $0x38;
	[tilespmem:$0x1C880] =	vst v63  }
.Ltmp2:
0x2c: {  	_ =	swait.ge [sflag:s23], $0x3E80;
	(pc) =	sbr.rel @!p0 .LBB2_2-.Ltmp2, $4  }
0x2d: {  	[sflag:s23] =	ssyncset.done $0x0  }
0x2e: {  	[sflag:s23] =	ssyncadd.s32 $0xFFFFC180  }
0x2f: {  	[bflag:$0x0] =	sbarrier.arrive $0xFFFF  }
0x30: {  	s5 =	simm.s32 $0x0  }
0x31: {  	[tilespmem:s24], [sflag:$0x1] =	stream.linear.gather [hbm4b:s15+s5], $0x2800, $0x38;
	[tilespmem:$0x1C880] =	vst v63  }
0x32: {  	s16 =	rddreg [dreg:$0x7]  }
0x33: {  	[tilespmem:s25], [sflag:$0x2] =	stream.linear.gather [hbm4b:s16+s5], $0x2800, $0x38;
	[tilespmem:$0x1C880] =	vst v63  }
0x34: {  	_ =	swait.ge [sflag:s26], $0x2800  }
0x35: {  	[sflag:s26] =	ssyncset.done $0x0  }
0x36: {  	s16 =	simm.s32 $0x0;
	[sflag:s26] =	ssyncadd.s32 $0xFFFFD800  }
0x37: {  	[spmem:s1] =	stream.indirect.scatter.add.f32 [tilespmem:s24], [sflag:$0x3], $0x80, s16, s28, $0xb8;
	[tilespmem:$0x1C880] =	vst v63  }
0x38: {  	_ =	swait.ge [sflag:s29], $0x2800  }
0x39: {  	[sflag:s29] =	ssyncset.done $0x0  }
0x3a: {  	s19 =	simm.s32 $0x80;
	[sflag:s29] =	ssyncadd.s32 $0xFFFFD800  }
0x3b: {  	[spmem:s1] =	stream.indirect.scatter.add.f32 [tilespmem:s25], [sflag:$0x4], $0x80, s19, s28, $0xb8;
	[tilespmem:$0x1C880] =	vst v63  }
0x3c: {  	_ =	swait.ge [sflag:s30], $0x2800  }
0x3d: {  	[sflag:s30] =	ssyncset.done $0x0  }
0x3e: {  	s21 =	sadd.s32 $0xFFFFFB00, s22;
	[sflag:s30] =	ssyncadd.s32 $0xFFFFD800  }
0x3f: {  	[tilespmem:s24], [sflag:$0x1] =	stream.linear.gather [hbm4b:s21+s3], $0x2800, $0x38;
	[tilespmem:$0x1C880] =	vst v63  }
0x40: {  	_ =	swait.ge [sflag:s31], $0x2800  }
0x41: {  	s5 =	sadd.s32 $0xA00, s22;
	[sflag:s31] =	ssyncset.done $0x0  }
0x42: {  	s16 =	simm.s32 $0x400;
	s21 =	smov.u32 s22;
	[sflag:s31] =	ssyncadd.s32 $0xFFFFD800  }
.LBB2_6:
0x43: {  	[tilespmem:s25], [sflag:$0x2] =	stream.linear.gather [hbm4b:s21+s3], $0x2800, $0x38;
	[tilespmem:$0x1C880] =	vst v63  }
0x44: {  	s19 =	smov.u32 s16;
	s21 =	smov.u32 s5  }
0x45: {  	p3 =	sne.s32 s16, $0xF000;
	s16 =	sadd.s32 $0x400, s16;
	_ =	swait.ge [sflag:s26], $0x2800  }
0x46: {  	[sflag:s26] =	ssyncset.done $0x0  }
0x47: {  	s19 =	sshra.s32 s19, $0x2;
	[sflag:s26] =	ssyncadd.s32 $0xFFFFD800  }
0x48: {  	[spmem:s1] =	stream.indirect.scatter.add.f32 [tilespmem:s24], [sflag:$0x3], $0x80, s19, s28, $0xb8;
	[tilespmem:$0x1C880] =	vst v63  }
0x49: {  	_ =	swait.ge [sflag:s29], $0x2800  }
0x4a: {  	[sflag:s29] =	ssyncset.done $0x0  }
0x4b: {  	s19 =	sadd.s32 $0x80, s19;
	[sflag:s29] =	ssyncadd.s32 $0xFFFFD800  }
0x4c: {  	[spmem:s1] =	stream.indirect.scatter.add.f32 [tilespmem:s25], [sflag:$0x4], $0x80, s19, s28, $0xb8;
	[tilespmem:$0x1C880] =	vst v63  }
0x4d: {  	_ =	swait.ge [sflag:s30], $0x2800  }
0x4e: {  	[sflag:s30] =	ssyncset.done $0x0  }
.Ltmp3:
0x4f: {  	s19 =	sadd.s32 $0xFFFFFB00, s5;
	[sflag:s30] =	ssyncadd.s32 $0xFFFFD800;
	(pc) =	sbr.rel @p3 .LBB2_6-.Ltmp3, $4  }
0x50: {  	[tilespmem:s24], [sflag:$0x1] =	stream.linear.gather [hbm4b:s19+s3], $0x2800, $0x38;
	[tilespmem:$0x1C880] =	vst v63  }
0x51: {  	_ =	swait.ge [sflag:s31], $0x2800  }
0x52: {  	[sflag:s31] =	ssyncset.done $0x0  }
0x53: {  	s5 =	sadd.s32 $0xA00, s5;
	[sflag:s31] =	ssyncadd.s32 $0xFFFFD800  }
0x54: {  	[tilespmem:s25], [sflag:$0x2] =	stream.linear.gather [hbm4b:s21+s3], $0x2800, $0x38;
	[tilespmem:$0x1C880] =	vst v63  }
0x55: {  	_ =	swait.ge [sflag:s26], $0x2800  }
0x56: {  	[sflag:s26] =	ssyncset.done $0x0  }
0x57: {  	[sflag:s26] =	ssyncadd.s32 $0xFFFFD800  }
0x58: {  	[spmem:s1] =	stream.indirect.scatter.add.f32 [tilespmem:s24], [sflag:$0x3], $0x80, s0, s28, $0xb8;
	[tilespmem:$0x1C880] =	vst v63  }
0x59: {  	_ =	swait.ge [sflag:s29], $0x2800  }
0x5a: {  	[sflag:s29] =	ssyncset.done $0x0  }
0x5b: {  	[sflag:s29] =	ssyncadd.s32 $0xFFFFD800  }
0x5c: {  	[spmem:s1] =	stream.indirect.scatter.add.f32 [tilespmem:s25], [sflag:$0x4], $0x80, s2, s28, $0xb8;
	[tilespmem:$0x1C880] =	vst v63  }
0x5d: {  	_ =	swait.ge [sflag:s30], $0x2800  }
0x5e: {  	[sflag:s30] =	ssyncset.done $0x0  }
0x5f: {  	[sflag:s30] =	ssyncadd.s32 $0xFFFFD800  }
0x60: {  	[tilespmem:s24], [sflag:$0x1] =	stream.linear.gather [hbm4b:s20+s3], $0x2800, $0x38;
	[tilespmem:$0x1C880] =	vst v63  }
0x61: {  	_ =	swait.ge [sflag:s26], $0x2800  }
0x62: {  	[sflag:s26] =	ssyncset.done $0x0  }
0x63: {  	[sflag:s26] =	ssyncadd.s32 $0xFFFFD800  }
0x64: {  	[spmem:s1] =	stream.indirect.scatter.add.f32 [tilespmem:s24], [sflag:$0x3], $0x80, s13, s28, $0xb8;
	[tilespmem:$0x1C880] =	vst v63  }
0x65: {  	_ =	swait.ge [sflag:s30], $0x2800  }
0x66: {  	[sflag:s30] =	ssyncset.done $0x0  }
0x67: {  	[sflag:s30] =	ssyncadd.s32 $0xFFFFD800  }
0x68: {  	_ =	swait.ge [sflag:s31], $0x2800  }
0x69: {  	[sflag:s31] =	ssyncset.done $0x0  }
0x6a: {  	[sflag:s31] =	ssyncadd.s32 $0xFFFFD800  }
0x6b: {  	[bflag:$0x0] =	sbarrier.arrive $0xFFFF  }
0x6c: {  	s5 =	rddreg [dreg:$0x8]  }
0x6d: {  	[hbm:s5], [sflag:s8] =	dma.local [spmem:s4], $0x2700  }
.Ltmp4:
0x6e: {  	_ = 	snop;
	(pc) =	sbr.rel @p1 .LBB2_9-.Ltmp4, $4  }
.Ltmp5:
0x6f: {  	_ = 	snop;
	(pc) =	sbr.rel @!p1 .LBB2_8-.Ltmp5, $4  }
0x70: {  	_ =	swait.ge [sflag:s23], $0x2700  }
0x71: {  	[sflag:s23] =	ssyncset.done $0x0  }
0x72: {  	s4 =	rddreg [dreg:$0x4];
	[sflag:s23] =	ssyncadd.s32 $0xFFFFD900  }
0x73: {  	_ = 	snop  }
.LBB2_2:
0x74: {  	[tilespmem:s24], [sflag:$0x1] =	stream.linear.gather [hbm4b:s12+s5], $0x2800, $0x38;
	[tilespmem:$0x1C880] =	vst v63  }
0x75: {  	s16 =	rddreg [dreg:$0x5]  }
0x76: {  	[tilespmem:s25], [sflag:$0x2] =	stream.linear.gather [hbm4b:s16+s5], $0x2800, $0x38;
	[tilespmem:$0x1C880] =	vst v63  }
0x77: {  	_ =	swait.ge [sflag:s26], $0x2800  }
0x78: {  	[sflag:s26] =	ssyncset.done $0x0  }
0x79: {  	s16 =	simm.s32 $0x0;
	[sflag:s26] =	ssyncadd.s32 $0xFFFFD800  }
0x7a: {  	[spmem:s1] =	stream.indirect.scatter.add.f32 [tilespmem:s24], [sflag:$0x3], $0x80, s16, s28, $0xb8;
	[tilespmem:$0x1C880] =	vst v63  }
0x7b: {  	_ =	swait.ge [sflag:s29], $0x2800  }
0x7c: {  	[sflag:s29] =	ssyncset.done $0x0  }
0x7d: {  	s19 =	simm.s32 $0x80;
	[sflag:s29] =	ssyncadd.s32 $0xFFFFD800  }
0x7e: {  	[spmem:s1] =	stream.indirect.scatter.add.f32 [tilespmem:s25], [sflag:$0x4], $0x80, s19, s28, $0xb8;
	[tilespmem:$0x1C880] =	vst v63  }
0x7f: {  	_ =	swait.ge [sflag:s30], $0x2800  }
0x80: {  	[sflag:s30] =	ssyncset.done $0x0  }
0x81: {  	s21 =	sadd.s32 $0xFFFFFB00, s17;
	[sflag:s30] =	ssyncadd.s32 $0xFFFFD800  }
0x82: {  	[tilespmem:s24], [sflag:$0x1] =	stream.linear.gather [hbm4b:s21+s3], $0x2800, $0x38;
	[tilespmem:$0x1C880] =	vst v63  }
0x83: {  	_ =	swait.ge [sflag:s31], $0x2800  }
0x84: {  	s5 =	sadd.s32 $0xA00, s17;
	[sflag:s31] =	ssyncset.done $0x0  }
0x85: {  	s16 =	simm.s32 $0x400;
	s21 =	smov.u32 s17;
	[sflag:s31] =	ssyncadd.s32 $0xFFFFD800  }
.LBB2_3:
0x86: {  	[tilespmem:s25], [sflag:$0x2] =	stream.linear.gather [hbm4b:s21+s3], $0x2800, $0x38;
	[tilespmem:$0x1C880] =	vst v63  }
0x87: {  	s19 =	smov.u32 s16;
	s21 =	smov.u32 s5  }
0x88: {  	p3 =	sne.s32 s16, $0xF000;
	s16 =	sadd.s32 $0x400, s16;
	_ =	swait.ge [sflag:s26], $0x2800  }
0x89: {  	[sflag:s26] =	ssyncset.done $0x0  }
0x8a: {  	s19 =	sshra.s32 s19, $0x2;
	[sflag:s26] =	ssyncadd.s32 $0xFFFFD800  }
0x8b: {  	[spmem:s1] =	stream.indirect.scatter.add.f32 [tilespmem:s24], [sflag:$0x3], $0x80, s19, s28, $0xb8;
	[tilespmem:$0x1C880] =	vst v63  }
0x8c: {  	_ =	swait.ge [sflag:s29], $0x2800  }
0x8d: {  	[sflag:s29] =	ssyncset.done $0x0  }
0x8e: {  	s19 =	sadd.s32 $0x80, s19;
	[sflag:s29] =	ssyncadd.s32 $0xFFFFD800  }
0x8f: {  	[spmem:s1] =	stream.indirect.scatter.add.f32 [tilespmem:s25], [sflag:$0x4], $0x80, s19, s28, $0xb8;
	[tilespmem:$0x1C880] =	vst v63  }
0x90: {  	_ =	swait.ge [sflag:s30], $0x2800  }
0x91: {  	[sflag:s30] =	ssyncset.done $0x0  }
.Ltmp6:
0x92: {  	s19 =	sadd.s32 $0xFFFFFB00, s5;
	[sflag:s30] =	ssyncadd.s32 $0xFFFFD800;
	(pc) =	sbr.rel @p3 .LBB2_3-.Ltmp6, $4  }
0x93: {  	[tilespmem:s24], [sflag:$0x1] =	stream.linear.gather [hbm4b:s19+s3], $0x2800, $0x38;
	[tilespmem:$0x1C880] =	vst v63  }
0x94: {  	_ =	swait.ge [sflag:s31], $0x2800  }
0x95: {  	[sflag:s31] =	ssyncset.done $0x0  }
0x96: {  	s5 =	sadd.s32 $0xA00, s5;
	[sflag:s31] =	ssyncadd.s32 $0xFFFFD800  }
0x97: {  	[tilespmem:s25], [sflag:$0x2] =	stream.linear.gather [hbm4b:s21+s3], $0x2800, $0x38;
	[tilespmem:$0x1C880] =	vst v63  }
0x98: {  	_ =	swait.ge [sflag:s26], $0x2800  }
0x99: {  	[sflag:s26] =	ssyncset.done $0x0  }
0x9a: {  	[sflag:s26] =	ssyncadd.s32 $0xFFFFD800  }
0x9b: {  	[spmem:s1] =	stream.indirect.scatter.add.f32 [tilespmem:s24], [sflag:$0x3], $0x80, s0, s28, $0xb8;
	[tilespmem:$0x1C880] =	vst v63  }
0x9c: {  	_ =	swait.ge [sflag:s29], $0x2800  }
0x9d: {  	[sflag:s29] =	ssyncset.done $0x0  }
0x9e: {  	[sflag:s29] =	ssyncadd.s32 $0xFFFFD800  }
0x9f: {  	[spmem:s1] =	stream.indirect.scatter.add.f32 [tilespmem:s25], [sflag:$0x4], $0x80, s2, s28, $0xb8;
	[tilespmem:$0x1C880] =	vst v63  }
0xa0: {  	_ =	swait.ge [sflag:s30], $0x2800  }
0xa1: {  	[sflag:s30] =	ssyncset.done $0x0  }
0xa2: {  	s5 =	rddreg [dreg:$0x9];
	[sflag:s30] =	ssyncadd.s32 $0xFFFFD800  }
0xa3: {  	[tilespmem:s24], [sflag:$0x1] =	stream.linear.gather [hbm4b:s5+s3], $0x2800, $0x38;
	[tilespmem:$0x1C880] =	vst v63  }
0xa4: {  	_ =	swait.ge [sflag:s26], $0x2800  }
0xa5: {  	[sflag:s26] =	ssyncset.done $0x0  }
0xa6: {  	[sflag:s26] =	ssyncadd.s32 $0xFFFFD800  }
0xa7: {  	[spmem:s1] =	stream.indirect.scatter.add.f32 [tilespmem:s24], [sflag:$0x3], $0x80, s13, s28, $0xb8;
	[tilespmem:$0x1C880] =	vst v63  }
0xa8: {  	_ =	swait.ge [sflag:s30], $0x2800  }
0xa9: {  	[sflag:s30] =	ssyncset.done $0x0  }
0xaa: {  	[sflag:s30] =	ssyncadd.s32 $0xFFFFD800  }
0xab: {  	_ =	swait.ge [sflag:s31], $0x2800  }
0xac: {  	[sflag:s31] =	ssyncset.done $0x0  }
0xad: {  	[sflag:s31] =	ssyncadd.s32 $0xFFFFD800  }
0xae: {  	[bflag:$0x0] =	sbarrier.arrive $0xFFFF  }
0xaf: {  	s21 =	rddreg [dreg:$0x6]  }
0xb0: {  	[hbm:s21], [sflag:s8] =	dma.local [spmem:s4], $0x2700  }
.Ltmp7:
0xb1: {  	_ = 	snop;
	(pc) =	sbr.rel @p2 .LBB2_8-.Ltmp7, $4  }
.Ltmp8:
0xb2: {  	_ = 	snop;
	(pc) =	sbr.rel @!p2 .LBB2_9-.Ltmp8, $4  }
0xb3: {  	_ =	swait.ge [sflag:s23], $0x2700  }
0xb4: {  	[sflag:s23] =	ssyncset.done $0x0  }
0xb5: {  	s4 =	rddreg [dreg:$0x3];
	[sflag:s23] =	ssyncadd.s32 $0xFFFFD900  }
0xb6: {  	_ = 	snop  }
.LBB2_10:
0xb7: {  	_ =	sfence.sel $0x180000  }
0xb8: {  	[bflag:$0x0] =	sbarrier.arrive $0xFFFF  }
0xb9: {  	_ =	strace $0x9000004A  }
0xba: {  	s0 =	stileid.u32;
	[bflag:$0x2] =	sbarrier.arrive $0xFFFF  }
0xbb: {  	p0 =	sne.s32 s0, $0x0;
	s0 =	rddreg [dreg:$0x2]  }
0xbc: {  	s0 =	sadd.s32 @!p0 $0x100000, s0  }
0xbd: {  	[sflag:s0] =	ssyncadd.tile.s32 @!p0 $0x1;
	_ =	shalt  }
.Lfunc_end2:
_tile_overlayer_lowered:
.L_overlay_start_2:
0xbe: {  	(tag) =	ssettag $0x2  }
0xbf: {  	s0 =	rddreg [dreg:$0x0];
	s2 =	stileid.u32  }
0xc0: {  	s1 =	rddreg [dreg:$0x1];
	p0 =	sne.s32 s2, $0x0  }
0xc1: {  	s3 =	rddreg [dreg:$0x2];
	[bflag:$0x3] =	sbarrier.arrive $0xFFFF;
	s2 =	simm.s32 @!p0 $0x1C05  }
0xc2: {  	[timem:s3], [sflag:s2] =	dma.local @!p0 [hbm:s0], s1  }
0xc3: {  	s0 =	simm.s32 @!p0 $0x5  }
0xc4: {  	_ =	swait.ge @!p0 [sflag:s0], s1  }
0xc5: {  	s1 =	ssub.s32 @!p0 $0x0, s1;
	[sflag:s0] =	ssyncset.done @!p0 $0x0  }
0xc6: {  	[sflag:s0] =	ssyncadd.s32 @!p0 s1  }
0xc7: {  	[bflag:$0x3] =	sbarrier.arrive $0xFFFF  }
0xc8: {  	_ =	shalt  }

// kernel: kernel.19.cloned.1.call-start
scs
__scs_entry_jumppad:
0x0: {  	(pc) =	sbr.rel $0x88, $3  }
0x1: {  	(tag) =	ssettag $0x0;
	lr =	simm.s32 $0x1  }
0x2: {  	[smem:$0x3F73] =	sst lr;
	_ =	strace $0xD0000000  }
0x3: {  	_ = 	snop  }
0x4: {  	_ = 	snop  }
0x5: {  	_ = 	snop  }
0x6: {  	_ = 	snop  }
0x7: {  	_ = 	snop  }
__scs_overlays_trampoline_lowered:
0x8: {  	[smem:$0x3F82] =	sst s0  }
0x9: {  	[smem:$0x3F83] =	sst s1  }
0xa: {  	[smem:$0x3F84] =	sst s2  }
0xb: {  	[smem:$0x3F85] =	sst s3  }
0xc: {  	[smem:$0x3F86] =	sst s4  }
0xd: {  	[smem:$0x3F87] =	sst s5  }
0xe: {  	[smem:$0x3F88] =	sst s6  }
0xf: {  	[smem:$0x3F89] =	sst s7  }
0x10: {  	[smem:$0x3F8A] =	sst s8  }
0x11: {  	[smem:$0x3F8B] =	sst s9;
	s0 =	simm.s32 @!p0 $0x0  }
0x12: {  	s1 =	sld [smem:$0x3F71];
	s0 =	simm.s32 @p0 $0x1  }
0x13: {  	[smem:$0x3F8C] =	sst s0;
	s0 =	simm.s32 @!p1 $0x0  }
0x14: {  	s2 =	sld [smem:$0x3F70];
	s0 =	simm.s32 @p1 $0x1  }
0x15: {  	[smem:$0x3F8D] =	sst s0;
	s0 =	simm.s32 @!p2 $0x0  }
0x16: {  	s3 =	sld [smem:$0x3FDB];
	s0 =	simm.s32 @p2 $0x1  }
0x17: {  	s4 =	simm.s32 $0x1BF5;
	[smem:$0x3F8F] =	sst s0  }
0x18: {  	s0 =	sld [smem:$0x3F72];
	_ =	swait.ge [sflag:s4], $0x0  }
0x19: {  	s7 =	sld [smem:$0x3F73]  }
0x1a: {  	s8 =	sadd.s32 $0xFFFFE003, lr  }
0x1b: {  	s9 =	sadd.s32 $0xFFFFFEF7, lr;
	s5 =	simm.s32 $0xFFFFFFFF;
	p2 =	slt.u32 s8, $0xFFFFF086  }
0x1c: {  	p1 =	slt.u32 s9, $0xF7A;
	s5 =	simm.s32 @!p2 $0x0  }
0x1d: {  	s5 =	simm.s32 @p1 $0x1;
	p0 =	seq.s32 s7, s2  }
0x1e: {  	s7 =	smul.u32 @!p0 $0xF7A, s2;
	p2 =	seq.s32 @!p0 s5, $0x0  }
0x1f: {  	s9 =	smul.u32 $0xF7A, s1;
	s8 =	simm.s32 @!p0 $0x1BF5;
	p2 =	por !p2, p0  }
0x20: {  	[sflag:s8] =	ssyncset.s32 @!p0 $0xFFFFF086;
	s6 =	sadd.s32 @!p0 s3, s7;
	s7 =	simm.s32 @!p0 $0x108  }
0x21: {  	s3 =	sadd.s32 s3, s9;
	s6 =	sadd.s32 @!p0 $0x88, s6;
	s7 =	simm.s32 @p2 $0x1082  }
0x22: {  	[simem:s7], [sflag:s8] =	dma.local @!p0 [hbm:s6], $0xF7A  }
0x23: {  	s9 =	sor.u32 $0xD0000000, s2;
	s6 =	simm.s32 $0x108;
	_ =	swait.ge @!p0 [sflag:s8], $0x0  }
0x24: {  	s3 =	sadd.s32 $0x88, s3;
	s6 =	simm.s32 @!p1 $0x1082;
	[sflag:s4] =	ssyncset.s32 $0xFFFFF086  }
0x25: {  	[simem:s6], [sflag:s4] =	dma.local [hbm:s3], $0xF7A  }
0x26: {  	[smem:$0x3F73] =	sst s1;
	(tag) =	ssettag s2;
	_ =	strace s9  }
0x27: {  	s1 =	sld [smem:$0x3F83]  }
0x28: {  	s2 =	sld [smem:$0x3F84]  }
0x29: {  	s4 =	sld [smem:$0x3F86]  }
0x2a: {  	p0 =	seq.s32 s5, $0x0;
	s5 =	sld [smem:$0x3F87]  }
0x2b: {  	s6 =	sld [smem:$0x3F88]  }
0x2c: {  	s7 =	sld [smem:$0x3F89]  }
0x2d: {  	s3 =	simm.s32 $0x108;
	s8 =	sld [smem:$0x3F8A]  }
0x2e: {  	s3 =	simm.s32 @!p0 $0x1082;
	s9 =	sld [smem:$0x3F8B]  }
0x2f: {  	lr =	sadd.s32 s0, s3;
	s0 =	sld [smem:$0x3F82]  }
0x30: {  	s3 =	sld [smem:$0x3F85]  }
0x31: {  	[smem:$0x3F8E] =	sst s10  }
0x32: {  	s10 =	sld [smem:$0x3F8C];
	_ =	sdelay $0x3  }
0x33: {  	p0 =	seq.s32 s10, $0x1;
	s10 =	sld [smem:$0x3F8E];
	_ =	sdelay $0x3  }
0x34: {  	[smem:$0x3F8E] =	sst s10  }
0x35: {  	s10 =	sld [smem:$0x3F8D];
	_ =	sdelay $0x3  }
0x36: {  	p1 =	seq.s32 s10, $0x1;
	s10 =	sld [smem:$0x3F8E];
	_ =	sdelay $0x3  }
0x37: {  	[smem:$0x3F8E] =	sst s10  }
0x38: {  	s10 =	sld [smem:$0x3F8F]  }
0x39: {  	_ = 	snop;
	(pc) =	sbr.ind lr, $3  }
0x3a: {  	_ = 	snop  }
0x3b: {  	_ = 	snop  }
0x3c: {  	p2 =	seq.s32 s10, $0x1;
	s10 =	sld [smem:$0x3F8E]  }
0x3d: {  	_ =	shalt  }
0x3e: {  	_ =	shalt  }
0x3f: {  	_ =	shalt  }
0x40: {  	_ =	shalt  }
0x41: {  	_ =	shalt  }
0x42: {  	_ =	shalt  }
0x43: {  	_ =	shalt  }
0x44: {  	_ =	shalt  }
0x45: {  	_ =	shalt  }
0x46: {  	_ =	shalt  }
0x47: {  	_ =	shalt  }
0x48: {  	_ =	shalt  }
0x49: {  	_ =	shalt  }
0x4a: {  	_ =	shalt  }
0x4b: {  	_ =	shalt  }
0x4c: {  	_ =	shalt  }
0x4d: {  	_ =	shalt  }
0x4e: {  	_ =	shalt  }
0x4f: {  	_ =	shalt  }
0x50: {  	_ =	shalt  }
0x51: {  	_ =	shalt  }
0x52: {  	_ =	shalt  }
0x53: {  	_ =	shalt  }
0x54: {  	_ =	shalt  }
0x55: {  	_ =	shalt  }
0x56: {  	_ =	shalt  }
0x57: {  	_ =	shalt  }
0x58: {  	_ =	shalt  }
0x59: {  	_ =	shalt  }
0x5a: {  	_ =	shalt  }
0x5b: {  	_ =	shalt  }
0x5c: {  	_ =	shalt  }
0x5d: {  	_ =	shalt  }
0x5e: {  	_ =	shalt  }
0x5f: {  	_ =	shalt  }
0x60: {  	_ =	shalt  }
0x61: {  	_ =	shalt  }
0x62: {  	_ =	shalt  }
0x63: {  	_ =	shalt  }
0x64: {  	_ =	shalt  }
0x65: {  	_ =	shalt  }
0x66: {  	_ =	shalt  }
0x67: {  	_ =	shalt  }
0x68: {  	_ =	shalt  }
0x69: {  	_ =	shalt  }
0x6a: {  	_ =	shalt  }
0x6b: {  	_ =	shalt  }
0x6c: {  	_ =	shalt  }
0x6d: {  	_ =	shalt  }
0x6e: {  	_ =	shalt  }
0x6f: {  	_ =	shalt  }
0x70: {  	_ =	shalt  }
0x71: {  	_ =	shalt  }
0x72: {  	_ =	shalt  }
0x73: {  	_ =	shalt  }
0x74: {  	_ =	shalt  }
0x75: {  	_ =	shalt  }
0x76: {  	_ =	shalt  }
0x77: {  	_ =	shalt  }
0x78: {  	_ =	shalt  }
0x79: {  	_ =	shalt  }
0x7a: {  	_ =	shalt  }
0x7b: {  	_ =	shalt  }
0x7c: {  	_ =	shalt  }
0x7d: {  	_ =	shalt  }
0x7e: {  	_ =	shalt  }
0x7f: {  	_ =	shalt  }
0x80: {  	_ =	shalt  }
0x81: {  	_ =	shalt  }
0x82: {  	_ =	shalt  }
0x83: {  	_ =	shalt  }
0x84: {  	_ =	shalt  }
0x85: {  	_ =	shalt  }
0x86: {  	_ =	shalt  }
0x87: {  	_ =	shalt  }
.Lfunc_end0:
.L_simem_size_0:
called_computation.2_lowered:
.L_overlay_start_0:
0x88: {  	s2 =	sld [smem:$0x3FD9]  }
0x89: {  	s3 =	sld [smem:$0x3FFE];
	_ =	sdelay $0x1  }
0x8a: {  	s1 =	srdreg.scid  }
0x8b: {  	s0 =	sand.u32 $0x1, s1  }
0x8c: {  	s16 =	sshll.u32 s0, $0xA;
	s2 =	sadd.s32 s3, s2  }
0x8d: {  	s2 =	sadd.s32 s2, s16  }
0x8e: {  	[smem:$0x3F9A] =	sst s2  }
0x8f: {  	_ = 	snop  }
0x90: {  	(tm) =	ssettm $0x1  }
0x91: {  	s17 =	sld [smem:$0x3FFB];
	_ =	sdelay $0x3  }
0x92: {  	_ =	strace s17  }
0x93: {  	s2 =	sld [smem:$0x3FFC];
	_ =	sdelay $0x3  }
0x94: {  	_ =	strace s2  }
0x95: {  	s2 =	sld [smem:$0x3FFD];
	_ =	sdelay $0x3  }
0x96: {  	_ =	strace s2  }
0x97: {  	_ =	strace $0x8FFFFFFF  }
0x98: {  	s18 =	sld [smem:$0x3FDB];
	_ =	sdelay $0x1  }
0x99: {  	s19 =	simm.s32 $_scs_section_size  }
0x9a: {  	s4 =	simm.s32 $_size__tile_overlayer_lowered;
	s5 =	simm.s32 $_tile_overlayer_lowered  }
0x9b: {  	s22 =	simm.s32 $0x1BFF;
	s21 =	sshll.u32 s5, $0x1;
	s2 =	sadd.s32 s19, s18  }
0x9c: {  	s6 =	simm.s32 $0x0;
	s20 =	sshll.u32 s4, $0x1;
	s4 =	sadd.s32 s21, s2  }
0x9d: {  	[timem:s6], [sflag:s22] =	dma.local [hbm:s4], s20  }
0x9e: {  	_ =	swait.ge [sflag:s22], s20  }
0x9f: {  	s3 =	ssub.s32 $0x0, s20;
	[sflag:s22] =	ssyncset.done $0x0  }
0xa0: {  	[sflag:s22] =	ssyncadd.s32 s3;
	_ =	sdelay $0x1  }
0xa1: {  	s23 =	simm.s32 $0x1B8B  }
0xa2: {  	_ =	swait.ge [sflag:s23], $0x1  }
0xa3: {  	[sflag:s23] =	ssyncset.done $0x0  }
0xa4: {  	s25 =	simm.s32 $0x1B8E;
	s24 =	sld [smem:$0x3FFE];
	[sflag:s23] =	ssyncadd.s32 $0xFFFFFFFF  }
0xa5: {  	s26 =	simm.s32 $execute0_lowered;
	[smem:$0x3FD2] =	sst s25  }
0xa6: {  	s4 =	sshll.u32 s26, $0x1;
	_ =	strace $0x8000004C;
	[dreg:$0x1] =	wrdreg $0xFFFFFFFF  }
0xa7: {  	s28 =	simm.s32 $_size_execute0_lowered;
	s2 =	sadd.s32 s2, s4;
	[dreg:$0x0] =	wrdreg $0x0  }
0xa8: {  	s4 =	sshll.u32 s28, $0x1;
	[dreg:$0x2] =	wrdreg s2  }
0xa9: {  	[dreg:$0x3] =	wrdreg s4  }
0xaa: {  	[dreg:$0x4] =	wrdreg $0xC0  }
0xab: {  	_ =	task [dreg:s6], $0x5FFFF  }
0xac: {  	[dreg:$0x1] =	wrdreg $0xFFFFFFFF  }
0xad: {  	[dreg:$0x0] =	wrdreg $0x60  }
0xae: {  	[dreg:$0x2] =	wrdreg s24  }
0xaf: {  	[dreg:$0x3] =	wrdreg $0x9  }
0xb0: {  	_ =	task.clear_ibuf [dreg:s6], $0x4FFFF;
	_ =	strace $0x9000004C  }
0xb1: {  	s29 =	simm.s32 $0x9;
	_ =	strace $0x8000004E  }
0xb2: {  	_ =	swait.ge [sflag:s29], $0x1  }
0xb3: {  	[sflag:s29] =	ssyncadd.s32 $0xFFFFFFFF  }
0xb4: {  	_ =	strace $0x9000004E  }
0xb5: {  	_ =	sfence  }
0xb6: {  	s30 =	sld [smem:$0x0];
	_ =	sdelay $0x2  }
0xb7: {  	s31 =	sshll.u32 s1, $0xD;
	s1 =	sshrl.u32 s1, $0x2  }
0xb8: {  	s3 =	sand.u32 $0x4000, s31;
	s1 =	sadd.s32 s1, s30  }
0xb9: {  	s0 =	sor.u32 s3, s0;
	s1 =	sshll.u32 s1, $0x11  }
0xba: {  	s0 =	sor.u32 s1, s0  }
0xbb: {  	s0 =	sadd.s32 $0x8F2B, s0  }
0xbc: {  	[sflag:s0] =	ssyncadd.remote.s32 $0x1  }
0xbd: {  	_ =	sfence.sel $0xFFFF  }
0xbe: {  	[dreg:$0x0] =	wrdreg $0xFFFFFFFF;
	(pc) =	sbr.abs _section_cstart, $3  }
0xbf: {  	[dreg:$0x1] =	wrdreg $0xFFFFFFFF  }
0xc0: {  	_ =	task.clear_ibuf [dreg:s6], $0x2FFFF;
	_ =	strace $0x9FFFFFFF  }
0xc1: {  	(tm) =	ssettm $0x7FFFFFFF  }
tec
execute0_lowered:
.L_overlay_start_1:
0x0: {  	(tag) =	ssettag $0x1  }
0x1: {  	s0 =	rddreg [dreg:$0x0];
	s2 =	simm.s32 $0x0  }
0x2: {  	s11 =	stileid.u32;
	s4 =	srdreg.scid;
	s16 =	simm.s32 $0x7  }
0x3: {  	s17 =	simm.s32 $0x80;
	s18 =	simm.s32 $0x2780;
	s19 =	simm.s32 $0x6780  }
0x4: {  	s21 =	simm.s32 $0xA780;
	s22 =	simm.s32 $0x1;
	s23 =	simm.s32 $0x2  }
0x5: {  	s28 =	simm.s32 $0x6;
	s29 =	simm.s32 $0x10;
	s30 =	simm.s32 $0x2700  }
0x6: {  	s31 =	simm.s32 $0x0;
	[smem:$0x7FF] =	sst s2;
	s1 =	smul.u32 $0x2710, s11  }
0x7: {  	s7 =	sand.u32 $0x1, s4;
	s4 =	sadd.s32 $0x5E8800, s0;
	s10 =	smul.u32 $0x138800, s11  }
0x8: {  	s3 =	sadd.s32 $0x14000, s0;
	s5 =	sadd.s32 $0x60FA00, s0;
	s6 =	sadd.s32 $0x89400, s0  }
0x9: {  	s15 =	smul.u32 $0x27100, s11;
	_ =	strace $0x8000004D;
	s8 =	ssub.s32 $0x2, s7  }
0xa: {  	p0 =	seq.s32 s7, $0x1;
	s1 =	sshrl.u32 s1, $0x3;
	s9 =	sshrl.u32 s8, $0x1  }
0xb: {  	s25 =	sshrl.u32 s10, $0x3;
	s11 =	sadd.s32 $0x25800, s15;
	s12 =	sadd.s32 $0x26000, s15  }
.Ltmp0:
0xc: {  	s13 =	sadd.s32 $0x26800, s15;
	s14 =	sadd.s32 s15, s5;
	(pc) =	sbr.rel .LBB2_1-.Ltmp0, $4  }
0xd: {  	s15 =	sadd.s32 s15, s6;
	s1 =	sadd.s32 s1, s0;
	s24 =	ssub.s32 s8, s9  }
0xe: {  	s8 =	sadd.s32 $0x27000, s25;
	s25 =	simm.s32 $0x4;
	s26 =	sadd.s32 $0xF000, s1  }
0xf: {  	s1 =	sadd.s32 $0xA000, s1;
	s10 =	smax.u32 s24, $0x1;
	[dreg:$0x2] =	wrdreg s26  }
0x10: {  	s24 =	simm.s32 $0x3;
	[dreg:$0x3] =	wrdreg s1;
	s26 =	simm.s32 $0x5  }
.LBB2_7:
0x11: {  	[tilespmem:s21], [sflag:$0x3] =	stream.indirect.gather [hbm4b:s4+s17], $0x80, s0, s17, $0xb8;
	[tilespmem:$0xE780] =	vst v63  }
0x12: {  	s1 =	smov.u32 s4;
	s0 =	smov.u32 s6  }
.LBB2_8:
0x13: {  	_ =	swait.ge [sflag:s22], $0x4000  }
0x14: {  	[sflag:s22] =	ssyncset.done $0x0  }
0x15: {  	s7 =	sadd.s32 s0, s11;
	[sflag:s22] =	ssyncadd.s32 $0xFFFFC000  }
0x16: {  	[hbm4b:s7+s2] =	stream.linear.scatter [tilespmem:s18], [sflag:$0x4], $0x4000, $0x38;
	[tilespmem:$0xE780] =	vst v63  }
0x17: {  	_ =	swait.ge [sflag:s23], $0x4000  }
0x18: {  	[sflag:s23] =	ssyncset.done $0x0  }
0x19: {  	s20 =	sadd.s32 s0, s12;
	[sflag:s23] =	ssyncadd.s32 $0xFFFFC000  }
0x1a: {  	[hbm4b:s20+s2] =	stream.linear.scatter [tilespmem:s19], [sflag:$0x5], $0x4000, $0x38;
	[tilespmem:$0xE780] =	vst v63  }
0x1b: {  	_ =	swait.ge [sflag:s24], $0x4000  }
0x1c: {  	[sflag:s24] =	ssyncset.done $0x0  }
0x1d: {  	s9 =	sadd.s32 s0, s13;
	[sflag:s24] =	ssyncadd.s32 $0xFFFFC000  }
0x1e: {  	[hbm4b:s9+s2] =	stream.linear.scatter [tilespmem:s21], [sflag:$0x6], $0x4000, $0x38;
	[tilespmem:$0xE780] =	vst v63  }
0x1f: {  	_ =	swait.ge [sflag:s25], $0x4000  }
0x20: {  	[sflag:s25] =	ssyncset.done $0x0  }
0x21: {  	[sflag:s25] =	ssyncadd.s32 $0xFFFFC000  }
0x22: {  	_ =	swait.ge [sflag:s26], $0x4000  }
0x23: {  	[sflag:s26] =	ssyncset.done $0x0  }
0x24: {  	[sflag:s26] =	ssyncadd.s32 $0xFFFFC000  }
0x25: {  	_ =	swait.ge [sflag:s28], $0x4000  }
0x26: {  	[sflag:s28] =	ssyncset.done $0x0  }
0x27: {  	[sflag:s28] =	ssyncadd.s32 $0xFFFFC000  }
0x28: {  	[tilespmem:s18], [sflag:$0x1] =	stream.indirect.gather [hbm4b:s1+s29], $0x80, s30, s29, $0xb8;
	[tilespmem:$0xE780] =	vst v63  }
0x29: {  	s31 =	sadd.s32 $0x1, s31;
	_ =	swait.ge [sflag:s22], $0x800  }
0x2a: {  	p1 =	sne.s32 s31, s10;
	[sflag:s22] =	ssyncset.done $0x0  }
.Ltmp1:
0x2b: {  	s20 =	sadd.s32 s0, s8;
	[sflag:s22] =	ssyncadd.s32 $0xFFFFF800;
	(pc) =	sbr.rel @!p1 .LBB2_9-.Ltmp1, $4  }
0x2c: {  	[hbm4b:s20+s2] =	stream.linear.scatter [tilespmem:s18], [sflag:$0x7], $0x800, $0x38;
	[tilespmem:$0xE780] =	vst v63  }
0x2d: {  	_ =	swait.ge [sflag:s16], $0x800  }
0x2e: {  	[sflag:s16] =	ssyncset.done $0x0  }
0x2f: {  	[sflag:s16] =	ssyncadd.s32 $0xFFFFF800  }
.LBB2_1:
.Ltmp2:
0x30: {  	(pc) =	sbr.rel @!p0 .LBB2_2-.Ltmp2, $2  }
0x31: {  	_ =	sdelay $0x2  }
0x32: {  	s0 =	simm.s32 $0x0  }
0x33: {  	s1 =	rddreg [dreg:$0x3]  }
0x34: {  	[tilespmem:s0], [sflag:$0x7] =	stream.linear.gather [hbm4b:s1+s0], $0x2710, $0x38;
	[tilespmem:$0xE780] =	vst v63  }
0x35: {  	_ =	swait.ge [sflag:s16], $0x2710  }
0x36: {  	[sflag:s16] =	ssyncset.done $0x0  }
0x37: {  	[sflag:s16] =	ssyncadd.s32 $0xFFFFD8F0  }
0x38: {  	[tilespmem:s18], [sflag:$0x1] =	stream.indirect.gather [hbm4b:s4+s17], $0x80, s0, s17, $0xb8;
	[tilespmem:$0xE780] =	vst v63  }
0x39: {  	_ = 	snop  }
0x3a: {  	[tilespmem:s19], [sflag:$0x2] =	stream.indirect.gather [hbm4b:s4+s17], $0x80, s17, s17, $0xb8;
	[tilespmem:$0xE780] =	vst v63  }
0x3b: {  	s9 =	simm.s32 $0x100  }
0x3c: {  	[tilespmem:s21], [sflag:$0x3] =	stream.indirect.gather [hbm4b:s4+s17], $0x80, s9, s17, $0xb8;
	[tilespmem:$0xE780] =	vst v63  }
0x3d: {  	_ =	swait.ge [sflag:s22], $0x4000  }
0x3e: {  	[sflag:s22] =	ssyncset.done $0x0  }
0x3f: {  	s20 =	sadd.s32 $0x0, s15;
	[sflag:s22] =	ssyncadd.s32 $0xFFFFC000  }
0x40: {  	[hbm4b:s20+s2] =	stream.linear.scatter [tilespmem:s18], [sflag:$0x4], $0x4000, $0x38;
	[tilespmem:$0xE780] =	vst v63  }
0x41: {  	_ =	swait.ge [sflag:s23], $0x4000  }
0x42: {  	[sflag:s23] =	ssyncset.done $0x0  }
0x43: {  	s7 =	sadd.s32 $0x800, s20;
	[sflag:s23] =	ssyncadd.s32 $0xFFFFC000  }
0x44: {  	[hbm4b:s7+s2] =	stream.linear.scatter [tilespmem:s19], [sflag:$0x5], $0x4000, $0x38;
	[tilespmem:$0xE780] =	vst v63  }
0x45: {  	_ =	swait.ge [sflag:s24], $0x4000  }
0x46: {  	[sflag:s24] =	ssyncset.done $0x0  }
0x47: {  	s0 =	sadd.s32 $0x1000, s20;
	[sflag:s24] =	ssyncadd.s32 $0xFFFFC000  }
0x48: {  	[hbm4b:s0+s2] =	stream.linear.scatter [tilespmem:s21], [sflag:$0x6], $0x4000, $0x38;
	[tilespmem:$0xE780] =	vst v63  }
0x49: {  	_ =	swait.ge [sflag:s25], $0x4000  }
0x4a: {  	[sflag:s25] =	ssyncset.done $0x0  }
0x4b: {  	s9 =	simm.s32 $0x180;
	[sflag:s25] =	ssyncadd.s32 $0xFFFFC000  }
0x4c: {  	[tilespmem:s18], [sflag:$0x1] =	stream.indirect.gather [hbm4b:s4+s17], $0x80, s9, s17, $0xb8;
	[tilespmem:$0xE780] =	vst v63  }
0x4d: {  	_ =	swait.ge [sflag:s26], $0x4000  }
0x4e: {  	[sflag:s26] =	ssyncset.done $0x0  }
0x4f: {  	s20 =	simm.s32 $0x200;
	[sflag:s26] =	ssyncadd.s32 $0xFFFFC000  }
0x50: {  	[tilespmem:s19], [sflag:$0x2] =	stream.indirect.gather [hbm4b:s4+s17], $0x80, s20, s17, $0xb8;
	[tilespmem:$0xE780] =	vst v63  }
0x51: {  	_ =	swait.ge [sflag:s28], $0x4000  }
0x52: {  	s1 =	simm.s32 $0x1800;
	[sflag:s28] =	ssyncset.done $0x0  }
0x53: {  	s7 =	simm.s32 $0x400;
	s0 =	simm.s32 $0x280;
	[sflag:s28] =	ssyncadd.s32 $0xFFFFC000  }
.LBB2_6:
0x54: {  	[tilespmem:s21], [sflag:$0x3] =	stream.indirect.gather [hbm4b:s4+s17], $0x80, s0, s17, $0xb8;
	[tilespmem:$0xE780] =	vst v63  }
0x55: {  	s9 =	smov.u32 s1;
	s0 =	smov.u32 s7  }
0x56: {  	p1 =	sne.s32 s1, $0x24000;
	s1 =	sadd.s32 $0x1800, s1;
	_ =	swait.ge [sflag:s22], $0x4000  }
0x57: {  	[sflag:s22] =	ssyncset.done $0x0  }
0x58: {  	s9 =	sadd.s32 s9, s15;
	[sflag:s22] =	ssyncadd.s32 $0xFFFFC000  }
0x59: {  	[hbm4b:s9+s2] =	stream.linear.scatter [tilespmem:s18], [sflag:$0x4], $0x4000, $0x38;
	[tilespmem:$0xE780] =	vst v63  }
0x5a: {  	_ =	swait.ge [sflag:s23], $0x4000  }
0x5b: {  	[sflag:s23] =	ssyncset.done $0x0  }
0x5c: {  	s20 =	sadd.s32 $0x800, s9;
	[sflag:s23] =	ssyncadd.s32 $0xFFFFC000  }
0x5d: {  	[hbm4b:s20+s2] =	stream.linear.scatter [tilespmem:s19], [sflag:$0x5], $0x4000, $0x38;
	[tilespmem:$0xE780] =	vst v63  }
0x5e: {  	_ =	swait.ge [sflag:s24], $0x4000  }
0x5f: {  	[sflag:s24] =	ssyncset.done $0x0  }
0x60: {  	s9 =	sadd.s32 $0x1000, s9;
	[sflag:s24] =	ssyncadd.s32 $0xFFFFC000  }
0x61: {  	[hbm4b:s9+s2] =	stream.linear.scatter [tilespmem:s21], [sflag:$0x6], $0x4000, $0x38;
	[tilespmem:$0xE780] =	vst v63  }
0x62: {  	_ =	swait.ge [sflag:s25], $0x4000  }
0x63: {  	[sflag:s25] =	ssyncset.done $0x0  }
0x64: {  	s9 =	sadd.s32 $0xFFFFFF00, s7;
	[sflag:s25] =	ssyncadd.s32 $0xFFFFC000  }
0x65: {  	[tilespmem:s18], [sflag:$0x1] =	stream.indirect.gather [hbm4b:s4+s17], $0x80, s9, s17, $0xb8;
	[tilespmem:$0xE780] =	vst v63  }
0x66: {  	_ =	swait.ge [sflag:s26], $0x4000  }
0x67: {  	[sflag:s26] =	ssyncset.done $0x0  }
.Ltmp3:
0x68: {  	s9 =	sadd.s32 $0xFFFFFF80, s7;
	[sflag:s26] =	ssyncadd.s32 $0xFFFFC000;
	(pc) =	sbr.rel @p1 .LBB2_6-.Ltmp3, $4  }
0x69: {  	[tilespmem:s19], [sflag:$0x2] =	stream.indirect.gather [hbm4b:s4+s17], $0x80, s9, s17, $0xb8;
	[tilespmem:$0xE780] =	vst v63  }
0x6a: {  	_ =	swait.ge [sflag:s28], $0x4000  }
0x6b: {  	[sflag:s28] =	ssyncset.done $0x0  }
0x6c: {  	s7 =	sadd.s32 $0x180, s7;
	[sflag:s28] =	ssyncadd.s32 $0xFFFFC000  }
.Ltmp4:
0x6d: {  	_ = 	snop;
	(pc) =	sbr.rel .LBB2_7-.Ltmp4, $1  }
0x6e: {  	_ =	sdelay $0x3  }
.LBB2_2:
0x6f: {  	s1 =	rddreg [dreg:$0x2]  }
0x70: {  	[tilespmem:s0], [sflag:$0x7] =	stream.linear.gather [hbm4b:s1+s0], $0x2710, $0x38;
	[tilespmem:$0xE780] =	vst v63  }
0x71: {  	_ =	swait.ge [sflag:s16], $0x2710  }
0x72: {  	[sflag:s16] =	ssyncset.done $0x0  }
0x73: {  	[sflag:s16] =	ssyncadd.s32 $0xFFFFD8F0  }
0x74: {  	[tilespmem:s18], [sflag:$0x1] =	stream.indirect.gather [hbm4b:s3+s17], $0x80, s0, s17, $0xb8;
	[tilespmem:$0xE780] =	vst v63  }
0x75: {  	_ = 	snop  }
0x76: {  	[tilespmem:s19], [sflag:$0x2] =	stream.indirect.gather [hbm4b:s3+s17], $0x80, s17, s17, $0xb8;
	[tilespmem:$0xE780] =	vst v63  }
0x77: {  	s9 =	simm.s32 $0x100  }
0x78: {  	[tilespmem:s21], [sflag:$0x3] =	stream.indirect.gather [hbm4b:s3+s17], $0x80, s9, s17, $0xb8;
	[tilespmem:$0xE780] =	vst v63  }
0x79: {  	_ =	swait.ge [sflag:s22], $0x4000  }
0x7a: {  	[sflag:s22] =	ssyncset.done $0x0  }
0x7b: {  	s20 =	sadd.s32 $0x0, s14;
	[sflag:s22] =	ssyncadd.s32 $0xFFFFC000  }
0x7c: {  	[hbm4b:s20+s2] =	stream.linear.scatter [tilespmem:s18], [sflag:$0x4], $0x4000, $0x38;
	[tilespmem:$0xE780] =	vst v63  }
0x7d: {  	_ =	swait.ge [sflag:s23], $0x4000  }
0x7e: {  	[sflag:s23] =	ssyncset.done $0x0  }
0x7f: {  	s7 =	sadd.s32 $0x800, s20;
	[sflag:s23] =	ssyncadd.s32 $0xFFFFC000  }
0x80: {  	[hbm4b:s7+s2] =	stream.linear.scatter [tilespmem:s19], [sflag:$0x5], $0x4000, $0x38;
	[tilespmem:$0xE780] =	vst v63  }
0x81: {  	_ =	swait.ge [sflag:s24], $0x4000  }
0x82: {  	[sflag:s24] =	ssyncset.done $0x0  }
0x83: {  	s0 =	sadd.s32 $0x1000, s20;
	[sflag:s24] =	ssyncadd.s32 $0xFFFFC000  }
0x84: {  	[hbm4b:s0+s2] =	stream.linear.scatter [tilespmem:s21], [sflag:$0x6], $0x4000, $0x38;
	[tilespmem:$0xE780] =	vst v63  }
0x85: {  	_ =	swait.ge [sflag:s25], $0x4000  }
0x86: {  	[sflag:s25] =	ssyncset.done $0x0  }
0x87: {  	s9 =	simm.s32 $0x180;
	[sflag:s25] =	ssyncadd.s32 $0xFFFFC000  }
0x88: {  	[tilespmem:s18], [sflag:$0x1] =	stream.indirect.gather [hbm4b:s3+s17], $0x80, s9, s17, $0xb8;
	[tilespmem:$0xE780] =	vst v63  }
0x89: {  	_ =	swait.ge [sflag:s26], $0x4000  }
0x8a: {  	[sflag:s26] =	ssyncset.done $0x0  }
0x8b: {  	s20 =	simm.s32 $0x200;
	[sflag:s26] =	ssyncadd.s32 $0xFFFFC000  }
0x8c: {  	[tilespmem:s19], [sflag:$0x2] =	stream.indirect.gather [hbm4b:s3+s17], $0x80, s20, s17, $0xb8;
	[tilespmem:$0xE780] =	vst v63  }
0x8d: {  	_ =	swait.ge [sflag:s28], $0x4000  }
0x8e: {  	s1 =	simm.s32 $0x1800;
	[sflag:s28] =	ssyncset.done $0x0  }
0x8f: {  	s7 =	simm.s32 $0x400;
	s0 =	simm.s32 $0x280;
	[sflag:s28] =	ssyncadd.s32 $0xFFFFC000  }
.LBB2_3:
0x90: {  	[tilespmem:s21], [sflag:$0x3] =	stream.indirect.gather [hbm4b:s3+s17], $0x80, s0, s17, $0xb8;
	[tilespmem:$0xE780] =	vst v63  }
0x91: {  	s9 =	smov.u32 s1;
	s0 =	smov.u32 s7  }
0x92: {  	p1 =	seq.s32 s1, $0x24000;
	s1 =	sadd.s32 $0x1800, s1;
	_ =	swait.ge [sflag:s22], $0x4000  }
0x93: {  	[sflag:s22] =	ssyncset.done $0x0  }
0x94: {  	s9 =	sadd.s32 s9, s14;
	[sflag:s22] =	ssyncadd.s32 $0xFFFFC000  }
0x95: {  	[hbm4b:s9+s2] =	stream.linear.scatter [tilespmem:s18], [sflag:$0x4], $0x4000, $0x38;
	[tilespmem:$0xE780] =	vst v63  }
0x96: {  	_ =	swait.ge [sflag:s23], $0x4000  }
0x97: {  	[sflag:s23] =	ssyncset.done $0x0  }
0x98: {  	s20 =	sadd.s32 $0x800, s9;
	[sflag:s23] =	ssyncadd.s32 $0xFFFFC000  }
0x99: {  	[hbm4b:s20+s2] =	stream.linear.scatter [tilespmem:s19], [sflag:$0x5], $0x4000, $0x38;
	[tilespmem:$0xE780] =	vst v63  }
0x9a: {  	_ =	swait.ge [sflag:s24], $0x4000  }
0x9b: {  	[sflag:s24] =	ssyncset.done $0x0  }
0x9c: {  	s9 =	sadd.s32 $0x1000, s9;
	[sflag:s24] =	ssyncadd.s32 $0xFFFFC000  }
0x9d: {  	[hbm4b:s9+s2] =	stream.linear.scatter [tilespmem:s21], [sflag:$0x6], $0x4000, $0x38;
	[tilespmem:$0xE780] =	vst v63  }
0x9e: {  	_ =	swait.ge [sflag:s25], $0x4000  }
0x9f: {  	[sflag:s25] =	ssyncset.done $0x0  }
0xa0: {  	s9 =	sadd.s32 $0xFFFFFF00, s7;
	[sflag:s25] =	ssyncadd.s32 $0xFFFFC000  }
0xa1: {  	[tilespmem:s18], [sflag:$0x1] =	stream.indirect.gather [hbm4b:s3+s17], $0x80, s9, s17, $0xb8;
	[tilespmem:$0xE780] =	vst v63  }
0xa2: {  	_ =	swait.ge [sflag:s26], $0x4000  }
0xa3: {  	[sflag:s26] =	ssyncset.done $0x0  }
.Ltmp5:
0xa4: {  	s9 =	sadd.s32 $0xFFFFFF80, s7;
	[sflag:s26] =	ssyncadd.s32 $0xFFFFC000;
	(pc) =	sbr.rel @!p1 .LBB2_3-.Ltmp5, $4  }
0xa5: {  	[tilespmem:s19], [sflag:$0x2] =	stream.indirect.gather [hbm4b:s3+s17], $0x80, s9, s17, $0xb8;
	[tilespmem:$0xE780] =	vst v63  }
0xa6: {  	_ =	swait.ge [sflag:s28], $0x4000  }
0xa7: {  	[sflag:s28] =	ssyncset.done $0x0  }
0xa8: {  	s7 =	sadd.s32 $0x180, s7;
	[sflag:s28] =	ssyncadd.s32 $0xFFFFC000  }
.Ltmp6:
0xa9: {  	(pc) =	sbr.rel .LBB2_8-.Ltmp6, $3  }
0xaa: {  	_ =	sdelay $0x1  }
0xab: {  	[tilespmem:s21], [sflag:$0x3] =	stream.indirect.gather [hbm4b:s3+s17], $0x80, s0, s17, $0xb8;
	[tilespmem:$0xE780] =	vst v63  }
0xac: {  	s1 =	smov.u32 s3;
	s0 =	smov.u32 s5  }
.LBB2_9:
0xad: {  	_ =	sfence.sel $0x180000  }
0xae: {  	[bflag:$0x0] =	sbarrier.arrive $0xFFFF  }
0xaf: {  	_ =	strace $0x9000004D  }
0xb0: {  	s0 =	stileid.u32;
	[bflag:$0x2] =	sbarrier.arrive $0xFFFF  }
0xb1: {  	p0 =	sne.s32 s0, $0x0;
	s0 =	rddreg [dreg:$0x1]  }
0xb2: {  	s0 =	sadd.s32 @!p0 $0x100000, s0  }
0xb3: {  	[sflag:s0] =	ssyncadd.tile.s32 @!p0 $0x1;
	_ =	shalt  }
.Lfunc_end2:
_tile_overlayer_lowered:
.L_overlay_start_2:
0xb4: {  	(tag) =	ssettag $0x2  }
0xb5: {  	s0 =	rddreg [dreg:$0x0];
	s2 =	stileid.u32  }
0xb6: {  	s1 =	rddreg [dreg:$0x1];
	p0 =	sne.s32 s2, $0x0  }
0xb7: {  	s3 =	rddreg [dreg:$0x2];
	[bflag:$0x3] =	sbarrier.arrive $0xFFFF;
	s2 =	simm.s32 @!p0 $0x1C07  }
0xb8: {  	[timem:s3], [sflag:s2] =	dma.local @!p0 [hbm:s0], s1  }
0xb9: {  	s0 =	simm.s32 @!p0 $0x7  }
0xba: {  	_ =	swait.ge @!p0 [sflag:s0], s1  }
0xbb: {  	s1 =	ssub.s32 @!p0 $0x0, s1;
	[sflag:s0] =	ssyncset.done @!p0 $0x0  }
0xbc: {  	[sflag:s0] =	ssyncadd.s32 @!p0 s1  }
0xbd: {  	[bflag:$0x3] =	sbarrier.arrive $0xFFFF  }
0xbe: {  	_ =	shalt  }

// kernel: kernel.22.cloned.1.call-start
scs
__scs_entry_jumppad:
0x0: {  	(pc) =	sbr.rel $0x88, $3  }
0x1: {  	(tag) =	ssettag $0x0;
	lr =	simm.s32 $0x1  }
0x2: {  	[smem:$0x3F73] =	sst lr;
	_ =	strace $0xD0000000  }
0x3: {  	_ = 	snop  }
0x4: {  	_ = 	snop  }
0x5: {  	_ = 	snop  }
0x6: {  	_ = 	snop  }
0x7: {  	_ = 	snop  }
__scs_overlays_trampoline_lowered:
0x8: {  	[smem:$0x3F82] =	sst s0  }
0x9: {  	[smem:$0x3F83] =	sst s1  }
0xa: {  	[smem:$0x3F84] =	sst s2  }
0xb: {  	[smem:$0x3F85] =	sst s3  }
0xc: {  	[smem:$0x3F86] =	sst s4  }
0xd: {  	[smem:$0x3F87] =	sst s5  }
0xe: {  	[smem:$0x3F88] =	sst s6  }
0xf: {  	[smem:$0x3F89] =	sst s7  }
0x10: {  	[smem:$0x3F8A] =	sst s8  }
0x11: {  	[smem:$0x3F8B] =	sst s9;
	s0 =	simm.s32 @!p0 $0x0  }
0x12: {  	s1 =	sld [smem:$0x3F71];
	s0 =	simm.s32 @p0 $0x1  }
0x13: {  	[smem:$0x3F8C] =	sst s0;
	s0 =	simm.s32 @!p1 $0x0  }
0x14: {  	s2 =	sld [smem:$0x3F70];
	s0 =	simm.s32 @p1 $0x1  }
0x15: {  	[smem:$0x3F8D] =	sst s0;
	s0 =	simm.s32 @!p2 $0x0  }
0x16: {  	s3 =	sld [smem:$0x3FDB];
	s0 =	simm.s32 @p2 $0x1  }
0x17: {  	s4 =	simm.s32 $0x1BF5;
	[smem:$0x3F8F] =	sst s0  }
0x18: {  	s0 =	sld [smem:$0x3F72];
	_ =	swait.ge [sflag:s4], $0x0  }
0x19: {  	s7 =	sld [smem:$0x3F73]  }
0x1a: {  	s8 =	sadd.s32 $0xFFFFE003, lr  }
0x1b: {  	s9 =	sadd.s32 $0xFFFFFEF7, lr;
	s5 =	simm.s32 $0xFFFFFFFF;
	p2 =	slt.u32 s8, $0xFFFFF086  }
0x1c: {  	p1 =	slt.u32 s9, $0xF7A;
	s5 =	simm.s32 @!p2 $0x0  }
0x1d: {  	s5 =	simm.s32 @p1 $0x1;
	p0 =	seq.s32 s7, s2  }
0x1e: {  	s7 =	smul.u32 @!p0 $0xF7A, s2;
	p2 =	seq.s32 @!p0 s5, $0x0  }
0x1f: {  	s9 =	smul.u32 $0xF7A, s1;
	s8 =	simm.s32 @!p0 $0x1BF5;
	p2 =	por !p2, p0  }
0x20: {  	[sflag:s8] =	ssyncset.s32 @!p0 $0xFFFFF086;
	s6 =	sadd.s32 @!p0 s3, s7;
	s7 =	simm.s32 @!p0 $0x108  }
0x21: {  	s3 =	sadd.s32 s3, s9;
	s6 =	sadd.s32 @!p0 $0x88, s6;
	s7 =	simm.s32 @p2 $0x1082  }
0x22: {  	[simem:s7], [sflag:s8] =	dma.local @!p0 [hbm:s6], $0xF7A  }
0x23: {  	s9 =	sor.u32 $0xD0000000, s2;
	s6 =	simm.s32 $0x108;
	_ =	swait.ge @!p0 [sflag:s8], $0x0  }
0x24: {  	s3 =	sadd.s32 $0x88, s3;
	s6 =	simm.s32 @!p1 $0x1082;
	[sflag:s4] =	ssyncset.s32 $0xFFFFF086  }
0x25: {  	[simem:s6], [sflag:s4] =	dma.local [hbm:s3], $0xF7A  }
0x26: {  	[smem:$0x3F73] =	sst s1;
	(tag) =	ssettag s2;
	_ =	strace s9  }
0x27: {  	s1 =	sld [smem:$0x3F83]  }
0x28: {  	s2 =	sld [smem:$0x3F84]  }
0x29: {  	s4 =	sld [smem:$0x3F86]  }
0x2a: {  	p0 =	seq.s32 s5, $0x0;
	s5 =	sld [smem:$0x3F87]  }
0x2b: {  	s6 =	sld [smem:$0x3F88]  }
0x2c: {  	s7 =	sld [smem:$0x3F89]  }
0x2d: {  	s3 =	simm.s32 $0x108;
	s8 =	sld [smem:$0x3F8A]  }
0x2e: {  	s3 =	simm.s32 @!p0 $0x1082;
	s9 =	sld [smem:$0x3F8B]  }
0x2f: {  	lr =	sadd.s32 s0, s3;
	s0 =	sld [smem:$0x3F82]  }
0x30: {  	s3 =	sld [smem:$0x3F85]  }
0x31: {  	[smem:$0x3F8E] =	sst s10  }
0x32: {  	s10 =	sld [smem:$0x3F8C];
	_ =	sdelay $0x3  }
0x33: {  	p0 =	seq.s32 s10, $0x1;
	s10 =	sld [smem:$0x3F8E];
	_ =	sdelay $0x3  }
0x34: {  	[smem:$0x3F8E] =	sst s10  }
0x35: {  	s10 =	sld [smem:$0x3F8D];
	_ =	sdelay $0x3  }
0x36: {  	p1 =	seq.s32 s10, $0x1;
	s10 =	sld [smem:$0x3F8E];
	_ =	sdelay $0x3  }
0x37: {  	[smem:$0x3F8E] =	sst s10  }
0x38: {  	s10 =	sld [smem:$0x3F8F]  }
0x39: {  	_ = 	snop;
	(pc) =	sbr.ind lr, $3  }
0x3a: {  	_ = 	snop  }
0x3b: {  	_ = 	snop  }
0x3c: {  	p2 =	seq.s32 s10, $0x1;
	s10 =	sld [smem:$0x3F8E]  }
0x3d: {  	_ =	shalt  }
0x3e: {  	_ =	shalt  }
0x3f: {  	_ =	shalt  }
0x40: {  	_ =	shalt  }
0x41: {  	_ =	shalt  }
0x42: {  	_ =	shalt  }
0x43: {  	_ =	shalt  }
0x44: {  	_ =	shalt  }
0x45: {  	_ =	shalt  }
0x46: {  	_ =	shalt  }
0x47: {  	_ =	shalt  }
0x48: {  	_ =	shalt  }
0x49: {  	_ =	shalt  }
0x4a: {  	_ =	shalt  }
0x4b: {  	_ =	shalt  }
0x4c: {  	_ =	shalt  }
0x4d: {  	_ =	shalt  }
0x4e: {  	_ =	shalt  }
0x4f: {  	_ =	shalt  }
0x50: {  	_ =	shalt  }
0x51: {  	_ =	shalt  }
0x52: {  	_ =	shalt  }
0x53: {  	_ =	shalt  }
0x54: {  	_ =	shalt  }
0x55: {  	_ =	shalt  }
0x56: {  	_ =	shalt  }
0x57: {  	_ =	shalt  }
0x58: {  	_ =	shalt  }
0x59: {  	_ =	shalt  }
0x5a: {  	_ =	shalt  }
0x5b: {  	_ =	shalt  }
0x5c: {  	_ =	shalt  }
0x5d: {  	_ =	shalt  }
0x5e: {  	_ =	shalt  }
0x5f: {  	_ =	shalt  }
0x60: {  	_ =	shalt  }
0x61: {  	_ =	shalt  }
0x62: {  	_ =	shalt  }
0x63: {  	_ =	shalt  }
0x64: {  	_ =	shalt  }
0x65: {  	_ =	shalt  }
0x66: {  	_ =	shalt  }
0x67: {  	_ =	shalt  }
0x68: {  	_ =	shalt  }
0x69: {  	_ =	shalt  }
0x6a: {  	_ =	shalt  }
0x6b: {  	_ =	shalt  }
0x6c: {  	_ =	shalt  }
0x6d: {  	_ =	shalt  }
0x6e: {  	_ =	shalt  }
0x6f: {  	_ =	shalt  }
0x70: {  	_ =	shalt  }
0x71: {  	_ =	shalt  }
0x72: {  	_ =	shalt  }
0x73: {  	_ =	shalt  }
0x74: {  	_ =	shalt  }
0x75: {  	_ =	shalt  }
0x76: {  	_ =	shalt  }
0x77: {  	_ =	shalt  }
0x78: {  	_ =	shalt  }
0x79: {  	_ =	shalt  }
0x7a: {  	_ =	shalt  }
0x7b: {  	_ =	shalt  }
0x7c: {  	_ =	shalt  }
0x7d: {  	_ =	shalt  }
0x7e: {  	_ =	shalt  }
0x7f: {  	_ =	shalt  }
0x80: {  	_ =	shalt  }
0x81: {  	_ =	shalt  }
0x82: {  	_ =	shalt  }
0x83: {  	_ =	shalt  }
0x84: {  	_ =	shalt  }
0x85: {  	_ =	shalt  }
0x86: {  	_ =	shalt  }
0x87: {  	_ =	shalt  }
.Lfunc_end0:
.L_simem_size_0:
called_computation.3_lowered:
.L_overlay_start_0:
0x88: {  	s2 =	sld [smem:$0x3FD9]  }
0x89: {  	s3 =	sld [smem:$0x3FFE];
	_ =	sdelay $0x1  }
0x8a: {  	s1 =	srdreg.scid  }
0x8b: {  	s0 =	sand.u32 $0x1, s1  }
0x8c: {  	s16 =	sshll.u32 s0, $0xA;
	s2 =	sadd.s32 s3, s2  }
0x8d: {  	s2 =	sadd.s32 s2, s16  }
0x8e: {  	[smem:$0x3F9A] =	sst s2  }
0x8f: {  	_ = 	snop  }
0x90: {  	(tm) =	ssettm $0x1  }
0x91: {  	s17 =	sld [smem:$0x3FFB];
	_ =	sdelay $0x3  }
0x92: {  	_ =	strace s17  }
0x93: {  	s2 =	sld [smem:$0x3FFC];
	_ =	sdelay $0x3  }
0x94: {  	_ =	strace s2  }
0x95: {  	s2 =	sld [smem:$0x3FFD];
	_ =	sdelay $0x3  }
0x96: {  	_ =	strace s2  }
0x97: {  	_ =	strace $0x8FFFFFFF  }
0x98: {  	s18 =	sld [smem:$0x3FDB];
	_ =	sdelay $0x1  }
0x99: {  	s19 =	simm.s32 $_scs_section_size  }
0x9a: {  	s4 =	simm.s32 $_size__tile_overlayer_lowered;
	s5 =	simm.s32 $_tile_overlayer_lowered  }
0x9b: {  	s22 =	simm.s32 $0x1BFF;
	s21 =	sshll.u32 s5, $0x1;
	s2 =	sadd.s32 s19, s18  }
0x9c: {  	s6 =	simm.s32 $0x0;
	s20 =	sshll.u32 s4, $0x1;
	s4 =	sadd.s32 s21, s2  }
0x9d: {  	[timem:s6], [sflag:s22] =	dma.local [hbm:s4], s20  }
0x9e: {  	_ =	swait.ge [sflag:s22], s20  }
0x9f: {  	s3 =	ssub.s32 $0x0, s20;
	[sflag:s22] =	ssyncset.done $0x0  }
0xa0: {  	[sflag:s22] =	ssyncadd.s32 s3;
	_ =	sdelay $0x1  }
0xa1: {  	s23 =	simm.s32 $0x1B8B  }
0xa2: {  	_ =	swait.ge [sflag:s23], $0x1  }
0xa3: {  	[sflag:s23] =	ssyncset.done $0x0  }
0xa4: {  	s25 =	simm.s32 $0x1B8E;
	s24 =	sld [smem:$0x3FFE];
	[sflag:s23] =	ssyncadd.s32 $0xFFFFFFFF  }
0xa5: {  	s26 =	simm.s32 $execute0_lowered;
	[smem:$0x3FD2] =	sst s25  }
0xa6: {  	s4 =	sshll.u32 s26, $0x1;
	_ =	strace $0x8000004F;
	[dreg:$0x1] =	wrdreg $0xFFFFFFFF  }
0xa7: {  	s28 =	simm.s32 $_size_execute0_lowered;
	s2 =	sadd.s32 s2, s4;
	[dreg:$0x0] =	wrdreg $0x0  }
0xa8: {  	s4 =	sshll.u32 s28, $0x1;
	[dreg:$0x2] =	wrdreg s2  }
0xa9: {  	[dreg:$0x3] =	wrdreg s4  }
0xaa: {  	[dreg:$0x4] =	wrdreg $0xC0  }
0xab: {  	_ =	task [dreg:s6], $0x5FFFF  }
0xac: {  	[dreg:$0x1] =	wrdreg $0xFFFFFFFF  }
0xad: {  	[dreg:$0x0] =	wrdreg $0x60  }
0xae: {  	[dreg:$0x2] =	wrdreg s24  }
0xaf: {  	[dreg:$0x3] =	wrdreg $0x90000  }
0xb0: {  	[dreg:$0x4] =	wrdreg $0x9  }
0xb1: {  	_ =	task.clear_ibuf [dreg:s6], $0x5FFFF;
	_ =	strace $0x9000004F  }
0xb2: {  	s29 =	simm.s32 $0x9;
	_ =	strace $0x80000051  }
0xb3: {  	_ =	swait.ge [sflag:s29], $0x1  }
0xb4: {  	[sflag:s29] =	ssyncadd.s32 $0xFFFFFFFF  }
0xb5: {  	_ =	strace $0x90000051  }
0xb6: {  	_ =	sfence  }
0xb7: {  	s30 =	sld [smem:$0x0];
	_ =	sdelay $0x2  }
0xb8: {  	s31 =	sshll.u32 s1, $0xD;
	s1 =	sshrl.u32 s1, $0x2  }
0xb9: {  	s3 =	sand.u32 $0x4000, s31;
	s1 =	sadd.s32 s1, s30  }
0xba: {  	s0 =	sor.u32 s3, s0;
	s1 =	sshll.u32 s1, $0x11  }
0xbb: {  	s0 =	sor.u32 s1, s0  }
0xbc: {  	s0 =	sadd.s32 $0x8F2B, s0  }
0xbd: {  	[sflag:s0] =	ssyncadd.remote.s32 $0x1  }
0xbe: {  	_ =	sfence.sel $0xFFFF  }
0xbf: {  	[dreg:$0x0] =	wrdreg $0xFFFFFFFF;
	(pc) =	sbr.abs _section_cstart, $3  }
0xc0: {  	[dreg:$0x1] =	wrdreg $0xFFFFFFFF  }
0xc1: {  	_ =	task.clear_ibuf [dreg:s6], $0x2FFFF;
	_ =	strace $0x9FFFFFFF  }
0xc2: {  	(tm) =	ssettm $0x7FFFFFFF  }
0xc3: {  	_ =	shalt  }
tec
execute0_lowered:
.L_overlay_start_1:
0x0: {  	(tag) =	ssettag $0x1  }
0x1: {  	s0 =	rddreg [dreg:$0x0]  }
0x2: {  	s1 =	rddreg [dreg:$0x1];
	s3 =	simm.s32 $0x0;
	s19 =	stileid.u32  }
0x3: {  	s4 =	srdreg.scid;
	s28 =	simm.s32 $0x50;
	s29 =	simm.s32 $0x2  }
0x4: {  	s30 =	simm.s32 $0x3;
	s31 =	simm.s32 $0x4;
	s2 =	sadd.s32 $0x2FA400, s0  }
0x5: {  	[smem:$0x7FF] =	sst s3;
	s13 =	smul.u32 $0x2700, s19;
	s14 =	sadd.s32 $0xCED600, s0  }
0x6: {  	s5 =	sshll.u32 s19, $0xB;
	s9 =	smul.u32 $0x4E000, s19;
	s15 =	sadd.s32 $0x56B400, s0  }
0x7: {  	s4 =	sand.u32 $0x1, s4;
	s18 =	sadd.s32 $0xA000, s0;
	s10 =	smul.u32 $0x138800, s19  }
0x8: {  	s21 =	sshll.u32 s19, $0x6;
	s17 =	smul.u32 $0x27100, s19;
	p1 =	sne.s32 s19, $0xF  }
0x9: {  	p2 =	seq.s32 s19, $0xF;
	_ =	strace $0x80000050;
	s5 =	sadd.s32 s5, s0  }
0xa: {  	s6 =	ssub.s32 $0x2, s4;
	p0 =	seq.s32 s4, $0x1;
	[dreg:$0x3] =	wrdreg s15  }
0xb: {  	[dreg:$0x4] =	wrdreg s18;
	s7 =	sadd.s32 s13, s0;
	s8 =	sshrl.u32 s6, $0x1  }
0xc: {  	s20 =	sshrl.u32 s9, $0x2;
	s9 =	sadd.s32 $0x138000, s1;
	s12 =	sshrl.u32 s10, $0x3  }
0xd: {  	s10 =	sadd.s32 $0x89200, s0;
	s11 =	sadd.s32 $0x592600, s5;
	s24 =	sadd.s32 s15, s13  }
0xe: {  	s15 =	sadd.s32 s14, s17;
	s25 =	sadd.s32 s18, s13;
	s26 =	sadd.s32 $0x26C00, s17  }
0xf: {  	s13 =	simm.s32 $0x3E00;
	s16 =	ssub.s32 s6, s8;
	s6 =	sadd.s32 s20, s1  }
0x10: {  	s7 =	sadd.s32 $0x62200, s7;
	s8 =	sor.u32 $0x1C05, s21;
	[dreg:$0x6] =	wrdreg s24  }
0x11: {  	s22 =	sadd.s32 $0x500, s12;
	s12 =	sadd.s32 s2, s17;
	[dreg:$0x8] =	wrdreg s25  }
0x12: {  	s20 =	sadd.s32 s14, s26;
	s24 =	simm.s32 $0x4000;
	s25 =	simm.s32 $0x6800  }
.Ltmp0:
0x13: {  	s23 =	sadd.s32 s2, s22;
	s0 =	sadd.s32 s14, s22;
	(pc) =	sbr.rel .LBB2_1-.Ltmp0, $4  }
0x14: {  	s18 =	smax.u32 s16, $0x1;
	s2 =	sadd.s32 s2, s26;
	[dreg:$0x5] =	wrdreg s23  }
0x15: {  	s17 =	sadd.s32 $0xF00, s12;
	s22 =	sadd.s32 $0xF00, s15;
	[dreg:$0x7] =	wrdreg s0  }
0x16: {  	s26 =	simm.s32 $0x1;
	s14 =	simm.s32 $0x0;
	[dreg:$0x9] =	wrdreg s2  }
0x17: {  	s23 =	simm.s32 $0x5;
	s0 =	simm.s32 $0x3D00;
	s2 =	simm.s32 $0x3D80  }
.LBB2_8:
0x18: {  	s4 =	sadd.s32 $0x27000, s4;
	s5 =	sshrl.u32 s9, $0x3  }
0x19: {  	[hbm:s4], [sflag:s8] =	dma.local [spmem:s5], $0x100  }
0x1a: {  	_ =	swait.ge [sflag:s23], $0x100  }
0x1b: {  	[sflag:s23] =	ssyncset.done $0x0  }
0x1c: {  	[sflag:s23] =	ssyncadd.s32 $0xFFFFFF00  }
.LBB2_9:
0x1d: {  	s14 =	sadd.s32 $0x1, s14  }
0x1e: {  	p3 =	sne.s32 s14, s18  }
.Ltmp1:
0x1f: {  	_ = 	snop;
	(pc) =	sbr.rel @!p3 .LBB2_10-.Ltmp1, $1  }
0x20: {  	_ =	sdelay $0x3  }
.LBB2_1:
0x21: {  	s4 =	sshrl.u32 s6, $0x3  }
0x22: {  	[spmem:s4], [sflag:s8] =	dma.local [hbm:s7], $0x2700  }
0x23: {  	_ =	swait.ge [sflag:s23], $0x2700  }
0x24: {  	[sflag:s23] =	ssyncset.done $0x0  }
0x25: {  	s5 =	sshrl.u32 @!p1 s9, $0x3;
	[sflag:s23] =	ssyncadd.s32 $0xFFFFD900  }
0x26: {  	[spmem:s5], [sflag:s8] =	dma.local @!p1 [hbm:s10], $0x100  }
0x27: {  	s5 =	simm.s32 @!p1 $0x5  }
0x28: {  	_ =	swait.ge @!p1 [sflag:s5], $0x100  }
0x29: {  	[sflag:s5] =	ssyncset.done @!p1 $0x0  }
0x2a: {  	[sflag:s5] =	ssyncadd.s32 @!p1 $0xFFFFFF00  }
0x2b: {  	[tilespmem:s3], [sflag:$0x5] =	stream.linear.gather [hbm4b:s11+s3], $0x3E80, $0x38;
	[tilespmem:$0x1C880] =	vst v63  }
.Ltmp2:
0x2c: {  	_ =	swait.ge [sflag:s23], $0x3E80;
	(pc) =	sbr.rel @!p0 .LBB2_2-.Ltmp2, $4  }
0x2d: {  	[sflag:s23] =	ssyncset.done $0x0  }
0x2e: {  	[sflag:s23] =	ssyncadd.s32 $0xFFFFC180  }
0x2f: {  	[bflag:$0x0] =	sbarrier.arrive $0xFFFF  }
0x30: {  	s5 =	simm.s32 $0x0  }
0x31: {  	[tilespmem:s24], [sflag:$0x1] =	stream.linear.gather [hbm4b:s15+s5], $0x2800, $0x38;
	[tilespmem:$0x1C880] =	vst v63  }
0x32: {  	s16 =	rddreg [dreg:$0x7]  }
0x33: {  	[tilespmem:s25], [sflag:$0x2] =	stream.linear.gather [hbm4b:s16+s5], $0x2800, $0x38;
	[tilespmem:$0x1C880] =	vst v63  }
0x34: {  	_ =	swait.ge [sflag:s26], $0x2800  }
0x35: {  	[sflag:s26] =	ssyncset.done $0x0  }
0x36: {  	s16 =	simm.s32 $0x0;
	[sflag:s26] =	ssyncadd.s32 $0xFFFFD800  }
0x37: {  	[spmem:s1] =	stream.indirect.scatter.add.f32 [tilespmem:s24], [sflag:$0x3], $0x80, s16, s28, $0xb8;
	[tilespmem:$0x1C880] =	vst v63  }
0x38: {  	_ =	swait.ge [sflag:s29], $0x2800  }
0x39: {  	[sflag:s29] =	ssyncset.done $0x0  }
0x3a: {  	s19 =	simm.s32 $0x80;
	[sflag:s29] =	ssyncadd.s32 $0xFFFFD800  }
0x3b: {  	[spmem:s1] =	stream.indirect.scatter.add.f32 [tilespmem:s25], [sflag:$0x4], $0x80, s19, s28, $0xb8;
	[tilespmem:$0x1C880] =	vst v63  }
0x3c: {  	_ =	swait.ge [sflag:s30], $0x2800  }
0x3d: {  	[sflag:s30] =	ssyncset.done $0x0  }
0x3e: {  	s21 =	sadd.s32 $0xFFFFFB00, s22;
	[sflag:s30] =	ssyncadd.s32 $0xFFFFD800  }
0x3f: {  	[tilespmem:s24], [sflag:$0x1] =	stream.linear.gather [hbm4b:s21+s3], $0x2800, $0x38;
	[tilespmem:$0x1C880] =	vst v63  }
0x40: {  	_ =	swait.ge [sflag:s31], $0x2800  }
0x41: {  	s5 =	sadd.s32 $0xA00, s22;
	[sflag:s31] =	ssyncset.done $0x0  }
0x42: {  	s16 =	simm.s32 $0x400;
	s21 =	smov.u32 s22;
	[sflag:s31] =	ssyncadd.s32 $0xFFFFD800  }
.LBB2_6:
0x43: {  	[tilespmem:s25], [sflag:$0x2] =	stream.linear.gather [hbm4b:s21+s3], $0x2800, $0x38;
	[tilespmem:$0x1C880] =	vst v63  }
0x44: {  	s19 =	smov.u32 s16;
	s21 =	smov.u32 s5  }
0x45: {  	p3 =	sne.s32 s16, $0xF000;
	s16 =	sadd.s32 $0x400, s16;
	_ =	swait.ge [sflag:s26], $0x2800  }
0x46: {  	[sflag:s26] =	ssyncset.done $0x0  }
0x47: {  	s19 =	sshra.s32 s19, $0x2;
	[sflag:s26] =	ssyncadd.s32 $0xFFFFD800  }
0x48: {  	[spmem:s1] =	stream.indirect.scatter.add.f32 [tilespmem:s24], [sflag:$0x3], $0x80, s19, s28, $0xb8;
	[tilespmem:$0x1C880] =	vst v63  }
0x49: {  	_ =	swait.ge [sflag:s29], $0x2800  }
0x4a: {  	[sflag:s29] =	ssyncset.done $0x0  }
0x4b: {  	s19 =	sadd.s32 $0x80, s19;
	[sflag:s29] =	ssyncadd.s32 $0xFFFFD800  }
0x4c: {  	[spmem:s1] =	stream.indirect.scatter.add.f32 [tilespmem:s25], [sflag:$0x4], $0x80, s19, s28, $0xb8;
	[tilespmem:$0x1C880] =	vst v63  }
0x4d: {  	_ =	swait.ge [sflag:s30], $0x2800  }
0x4e: {  	[sflag:s30] =	ssyncset.done $0x0  }
.Ltmp3:
0x4f: {  	s19 =	sadd.s32 $0xFFFFFB00, s5;
	[sflag:s30] =	ssyncadd.s32 $0xFFFFD800;
	(pc) =	sbr.rel @p3 .LBB2_6-.Ltmp3, $4  }
0x50: {  	[tilespmem:s24], [sflag:$0x1] =	stream.linear.gather [hbm4b:s19+s3], $0x2800, $0x38;
	[tilespmem:$0x1C880] =	vst v63  }
0x51: {  	_ =	swait.ge [sflag:s31], $0x2800  }
0x52: {  	[sflag:s31] =	ssyncset.done $0x0  }
0x53: {  	s5 =	sadd.s32 $0xA00, s5;
	[sflag:s31] =	ssyncadd.s32 $0xFFFFD800  }
0x54: {  	[tilespmem:s25], [sflag:$0x2] =	stream.linear.gather [hbm4b:s21+s3], $0x2800, $0x38;
	[tilespmem:$0x1C880] =	vst v63  }
0x55: {  	_ =	swait.ge [sflag:s26], $0x2800  }
0x56: {  	[sflag:s26] =	ssyncset.done $0x0  }
0x57: {  	[sflag:s26] =	ssyncadd.s32 $0xFFFFD800  }
0x58: {  	[spmem:s1] =	stream.indirect.scatter.add.f32 [tilespmem:s24], [sflag:$0x3], $0x80, s0, s28, $0xb8;
	[tilespmem:$0x1C880] =	vst v63  }
0x59: {  	_ =	swait.ge [sflag:s29], $0x2800  }
0x5a: {  	[sflag:s29] =	ssyncset.done $0x0  }
0x5b: {  	[sflag:s29] =	ssyncadd.s32 $0xFFFFD800  }
0x5c: {  	[spmem:s1] =	stream.indirect.scatter.add.f32 [tilespmem:s25], [sflag:$0x4], $0x80, s2, s28, $0xb8;
	[tilespmem:$0x1C880] =	vst v63  }
0x5d: {  	_ =	swait.ge [sflag:s30], $0x2800  }
0x5e: {  	[sflag:s30] =	ssyncset.done $0x0  }
0x5f: {  	[sflag:s30] =	ssyncadd.s32 $0xFFFFD800  }
0x60: {  	[tilespmem:s24], [sflag:$0x1] =	stream.linear.gather [hbm4b:s20+s3], $0x2800, $0x38;
	[tilespmem:$0x1C880] =	vst v63  }
0x61: {  	_ =	swait.ge [sflag:s26], $0x2800  }
0x62: {  	[sflag:s26] =	ssyncset.done $0x0  }
0x63: {  	[sflag:s26] =	ssyncadd.s32 $0xFFFFD800  }
0x64: {  	[spmem:s1] =	stream.indirect.scatter.add.f32 [tilespmem:s24], [sflag:$0x3], $0x80, s13, s28, $0xb8;
	[tilespmem:$0x1C880] =	vst v63  }
0x65: {  	_ =	swait.ge [sflag:s30], $0x2800  }
0x66: {  	[sflag:s30] =	ssyncset.done $0x0  }
0x67: {  	[sflag:s30] =	ssyncadd.s32 $0xFFFFD800  }
0x68: {  	_ =	swait.ge [sflag:s31], $0x2800  }
0x69: {  	[sflag:s31] =	ssyncset.done $0x0  }
0x6a: {  	[sflag:s31] =	ssyncadd.s32 $0xFFFFD800  }
0x6b: {  	[bflag:$0x0] =	sbarrier.arrive $0xFFFF  }
0x6c: {  	s5 =	rddreg [dreg:$0x8]  }
0x6d: {  	[hbm:s5], [sflag:s8] =	dma.local [spmem:s4], $0x2700  }
.Ltmp4:
0x6e: {  	_ = 	snop;
	(pc) =	sbr.rel @p1 .LBB2_9-.Ltmp4, $4  }
.Ltmp5:
0x6f: {  	_ = 	snop;
	(pc) =	sbr.rel @!p1 .LBB2_8-.Ltmp5, $4  }
0x70: {  	_ =	swait.ge [sflag:s23], $0x2700  }
0x71: {  	[sflag:s23] =	ssyncset.done $0x0  }
0x72: {  	s4 =	rddreg [dreg:$0x4];
	[sflag:s23] =	ssyncadd.s32 $0xFFFFD900  }
0x73: {  	_ = 	snop  }
.LBB2_2:
0x74: {  	[tilespmem:s24], [sflag:$0x1] =	stream.linear.gather [hbm4b:s12+s5], $0x2800, $0x38;
	[tilespmem:$0x1C880] =	vst v63  }
0x75: {  	s16 =	rddreg [dreg:$0x5]  }
0x76: {  	[tilespmem:s25], [sflag:$0x2] =	stream.linear.gather [hbm4b:s16+s5], $0x2800, $0x38;
	[tilespmem:$0x1C880] =	vst v63  }
0x77: {  	_ =	swait.ge [sflag:s26], $0x2800  }
0x78: {  	[sflag:s26] =	ssyncset.done $0x0  }
0x79: {  	s16 =	simm.s32 $0x0;
	[sflag:s26] =	ssyncadd.s32 $0xFFFFD800  }
0x7a: {  	[spmem:s1] =	stream.indirect.scatter.add.f32 [tilespmem:s24], [sflag:$0x3], $0x80, s16, s28, $0xb8;
	[tilespmem:$0x1C880] =	vst v63  }
0x7b: {  	_ =	swait.ge [sflag:s29], $0x2800  }
0x7c: {  	[sflag:s29] =	ssyncset.done $0x0  }
0x7d: {  	s19 =	simm.s32 $0x80;
	[sflag:s29] =	ssyncadd.s32 $0xFFFFD800  }
0x7e: {  	[spmem:s1] =	stream.indirect.scatter.add.f32 [tilespmem:s25], [sflag:$0x4], $0x80, s19, s28, $0xb8;
	[tilespmem:$0x1C880] =	vst v63  }
0x7f: {  	_ =	swait.ge [sflag:s30], $0x2800  }
0x80: {  	[sflag:s30] =	ssyncset.done $0x0  }
0x81: {  	s21 =	sadd.s32 $0xFFFFFB00, s17;
	[sflag:s30] =	ssyncadd.s32 $0xFFFFD800  }
0x82: {  	[tilespmem:s24], [sflag:$0x1] =	stream.linear.gather [hbm4b:s21+s3], $0x2800, $0x38;
	[tilespmem:$0x1C880] =	vst v63  }
0x83: {  	_ =	swait.ge [sflag:s31], $0x2800  }
0x84: {  	s5 =	sadd.s32 $0xA00, s17;
	[sflag:s31] =	ssyncset.done $0x0  }
0x85: {  	s16 =	simm.s32 $0x400;
	s21 =	smov.u32 s17;
	[sflag:s31] =	ssyncadd.s32 $0xFFFFD800  }
.LBB2_3:
0x86: {  	[tilespmem:s25], [sflag:$0x2] =	stream.linear.gather [hbm4b:s21+s3], $0x2800, $0x38;
	[tilespmem:$0x1C880] =	vst v63  }
0x87: {  	s19 =	smov.u32 s16;
	s21 =	smov.u32 s5  }
0x88: {  	p3 =	sne.s32 s16, $0xF000;
	s16 =	sadd.s32 $0x400, s16;
	_ =	swait.ge [sflag:s26], $0x2800  }
0x89: {  	[sflag:s26] =	ssyncset.done $0x0  }
0x8a: {  	s19 =	sshra.s32 s19, $0x2;
	[sflag:s26] =	ssyncadd.s32 $0xFFFFD800  }
0x8b: {  	[spmem:s1] =	stream.indirect.scatter.add.f32 [tilespmem:s24], [sflag:$0x3], $0x80, s19, s28, $0xb8;
	[tilespmem:$0x1C880] =	vst v63  }
0x8c: {  	_ =	swait.ge [sflag:s29], $0x2800  }
0x8d: {  	[sflag:s29] =	ssyncset.done $0x0  }
0x8e: {  	s19 =	sadd.s32 $0x80, s19;
	[sflag:s29] =	ssyncadd.s32 $0xFFFFD800  }
0x8f: {  	[spmem:s1] =	stream.indirect.scatter.add.f32 [tilespmem:s25], [sflag:$0x4], $0x80, s19, s28, $0xb8;
	[tilespmem:$0x1C880] =	vst v63  }
0x90: {  	_ =	swait.ge [sflag:s30], $0x2800  }
0x91: {  	[sflag:s30] =	ssyncset.done $0x0  }
.Ltmp6:
0x92: {  	s19 =	sadd.s32 $0xFFFFFB00, s5;
	[sflag:s30] =	ssyncadd.s32 $0xFFFFD800;
	(pc) =	sbr.rel @p3 .LBB2_3-.Ltmp6, $4  }
0x93: {  	[tilespmem:s24], [sflag:$0x1] =	stream.linear.gather [hbm4b:s19+s3], $0x2800, $0x38;
	[tilespmem:$0x1C880] =	vst v63  }
0x94: {  	_ =	swait.ge [sflag:s31], $0x2800  }
0x95: {  	[sflag:s31] =	ssyncset.done $0x0  }
0x96: {  	s5 =	sadd.s32 $0xA00, s5;
	[sflag:s31] =	ssyncadd.s32 $0xFFFFD800  }
0x97: {  	[tilespmem:s25], [sflag:$0x2] =	stream.linear.gather [hbm4b:s21+s3], $0x2800, $0x38;
	[tilespmem:$0x1C880] =	vst v63  }
0x98: {  	_ =	swait.ge [sflag:s26], $0x2800  }
0x99: {  	[sflag:s26] =	ssyncset.done $0x0  }
0x9a: {  	[sflag:s26] =	ssyncadd.s32 $0xFFFFD800  }
0x9b: {  	[spmem:s1] =	stream.indirect.scatter.add.f32 [tilespmem:s24], [sflag:$0x3], $0x80, s0, s28, $0xb8;
	[tilespmem:$0x1C880] =	vst v63  }
0x9c: {  	_ =	swait.ge [sflag:s29], $0x2800  }
0x9d: {  	[sflag:s29] =	ssyncset.done $0x0  }
0x9e: {  	[sflag:s29] =	ssyncadd.s32 $0xFFFFD800  }
0x9f: {  	[spmem:s1] =	stream.indirect.scatter.add.f32 [tilespmem:s25], [sflag:$0x4], $0x80, s2, s28, $0xb8;
	[tilespmem:$0x1C880] =	vst v63  }
0xa0: {  	_ =	swait.ge [sflag:s30], $0x2800  }
0xa1: {  	[sflag:s30] =	ssyncset.done $0x0  }
0xa2: {  	s5 =	rddreg [dreg:$0x9];
	[sflag:s30] =	ssyncadd.s32 $0xFFFFD800  }
0xa3: {  	[tilespmem:s24], [sflag:$0x1] =	stream.linear.gather [hbm4b:s5+s3], $0x2800, $0x38;
	[tilespmem:$0x1C880] =	vst v63  }
0xa4: {  	_ =	swait.ge [sflag:s26], $0x2800  }
0xa5: {  	[sflag:s26] =	ssyncset.done $0x0  }
0xa6: {  	[sflag:s26] =	ssyncadd.s32 $0xFFFFD800  }
0xa7: {  	[spmem:s1] =	stream.indirect.scatter.add.f32 [tilespmem:s24], [sflag:$0x3], $0x80, s13, s28, $0xb8;
	[tilespmem:$0x1C880] =	vst v63  }
0xa8: {  	_ =	swait.ge [sflag:s30], $0x2800  }
0xa9: {  	[sflag:s30] =	ssyncset.done $0x0  }
0xaa: {  	[sflag:s30] =	ssyncadd.s32 $0xFFFFD800  }
0xab: {  	_ =	swait.ge [sflag:s31], $0x2800  }
0xac: {  	[sflag:s31] =	ssyncset.done $0x0  }
0xad: {  	[sflag:s31] =	ssyncadd.s32 $0xFFFFD800  }
0xae: {  	[bflag:$0x0] =	sbarrier.arrive $0xFFFF  }
0xaf: {  	s21 =	rddreg [dreg:$0x6]  }
0xb0: {  	[hbm:s21], [sflag:s8] =	dma.local [spmem:s4], $0x2700  }
.Ltmp7:
0xb1: {  	_ = 	snop;
	(pc) =	sbr.rel @p2 .LBB2_8-.Ltmp7, $4  }
.Ltmp8:
0xb2: {  	_ = 	snop;
	(pc) =	sbr.rel @!p2 .LBB2_9-.Ltmp8, $4  }
0xb3: {  	_ =	swait.ge [sflag:s23], $0x2700  }
0xb4: {  	[sflag:s23] =	ssyncset.done $0x0  }
0xb5: {  	s4 =	rddreg [dreg:$0x3];
	[sflag:s23] =	ssyncadd.s32 $0xFFFFD900  }
0xb6: {  	_ = 	snop  }
.LBB2_10:
0xb7: {  	_ =	sfence.sel $0x180000  }
0xb8: {  	[bflag:$0x0] =	sbarrier.arrive $0xFFFF  }
0xb9: {  	_ =	strace $0x90000050  }
0xba: {  	s0 =	stileid.u32;
	[bflag:$0x2] =	sbarrier.arrive $0xFFFF  }
0xbb: {  	p0 =	sne.s32 s0, $0x0;
	s0 =	rddreg [dreg:$0x2]  }
0xbc: {  	s0 =	sadd.s32 @!p0 $0x100000, s0  }
0xbd: {  	[sflag:s0] =	ssyncadd.tile.s32 @!p0 $0x1;
	_ =	shalt  }
.Lfunc_end2:
_tile_overlayer_lowered:
.L_overlay_start_2:
0xbe: {  	(tag) =	ssettag $0x2  }
0xbf: {  	s0 =	rddreg [dreg:$0x0];
	s2 =	stileid.u32  }
0xc0: {  	s1 =	rddreg [dreg:$0x1];
	p0 =	sne.s32 s2, $0x0  }
0xc1: {  	s3 =	rddreg [dreg:$0x2];
	[bflag:$0x3] =	sbarrier.arrive $0xFFFF;
	s2 =	simm.s32 @!p0 $0x1C05  }
0xc2: {  	[timem:s3], [sflag:s2] =	dma.local @!p0 [hbm:s0], s1  }
0xc3: {  	s0 =	simm.s32 @!p0 $0x5  }
0xc4: {  	_ =	swait.ge @!p0 [sflag:s0], s1  }
0xc5: {  	s1 =	ssub.s32 @!p0 $0x0, s1;
	[sflag:s0] =	ssyncset.done @!p0 $0x0  }
0xc6: {  	[sflag:s0] =	ssyncadd.s32 @!p0 s1  }
0xc7: {  	[bflag:$0x3] =	sbarrier.arrive $0xFFFF  }
0xc8: {  	_ =	shalt  }

</sc_bundles>
